<compile_context>
chip_gen: v7x
topology: tpu7x:2x2x1
jax: 0.10.2.dev20260603
libtpu: 0.0.44.dev20260713+nightly
codegen_flags: <defaults>
</compile_context>

<pallas_src>
import functools

import jax
import jax.numpy as jnp
from jax import lax
from jax.experimental import pallas as pl
from jax.experimental.pallas import tpu as pltpu
from jax.experimental.pallas import tpu_sc as plsc

N = 10000
E = 320000
D = 128
H = 128
G = 64
NC, NS = 2, 16
NW = NC * NS
RPT = N // NS
ZR = 25
DW = 16



def _make_mp(F, c, nbuf):
    nchunk = E // c
    basech = nchunk // NW
    extra = nchunk - basech * NW
    assert basech % nbuf == 0
    mesh = plsc.VectorSubcoreMesh(core_axis_name="c", subcore_axis_name="s")

    @functools.partial(
        pl.kernel,
        out_type=jax.ShapeDtypeStruct((2 * N, F), jnp.float32),
        mesh=mesh,
        compiler_params=pltpu.CompilerParams(use_tc_tiling_on_sc=False),
        scratch_types=[
            pltpu.VMEM_SHARED((N, F), jnp.float32),
            pltpu.VMEM((basech + (1 if extra else 0), c), jnp.int32),
            pltpu.VMEM((basech + (1 if extra else 0), c), jnp.int32),
        ] + [pltpu.VMEM((c, F), jnp.float32) for _ in range(nbuf)]
          + [pltpu.VMEM((ZR, F), jnp.float32)]
          + [pltpu.SemaphoreType.DMA for _ in range(nbuf + 1)],
    )
    def mp(g_hbm, src_hbm, dst_hbm, out_hbm, acc, sbuf, dbuf, *rest):
        rows = rest[:nbuf]
        zbuf = rest[nbuf]
        sems = rest[nbuf + 1:nbuf + 1 + nbuf]
        zsem = rest[nbuf + 1 + nbuf]
        cid = lax.axis_index("c")
        sid = lax.axis_index("s")
        wid = sid * NC + cid

        zv = jnp.zeros((16,), jnp.float32)

        def zrow(i, carry):
            for j in range(F // 16):
                zbuf[i, pl.ds(j * 16, 16)] = zv
            return carry

        lax.fori_loop(0, ZR, zrow, 0)

        def zcopy(z, carry):
            pltpu.async_copy(zbuf, acc.at[pl.ds(sid * RPT + z * ZR, ZR)],
                             zsem)
            return carry

        lax.fori_loop(0, RPT // ZR, zcopy, 0)

        row0 = basech * wid + jnp.minimum(wid, extra)
        has_extra = wid < extra
        pltpu.sync_copy(src_hbm.at[pl.ds(row0, basech)],
                        sbuf.at[pl.ds(0, basech)])
        pltpu.sync_copy(dst_hbm.at[pl.ds(row0, basech)],
                        dbuf.at[pl.ds(0, basech)])
        if extra:
            @pl.when(has_extra)
            def _():
                pltpu.sync_copy(src_hbm.at[pl.ds(row0 + basech, 1)],
                                sbuf.at[pl.ds(basech, 1)])
                pltpu.sync_copy(dst_hbm.at[pl.ds(row0 + basech, 1)],
                                dbuf.at[pl.ds(basech, 1)])

        def zdrain(z, carry):
            pltpu.make_async_copy(zbuf, acc.at[pl.ds(sid * RPT, ZR)],
                                  zsem).wait()
            return carry

        lax.fori_loop(0, RPT // ZR, zdrain, 0)
        plsc.subcore_barrier()
        nch = basech + has_extra.astype(jnp.int32)

        def fire(b, k):
            pltpu.async_copy(g_hbm.at[sbuf.at[k]], rows[b], sems[b])

        for b in range(nbuf):
            fire(b, b)

        def body(j, carry):
            for b in range(nbuf):
                k = nbuf * j + b
                pltpu.make_async_copy(g_hbm.at[sbuf.at[k]], rows[b],
                                      sems[b]).wait()
                pltpu.sync_copy(rows[b], acc.at[dbuf.at[k]], add=True)

                @pl.when(k + nbuf < nch)
                def _():
                    fire(b, k + nbuf)
            return carry

        lax.fori_loop(0, basech // nbuf, body, 0)

        if extra:
            tb = basech % nbuf
            @pl.when(has_extra)
            def _():
                pltpu.make_async_copy(g_hbm.at[sbuf.at[basech]], rows[tb],
                                      sems[tb]).wait()
                pltpu.sync_copy(rows[tb], acc.at[dbuf.at[basech]], add=True)

        plsc.subcore_barrier()
        pltpu.sync_copy(acc.at[pl.ds(sid * RPT, RPT)],
                        out_hbm.at[pl.ds(cid * N + sid * RPT, RPT)])

    return mp


def _make_deg():
    c = 128
    nchunk = E // c
    basech = nchunk // NW
    extra = nchunk - basech * NW
    mesh = plsc.VectorSubcoreMesh(core_axis_name="c", subcore_axis_name="s")

    @functools.partial(
        pl.kernel,
        out_type=jax.ShapeDtypeStruct((2 * N, DW), jnp.float32),
        mesh=mesh,
        compiler_params=pltpu.CompilerParams(use_tc_tiling_on_sc=False),
        scratch_types=[
            pltpu.VMEM_SHARED((N, DW), jnp.float32),
            pltpu.VMEM((basech + 1, c), jnp.int32),
            pltpu.VMEM((c, DW), jnp.float32),
            pltpu.VMEM((ZR, DW), jnp.float32),
            pltpu.SemaphoreType.DMA,
        ],
    )
    def deg(dst_hbm, out_hbm, acc, dbuf, ones, zbuf, ssem):
        cid = lax.axis_index("c")
        sid = lax.axis_index("s")
        wid = sid * NC + cid

        zv = jnp.zeros((16,), jnp.float32)
        ov = jnp.ones((16,), jnp.float32)

        def fill(i, carry):
            ones[i, pl.ds(0, 16)] = ov
            return carry

        lax.fori_loop(0, c, fill, 0)

        def zrow(i, carry):
            zbuf[i, pl.ds(0, 16)] = zv
            return carry

        lax.fori_loop(0, ZR, zrow, 0)

        def zcopy(z, carry):
            pltpu.sync_copy(zbuf, acc.at[pl.ds(sid * RPT + z * ZR, ZR)])
            return carry

        lax.fori_loop(0, RPT // ZR, zcopy, 0)

        row0 = basech * wid + jnp.minimum(wid, extra)
        has_extra = wid < extra
        pltpu.sync_copy(dst_hbm.at[pl.ds(row0, basech)],
                        dbuf.at[pl.ds(0, basech)])

        @pl.when(has_extra)
        def _():
            pltpu.sync_copy(dst_hbm.at[pl.ds(row0 + basech, 1)],
                            dbuf.at[pl.ds(basech, 1)])

        plsc.subcore_barrier()

        def body(k, carry):
            pltpu.async_copy(ones, acc.at[dbuf.at[k]], ssem, add=True)
            return carry

        lax.fori_loop(0, basech, body, 0)

        @pl.when(has_extra)
        def _():
            pltpu.async_copy(ones, acc.at[dbuf.at[basech]], ssem, add=True)

        def drain(k, carry):
            pltpu.make_async_copy(ones, acc.at[dbuf.at[0]], ssem).wait()
            return carry

        lax.fori_loop(0, basech, drain, 0)

        @pl.when(has_extra)
        def _():
            pltpu.make_async_copy(ones, acc.at[dbuf.at[0]], ssem).wait()

        plsc.subcore_barrier()
        pltpu.sync_copy(acc.at[pl.ds(sid * RPT, RPT)],
                        out_hbm.at[pl.ds(cid * N + sid * RPT, RPT)])

    return deg


MPCFG = {128: (64, 3), 64: (128, 6), 32: (128, 6)}
_mp128 = _make_mp(128, *MPCFG[128])
_mp64 = _make_mp(64, *MPCFG[64])
_mp32 = _make_mp(32, *MPCFG[32])
_deg = _make_deg()



def _mm_body(x_ref, w_ref, h_ref):
    h_ref[...] = jnp.dot(x_ref[...], w_ref[...],
                         preferred_element_type=jnp.float32)


def _mm(x, w1):
    return pl.pallas_call(
        _mm_body,
        out_shape=jax.ShapeDtypeStruct((N, H), jnp.float32),
    )(x, w1)


def _scale_body(h_ref, deg_ref, g_ref, dinv_ref):
    dd = deg_ref[...]
    d = dd[0] + dd[1] + 1.0
    dinv = lax.rsqrt(jnp.maximum(d, 1.0))
    dinv_ref[...] = dinv
    g_ref[...] = h_ref[...] * dinv[:, :1]


def _scale(h1, degp):
    return pl.pallas_call(
        _scale_body,
        out_shape=[
            jax.ShapeDtypeStruct((N, H), jnp.float32),
            jax.ShapeDtypeStruct((N, DW), jnp.float32),
        ],
    )(h1, degp)



def _mid1_body(acc_ref, g_ref, dinv_ref, b_ref, w_ref, out_ref):
    dinv16 = dinv_ref[...]
    dinv = dinv16[:, :1]
    aa = acc_ref[...]
    h = dinv * (aa[0] + aa[1] + g_ref[...]) + b_ref[...]
    h = jnp.maximum(h, 0.0)
    w = w_ref[...]
    lo = jnp.dot(h[:N // 2], w, preferred_element_type=jnp.float32) \
        * dinv[:N // 2]
    hi = jnp.dot(h[N // 2:], w, preferred_element_type=jnp.float32) \
        * dinv[N // 2:]
    out_ref[...] = jnp.concatenate([lo, hi], axis=1)


def _mid1(acc, g, dinv16, b, w):
    return pl.pallas_call(
        _mid1_body,
        out_shape=jax.ShapeDtypeStruct((N // 2, H), jnp.float32),
    )(acc, g, dinv16, b, w)


def _mid2_body(acc_ref, g_ref, dinv_ref, b_ref, w_ref, out_ref):
    dinv = dinv_ref[...][:, :1]
    one64 = jnp.ones((1, 64), jnp.float32)
    dinv_p = jnp.concatenate([dinv[:N // 2] * one64, dinv[N // 2:] * one64],
                             axis=1)
    aa = acc_ref[...]
    b2 = b_ref[...]
    bp = jnp.concatenate([b2, b2], axis=1)
    h = dinv_p * (aa[0] + aa[1] + g_ref[...]) + bp
    h = jnp.maximum(h, 0.0)
    w = w_ref[...]
    Q = N // 4
    blocks = (h[:Q, :64], h[Q:, :64], h[:Q, 64:], h[Q:, 64:])
    parts = [jnp.dot(bj, w, preferred_element_type=jnp.float32)
             * dinv[Q * j:Q * (j + 1)] for j, bj in enumerate(blocks)]
    out_ref[...] = jnp.concatenate(parts, axis=1)


def _mid2(acc, g, dinv16, b, w):
    return pl.pallas_call(
        _mid2_body,
        out_shape=jax.ShapeDtypeStruct((N // 4, H), jnp.float32),
    )(acc, g, dinv16, b, w)


def _final_body(acc_ref, g_ref, dinv_ref, b_ref, bt_ref, y_ref, wl_ref,
                bl_ref, out_ref, loss_ref):
    dinv = dinv_ref[...][:, :1]
    Q = N // 4
    one32 = jnp.ones((1, 32), jnp.float32)
    dinv_q = jnp.concatenate([dinv[Q * j:Q * (j + 1)] * one32
                              for j in range(4)], axis=1)
    aa = acc_ref[...]
    b3 = b_ref[...]
    bq = jnp.concatenate([b3, b3, b3, b3], axis=1)
    h = dinv_q * (aa[0] + aa[1] + g_ref[...]) + bq
    btq = bt_ref[...]
    ids = lax.broadcasted_iota(jnp.int32, (Q, G), 1)
    pooled = jnp.zeros((G, 32), jnp.float32)
    cnt = jnp.zeros((1, G), jnp.float32)
    for j in range(4):
        oht = (btq[:, j][:, None] == ids).astype(jnp.float32)
        pooled = pooled + lax.dot_general(
            oht, h[:, 32 * j:32 * j + 32], (((0,), (0,)), ((), ())),
            preferred_element_type=jnp.float32)
        cnt = cnt + jnp.sum(oht, axis=0, keepdims=True)
    pooled = pooled / jnp.maximum(cnt.reshape(G, 1), 1.0)
    logits = jnp.dot(pooled, wl_ref[...],
                     preferred_element_type=jnp.float32) + bl_ref[...]
    t = y_ref[...].astype(jnp.float32)
    ls = (jnp.maximum(logits, 0.0) - logits * t
          + jnp.log(1.0 + jnp.exp(-jnp.abs(logits))))
    loss_ref[...] = jnp.mean(ls).reshape(1, 1)
    out_ref[...] = 1.0 / (1.0 + jnp.exp(-logits))


def _final(acc, g, dinv16, b, btq, y2, wl, bl2):
    return pl.pallas_call(
        _final_body,
        out_shape=[
            jax.ShapeDtypeStruct((G, 1), jnp.float32),
            jax.ShapeDtypeStruct((1, 1), jnp.float32),
        ],
    )(acc, g, dinv16, b, btq, y2, wl, bl2)



def kernel(x, y, edge_index, batch, W1, b1, W2, b2, W3, b3, Wl, bl):
    dst = edge_index[1]
    src = lax.optimization_barrier(edge_index)[0]

    def pair_ix(a):
        return 2 * a - 9999 * (a >= N // 2).astype(jnp.int32)

    def quad_ix(a):
        b = ((a >= N // 4).astype(jnp.int32)
             + (a >= N // 2).astype(jnp.int32)
             + (a >= 3 * N // 4).astype(jnp.int32))
        return 4 * a - 9999 * b

    c1 = MPCFG[128][0]
    c2 = MPCFG[64][0]
    c3 = MPCFG[32][0]
    e128 = (src.reshape(E // c1, c1), dst.reshape(E // c1, c1))
    e64 = (pair_ix(src).reshape(E // c2, c2),
           pair_ix(dst).reshape(E // c2, c2))
    e32 = (quad_ix(src).reshape(E // c3, c3),
           quad_ix(dst).reshape(E // c3, c3))

    degp = _deg(dst.reshape(E // 128, 128)).reshape(2, N, DW)
    h1 = _mm(x, W1)
    g1, dinv16 = _scale(h1, degp)
    acc1 = _mp128(g1, *e128).reshape(2, N, H)
    g2p = _mid1(acc1, g1, dinv16, b1.reshape(1, H), W2)
    acc2p = _mp64(g2p.reshape(N, H // 2), *e64).reshape(2, N // 2, H)
    g3q = _mid2(acc2p, g2p, dinv16, b2.reshape(1, H // 2), W3)
    acc3q = _mp32(g3q.reshape(N, H // 4), *e32).reshape(2, N // 4, H)
    btq = batch.reshape(4, N // 4).T
    out, loss = _final(acc3q, g3q, dinv16, b3.reshape(1, H // 4),
                       btq, y.reshape(G, 1), Wl, bl.reshape(1, 1))
    return out, loss.reshape(())

# --- scband reference (transcript-rebuilt; emitter-appended) ---
"""Pipeline reference for scband-gcn-53523882442951 (READ-ONLY COPY).

The authoritative reference and input builder live on the scoring server;
editing this copy changes nothing except your own understanding.
"""

import jax, jax.numpy as jnp
import numpy as np

N = 10000
E = 320000
D = 128
H = 128
G = 64


def setup_inputs(seed: int = 0) -> dict:
    key = jax.random.key(seed)
    ks = jax.random.split(key, 16)
    x = jax.random.normal(ks[0], (N, D), dtype=jnp.float32)
    edge_index = jax.random.randint(ks[1], (2, E), 0, N, dtype=jnp.int64 if jax.config.jax_enable_x64 else jnp.int32).astype(jnp.int32)
    batch = jnp.sort(jax.random.randint(ks[2], (N,), 0, G).astype(jnp.int32))
    y = jax.random.randint(ks[3], (G,), 0, 2).astype(jnp.int32)
    def lin(k, fan_in, fan_out):
        return jax.random.normal(k, (fan_in, fan_out), dtype=jnp.float32) * jnp.sqrt(1.0 / fan_in)
    W1 = lin(ks[4], D, H);        b1 = jnp.zeros((H,), jnp.float32)
    W2 = lin(ks[5], H, H // 2);   b2 = jnp.zeros((H // 2,), jnp.float32)
    W3 = lin(ks[6], H // 2, H // 4); b3 = jnp.zeros((H // 4,), jnp.float32)
    Wl = lin(ks[7], H // 4, 1);   bl = jnp.zeros((1,), jnp.float32)
    return {"x": x, "y": y, "edge_index": edge_index, "batch": batch,
            "W1": W1, "b1": b1, "W2": W2, "b2": b2, "W3": W3, "b3": b3,
            "Wl": Wl, "bl": bl}


def _gcn_conv(x, W, b, src, dst, n):
    # add self loops
    loop = jnp.arange(n, dtype=src.dtype)
    s = jnp.concatenate([src, loop])
    d = jnp.concatenate([dst, loop])
    deg = jnp.zeros((n,), jnp.float32).at[d].add(1.0)
    dinv = jax.lax.rsqrt(jnp.maximum(deg, 1.0))
    h = x @ W
    norm = dinv[s] * dinv[d]
    msg = h[s] * norm[:, None]
    out = jnp.zeros((n, W.shape[1]), jnp.float32).at[d].add(msg)
    return out + b


def reference(x, y, edge_index, batch, W1, b1, W2, b2, W3, b3, Wl, bl):
    n = x.shape[0]
    src, dst = edge_index[0], edge_index[1]
    h = _gcn_conv(x, W1, b1, src, dst, n)
    h = jax.nn.relu(h)
    h = _gcn_conv(h, W2, b2, src, dst, n)
    h = jax.nn.relu(h)
    h = _gcn_conv(h, W3, b3, src, dst, n)
    # global mean pool over batch assignment
    counts = jax.ops.segment_sum(jnp.ones((n,), jnp.float32), batch, num_segments=G)
    pooled = jax.ops.segment_sum(h, batch, num_segments=G)
    pooled = pooled / jnp.maximum(counts, 1.0)[:, None]
    # dropout is identity in eval mode
    logits = pooled @ Wl + bl
    t = y.reshape(-1, 1).astype(logits.dtype)
    # BCEWithLogits (stable)
    loss = jnp.mean(jnp.maximum(logits, 0.0) - logits * t + jnp.log1p(jnp.exp(-jnp.abs(logits))))
    out = jax.nn.sigmoid(logits)
    return (out, loss)


if False:  # reference __main__ guard neutralized (emitter)
    inp = setup_inputs()
    out, loss = reference(**inp)
    print(out.shape, loss)

if __name__ == "__main__":
    import jax
    _d = setup_inputs()
    print(jax.jit(kernel)(*tuple(_d.values())))

</pallas_src>

<mosaic_0001>
#map = affine_map<(d0, d1) -> (0, 0)>
module attributes {stable_mosaic.version = 14 : i64} {
  func.func @deg(%arg0: i32, %arg1: i32, %arg2: memref<2500x128xi32, #tpu.memory_space<hbm>>, %arg3: memref<20000x16xf32, #tpu.memory_space<hbm>>, %arg4: memref<10000x16xf32, #tpu.memory_space<vmem_shared>>, %arg5: memref<79x128xi32, #tpu.memory_space<vmem>>, %arg6: memref<128x16xf32, #tpu.memory_space<vmem>>, %arg7: memref<25x16xf32, #tpu.memory_space<vmem>>, %arg8: memref<!tpu.dma_semaphore, #tpu.memory_space<semaphore_mem>>) attributes {dimension_semantics = [#tpu.dimension_semantics<core_parallel>, #tpu.dimension_semantics<subcore_parallel>], iteration_bounds = array<i64: 2, 16>, scalar_prefetch = 0 : i64, scratch_operands = 5 : i64, tpu.core_type = #tpu.core_type<sc_vector_subcore>, window_params = [{transform_indices = #map}, {transform_indices = #map}]} {
    %mul3A = arith.constant 2 : i32
    %mul3A_0 = arith.muli %arg1, %mul3A : i32
    %add3A = arith.addi %mul3A_0, %arg0 : i32
    %broadcast_in_dim3A = arith.constant 0.000000e+00 : f32
    %broadcast_in_dim3A_1 = vector.broadcast %broadcast_in_dim3A : f32 to vector<16xf32>
    %broadcast_in_dim3A_2 = arith.constant 1.000000e+00 : f32
    %broadcast_in_dim3A_3 = vector.broadcast %broadcast_in_dim3A_2 : f32 to vector<16xf32>
    %scan3A = arith.constant 0 : i32
    %scan3A_4 = arith.constant 0 : i32
    %scan3A_5 = arith.constant 128 : i32
    %scan3A_6 = arith.addi %scan3A_4, %scan3A_5 : i32
    %scan3A_7 = arith.constant 1 : i32
    scf.for %scan3A_53 = %scan3A_4 to %scan3A_6 step %scan3A_7  : i32 {
      %swap3A = arith.index_cast %scan3A_53 : i32 to index
      %swap3A_54 = arith.constant 0 : index
      %swap3A_55 = tpu.vector_load %arg6[%swap3A, %swap3A_54] {strides = array<i32>} : memref<128x16xf32, #tpu.memory_space<vmem>>, vector<1x16xf32>,
      %swap3A_56 = vector.shape_cast %swap3A_55 : vector<1x16xf32> to vector<16xf32>
      %swap3A_57 = vector.shape_cast %broadcast_in_dim3A_3 : vector<16xf32> to vector<1x16xf32>
      tpu.vector_store %arg6[%swap3A, %swap3A_54], %swap3A_57 {strides = array<i32>} : memref<128x16xf32, #tpu.memory_space<vmem>>, vector<1x16xf32>,
    }
    %scan3A_8 = arith.constant 128 : i32
    %scan3A_9 = arith.constant 0 : i32
    %scan3A_10 = arith.constant 0 : i32
    %scan3A_11 = arith.constant 25 : i32
    %scan3A_12 = arith.addi %scan3A_10, %scan3A_11 : i32
    %scan3A_13 = arith.constant 1 : i32
    scf.for %scan3A_53 = %scan3A_10 to %scan3A_12 step %scan3A_13  : i32 {
      %swap3A = arith.index_cast %scan3A_53 : i32 to index
      %swap3A_54 = arith.constant 0 : index
      %swap3A_55 = tpu.vector_load %arg7[%swap3A, %swap3A_54] {strides = array<i32>} : memref<25x16xf32, #tpu.memory_space<vmem>>, vector<1x16xf32>,
      %swap3A_56 = vector.shape_cast %swap3A_55 : vector<1x16xf32> to vector<16xf32>
      %swap3A_57 = vector.shape_cast %broadcast_in_dim3A_1 : vector<16xf32> to vector<1x16xf32>
      tpu.vector_store %arg7[%swap3A, %swap3A_54], %swap3A_57 {strides = array<i32>} : memref<25x16xf32, #tpu.memory_space<vmem>>, vector<1x16xf32>,
    }
    %scan3A_14 = arith.constant 25 : i32
    %scan3A_15 = arith.constant 0 : i32
    %scan3A_16 = arith.constant 0 : i32
    %scan3A_17 = arith.constant 25 : i32
    %scan3A_18 = arith.addi %scan3A_16, %scan3A_17 : i32
    %scan3A_19 = arith.constant 1 : i32
    scf.for %scan3A_53 = %scan3A_16 to %scan3A_18 step %scan3A_19  : i32 {
      %mul3A_54 = arith.constant 625 : i32
      %mul3A_55 = arith.muli %arg1, %mul3A_54 : i32
      %mul3A_56 = arith.constant 25 : i32
      %mul3A_57 = arith.muli %scan3A_53, %mul3A_56 : i32
      %add3A_58 = arith.addi %mul3A_55, %mul3A_57 : i32
      "tpu.region"() ({
        %run_scoped3A = tpu.sem_alloc : memref<!tpu.dma_semaphore, #tpu.memory_space<semaphore_mem>>
        %dma_start3A = arith.constant 0 : i32
        %dma_start3A_59 = tpu.memref_slice %arg4[%add3A_58, %dma_start3A] : memref<10000x16xf32, #tpu.memory_space<vmem_shared>> -> memref<25x16xf32, #tpu.memory_space<vmem_shared>>
        %dma_start3A_60 = arith.constant 0 : i32
        %dma_start3A_61 = tpu.memref_slice %arg4[%add3A_58, %dma_start3A_60] : memref<10000x16xf32, #tpu.memory_space<vmem_shared>> -> memref<25x16xf32, #tpu.memory_space<vmem_shared>>
        tpu.enqueue_dma source(%arg7 : memref<25x16xf32, #tpu.memory_space<vmem>>) target(%dma_start3A_61 : memref<25x16xf32, #tpu.memory_space<vmem_shared>>) target_semaphore(%run_scoped3A : memref<!tpu.dma_semaphore, #tpu.memory_space<semaphore_mem>>)
        %dma_wait3A = arith.constant 0 : i32
        %dma_wait3A_62 = tpu.memref_slice %arg4[%add3A_58, %dma_wait3A] : memref<10000x16xf32, #tpu.memory_space<vmem_shared>> -> memref<25x16xf32, #tpu.memory_space<vmem_shared>>
        %dma_wait3A_63 = arith.constant 0 : i32
        %dma_wait3A_64 = tpu.memref_slice %arg4[%add3A_58, %dma_wait3A_63] : memref<10000x16xf32, #tpu.memory_space<vmem_shared>> -> memref<25x16xf32, #tpu.memory_space<vmem_shared>>
        tpu.wait_dma2 semaphore(%run_scoped3A : memref<!tpu.dma_semaphore, #tpu.memory_space<semaphore_mem>>) src(%arg7 : memref<25x16xf32, #tpu.memory_space<vmem>>) dst(%dma_wait3A_64 : memref<25x16xf32, #tpu.memory_space<vmem_shared>>)
        tpu.yield
      }) : () -> ()
    }
    %scan3A_20 = arith.constant 25 : i32
    %mul3A_21 = arith.constant 78 : i32
    %mul3A_22 = arith.muli %mul3A_21, %add3A : i32
    %min3A = arith.constant 4 : i32
    %min3A_23 = arith.minsi %add3A, %min3A : i32
    %add3A_24 = arith.addi %mul3A_22, %min3A_23 : i32
    %lt3A = arith.constant 4 : i32
    %lt3A_25 = arith.cmpi slt, %add3A, %lt3A : i32
    "tpu.region"() ({
      %run_scoped3A = tpu.sem_alloc : memref<!tpu.dma_semaphore, #tpu.memory_space<semaphore_mem>>
      %dma_start3A = arith.constant 0 : i32
      %dma_start3A_53 = arith.constant 0 : i32
      %dma_start3A_54 = tpu.memref_slice %arg5[%dma_start3A, %dma_start3A_53] : memref<79x128xi32, #tpu.memory_space<vmem>> -> memref<78x128xi32, #tpu.memory_space<vmem>>
      %dma_start3A_55 = arith.constant 0 : i32
      %dma_start3A_56 = tpu.memref_slice %arg2[%add3A_24, %dma_start3A_55] : memref<2500x128xi32, #tpu.memory_space<hbm>> -> memref<78x128xi32, #tpu.memory_space<hbm>>
      %dma_start3A_57 = arith.constant 0 : i32
      %dma_start3A_58 = arith.constant 0 : i32
      %dma_start3A_59 = tpu.memref_slice %arg5[%dma_start3A_57, %dma_start3A_58] : memref<79x128xi32, #tpu.memory_space<vmem>> -> memref<78x128xi32, #tpu.memory_space<vmem>>
      %dma_start3A_60 = arith.constant 0 : i32
      %dma_start3A_61 = tpu.memref_slice %arg2[%add3A_24, %dma_start3A_60] : memref<2500x128xi32, #tpu.memory_space<hbm>> -> memref<78x128xi32, #tpu.memory_space<hbm>>
      tpu.enqueue_dma source(%dma_start3A_61 : memref<78x128xi32, #tpu.memory_space<hbm>>) target(%dma_start3A_59 : memref<78x128xi32, #tpu.memory_space<vmem>>) target_semaphore(%run_scoped3A : memref<!tpu.dma_semaphore, #tpu.memory_space<semaphore_mem>>)
      %dma_wait3A = arith.constant 0 : i32
      %dma_wait3A_62 = arith.constant 0 : i32
      %dma_wait3A_63 = tpu.memref_slice %arg5[%dma_wait3A, %dma_wait3A_62] : memref<79x128xi32, #tpu.memory_space<vmem>> -> memref<78x128xi32, #tpu.memory_space<vmem>>
      %dma_wait3A_64 = arith.constant 0 : i32
      %dma_wait3A_65 = tpu.memref_slice %arg2[%add3A_24, %dma_wait3A_64] : memref<2500x128xi32, #tpu.memory_space<hbm>> -> memref<78x128xi32, #tpu.memory_space<hbm>>
      %dma_wait3A_66 = arith.constant 0 : i32
      %dma_wait3A_67 = arith.constant 0 : i32
      %dma_wait3A_68 = tpu.memref_slice %arg5[%dma_wait3A_66, %dma_wait3A_67] : memref<79x128xi32, #tpu.memory_space<vmem>> -> memref<78x128xi32, #tpu.memory_space<vmem>>
      %dma_wait3A_69 = arith.constant 0 : i32
      %dma_wait3A_70 = tpu.memref_slice %arg2[%add3A_24, %dma_wait3A_69] : memref<2500x128xi32, #tpu.memory_space<hbm>> -> memref<78x128xi32, #tpu.memory_space<hbm>>
      tpu.wait_dma2 semaphore(%run_scoped3A : memref<!tpu.dma_semaphore, #tpu.memory_space<semaphore_mem>>) src(%dma_wait3A_70 : memref<78x128xi32, #tpu.memory_space<hbm>>) dst(%dma_wait3A_68 : memref<78x128xi32, #tpu.memory_space<vmem>>)
      tpu.yield
    }) : () -> ()
    %convert_element_type3A = arith.extui %lt3A_25 : i1 to i32
    %cond3A = arith.constant 0 : i32
    %cond3A_26 = arith.cmpi ne, %convert_element_type3A, %cond3A : i32
    scf.if %cond3A_26 {
      %add3A_53 = arith.constant 78 : i32
      %add3A_54 = arith.addi %add3A_24, %add3A_53 : i32
      "tpu.region"() ({
        %run_scoped3A = tpu.sem_alloc : memref<!tpu.dma_semaphore, #tpu.memory_space<semaphore_mem>>
        %dma_start3A = arith.constant 78 : i32
        %dma_start3A_55 = arith.constant 0 : i32
        %dma_start3A_56 = tpu.memref_slice %arg5[%dma_start3A, %dma_start3A_55] : memref<79x128xi32, #tpu.memory_space<vmem>> -> memref<1x128xi32, #tpu.memory_space<vmem>>
        %dma_start3A_57 = arith.constant 0 : i32
        %dma_start3A_58 = tpu.memref_slice %arg2[%add3A_54, %dma_start3A_57] : memref<2500x128xi32, #tpu.memory_space<hbm>> -> memref<1x128xi32, #tpu.memory_space<hbm>>
        %dma_start3A_59 = arith.constant 78 : i32
        %dma_start3A_60 = arith.constant 0 : i32
        %dma_start3A_61 = tpu.memref_slice %arg5[%dma_start3A_59, %dma_start3A_60] : memref<79x128xi32, #tpu.memory_space<vmem>> -> memref<1x128xi32, #tpu.memory_space<vmem>>
        %dma_start3A_62 = arith.constant 0 : i32
        %dma_start3A_63 = tpu.memref_slice %arg2[%add3A_54, %dma_start3A_62] : memref<2500x128xi32, #tpu.memory_space<hbm>> -> memref<1x128xi32, #tpu.memory_space<hbm>>
        tpu.enqueue_dma source(%dma_start3A_63 : memref<1x128xi32, #tpu.memory_space<hbm>>) target(%dma_start3A_61 : memref<1x128xi32, #tpu.memory_space<vmem>>) target_semaphore(%run_scoped3A : memref<!tpu.dma_semaphore, #tpu.memory_space<semaphore_mem>>)
        %dma_wait3A = arith.constant 78 : i32
        %dma_wait3A_64 = arith.constant 0 : i32
        %dma_wait3A_65 = tpu.memref_slice %arg5[%dma_wait3A, %dma_wait3A_64] : memref<79x128xi32, #tpu.memory_space<vmem>> -> memref<1x128xi32, #tpu.memory_space<vmem>>
        %dma_wait3A_66 = arith.constant 0 : i32
        %dma_wait3A_67 = tpu.memref_slice %arg2[%add3A_54, %dma_wait3A_66] : memref<2500x128xi32, #tpu.memory_space<hbm>> -> memref<1x128xi32, #tpu.memory_space<hbm>>
        %dma_wait3A_68 = arith.constant 78 : i32
        %dma_wait3A_69 = arith.constant 0 : i32
        %dma_wait3A_70 = tpu.memref_slice %arg5[%dma_wait3A_68, %dma_wait3A_69] : memref<79x128xi32, #tpu.memory_space<vmem>> -> memref<1x128xi32, #tpu.memory_space<vmem>>
        %dma_wait3A_71 = arith.constant 0 : i32
        %dma_wait3A_72 = tpu.memref_slice %arg2[%add3A_54, %dma_wait3A_71] : memref<2500x128xi32, #tpu.memory_space<hbm>> -> memref<1x128xi32, #tpu.memory_space<hbm>>
        tpu.wait_dma2 semaphore(%run_scoped3A : memref<!tpu.dma_semaphore, #tpu.memory_space<semaphore_mem>>) src(%dma_wait3A_72 : memref<1x128xi32, #tpu.memory_space<hbm>>) dst(%dma_wait3A_70 : memref<1x128xi32, #tpu.memory_space<vmem>>)
        tpu.yield
      }) : () -> ()
    } else {
    }
    %barrier3A = arith.constant 0 : index
    tpu.barrier barrier_id(%barrier3A)
    %scan3A_27 = arith.constant 0 : i32
    %scan3A_28 = arith.constant 0 : i32
    %scan3A_29 = arith.constant 78 : i32
    %scan3A_30 = arith.addi %scan3A_28, %scan3A_29 : i32
    %scan3A_31 = arith.constant 1 : i32
    scf.for %scan3A_53 = %scan3A_28 to %scan3A_30 step %scan3A_31  : i32 {
      %dma_start3A = arith.constant 0 : i32
      %dma_start3A_54 = tpu.memref_slice %arg5[%scan3A_53, %dma_start3A] : memref<79x128xi32, #tpu.memory_space<vmem>> -> memref<1x128xi32, #tpu.memory_space<vmem>>
      %dma_start3A_55 = tpu.memref_squeeze %dma_start3A_54 : memref<1x128xi32, #tpu.memory_space<vmem>> -> memref<128xi32, #tpu.memory_space<vmem>>
      %dma_start3A_56 = arith.constant 0 : i32
      %dma_start3A_57 = arith.constant 0 : i32
      %dma_start3A_58 = tpu.memref_slice %arg4[%dma_start3A_56, %dma_start3A_57] : memref<10000x16xf32, #tpu.memory_space<vmem_shared>> -> memref<10000x16xf32, #tpu.memory_space<vmem_shared>>
      tpu.enqueue_indirect_dma source(%arg6 : memref<128x16xf32, #tpu.memory_space<vmem>>) target(%dma_start3A_58 : memref<10000x16xf32, #tpu.memory_space<vmem_shared>>) offsets(%dma_start3A_55 : memref<128xi32, #tpu.memory_space<vmem>>) semaphore(%arg8 : memref<!tpu.dma_semaphore, #tpu.memory_space<semaphore_mem>>) {add = true}
    }
    %scan3A_32 = arith.constant 78 : i32
    %convert_element_type3A_33 = arith.extui %lt3A_25 : i1 to i32
    %cond3A_34 = arith.constant 0 : i32
    %cond3A_35 = arith.cmpi ne, %convert_element_type3A_33, %cond3A_34 : i32
    scf.if %cond3A_35 {
      %dma_start3A = arith.constant 78 : i32
      %dma_start3A_53 = arith.constant 0 : i32
      %dma_start3A_54 = tpu.memref_slice %arg5[%dma_start3A, %dma_start3A_53] : memref<79x128xi32, #tpu.memory_space<vmem>> -> memref<1x128xi32, #tpu.memory_space<vmem>>
      %dma_start3A_55 = tpu.memref_squeeze %dma_start3A_54 : memref<1x128xi32, #tpu.memory_space<vmem>> -> memref<128xi32, #tpu.memory_space<vmem>>
      %dma_start3A_56 = arith.constant 0 : i32
      %dma_start3A_57 = arith.constant 0 : i32
      %dma_start3A_58 = tpu.memref_slice %arg4[%dma_start3A_56, %dma_start3A_57] : memref<10000x16xf32, #tpu.memory_space<vmem_shared>> -> memref<10000x16xf32, #tpu.memory_space<vmem_shared>>
      tpu.enqueue_indirect_dma source(%arg6 : memref<128x16xf32, #tpu.memory_space<vmem>>) target(%dma_start3A_58 : memref<10000x16xf32, #tpu.memory_space<vmem_shared>>) offsets(%dma_start3A_55 : memref<128xi32, #tpu.memory_space<vmem>>) semaphore(%arg8 : memref<!tpu.dma_semaphore, #tpu.memory_space<semaphore_mem>>) {add = true}
    } else {
    }
    %scan3A_36 = arith.constant 0 : i32
    %scan3A_37 = arith.constant 0 : i32
    %scan3A_38 = arith.constant 78 : i32
    %scan3A_39 = arith.addi %scan3A_37, %scan3A_38 : i32
    %scan3A_40 = arith.constant 1 : i32
    scf.for %scan3A_53 = %scan3A_37 to %scan3A_39 step %scan3A_40  : i32 {
      %dma_wait3A = arith.constant 0 : i32
      %dma_wait3A_54 = arith.constant 0 : i32
      %dma_wait3A_55 = tpu.memref_slice %arg5[%dma_wait3A, %dma_wait3A_54] : memref<79x128xi32, #tpu.memory_space<vmem>> -> memref<1x128xi32, #tpu.memory_space<vmem>>
      %dma_wait3A_56 = tpu.memref_squeeze %dma_wait3A_55 : memref<1x128xi32, #tpu.memory_space<vmem>> -> memref<128xi32, #tpu.memory_space<vmem>>
      %dma_wait3A_57 = arith.constant 0 : i32
      %dma_wait3A_58 = arith.constant 0 : i32
      %dma_wait3A_59 = tpu.memref_slice %arg4[%dma_wait3A_57, %dma_wait3A_58] : memref<10000x16xf32, #tpu.memory_space<vmem_shared>> -> memref<10000x16xf32, #tpu.memory_space<vmem_shared>>
      tpu.wait_indirect_dma semaphore(%arg8 : memref<!tpu.dma_semaphore, #tpu.memory_space<semaphore_mem>>) src(%arg6 : memref<128x16xf32, #tpu.memory_space<vmem>>) dst(%dma_wait3A_59 : memref<10000x16xf32, #tpu.memory_space<vmem_shared>>)
    }
    %scan3A_41 = arith.constant 78 : i32
    %convert_element_type3A_42 = arith.extui %lt3A_25 : i1 to i32
    %cond3A_43 = arith.constant 0 : i32
    %cond3A_44 = arith.cmpi ne, %convert_element_type3A_42, %cond3A_43 : i32
    scf.if %cond3A_44 {
      %dma_wait3A = arith.constant 0 : i32
      %dma_wait3A_53 = arith.constant 0 : i32
      %dma_wait3A_54 = tpu.memref_slice %arg5[%dma_wait3A, %dma_wait3A_53] : memref<79x128xi32, #tpu.memory_space<vmem>> -> memref<1x128xi32, #tpu.memory_space<vmem>>
      %dma_wait3A_55 = tpu.memref_squeeze %dma_wait3A_54 : memref<1x128xi32, #tpu.memory_space<vmem>> -> memref<128xi32, #tpu.memory_space<vmem>>
      %dma_wait3A_56 = arith.constant 0 : i32
      %dma_wait3A_57 = arith.constant 0 : i32
      %dma_wait3A_58 = tpu.memref_slice %arg4[%dma_wait3A_56, %dma_wait3A_57] : memref<10000x16xf32, #tpu.memory_space<vmem_shared>> -> memref<10000x16xf32, #tpu.memory_space<vmem_shared>>
      tpu.wait_indirect_dma semaphore(%arg8 : memref<!tpu.dma_semaphore, #tpu.memory_space<semaphore_mem>>) src(%arg6 : memref<128x16xf32, #tpu.memory_space<vmem>>) dst(%dma_wait3A_58 : memref<10000x16xf32, #tpu.memory_space<vmem_shared>>)
    } else {
    }
    %barrier3A_45 = arith.constant 0 : index
    tpu.barrier barrier_id(%barrier3A_45)
    %mul3A_46 = arith.constant 625 : i32
    %mul3A_47 = arith.muli %arg1, %mul3A_46 : i32
    %mul3A_48 = arith.constant 10000 : i32
    %mul3A_49 = arith.muli %arg0, %mul3A_48 : i32
    %mul3A_50 = arith.constant 625 : i32
    %mul3A_51 = arith.muli %arg1, %mul3A_50 : i32
    %add3A_52 = arith.addi %mul3A_49, %mul3A_51 : i32
    "tpu.region"() ({
      %run_scoped3A = tpu.sem_alloc : memref<!tpu.dma_semaphore, #tpu.memory_space<semaphore_mem>>
      %dma_start3A = arith.constant 0 : i32
      %dma_start3A_53 = tpu.memref_slice %arg3[%add3A_52, %dma_start3A] : memref<20000x16xf32, #tpu.memory_space<hbm>> -> memref<625x16xf32, #tpu.memory_space<hbm>>
      %dma_start3A_54 = arith.constant 0 : i32
      %dma_start3A_55 = tpu.memref_slice %arg4[%mul3A_47, %dma_start3A_54] : memref<10000x16xf32, #tpu.memory_space<vmem_shared>> -> memref<625x16xf32, #tpu.memory_space<vmem_shared>>
      tpu.enqueue_dma source(%dma_start3A_55 : memref<625x16xf32, #tpu.memory_space<vmem_shared>>) target(%dma_start3A_53 : memref<625x16xf32, #tpu.memory_space<hbm>>) target_semaphore(%run_scoped3A : memref<!tpu.dma_semaphore, #tpu.memory_space<semaphore_mem>>)
      %dma_wait3A = arith.constant 0 : i32
      %dma_wait3A_56 = tpu.memref_slice %arg3[%add3A_52, %dma_wait3A] : memref<20000x16xf32, #tpu.memory_space<hbm>> -> memref<625x16xf32, #tpu.memory_space<hbm>>
      %dma_wait3A_57 = arith.constant 0 : i32
      %dma_wait3A_58 = tpu.memref_slice %arg4[%mul3A_47, %dma_wait3A_57] : memref<10000x16xf32, #tpu.memory_space<vmem_shared>> -> memref<625x16xf32, #tpu.memory_space<vmem_shared>>
      tpu.wait_dma2 semaphore(%run_scoped3A : memref<!tpu.dma_semaphore, #tpu.memory_space<semaphore_mem>>) src(%dma_wait3A_58 : memref<625x16xf32, #tpu.memory_space<vmem_shared>>) dst(%dma_wait3A_56 : memref<625x16xf32, #tpu.memory_space<hbm>>)
      tpu.yield
    }) : () -> ()
    return
  }
}

#map = affine_map<(d0, d1) -> (0, 0)>
module attributes {stable_mosaic.version = 14 : i64} {
  func.func @mp(%arg0: i32, %arg1: i32, %arg2: memref<10000x128xf32, #tpu.memory_space<hbm>>, %arg3: memref<5000x64xi32, #tpu.memory_space<hbm>>, %arg4: memref<5000x64xi32, #tpu.memory_space<hbm>>, %arg5: memref<20000x128xf32, #tpu.memory_space<hbm>>, %arg6: memref<10000x128xf32, #tpu.memory_space<vmem_shared>>, %arg7: memref<157x64xi32, #tpu.memory_space<vmem>>, %arg8: memref<157x64xi32, #tpu.memory_space<vmem>>, %arg9: memref<64x128xf32, #tpu.memory_space<vmem>>, %arg10: memref<64x128xf32, #tpu.memory_space<vmem>>, %arg11: memref<64x128xf32, #tpu.memory_space<vmem>>, %arg12: memref<25x128xf32, #tpu.memory_space<vmem>>, %arg13: memref<!tpu.dma_semaphore, #tpu.memory_space<semaphore_mem>>, %arg14: memref<!tpu.dma_semaphore, #tpu.memory_space<semaphore_mem>>, %arg15: memref<!tpu.dma_semaphore, #tpu.memory_space<semaphore_mem>>, %arg16: memref<!tpu.dma_semaphore, #tpu.memory_space<semaphore_mem>>) attributes {dimension_semantics = [#tpu.dimension_semantics<core_parallel>, #tpu.dimension_semantics<subcore_parallel>], iteration_bounds = array<i64: 2, 16>, scalar_prefetch = 0 : i64, scratch_operands = 11 : i64, tpu.core_type = #tpu.core_type<sc_vector_subcore>, window_params = [{transform_indices = #map}, {transform_indices = #map}, {transform_indices = #map}, {transform_indices = #map}]} {
    %mul3A = arith.constant 2 : i32
    %mul3A_0 = arith.muli %arg1, %mul3A : i32
    %add3A = arith.addi %mul3A_0, %arg0 : i32
    %broadcast_in_dim3A = arith.constant 0.000000e+00 : f32
    %broadcast_in_dim3A_1 = vector.broadcast %broadcast_in_dim3A : f32 to vector<16xf32>
    %scan3A = arith.constant 0 : i32
    %scan3A_2 = arith.constant 0 : i32
    %scan3A_3 = arith.constant 25 : i32
    %scan3A_4 = arith.addi %scan3A_2, %scan3A_3 : i32
    %scan3A_5 = arith.constant 1 : i32
    scf.for %scan3A_65 = %scan3A_2 to %scan3A_4 step %scan3A_5  : i32 {
      %swap3A = arith.index_cast %scan3A_65 : i32 to index
      %swap3A_66 = arith.constant 0 : index
      %swap3A_67 = tpu.vector_load %arg12[%swap3A, %swap3A_66] {strides = array<i32>} : memref<25x128xf32, #tpu.memory_space<vmem>>, vector<1x16xf32>,
      %swap3A_68 = vector.shape_cast %swap3A_67 : vector<1x16xf32> to vector<16xf32>
      %swap3A_69 = vector.shape_cast %broadcast_in_dim3A_1 : vector<16xf32> to vector<1x16xf32>
      tpu.vector_store %arg12[%swap3A, %swap3A_66], %swap3A_69 {strides = array<i32>} : memref<25x128xf32, #tpu.memory_space<vmem>>, vector<1x16xf32>,
      %swap3A_70 = arith.index_cast %scan3A_65 : i32 to index
      %swap3A_71 = arith.constant 16 : index
      %swap3A_72 = tpu.vector_load %arg12[%swap3A_70, %swap3A_71] {strides = array<i32>} : memref<25x128xf32, #tpu.memory_space<vmem>>, vector<1x16xf32>,
      %swap3A_73 = vector.shape_cast %swap3A_72 : vector<1x16xf32> to vector<16xf32>
      %swap3A_74 = vector.shape_cast %broadcast_in_dim3A_1 : vector<16xf32> to vector<1x16xf32>
      tpu.vector_store %arg12[%swap3A_70, %swap3A_71], %swap3A_74 {strides = array<i32>} : memref<25x128xf32, #tpu.memory_space<vmem>>, vector<1x16xf32>,
      %swap3A_75 = arith.index_cast %scan3A_65 : i32 to index
      %swap3A_76 = arith.constant 32 : index
      %swap3A_77 = tpu.vector_load %arg12[%swap3A_75, %swap3A_76] {strides = array<i32>} : memref<25x128xf32, #tpu.memory_space<vmem>>, vector<1x16xf32>,
      %swap3A_78 = vector.shape_cast %swap3A_77 : vector<1x16xf32> to vector<16xf32>
      %swap3A_79 = vector.shape_cast %broadcast_in_dim3A_1 : vector<16xf32> to vector<1x16xf32>
      tpu.vector_store %arg12[%swap3A_75, %swap3A_76], %swap3A_79 {strides = array<i32>} : memref<25x128xf32, #tpu.memory_space<vmem>>, vector<1x16xf32>,
      %swap3A_80 = arith.index_cast %scan3A_65 : i32 to index
      %swap3A_81 = arith.constant 48 : index
      %swap3A_82 = tpu.vector_load %arg12[%swap3A_80, %swap3A_81] {strides = array<i32>} : memref<25x128xf32, #tpu.memory_space<vmem>>, vector<1x16xf32>,
      %swap3A_83 = vector.shape_cast %swap3A_82 : vector<1x16xf32> to vector<16xf32>
      %swap3A_84 = vector.shape_cast %broadcast_in_dim3A_1 : vector<16xf32> to vector<1x16xf32>
      tpu.vector_store %arg12[%swap3A_80, %swap3A_81], %swap3A_84 {strides = array<i32>} : memref<25x128xf32, #tpu.memory_space<vmem>>, vector<1x16xf32>,
      %swap3A_85 = arith.index_cast %scan3A_65 : i32 to index
      %swap3A_86 = arith.constant 64 : index
      %swap3A_87 = tpu.vector_load %arg12[%swap3A_85, %swap3A_86] {strides = array<i32>} : memref<25x128xf32, #tpu.memory_space<vmem>>, vector<1x16xf32>,
      %swap3A_88 = vector.shape_cast %swap3A_87 : vector<1x16xf32> to vector<16xf32>
      %swap3A_89 = vector.shape_cast %broadcast_in_dim3A_1 : vector<16xf32> to vector<1x16xf32>
      tpu.vector_store %arg12[%swap3A_85, %swap3A_86], %swap3A_89 {strides = array<i32>} : memref<25x128xf32, #tpu.memory_space<vmem>>, vector<1x16xf32>,
      %swap3A_90 = arith.index_cast %scan3A_65 : i32 to index
      %swap3A_91 = arith.constant 80 : index
      %swap3A_92 = tpu.vector_load %arg12[%swap3A_90, %swap3A_91] {strides = array<i32>} : memref<25x128xf32, #tpu.memory_space<vmem>>, vector<1x16xf32>,
      %swap3A_93 = vector.shape_cast %swap3A_92 : vector<1x16xf32> to vector<16xf32>
      %swap3A_94 = vector.shape_cast %broadcast_in_dim3A_1 : vector<16xf32> to vector<1x16xf32>
      tpu.vector_store %arg12[%swap3A_90, %swap3A_91], %swap3A_94 {strides = array<i32>} : memref<25x128xf32, #tpu.memory_space<vmem>>, vector<1x16xf32>,
      %swap3A_95 = arith.index_cast %scan3A_65 : i32 to index
      %swap3A_96 = arith.constant 96 : index
      %swap3A_97 = tpu.vector_load %arg12[%swap3A_95, %swap3A_96] {strides = array<i32>} : memref<25x128xf32, #tpu.memory_space<vmem>>, vector<1x16xf32>,
      %swap3A_98 = vector.shape_cast %swap3A_97 : vector<1x16xf32> to vector<16xf32>
      %swap3A_99 = vector.shape_cast %broadcast_in_dim3A_1 : vector<16xf32> to vector<1x16xf32>
      tpu.vector_store %arg12[%swap3A_95, %swap3A_96], %swap3A_99 {strides = array<i32>} : memref<25x128xf32, #tpu.memory_space<vmem>>, vector<1x16xf32>,
      %swap3A_100 = arith.index_cast %scan3A_65 : i32 to index
      %swap3A_101 = arith.constant 112 : index
      %swap3A_102 = tpu.vector_load %arg12[%swap3A_100, %swap3A_101] {strides = array<i32>} : memref<25x128xf32, #tpu.memory_space<vmem>>, vector<1x16xf32>,
      %swap3A_103 = vector.shape_cast %swap3A_102 : vector<1x16xf32> to vector<16xf32>
      %swap3A_104 = vector.shape_cast %broadcast_in_dim3A_1 : vector<16xf32> to vector<1x16xf32>
      tpu.vector_store %arg12[%swap3A_100, %swap3A_101], %swap3A_104 {strides = array<i32>} : memref<25x128xf32, #tpu.memory_space<vmem>>, vector<1x16xf32>,
    }
    %scan3A_6 = arith.constant 25 : i32
    %scan3A_7 = arith.constant 0 : i32
    %scan3A_8 = arith.constant 0 : i32
    %scan3A_9 = arith.constant 25 : i32
    %scan3A_10 = arith.addi %scan3A_8, %scan3A_9 : i32
    %scan3A_11 = arith.constant 1 : i32
    scf.for %scan3A_65 = %scan3A_8 to %scan3A_10 step %scan3A_11  : i32 {
      %mul3A_66 = arith.constant 625 : i32
      %mul3A_67 = arith.muli %arg1, %mul3A_66 : i32
      %mul3A_68 = arith.constant 25 : i32
      %mul3A_69 = arith.muli %scan3A_65, %mul3A_68 : i32
      %add3A_70 = arith.addi %mul3A_67, %mul3A_69 : i32
      %dma_start3A_71 = arith.constant 0 : i32
      %dma_start3A_72 = tpu.memref_slice %arg6[%add3A_70, %dma_start3A_71] : memref<10000x128xf32, #tpu.memory_space<vmem_shared>> -> memref<25x128xf32, #tpu.memory_space<vmem_shared>>
      %dma_start3A_73 = arith.constant 0 : i32
      %dma_start3A_74 = tpu.memref_slice %arg6[%add3A_70, %dma_start3A_73] : memref<10000x128xf32, #tpu.memory_space<vmem_shared>> -> memref<25x128xf32, #tpu.memory_space<vmem_shared>>
      tpu.enqueue_dma source(%arg12 : memref<25x128xf32, #tpu.memory_space<vmem>>) target(%dma_start3A_74 : memref<25x128xf32, #tpu.memory_space<vmem_shared>>) target_semaphore(%arg16 : memref<!tpu.dma_semaphore, #tpu.memory_space<semaphore_mem>>)
    }
    %scan3A_12 = arith.constant 25 : i32
    %mul3A_13 = arith.constant 156 : i32
    %mul3A_14 = arith.muli %mul3A_13, %add3A : i32
    %min3A = arith.constant 8 : i32
    %min3A_15 = arith.minsi %add3A, %min3A : i32
    %add3A_16 = arith.addi %mul3A_14, %min3A_15 : i32
    %lt3A = arith.constant 8 : i32
    %lt3A_17 = arith.cmpi slt, %add3A, %lt3A : i32
    "tpu.region"() ({
      %run_scoped3A = tpu.sem_alloc : memref<!tpu.dma_semaphore, #tpu.memory_space<semaphore_mem>>
      %dma_start3A_65 = arith.constant 0 : i32
      %dma_start3A_66 = arith.constant 0 : i32
      %dma_start3A_67 = tpu.memref_slice %arg7[%dma_start3A_65, %dma_start3A_66] : memref<157x64xi32, #tpu.memory_space<vmem>> -> memref<156x64xi32, #tpu.memory_space<vmem>>
      %dma_start3A_68 = arith.constant 0 : i32
      %dma_start3A_69 = tpu.memref_slice %arg3[%add3A_16, %dma_start3A_68] : memref<5000x64xi32, #tpu.memory_space<hbm>> -> memref<156x64xi32, #tpu.memory_space<hbm>>
      %dma_start3A_70 = arith.constant 0 : i32
      %dma_start3A_71 = arith.constant 0 : i32
      %dma_start3A_72 = tpu.memref_slice %arg7[%dma_start3A_70, %dma_start3A_71] : memref<157x64xi32, #tpu.memory_space<vmem>> -> memref<156x64xi32, #tpu.memory_space<vmem>>
      %dma_start3A_73 = arith.constant 0 : i32
      %dma_start3A_74 = tpu.memref_slice %arg3[%add3A_16, %dma_start3A_73] : memref<5000x64xi32, #tpu.memory_space<hbm>> -> memref<156x64xi32, #tpu.memory_space<hbm>>
      tpu.enqueue_dma source(%dma_start3A_74 : memref<156x64xi32, #tpu.memory_space<hbm>>) target(%dma_start3A_72 : memref<156x64xi32, #tpu.memory_space<vmem>>) target_semaphore(%run_scoped3A : memref<!tpu.dma_semaphore, #tpu.memory_space<semaphore_mem>>)
      %dma_wait3A = arith.constant 0 : i32
      %dma_wait3A_75 = arith.constant 0 : i32
      %dma_wait3A_76 = tpu.memref_slice %arg7[%dma_wait3A, %dma_wait3A_75] : memref<157x64xi32, #tpu.memory_space<vmem>> -> memref<156x64xi32, #tpu.memory_space<vmem>>
      %dma_wait3A_77 = arith.constant 0 : i32
      %dma_wait3A_78 = tpu.memref_slice %arg3[%add3A_16, %dma_wait3A_77] : memref<5000x64xi32, #tpu.memory_space<hbm>> -> memref<156x64xi32, #tpu.memory_space<hbm>>
      %dma_wait3A_79 = arith.constant 0 : i32
      %dma_wait3A_80 = arith.constant 0 : i32
      %dma_wait3A_81 = tpu.memref_slice %arg7[%dma_wait3A_79, %dma_wait3A_80] : memref<157x64xi32, #tpu.memory_space<vmem>> -> memref<156x64xi32, #tpu.memory_space<vmem>>
      %dma_wait3A_82 = arith.constant 0 : i32
      %dma_wait3A_83 = tpu.memref_slice %arg3[%add3A_16, %dma_wait3A_82] : memref<5000x64xi32, #tpu.memory_space<hbm>> -> memref<156x64xi32, #tpu.memory_space<hbm>>
      tpu.wait_dma2 semaphore(%run_scoped3A : memref<!tpu.dma_semaphore, #tpu.memory_space<semaphore_mem>>) src(%dma_wait3A_83 : memref<156x64xi32, #tpu.memory_space<hbm>>) dst(%dma_wait3A_81 : memref<156x64xi32, #tpu.memory_space<vmem>>)
      tpu.yield
    }) : () -> ()
    "tpu.region"() ({
      %run_scoped3A = tpu.sem_alloc : memref<!tpu.dma_semaphore, #tpu.memory_space<semaphore_mem>>
      %dma_start3A_65 = arith.constant 0 : i32
      %dma_start3A_66 = arith.constant 0 : i32
      %dma_start3A_67 = tpu.memref_slice %arg8[%dma_start3A_65, %dma_start3A_66] : memref<157x64xi32, #tpu.memory_space<vmem>> -> memref<156x64xi32, #tpu.memory_space<vmem>>
      %dma_start3A_68 = arith.constant 0 : i32
      %dma_start3A_69 = tpu.memref_slice %arg4[%add3A_16, %dma_start3A_68] : memref<5000x64xi32, #tpu.memory_space<hbm>> -> memref<156x64xi32, #tpu.memory_space<hbm>>
      %dma_start3A_70 = arith.constant 0 : i32
      %dma_start3A_71 = arith.constant 0 : i32
      %dma_start3A_72 = tpu.memref_slice %arg8[%dma_start3A_70, %dma_start3A_71] : memref<157x64xi32, #tpu.memory_space<vmem>> -> memref<156x64xi32, #tpu.memory_space<vmem>>
      %dma_start3A_73 = arith.constant 0 : i32
      %dma_start3A_74 = tpu.memref_slice %arg4[%add3A_16, %dma_start3A_73] : memref<5000x64xi32, #tpu.memory_space<hbm>> -> memref<156x64xi32, #tpu.memory_space<hbm>>
      tpu.enqueue_dma source(%dma_start3A_74 : memref<156x64xi32, #tpu.memory_space<hbm>>) target(%dma_start3A_72 : memref<156x64xi32, #tpu.memory_space<vmem>>) target_semaphore(%run_scoped3A : memref<!tpu.dma_semaphore, #tpu.memory_space<semaphore_mem>>)
      %dma_wait3A = arith.constant 0 : i32
      %dma_wait3A_75 = arith.constant 0 : i32
      %dma_wait3A_76 = tpu.memref_slice %arg8[%dma_wait3A, %dma_wait3A_75] : memref<157x64xi32, #tpu.memory_space<vmem>> -> memref<156x64xi32, #tpu.memory_space<vmem>>
      %dma_wait3A_77 = arith.constant 0 : i32
      %dma_wait3A_78 = tpu.memref_slice %arg4[%add3A_16, %dma_wait3A_77] : memref<5000x64xi32, #tpu.memory_space<hbm>> -> memref<156x64xi32, #tpu.memory_space<hbm>>
      %dma_wait3A_79 = arith.constant 0 : i32
      %dma_wait3A_80 = arith.constant 0 : i32
      %dma_wait3A_81 = tpu.memref_slice %arg8[%dma_wait3A_79, %dma_wait3A_80] : memref<157x64xi32, #tpu.memory_space<vmem>> -> memref<156x64xi32, #tpu.memory_space<vmem>>
      %dma_wait3A_82 = arith.constant 0 : i32
      %dma_wait3A_83 = tpu.memref_slice %arg4[%add3A_16, %dma_wait3A_82] : memref<5000x64xi32, #tpu.memory_space<hbm>> -> memref<156x64xi32, #tpu.memory_space<hbm>>
      tpu.wait_dma2 semaphore(%run_scoped3A : memref<!tpu.dma_semaphore, #tpu.memory_space<semaphore_mem>>) src(%dma_wait3A_83 : memref<156x64xi32, #tpu.memory_space<hbm>>) dst(%dma_wait3A_81 : memref<156x64xi32, #tpu.memory_space<vmem>>)
      tpu.yield
    }) : () -> ()
    %convert_element_type3A = arith.extui %lt3A_17 : i1 to i32
    %cond3A = arith.constant 0 : i32
    %cond3A_18 = arith.cmpi ne, %convert_element_type3A, %cond3A : i32
    scf.if %cond3A_18 {
      %add3A_65 = arith.constant 156 : i32
      %add3A_66 = arith.addi %add3A_16, %add3A_65 : i32
      "tpu.region"() ({
        %run_scoped3A = tpu.sem_alloc : memref<!tpu.dma_semaphore, #tpu.memory_space<semaphore_mem>>
        %dma_start3A_69 = arith.constant 156 : i32
        %dma_start3A_70 = arith.constant 0 : i32
        %dma_start3A_71 = tpu.memref_slice %arg7[%dma_start3A_69, %dma_start3A_70] : memref<157x64xi32, #tpu.memory_space<vmem>> -> memref<1x64xi32, #tpu.memory_space<vmem>>
        %dma_start3A_72 = arith.constant 0 : i32
        %dma_start3A_73 = tpu.memref_slice %arg3[%add3A_66, %dma_start3A_72] : memref<5000x64xi32, #tpu.memory_space<hbm>> -> memref<1x64xi32, #tpu.memory_space<hbm>>
        %dma_start3A_74 = arith.constant 156 : i32
        %dma_start3A_75 = arith.constant 0 : i32
        %dma_start3A_76 = tpu.memref_slice %arg7[%dma_start3A_74, %dma_start3A_75] : memref<157x64xi32, #tpu.memory_space<vmem>> -> memref<1x64xi32, #tpu.memory_space<vmem>>
        %dma_start3A_77 = arith.constant 0 : i32
        %dma_start3A_78 = tpu.memref_slice %arg3[%add3A_66, %dma_start3A_77] : memref<5000x64xi32, #tpu.memory_space<hbm>> -> memref<1x64xi32, #tpu.memory_space<hbm>>
        tpu.enqueue_dma source(%dma_start3A_78 : memref<1x64xi32, #tpu.memory_space<hbm>>) target(%dma_start3A_76 : memref<1x64xi32, #tpu.memory_space<vmem>>) target_semaphore(%run_scoped3A : memref<!tpu.dma_semaphore, #tpu.memory_space<semaphore_mem>>)
        %dma_wait3A = arith.constant 156 : i32
        %dma_wait3A_79 = arith.constant 0 : i32
        %dma_wait3A_80 = tpu.memref_slice %arg7[%dma_wait3A, %dma_wait3A_79] : memref<157x64xi32, #tpu.memory_space<vmem>> -> memref<1x64xi32, #tpu.memory_space<vmem>>
        %dma_wait3A_81 = arith.constant 0 : i32
        %dma_wait3A_82 = tpu.memref_slice %arg3[%add3A_66, %dma_wait3A_81] : memref<5000x64xi32, #tpu.memory_space<hbm>> -> memref<1x64xi32, #tpu.memory_space<hbm>>
        %dma_wait3A_83 = arith.constant 156 : i32
        %dma_wait3A_84 = arith.constant 0 : i32
        %dma_wait3A_85 = tpu.memref_slice %arg7[%dma_wait3A_83, %dma_wait3A_84] : memref<157x64xi32, #tpu.memory_space<vmem>> -> memref<1x64xi32, #tpu.memory_space<vmem>>
        %dma_wait3A_86 = arith.constant 0 : i32
        %dma_wait3A_87 = tpu.memref_slice %arg3[%add3A_66, %dma_wait3A_86] : memref<5000x64xi32, #tpu.memory_space<hbm>> -> memref<1x64xi32, #tpu.memory_space<hbm>>
        tpu.wait_dma2 semaphore(%run_scoped3A : memref<!tpu.dma_semaphore, #tpu.memory_space<semaphore_mem>>) src(%dma_wait3A_87 : memref<1x64xi32, #tpu.memory_space<hbm>>) dst(%dma_wait3A_85 : memref<1x64xi32, #tpu.memory_space<vmem>>)
        tpu.yield
      }) : () -> ()
      %add3A_67 = arith.constant 156 : i32
      %add3A_68 = arith.addi %add3A_16, %add3A_67 : i32
      "tpu.region"() ({
        %run_scoped3A = tpu.sem_alloc : memref<!tpu.dma_semaphore, #tpu.memory_space<semaphore_mem>>
        %dma_start3A_69 = arith.constant 156 : i32
        %dma_start3A_70 = arith.constant 0 : i32
        %dma_start3A_71 = tpu.memref_slice %arg8[%dma_start3A_69, %dma_start3A_70] : memref<157x64xi32, #tpu.memory_space<vmem>> -> memref<1x64xi32, #tpu.memory_space<vmem>>
        %dma_start3A_72 = arith.constant 0 : i32
        %dma_start3A_73 = tpu.memref_slice %arg4[%add3A_68, %dma_start3A_72] : memref<5000x64xi32, #tpu.memory_space<hbm>> -> memref<1x64xi32, #tpu.memory_space<hbm>>
        %dma_start3A_74 = arith.constant 156 : i32
        %dma_start3A_75 = arith.constant 0 : i32
        %dma_start3A_76 = tpu.memref_slice %arg8[%dma_start3A_74, %dma_start3A_75] : memref<157x64xi32, #tpu.memory_space<vmem>> -> memref<1x64xi32, #tpu.memory_space<vmem>>
        %dma_start3A_77 = arith.constant 0 : i32
        %dma_start3A_78 = tpu.memref_slice %arg4[%add3A_68, %dma_start3A_77] : memref<5000x64xi32, #tpu.memory_space<hbm>> -> memref<1x64xi32, #tpu.memory_space<hbm>>
        tpu.enqueue_dma source(%dma_start3A_78 : memref<1x64xi32, #tpu.memory_space<hbm>>) target(%dma_start3A_76 : memref<1x64xi32, #tpu.memory_space<vmem>>) target_semaphore(%run_scoped3A : memref<!tpu.dma_semaphore, #tpu.memory_space<semaphore_mem>>)
        %dma_wait3A = arith.constant 156 : i32
        %dma_wait3A_79 = arith.constant 0 : i32
        %dma_wait3A_80 = tpu.memref_slice %arg8[%dma_wait3A, %dma_wait3A_79] : memref<157x64xi32, #tpu.memory_space<vmem>> -> memref<1x64xi32, #tpu.memory_space<vmem>>
        %dma_wait3A_81 = arith.constant 0 : i32
        %dma_wait3A_82 = tpu.memref_slice %arg4[%add3A_68, %dma_wait3A_81] : memref<5000x64xi32, #tpu.memory_space<hbm>> -> memref<1x64xi32, #tpu.memory_space<hbm>>
        %dma_wait3A_83 = arith.constant 156 : i32
        %dma_wait3A_84 = arith.constant 0 : i32
        %dma_wait3A_85 = tpu.memref_slice %arg8[%dma_wait3A_83, %dma_wait3A_84] : memref<157x64xi32, #tpu.memory_space<vmem>> -> memref<1x64xi32, #tpu.memory_space<vmem>>
        %dma_wait3A_86 = arith.constant 0 : i32
        %dma_wait3A_87 = tpu.memref_slice %arg4[%add3A_68, %dma_wait3A_86] : memref<5000x64xi32, #tpu.memory_space<hbm>> -> memref<1x64xi32, #tpu.memory_space<hbm>>
        tpu.wait_dma2 semaphore(%run_scoped3A : memref<!tpu.dma_semaphore, #tpu.memory_space<semaphore_mem>>) src(%dma_wait3A_87 : memref<1x64xi32, #tpu.memory_space<hbm>>) dst(%dma_wait3A_85 : memref<1x64xi32, #tpu.memory_space<vmem>>)
        tpu.yield
      }) : () -> ()
    } else {
    }
    %scan3A_19 = arith.constant 0 : i32
    %scan3A_20 = arith.constant 0 : i32
    %scan3A_21 = arith.constant 25 : i32
    %scan3A_22 = arith.addi %scan3A_20, %scan3A_21 : i32
    %scan3A_23 = arith.constant 1 : i32
    scf.for %scan3A_65 = %scan3A_20 to %scan3A_22 step %scan3A_23  : i32 {
      %mul3A_66 = arith.constant 625 : i32
      %mul3A_67 = arith.muli %arg1, %mul3A_66 : i32
      %dma_wait3A = arith.constant 0 : i32
      %dma_wait3A_68 = tpu.memref_slice %arg6[%mul3A_67, %dma_wait3A] : memref<10000x128xf32, #tpu.memory_space<vmem_shared>> -> memref<25x128xf32, #tpu.memory_space<vmem_shared>>
      %dma_wait3A_69 = arith.constant 0 : i32
      %dma_wait3A_70 = tpu.memref_slice %arg6[%mul3A_67, %dma_wait3A_69] : memref<10000x128xf32, #tpu.memory_space<vmem_shared>> -> memref<25x128xf32, #tpu.memory_space<vmem_shared>>
      tpu.wait_dma2 semaphore(%arg16 : memref<!tpu.dma_semaphore, #tpu.memory_space<semaphore_mem>>) src(%arg12 : memref<25x128xf32, #tpu.memory_space<vmem>>) dst(%dma_wait3A_70 : memref<25x128xf32, #tpu.memory_space<vmem_shared>>)
    }
    %scan3A_24 = arith.constant 25 : i32
    %barrier3A = arith.constant 0 : index
    tpu.barrier barrier_id(%barrier3A)
    %convert_element_type3A_25 = arith.extui %lt3A_17 : i1 to i32
    %add3A_26 = arith.constant 156 : i32
    %add3A_27 = arith.addi %add3A_26, %convert_element_type3A_25 : i32
    %dma_start3A = arith.constant 0 : i32
    %dma_start3A_28 = arith.constant 0 : i32
    %dma_start3A_29 = tpu.memref_slice %arg7[%dma_start3A, %dma_start3A_28] : memref<157x64xi32, #tpu.memory_space<vmem>> -> memref<1x64xi32, #tpu.memory_space<vmem>>
    %dma_start3A_30 = tpu.memref_squeeze %dma_start3A_29 : memref<1x64xi32, #tpu.memory_space<vmem>> -> memref<64xi32, #tpu.memory_space<vmem>>
    %dma_start3A_31 = arith.constant 0 : i32
    %dma_start3A_32 = arith.constant 0 : i32
    %dma_start3A_33 = tpu.memref_slice %arg2[%dma_start3A_31, %dma_start3A_32] : memref<10000x128xf32, #tpu.memory_space<hbm>> -> memref<10000x128xf32, #tpu.memory_space<hbm>>
    tpu.enqueue_indirect_dma source(%dma_start3A_33 : memref<10000x128xf32, #tpu.memory_space<hbm>>) target(%arg9 : memref<64x128xf32, #tpu.memory_space<vmem>>) offsets(%dma_start3A_30 : memref<64xi32, #tpu.memory_space<vmem>>) semaphore(%arg13 : memref<!tpu.dma_semaphore, #tpu.memory_space<semaphore_mem>>)
    %dma_start3A_34 = arith.constant 1 : i32
    %dma_start3A_35 = arith.constant 0 : i32
    %dma_start3A_36 = tpu.memref_slice %arg7[%dma_start3A_34, %dma_start3A_35] : memref<157x64xi32, #tpu.memory_space<vmem>> -> memref<1x64xi32, #tpu.memory_space<vmem>>
    %dma_start3A_37 = tpu.memref_squeeze %dma_start3A_36 : memref<1x64xi32, #tpu.memory_space<vmem>> -> memref<64xi32, #tpu.memory_space<vmem>>
    %dma_start3A_38 = arith.constant 0 : i32
    %dma_start3A_39 = arith.constant 0 : i32
    %dma_start3A_40 = tpu.memref_slice %arg2[%dma_start3A_38, %dma_start3A_39] : memref<10000x128xf32, #tpu.memory_space<hbm>> -> memref<10000x128xf32, #tpu.memory_space<hbm>>
    tpu.enqueue_indirect_dma source(%dma_start3A_40 : memref<10000x128xf32, #tpu.memory_space<hbm>>) target(%arg10 : memref<64x128xf32, #tpu.memory_space<vmem>>) offsets(%dma_start3A_37 : memref<64xi32, #tpu.memory_space<vmem>>) semaphore(%arg14 : memref<!tpu.dma_semaphore, #tpu.memory_space<semaphore_mem>>)
    %dma_start3A_41 = arith.constant 2 : i32
    %dma_start3A_42 = arith.constant 0 : i32
    %dma_start3A_43 = tpu.memref_slice %arg7[%dma_start3A_41, %dma_start3A_42] : memref<157x64xi32, #tpu.memory_space<vmem>> -> memref<1x64xi32, #tpu.memory_space<vmem>>
    %dma_start3A_44 = tpu.memref_squeeze %dma_start3A_43 : memref<1x64xi32, #tpu.memory_space<vmem>> -> memref<64xi32, #tpu.memory_space<vmem>>
    %dma_start3A_45 = arith.constant 0 : i32
    %dma_start3A_46 = arith.constant 0 : i32
    %dma_start3A_47 = tpu.memref_slice %arg2[%dma_start3A_45, %dma_start3A_46] : memref<10000x128xf32, #tpu.memory_space<hbm>> -> memref<10000x128xf32, #tpu.memory_space<hbm>>
    tpu.enqueue_indirect_dma source(%dma_start3A_47 : memref<10000x128xf32, #tpu.memory_space<hbm>>) target(%arg11 : memref<64x128xf32, #tpu.memory_space<vmem>>) offsets(%dma_start3A_44 : memref<64xi32, #tpu.memory_space<vmem>>) semaphore(%arg15 : memref<!tpu.dma_semaphore, #tpu.memory_space<semaphore_mem>>)
    %scan3A_48 = arith.constant 0 : i32
    %scan3A_49 = arith.constant 0 : i32
    %scan3A_50 = arith.constant 52 : i32
    %scan3A_51 = arith.addi %scan3A_49, %scan3A_50 : i32
    %scan3A_52 = arith.constant 1 : i32
    scf.for %scan3A_65 = %scan3A_49 to %scan3A_51 step %scan3A_52  : i32 {
      %mul3A_66 = arith.constant 3 : i32
      %mul3A_67 = arith.muli %mul3A_66, %scan3A_65 : i32
      %add3A_68 = arith.constant 0 : i32
      %add3A_69 = arith.addi %mul3A_67, %add3A_68 : i32
      %dma_wait3A = arith.constant 0 : i32
      %dma_wait3A_70 = tpu.memref_slice %arg7[%add3A_69, %dma_wait3A] : memref<157x64xi32, #tpu.memory_space<vmem>> -> memref<1x64xi32, #tpu.memory_space<vmem>>
      %dma_wait3A_71 = tpu.memref_squeeze %dma_wait3A_70 : memref<1x64xi32, #tpu.memory_space<vmem>> -> memref<64xi32, #tpu.memory_space<vmem>>
      %dma_wait3A_72 = arith.constant 0 : i32
      %dma_wait3A_73 = arith.constant 0 : i32
      %dma_wait3A_74 = tpu.memref_slice %arg2[%dma_wait3A_72, %dma_wait3A_73] : memref<10000x128xf32, #tpu.memory_space<hbm>> -> memref<10000x128xf32, #tpu.memory_space<hbm>>
      tpu.wait_indirect_dma semaphore(%arg13 : memref<!tpu.dma_semaphore, #tpu.memory_space<semaphore_mem>>) src(%dma_wait3A_74 : memref<10000x128xf32, #tpu.memory_space<hbm>>) dst(%arg9 : memref<64x128xf32, #tpu.memory_space<vmem>>)
      "tpu.region"() ({
        %run_scoped3A = tpu.sem_alloc : memref<!tpu.dma_semaphore, #tpu.memory_space<semaphore_mem>>
        %dma_start3A_113 = arith.constant 0 : i32
        %dma_start3A_114 = tpu.memref_slice %arg8[%add3A_69, %dma_start3A_113] : memref<157x64xi32, #tpu.memory_space<vmem>> -> memref<1x64xi32, #tpu.memory_space<vmem>>
        %dma_start3A_115 = tpu.memref_squeeze %dma_start3A_114 : memref<1x64xi32, #tpu.memory_space<vmem>> -> memref<64xi32, #tpu.memory_space<vmem>>
        %dma_start3A_116 = arith.constant 0 : i32
        %dma_start3A_117 = arith.constant 0 : i32
        %dma_start3A_118 = tpu.memref_slice %arg6[%dma_start3A_116, %dma_start3A_117] : memref<10000x128xf32, #tpu.memory_space<vmem_shared>> -> memref<10000x128xf32, #tpu.memory_space<vmem_shared>>
        tpu.enqueue_indirect_dma source(%arg9 : memref<64x128xf32, #tpu.memory_space<vmem>>) target(%dma_start3A_118 : memref<10000x128xf32, #tpu.memory_space<vmem_shared>>) offsets(%dma_start3A_115 : memref<64xi32, #tpu.memory_space<vmem>>) semaphore(%run_scoped3A : memref<!tpu.dma_semaphore, #tpu.memory_space<semaphore_mem>>) {add = true}
        %dma_wait3A_119 = arith.constant 0 : i32
        %dma_wait3A_120 = tpu.memref_slice %arg8[%add3A_69, %dma_wait3A_119] : memref<157x64xi32, #tpu.memory_space<vmem>> -> memref<1x64xi32, #tpu.memory_space<vmem>>
        %dma_wait3A_121 = tpu.memref_squeeze %dma_wait3A_120 : memref<1x64xi32, #tpu.memory_space<vmem>> -> memref<64xi32, #tpu.memory_space<vmem>>
        %dma_wait3A_122 = arith.constant 0 : i32
        %dma_wait3A_123 = arith.constant 0 : i32
        %dma_wait3A_124 = tpu.memref_slice %arg6[%dma_wait3A_122, %dma_wait3A_123] : memref<10000x128xf32, #tpu.memory_space<vmem_shared>> -> memref<10000x128xf32, #tpu.memory_space<vmem_shared>>
        tpu.wait_indirect_dma semaphore(%run_scoped3A : memref<!tpu.dma_semaphore, #tpu.memory_space<semaphore_mem>>) src(%arg9 : memref<64x128xf32, #tpu.memory_space<vmem>>) dst(%dma_wait3A_124 : memref<10000x128xf32, #tpu.memory_space<vmem_shared>>)
        tpu.yield
      }) : () -> ()
      %add3A_75 = arith.constant 3 : i32
      %add3A_76 = arith.addi %add3A_69, %add3A_75 : i32
      %lt3A_77 = arith.cmpi slt, %add3A_76, %add3A_27 : i32
      %convert_element_type3A_78 = arith.extui %lt3A_77 : i1 to i32
      %cond3A_79 = arith.constant 0 : i32
      %cond3A_80 = arith.cmpi ne, %convert_element_type3A_78, %cond3A_79 : i32
      scf.if %cond3A_80 {
        %add3A_113 = arith.constant 3 : i32
        %add3A_114 = arith.addi %add3A_69, %add3A_113 : i32
        %dma_start3A_115 = arith.constant 0 : i32
        %dma_start3A_116 = tpu.memref_slice %arg7[%add3A_114, %dma_start3A_115] : memref<157x64xi32, #tpu.memory_space<vmem>> -> memref<1x64xi32, #tpu.memory_space<vmem>>
        %dma_start3A_117 = tpu.memref_squeeze %dma_start3A_116 : memref<1x64xi32, #tpu.memory_space<vmem>> -> memref<64xi32, #tpu.memory_space<vmem>>
        %dma_start3A_118 = arith.constant 0 : i32
        %dma_start3A_119 = arith.constant 0 : i32
        %dma_start3A_120 = tpu.memref_slice %arg2[%dma_start3A_118, %dma_start3A_119] : memref<10000x128xf32, #tpu.memory_space<hbm>> -> memref<10000x128xf32, #tpu.memory_space<hbm>>
        tpu.enqueue_indirect_dma source(%dma_start3A_120 : memref<10000x128xf32, #tpu.memory_space<hbm>>) target(%arg9 : memref<64x128xf32, #tpu.memory_space<vmem>>) offsets(%dma_start3A_117 : memref<64xi32, #tpu.memory_space<vmem>>) semaphore(%arg13 : memref<!tpu.dma_semaphore, #tpu.memory_space<semaphore_mem>>)
      } else {
      }
      %mul3A_81 = arith.constant 3 : i32
      %mul3A_82 = arith.muli %mul3A_81, %scan3A_65 : i32
      %add3A_83 = arith.constant 1 : i32
      %add3A_84 = arith.addi %mul3A_82, %add3A_83 : i32
      %dma_wait3A_85 = arith.constant 0 : i32
      %dma_wait3A_86 = tpu.memref_slice %arg7[%add3A_84, %dma_wait3A_85] : memref<157x64xi32, #tpu.memory_space<vmem>> -> memref<1x64xi32, #tpu.memory_space<vmem>>
      %dma_wait3A_87 = tpu.memref_squeeze %dma_wait3A_86 : memref<1x64xi32, #tpu.memory_space<vmem>> -> memref<64xi32, #tpu.memory_space<vmem>>
      %dma_wait3A_88 = arith.constant 0 : i32
      %dma_wait3A_89 = arith.constant 0 : i32
      %dma_wait3A_90 = tpu.memref_slice %arg2[%dma_wait3A_88, %dma_wait3A_89] : memref<10000x128xf32, #tpu.memory_space<hbm>> -> memref<10000x128xf32, #tpu.memory_space<hbm>>
      tpu.wait_indirect_dma semaphore(%arg14 : memref<!tpu.dma_semaphore, #tpu.memory_space<semaphore_mem>>) src(%dma_wait3A_90 : memref<10000x128xf32, #tpu.memory_space<hbm>>) dst(%arg10 : memref<64x128xf32, #tpu.memory_space<vmem>>)
      "tpu.region"() ({
        %run_scoped3A = tpu.sem_alloc : memref<!tpu.dma_semaphore, #tpu.memory_space<semaphore_mem>>
        %dma_start3A_113 = arith.constant 0 : i32
        %dma_start3A_114 = tpu.memref_slice %arg8[%add3A_84, %dma_start3A_113] : memref<157x64xi32, #tpu.memory_space<vmem>> -> memref<1x64xi32, #tpu.memory_space<vmem>>
        %dma_start3A_115 = tpu.memref_squeeze %dma_start3A_114 : memref<1x64xi32, #tpu.memory_space<vmem>> -> memref<64xi32, #tpu.memory_space<vmem>>
        %dma_start3A_116 = arith.constant 0 : i32
        %dma_start3A_117 = arith.constant 0 : i32
        %dma_start3A_118 = tpu.memref_slice %arg6[%dma_start3A_116, %dma_start3A_117] : memref<10000x128xf32, #tpu.memory_space<vmem_shared>> -> memref<10000x128xf32, #tpu.memory_space<vmem_shared>>
        tpu.enqueue_indirect_dma source(%arg10 : memref<64x128xf32, #tpu.memory_space<vmem>>) target(%dma_start3A_118 : memref<10000x128xf32, #tpu.memory_space<vmem_shared>>) offsets(%dma_start3A_115 : memref<64xi32, #tpu.memory_space<vmem>>) semaphore(%run_scoped3A : memref<!tpu.dma_semaphore, #tpu.memory_space<semaphore_mem>>) {add = true}
        %dma_wait3A_119 = arith.constant 0 : i32
        %dma_wait3A_120 = tpu.memref_slice %arg8[%add3A_84, %dma_wait3A_119] : memref<157x64xi32, #tpu.memory_space<vmem>> -> memref<1x64xi32, #tpu.memory_space<vmem>>
        %dma_wait3A_121 = tpu.memref_squeeze %dma_wait3A_120 : memref<1x64xi32, #tpu.memory_space<vmem>> -> memref<64xi32, #tpu.memory_space<vmem>>
        %dma_wait3A_122 = arith.constant 0 : i32
        %dma_wait3A_123 = arith.constant 0 : i32
        %dma_wait3A_124 = tpu.memref_slice %arg6[%dma_wait3A_122, %dma_wait3A_123] : memref<10000x128xf32, #tpu.memory_space<vmem_shared>> -> memref<10000x128xf32, #tpu.memory_space<vmem_shared>>
        tpu.wait_indirect_dma semaphore(%run_scoped3A : memref<!tpu.dma_semaphore, #tpu.memory_space<semaphore_mem>>) src(%arg10 : memref<64x128xf32, #tpu.memory_space<vmem>>) dst(%dma_wait3A_124 : memref<10000x128xf32, #tpu.memory_space<vmem_shared>>)
        tpu.yield
      }) : () -> ()
      %add3A_91 = arith.constant 3 : i32
      %add3A_92 = arith.addi %add3A_84, %add3A_91 : i32
      %lt3A_93 = arith.cmpi slt, %add3A_92, %add3A_27 : i32
      %convert_element_type3A_94 = arith.extui %lt3A_93 : i1 to i32
      %cond3A_95 = arith.constant 0 : i32
      %cond3A_96 = arith.cmpi ne, %convert_element_type3A_94, %cond3A_95 : i32
      scf.if %cond3A_96 {
        %add3A_113 = arith.constant 3 : i32
        %add3A_114 = arith.addi %add3A_84, %add3A_113 : i32
        %dma_start3A_115 = arith.constant 0 : i32
        %dma_start3A_116 = tpu.memref_slice %arg7[%add3A_114, %dma_start3A_115] : memref<157x64xi32, #tpu.memory_space<vmem>> -> memref<1x64xi32, #tpu.memory_space<vmem>>
        %dma_start3A_117 = tpu.memref_squeeze %dma_start3A_116 : memref<1x64xi32, #tpu.memory_space<vmem>> -> memref<64xi32, #tpu.memory_space<vmem>>
        %dma_start3A_118 = arith.constant 0 : i32
        %dma_start3A_119 = arith.constant 0 : i32
        %dma_start3A_120 = tpu.memref_slice %arg2[%dma_start3A_118, %dma_start3A_119] : memref<10000x128xf32, #tpu.memory_space<hbm>> -> memref<10000x128xf32, #tpu.memory_space<hbm>>
        tpu.enqueue_indirect_dma source(%dma_start3A_120 : memref<10000x128xf32, #tpu.memory_space<hbm>>) target(%arg10 : memref<64x128xf32, #tpu.memory_space<vmem>>) offsets(%dma_start3A_117 : memref<64xi32, #tpu.memory_space<vmem>>) semaphore(%arg14 : memref<!tpu.dma_semaphore, #tpu.memory_space<semaphore_mem>>)
      } else {
      }
      %mul3A_97 = arith.constant 3 : i32
      %mul3A_98 = arith.muli %mul3A_97, %scan3A_65 : i32
      %add3A_99 = arith.constant 2 : i32
      %add3A_100 = arith.addi %mul3A_98, %add3A_99 : i32
      %dma_wait3A_101 = arith.constant 0 : i32
      %dma_wait3A_102 = tpu.memref_slice %arg7[%add3A_100, %dma_wait3A_101] : memref<157x64xi32, #tpu.memory_space<vmem>> -> memref<1x64xi32, #tpu.memory_space<vmem>>
      %dma_wait3A_103 = tpu.memref_squeeze %dma_wait3A_102 : memref<1x64xi32, #tpu.memory_space<vmem>> -> memref<64xi32, #tpu.memory_space<vmem>>
      %dma_wait3A_104 = arith.constant 0 : i32
      %dma_wait3A_105 = arith.constant 0 : i32
      %dma_wait3A_106 = tpu.memref_slice %arg2[%dma_wait3A_104, %dma_wait3A_105] : memref<10000x128xf32, #tpu.memory_space<hbm>> -> memref<10000x128xf32, #tpu.memory_space<hbm>>
      tpu.wait_indirect_dma semaphore(%arg15 : memref<!tpu.dma_semaphore, #tpu.memory_space<semaphore_mem>>) src(%dma_wait3A_106 : memref<10000x128xf32, #tpu.memory_space<hbm>>) dst(%arg11 : memref<64x128xf32, #tpu.memory_space<vmem>>)
      "tpu.region"() ({
        %run_scoped3A = tpu.sem_alloc : memref<!tpu.dma_semaphore, #tpu.memory_space<semaphore_mem>>
        %dma_start3A_113 = arith.constant 0 : i32
        %dma_start3A_114 = tpu.memref_slice %arg8[%add3A_100, %dma_start3A_113] : memref<157x64xi32, #tpu.memory_space<vmem>> -> memref<1x64xi32, #tpu.memory_space<vmem>>
        %dma_start3A_115 = tpu.memref_squeeze %dma_start3A_114 : memref<1x64xi32, #tpu.memory_space<vmem>> -> memref<64xi32, #tpu.memory_space<vmem>>
        %dma_start3A_116 = arith.constant 0 : i32
        %dma_start3A_117 = arith.constant 0 : i32
        %dma_start3A_118 = tpu.memref_slice %arg6[%dma_start3A_116, %dma_start3A_117] : memref<10000x128xf32, #tpu.memory_space<vmem_shared>> -> memref<10000x128xf32, #tpu.memory_space<vmem_shared>>
        tpu.enqueue_indirect_dma source(%arg11 : memref<64x128xf32, #tpu.memory_space<vmem>>) target(%dma_start3A_118 : memref<10000x128xf32, #tpu.memory_space<vmem_shared>>) offsets(%dma_start3A_115 : memref<64xi32, #tpu.memory_space<vmem>>) semaphore(%run_scoped3A : memref<!tpu.dma_semaphore, #tpu.memory_space<semaphore_mem>>) {add = true}
        %dma_wait3A_119 = arith.constant 0 : i32
        %dma_wait3A_120 = tpu.memref_slice %arg8[%add3A_100, %dma_wait3A_119] : memref<157x64xi32, #tpu.memory_space<vmem>> -> memref<1x64xi32, #tpu.memory_space<vmem>>
        %dma_wait3A_121 = tpu.memref_squeeze %dma_wait3A_120 : memref<1x64xi32, #tpu.memory_space<vmem>> -> memref<64xi32, #tpu.memory_space<vmem>>
        %dma_wait3A_122 = arith.constant 0 : i32
        %dma_wait3A_123 = arith.constant 0 : i32
        %dma_wait3A_124 = tpu.memref_slice %arg6[%dma_wait3A_122, %dma_wait3A_123] : memref<10000x128xf32, #tpu.memory_space<vmem_shared>> -> memref<10000x128xf32, #tpu.memory_space<vmem_shared>>
        tpu.wait_indirect_dma semaphore(%run_scoped3A : memref<!tpu.dma_semaphore, #tpu.memory_space<semaphore_mem>>) src(%arg11 : memref<64x128xf32, #tpu.memory_space<vmem>>) dst(%dma_wait3A_124 : memref<10000x128xf32, #tpu.memory_space<vmem_shared>>)
        tpu.yield
      }) : () -> ()
      %add3A_107 = arith.constant 3 : i32
      %add3A_108 = arith.addi %add3A_100, %add3A_107 : i32
      %lt3A_109 = arith.cmpi slt, %add3A_108, %add3A_27 : i32
      %convert_element_type3A_110 = arith.extui %lt3A_109 : i1 to i32
      %cond3A_111 = arith.constant 0 : i32
      %cond3A_112 = arith.cmpi ne, %convert_element_type3A_110, %cond3A_111 : i32
      scf.if %cond3A_112 {
        %add3A_113 = arith.constant 3 : i32
        %add3A_114 = arith.addi %add3A_100, %add3A_113 : i32
        %dma_start3A_115 = arith.constant 0 : i32
        %dma_start3A_116 = tpu.memref_slice %arg7[%add3A_114, %dma_start3A_115] : memref<157x64xi32, #tpu.memory_space<vmem>> -> memref<1x64xi32, #tpu.memory_space<vmem>>
        %dma_start3A_117 = tpu.memref_squeeze %dma_start3A_116 : memref<1x64xi32, #tpu.memory_space<vmem>> -> memref<64xi32, #tpu.memory_space<vmem>>
        %dma_start3A_118 = arith.constant 0 : i32
        %dma_start3A_119 = arith.constant 0 : i32
        %dma_start3A_120 = tpu.memref_slice %arg2[%dma_start3A_118, %dma_start3A_119] : memref<10000x128xf32, #tpu.memory_space<hbm>> -> memref<10000x128xf32, #tpu.memory_space<hbm>>
        tpu.enqueue_indirect_dma source(%dma_start3A_120 : memref<10000x128xf32, #tpu.memory_space<hbm>>) target(%arg11 : memref<64x128xf32, #tpu.memory_space<vmem>>) offsets(%dma_start3A_117 : memref<64xi32, #tpu.memory_space<vmem>>) semaphore(%arg15 : memref<!tpu.dma_semaphore, #tpu.memory_space<semaphore_mem>>)
      } else {
      }
    }
    %scan3A_53 = arith.constant 52 : i32
    %convert_element_type3A_54 = arith.extui %lt3A_17 : i1 to i32
    %cond3A_55 = arith.constant 0 : i32
    %cond3A_56 = arith.cmpi ne, %convert_element_type3A_54, %cond3A_55 : i32
    scf.if %cond3A_56 {
      %dma_wait3A = arith.constant 156 : i32
      %dma_wait3A_65 = arith.constant 0 : i32
      %dma_wait3A_66 = tpu.memref_slice %arg7[%dma_wait3A, %dma_wait3A_65] : memref<157x64xi32, #tpu.memory_space<vmem>> -> memref<1x64xi32, #tpu.memory_space<vmem>>
      %dma_wait3A_67 = tpu.memref_squeeze %dma_wait3A_66 : memref<1x64xi32, #tpu.memory_space<vmem>> -> memref<64xi32, #tpu.memory_space<vmem>>
      %dma_wait3A_68 = arith.constant 0 : i32
      %dma_wait3A_69 = arith.constant 0 : i32
      %dma_wait3A_70 = tpu.memref_slice %arg2[%dma_wait3A_68, %dma_wait3A_69] : memref<10000x128xf32, #tpu.memory_space<hbm>> -> memref<10000x128xf32, #tpu.memory_space<hbm>>
      tpu.wait_indirect_dma semaphore(%arg13 : memref<!tpu.dma_semaphore, #tpu.memory_space<semaphore_mem>>) src(%dma_wait3A_70 : memref<10000x128xf32, #tpu.memory_space<hbm>>) dst(%arg9 : memref<64x128xf32, #tpu.memory_space<vmem>>)
      %run_scoped3A = arith.constant 156 : i32
      "tpu.region"() ({
        %run_scoped3A_71 = tpu.sem_alloc : memref<!tpu.dma_semaphore, #tpu.memory_space<semaphore_mem>>
        %dma_start3A_72 = arith.constant 0 : i32
        %dma_start3A_73 = tpu.memref_slice %arg8[%run_scoped3A, %dma_start3A_72] : memref<157x64xi32, #tpu.memory_space<vmem>> -> memref<1x64xi32, #tpu.memory_space<vmem>>
        %dma_start3A_74 = tpu.memref_squeeze %dma_start3A_73 : memref<1x64xi32, #tpu.memory_space<vmem>> -> memref<64xi32, #tpu.memory_space<vmem>>
        %dma_start3A_75 = arith.constant 0 : i32
        %dma_start3A_76 = arith.constant 0 : i32
        %dma_start3A_77 = tpu.memref_slice %arg6[%dma_start3A_75, %dma_start3A_76] : memref<10000x128xf32, #tpu.memory_space<vmem_shared>> -> memref<10000x128xf32, #tpu.memory_space<vmem_shared>>
        tpu.enqueue_indirect_dma source(%arg9 : memref<64x128xf32, #tpu.memory_space<vmem>>) target(%dma_start3A_77 : memref<10000x128xf32, #tpu.memory_space<vmem_shared>>) offsets(%dma_start3A_74 : memref<64xi32, #tpu.memory_space<vmem>>) semaphore(%run_scoped3A_71 : memref<!tpu.dma_semaphore, #tpu.memory_space<semaphore_mem>>) {add = true}
        %dma_wait3A_78 = arith.constant 0 : i32
        %dma_wait3A_79 = tpu.memref_slice %arg8[%run_scoped3A, %dma_wait3A_78] : memref<157x64xi32, #tpu.memory_space<vmem>> -> memref<1x64xi32, #tpu.memory_space<vmem>>
        %dma_wait3A_80 = tpu.memref_squeeze %dma_wait3A_79 : memref<1x64xi32, #tpu.memory_space<vmem>> -> memref<64xi32, #tpu.memory_space<vmem>>
        %dma_wait3A_81 = arith.constant 0 : i32
        %dma_wait3A_82 = arith.constant 0 : i32
        %dma_wait3A_83 = tpu.memref_slice %arg6[%dma_wait3A_81, %dma_wait3A_82] : memref<10000x128xf32, #tpu.memory_space<vmem_shared>> -> memref<10000x128xf32, #tpu.memory_space<vmem_shared>>
        tpu.wait_indirect_dma semaphore(%run_scoped3A_71 : memref<!tpu.dma_semaphore, #tpu.memory_space<semaphore_mem>>) src(%arg9 : memref<64x128xf32, #tpu.memory_space<vmem>>) dst(%dma_wait3A_83 : memref<10000x128xf32, #tpu.memory_space<vmem_shared>>)
        tpu.yield
      }) : () -> ()
    } else {
    }
    %barrier3A_57 = arith.constant 0 : index
    tpu.barrier barrier_id(%barrier3A_57)
    %mul3A_58 = arith.constant 625 : i32
    %mul3A_59 = arith.muli %arg1, %mul3A_58 : i32
    %mul3A_60 = arith.constant 10000 : i32
    %mul3A_61 = arith.muli %arg0, %mul3A_60 : i32
    %mul3A_62 = arith.constant 625 : i32
    %mul3A_63 = arith.muli %arg1, %mul3A_62 : i32
    %add3A_64 = arith.addi %mul3A_61, %mul3A_63 : i32
    "tpu.region"() ({
      %run_scoped3A = tpu.sem_alloc : memref<!tpu.dma_semaphore, #tpu.memory_space<semaphore_mem>>
      %dma_start3A_65 = arith.constant 0 : i32
      %dma_start3A_66 = tpu.memref_slice %arg5[%add3A_64, %dma_start3A_65] : memref<20000x128xf32, #tpu.memory_space<hbm>> -> memref<625x128xf32, #tpu.memory_space<hbm>>
      %dma_start3A_67 = arith.constant 0 : i32
      %dma_start3A_68 = tpu.memref_slice %arg6[%mul3A_59, %dma_start3A_67] : memref<10000x128xf32, #tpu.memory_space<vmem_shared>> -> memref<625x128xf32, #tpu.memory_space<vmem_shared>>
      tpu.enqueue_dma source(%dma_start3A_68 : memref<625x128xf32, #tpu.memory_space<vmem_shared>>) target(%dma_start3A_66 : memref<625x128xf32, #tpu.memory_space<hbm>>) target_semaphore(%run_scoped3A : memref<!tpu.dma_semaphore, #tpu.memory_space<semaphore_mem>>)
      %dma_wait3A = arith.constant 0 : i32
      %dma_wait3A_69 = tpu.memref_slice %arg5[%add3A_64, %dma_wait3A] : memref<20000x128xf32, #tpu.memory_space<hbm>> -> memref<625x128xf32, #tpu.memory_space<hbm>>
      %dma_wait3A_70 = arith.constant 0 : i32
      %dma_wait3A_71 = tpu.memref_slice %arg6[%mul3A_59, %dma_wait3A_70] : memref<10000x128xf32, #tpu.memory_space<vmem_shared>> -> memref<625x128xf32, #tpu.memory_space<vmem_shared>>
      tpu.wait_dma2 semaphore(%run_scoped3A : memref<!tpu.dma_semaphore, #tpu.memory_space<semaphore_mem>>) src(%dma_wait3A_71 : memref<625x128xf32, #tpu.memory_space<vmem_shared>>) dst(%dma_wait3A_69 : memref<625x128xf32, #tpu.memory_space<hbm>>)
      tpu.yield
    }) : () -> ()
    return
  }
}

#map = affine_map<(d0, d1) -> (0, 0)>
module attributes {stable_mosaic.version = 14 : i64} {
  func.func @mp(%arg0: i32, %arg1: i32, %arg2: memref<10000x32xf32, #tpu.memory_space<hbm>>, %arg3: memref<2500x128xi32, #tpu.memory_space<hbm>>, %arg4: memref<2500x128xi32, #tpu.memory_space<hbm>>, %arg5: memref<20000x32xf32, #tpu.memory_space<hbm>>, %arg6: memref<10000x32xf32, #tpu.memory_space<vmem_shared>>, %arg7: memref<79x128xi32, #tpu.memory_space<vmem>>, %arg8: memref<79x128xi32, #tpu.memory_space<vmem>>, %arg9: memref<128x32xf32, #tpu.memory_space<vmem>>, %arg10: memref<128x32xf32, #tpu.memory_space<vmem>>, %arg11: memref<128x32xf32, #tpu.memory_space<vmem>>, %arg12: memref<128x32xf32, #tpu.memory_space<vmem>>, %arg13: memref<128x32xf32, #tpu.memory_space<vmem>>, %arg14: memref<128x32xf32, #tpu.memory_space<vmem>>, %arg15: memref<25x32xf32, #tpu.memory_space<vmem>>, %arg16: memref<!tpu.dma_semaphore, #tpu.memory_space<semaphore_mem>>, %arg17: memref<!tpu.dma_semaphore, #tpu.memory_space<semaphore_mem>>, %arg18: memref<!tpu.dma_semaphore, #tpu.memory_space<semaphore_mem>>, %arg19: memref<!tpu.dma_semaphore, #tpu.memory_space<semaphore_mem>>, %arg20: memref<!tpu.dma_semaphore, #tpu.memory_space<semaphore_mem>>, %arg21: memref<!tpu.dma_semaphore, #tpu.memory_space<semaphore_mem>>, %arg22: memref<!tpu.dma_semaphore, #tpu.memory_space<semaphore_mem>>) attributes {dimension_semantics = [#tpu.dimension_semantics<core_parallel>, #tpu.dimension_semantics<subcore_parallel>], iteration_bounds = array<i64: 2, 16>, scalar_prefetch = 0 : i64, scratch_operands = 17 : i64, tpu.core_type = #tpu.core_type<sc_vector_subcore>, window_params = [{transform_indices = #map}, {transform_indices = #map}, {transform_indices = #map}, {transform_indices = #map}]} {
    %mul3A = arith.constant 2 : i32
    %mul3A_0 = arith.muli %arg1, %mul3A : i32
    %add3A = arith.addi %mul3A_0, %arg0 : i32
    %broadcast_in_dim3A = arith.constant 0.000000e+00 : f32
    %broadcast_in_dim3A_1 = vector.broadcast %broadcast_in_dim3A : f32 to vector<16xf32>
    %scan3A = arith.constant 0 : i32
    %scan3A_2 = arith.constant 0 : i32
    %scan3A_3 = arith.constant 25 : i32
    %scan3A_4 = arith.addi %scan3A_2, %scan3A_3 : i32
    %scan3A_5 = arith.constant 1 : i32
    scf.for %scan3A_86 = %scan3A_2 to %scan3A_4 step %scan3A_5  : i32 {
      %swap3A = arith.index_cast %scan3A_86 : i32 to index
      %swap3A_87 = arith.constant 0 : index
      %swap3A_88 = tpu.vector_load %arg15[%swap3A, %swap3A_87] {strides = array<i32>} : memref<25x32xf32, #tpu.memory_space<vmem>>, vector<1x16xf32>,
      %swap3A_89 = vector.shape_cast %swap3A_88 : vector<1x16xf32> to vector<16xf32>
      %swap3A_90 = vector.shape_cast %broadcast_in_dim3A_1 : vector<16xf32> to vector<1x16xf32>
      tpu.vector_store %arg15[%swap3A, %swap3A_87], %swap3A_90 {strides = array<i32>} : memref<25x32xf32, #tpu.memory_space<vmem>>, vector<1x16xf32>,
      %swap3A_91 = arith.index_cast %scan3A_86 : i32 to index
      %swap3A_92 = arith.constant 16 : index
      %swap3A_93 = tpu.vector_load %arg15[%swap3A_91, %swap3A_92] {strides = array<i32>} : memref<25x32xf32, #tpu.memory_space<vmem>>, vector<1x16xf32>,
      %swap3A_94 = vector.shape_cast %swap3A_93 : vector<1x16xf32> to vector<16xf32>
      %swap3A_95 = vector.shape_cast %broadcast_in_dim3A_1 : vector<16xf32> to vector<1x16xf32>
      tpu.vector_store %arg15[%swap3A_91, %swap3A_92], %swap3A_95 {strides = array<i32>} : memref<25x32xf32, #tpu.memory_space<vmem>>, vector<1x16xf32>,
    }
    %scan3A_6 = arith.constant 25 : i32
    %scan3A_7 = arith.constant 0 : i32
    %scan3A_8 = arith.constant 0 : i32
    %scan3A_9 = arith.constant 25 : i32
    %scan3A_10 = arith.addi %scan3A_8, %scan3A_9 : i32
    %scan3A_11 = arith.constant 1 : i32
    scf.for %scan3A_86 = %scan3A_8 to %scan3A_10 step %scan3A_11  : i32 {
      %mul3A_87 = arith.constant 625 : i32
      %mul3A_88 = arith.muli %arg1, %mul3A_87 : i32
      %mul3A_89 = arith.constant 25 : i32
      %mul3A_90 = arith.muli %scan3A_86, %mul3A_89 : i32
      %add3A_91 = arith.addi %mul3A_88, %mul3A_90 : i32
      %dma_start3A_92 = arith.constant 0 : i32
      %dma_start3A_93 = tpu.memref_slice %arg6[%add3A_91, %dma_start3A_92] : memref<10000x32xf32, #tpu.memory_space<vmem_shared>> -> memref<25x32xf32, #tpu.memory_space<vmem_shared>>
      %dma_start3A_94 = arith.constant 0 : i32
      %dma_start3A_95 = tpu.memref_slice %arg6[%add3A_91, %dma_start3A_94] : memref<10000x32xf32, #tpu.memory_space<vmem_shared>> -> memref<25x32xf32, #tpu.memory_space<vmem_shared>>
      tpu.enqueue_dma source(%arg15 : memref<25x32xf32, #tpu.memory_space<vmem>>) target(%dma_start3A_95 : memref<25x32xf32, #tpu.memory_space<vmem_shared>>) target_semaphore(%arg22 : memref<!tpu.dma_semaphore, #tpu.memory_space<semaphore_mem>>)
    }
    %scan3A_12 = arith.constant 25 : i32
    %mul3A_13 = arith.constant 78 : i32
    %mul3A_14 = arith.muli %mul3A_13, %add3A : i32
    %min3A = arith.constant 4 : i32
    %min3A_15 = arith.minsi %add3A, %min3A : i32
    %add3A_16 = arith.addi %mul3A_14, %min3A_15 : i32
    %lt3A = arith.constant 4 : i32
    %lt3A_17 = arith.cmpi slt, %add3A, %lt3A : i32
    "tpu.region"() ({
      %run_scoped3A = tpu.sem_alloc : memref<!tpu.dma_semaphore, #tpu.memory_space<semaphore_mem>>
      %dma_start3A_86 = arith.constant 0 : i32
      %dma_start3A_87 = arith.constant 0 : i32
      %dma_start3A_88 = tpu.memref_slice %arg7[%dma_start3A_86, %dma_start3A_87] : memref<79x128xi32, #tpu.memory_space<vmem>> -> memref<78x128xi32, #tpu.memory_space<vmem>>
      %dma_start3A_89 = arith.constant 0 : i32
      %dma_start3A_90 = tpu.memref_slice %arg3[%add3A_16, %dma_start3A_89] : memref<2500x128xi32, #tpu.memory_space<hbm>> -> memref<78x128xi32, #tpu.memory_space<hbm>>
      %dma_start3A_91 = arith.constant 0 : i32
      %dma_start3A_92 = arith.constant 0 : i32
      %dma_start3A_93 = tpu.memref_slice %arg7[%dma_start3A_91, %dma_start3A_92] : memref<79x128xi32, #tpu.memory_space<vmem>> -> memref<78x128xi32, #tpu.memory_space<vmem>>
      %dma_start3A_94 = arith.constant 0 : i32
      %dma_start3A_95 = tpu.memref_slice %arg3[%add3A_16, %dma_start3A_94] : memref<2500x128xi32, #tpu.memory_space<hbm>> -> memref<78x128xi32, #tpu.memory_space<hbm>>
      tpu.enqueue_dma source(%dma_start3A_95 : memref<78x128xi32, #tpu.memory_space<hbm>>) target(%dma_start3A_93 : memref<78x128xi32, #tpu.memory_space<vmem>>) target_semaphore(%run_scoped3A : memref<!tpu.dma_semaphore, #tpu.memory_space<semaphore_mem>>)
      %dma_wait3A = arith.constant 0 : i32
      %dma_wait3A_96 = arith.constant 0 : i32
      %dma_wait3A_97 = tpu.memref_slice %arg7[%dma_wait3A, %dma_wait3A_96] : memref<79x128xi32, #tpu.memory_space<vmem>> -> memref<78x128xi32, #tpu.memory_space<vmem>>
      %dma_wait3A_98 = arith.constant 0 : i32
      %dma_wait3A_99 = tpu.memref_slice %arg3[%add3A_16, %dma_wait3A_98] : memref<2500x128xi32, #tpu.memory_space<hbm>> -> memref<78x128xi32, #tpu.memory_space<hbm>>
      %dma_wait3A_100 = arith.constant 0 : i32
      %dma_wait3A_101 = arith.constant 0 : i32
      %dma_wait3A_102 = tpu.memref_slice %arg7[%dma_wait3A_100, %dma_wait3A_101] : memref<79x128xi32, #tpu.memory_space<vmem>> -> memref<78x128xi32, #tpu.memory_space<vmem>>
      %dma_wait3A_103 = arith.constant 0 : i32
      %dma_wait3A_104 = tpu.memref_slice %arg3[%add3A_16, %dma_wait3A_103] : memref<2500x128xi32, #tpu.memory_space<hbm>> -> memref<78x128xi32, #tpu.memory_space<hbm>>
      tpu.wait_dma2 semaphore(%run_scoped3A : memref<!tpu.dma_semaphore, #tpu.memory_space<semaphore_mem>>) src(%dma_wait3A_104 : memref<78x128xi32, #tpu.memory_space<hbm>>) dst(%dma_wait3A_102 : memref<78x128xi32, #tpu.memory_space<vmem>>)
      tpu.yield
    }) : () -> ()
    "tpu.region"() ({
      %run_scoped3A = tpu.sem_alloc : memref<!tpu.dma_semaphore, #tpu.memory_space<semaphore_mem>>
      %dma_start3A_86 = arith.constant 0 : i32
      %dma_start3A_87 = arith.constant 0 : i32
      %dma_start3A_88 = tpu.memref_slice %arg8[%dma_start3A_86, %dma_start3A_87] : memref<79x128xi32, #tpu.memory_space<vmem>> -> memref<78x128xi32, #tpu.memory_space<vmem>>
      %dma_start3A_89 = arith.constant 0 : i32
      %dma_start3A_90 = tpu.memref_slice %arg4[%add3A_16, %dma_start3A_89] : memref<2500x128xi32, #tpu.memory_space<hbm>> -> memref<78x128xi32, #tpu.memory_space<hbm>>
      %dma_start3A_91 = arith.constant 0 : i32
      %dma_start3A_92 = arith.constant 0 : i32
      %dma_start3A_93 = tpu.memref_slice %arg8[%dma_start3A_91, %dma_start3A_92] : memref<79x128xi32, #tpu.memory_space<vmem>> -> memref<78x128xi32, #tpu.memory_space<vmem>>
      %dma_start3A_94 = arith.constant 0 : i32
      %dma_start3A_95 = tpu.memref_slice %arg4[%add3A_16, %dma_start3A_94] : memref<2500x128xi32, #tpu.memory_space<hbm>> -> memref<78x128xi32, #tpu.memory_space<hbm>>
      tpu.enqueue_dma source(%dma_start3A_95 : memref<78x128xi32, #tpu.memory_space<hbm>>) target(%dma_start3A_93 : memref<78x128xi32, #tpu.memory_space<vmem>>) target_semaphore(%run_scoped3A : memref<!tpu.dma_semaphore, #tpu.memory_space<semaphore_mem>>)
      %dma_wait3A = arith.constant 0 : i32
      %dma_wait3A_96 = arith.constant 0 : i32
      %dma_wait3A_97 = tpu.memref_slice %arg8[%dma_wait3A, %dma_wait3A_96] : memref<79x128xi32, #tpu.memory_space<vmem>> -> memref<78x128xi32, #tpu.memory_space<vmem>>
      %dma_wait3A_98 = arith.constant 0 : i32
      %dma_wait3A_99 = tpu.memref_slice %arg4[%add3A_16, %dma_wait3A_98] : memref<2500x128xi32, #tpu.memory_space<hbm>> -> memref<78x128xi32, #tpu.memory_space<hbm>>
      %dma_wait3A_100 = arith.constant 0 : i32
      %dma_wait3A_101 = arith.constant 0 : i32
      %dma_wait3A_102 = tpu.memref_slice %arg8[%dma_wait3A_100, %dma_wait3A_101] : memref<79x128xi32, #tpu.memory_space<vmem>> -> memref<78x128xi32, #tpu.memory_space<vmem>>
      %dma_wait3A_103 = arith.constant 0 : i32
      %dma_wait3A_104 = tpu.memref_slice %arg4[%add3A_16, %dma_wait3A_103] : memref<2500x128xi32, #tpu.memory_space<hbm>> -> memref<78x128xi32, #tpu.memory_space<hbm>>
      tpu.wait_dma2 semaphore(%run_scoped3A : memref<!tpu.dma_semaphore, #tpu.memory_space<semaphore_mem>>) src(%dma_wait3A_104 : memref<78x128xi32, #tpu.memory_space<hbm>>) dst(%dma_wait3A_102 : memref<78x128xi32, #tpu.memory_space<vmem>>)
      tpu.yield
    }) : () -> ()
    %convert_element_type3A = arith.extui %lt3A_17 : i1 to i32
    %cond3A = arith.constant 0 : i32
    %cond3A_18 = arith.cmpi ne, %convert_element_type3A, %cond3A : i32
    scf.if %cond3A_18 {
      %add3A_86 = arith.constant 78 : i32
      %add3A_87 = arith.addi %add3A_16, %add3A_86 : i32
      "tpu.region"() ({
        %run_scoped3A = tpu.sem_alloc : memref<!tpu.dma_semaphore, #tpu.memory_space<semaphore_mem>>
        %dma_start3A_90 = arith.constant 78 : i32
        %dma_start3A_91 = arith.constant 0 : i32
        %dma_start3A_92 = tpu.memref_slice %arg7[%dma_start3A_90, %dma_start3A_91] : memref<79x128xi32, #tpu.memory_space<vmem>> -> memref<1x128xi32, #tpu.memory_space<vmem>>
        %dma_start3A_93 = arith.constant 0 : i32
        %dma_start3A_94 = tpu.memref_slice %arg3[%add3A_87, %dma_start3A_93] : memref<2500x128xi32, #tpu.memory_space<hbm>> -> memref<1x128xi32, #tpu.memory_space<hbm>>
        %dma_start3A_95 = arith.constant 78 : i32
        %dma_start3A_96 = arith.constant 0 : i32
        %dma_start3A_97 = tpu.memref_slice %arg7[%dma_start3A_95, %dma_start3A_96] : memref<79x128xi32, #tpu.memory_space<vmem>> -> memref<1x128xi32, #tpu.memory_space<vmem>>
        %dma_start3A_98 = arith.constant 0 : i32
        %dma_start3A_99 = tpu.memref_slice %arg3[%add3A_87, %dma_start3A_98] : memref<2500x128xi32, #tpu.memory_space<hbm>> -> memref<1x128xi32, #tpu.memory_space<hbm>>
        tpu.enqueue_dma source(%dma_start3A_99 : memref<1x128xi32, #tpu.memory_space<hbm>>) target(%dma_start3A_97 : memref<1x128xi32, #tpu.memory_space<vmem>>) target_semaphore(%run_scoped3A : memref<!tpu.dma_semaphore, #tpu.memory_space<semaphore_mem>>)
        %dma_wait3A = arith.constant 78 : i32
        %dma_wait3A_100 = arith.constant 0 : i32
        %dma_wait3A_101 = tpu.memref_slice %arg7[%dma_wait3A, %dma_wait3A_100] : memref<79x128xi32, #tpu.memory_space<vmem>> -> memref<1x128xi32, #tpu.memory_space<vmem>>
        %dma_wait3A_102 = arith.constant 0 : i32
        %dma_wait3A_103 = tpu.memref_slice %arg3[%add3A_87, %dma_wait3A_102] : memref<2500x128xi32, #tpu.memory_space<hbm>> -> memref<1x128xi32, #tpu.memory_space<hbm>>
        %dma_wait3A_104 = arith.constant 78 : i32
        %dma_wait3A_105 = arith.constant 0 : i32
        %dma_wait3A_106 = tpu.memref_slice %arg7[%dma_wait3A_104, %dma_wait3A_105] : memref<79x128xi32, #tpu.memory_space<vmem>> -> memref<1x128xi32, #tpu.memory_space<vmem>>
        %dma_wait3A_107 = arith.constant 0 : i32
        %dma_wait3A_108 = tpu.memref_slice %arg3[%add3A_87, %dma_wait3A_107] : memref<2500x128xi32, #tpu.memory_space<hbm>> -> memref<1x128xi32, #tpu.memory_space<hbm>>
        tpu.wait_dma2 semaphore(%run_scoped3A : memref<!tpu.dma_semaphore, #tpu.memory_space<semaphore_mem>>) src(%dma_wait3A_108 : memref<1x128xi32, #tpu.memory_space<hbm>>) dst(%dma_wait3A_106 : memref<1x128xi32, #tpu.memory_space<vmem>>)
        tpu.yield
      }) : () -> ()
      %add3A_88 = arith.constant 78 : i32
      %add3A_89 = arith.addi %add3A_16, %add3A_88 : i32
      "tpu.region"() ({
        %run_scoped3A = tpu.sem_alloc : memref<!tpu.dma_semaphore, #tpu.memory_space<semaphore_mem>>
        %dma_start3A_90 = arith.constant 78 : i32
        %dma_start3A_91 = arith.constant 0 : i32
        %dma_start3A_92 = tpu.memref_slice %arg8[%dma_start3A_90, %dma_start3A_91] : memref<79x128xi32, #tpu.memory_space<vmem>> -> memref<1x128xi32, #tpu.memory_space<vmem>>
        %dma_start3A_93 = arith.constant 0 : i32
        %dma_start3A_94 = tpu.memref_slice %arg4[%add3A_89, %dma_start3A_93] : memref<2500x128xi32, #tpu.memory_space<hbm>> -> memref<1x128xi32, #tpu.memory_space<hbm>>
        %dma_start3A_95 = arith.constant 78 : i32
        %dma_start3A_96 = arith.constant 0 : i32
        %dma_start3A_97 = tpu.memref_slice %arg8[%dma_start3A_95, %dma_start3A_96] : memref<79x128xi32, #tpu.memory_space<vmem>> -> memref<1x128xi32, #tpu.memory_space<vmem>>
        %dma_start3A_98 = arith.constant 0 : i32
        %dma_start3A_99 = tpu.memref_slice %arg4[%add3A_89, %dma_start3A_98] : memref<2500x128xi32, #tpu.memory_space<hbm>> -> memref<1x128xi32, #tpu.memory_space<hbm>>
        tpu.enqueue_dma source(%dma_start3A_99 : memref<1x128xi32, #tpu.memory_space<hbm>>) target(%dma_start3A_97 : memref<1x128xi32, #tpu.memory_space<vmem>>) target_semaphore(%run_scoped3A : memref<!tpu.dma_semaphore, #tpu.memory_space<semaphore_mem>>)
        %dma_wait3A = arith.constant 78 : i32
        %dma_wait3A_100 = arith.constant 0 : i32
        %dma_wait3A_101 = tpu.memref_slice %arg8[%dma_wait3A, %dma_wait3A_100] : memref<79x128xi32, #tpu.memory_space<vmem>> -> memref<1x128xi32, #tpu.memory_space<vmem>>
        %dma_wait3A_102 = arith.constant 0 : i32
        %dma_wait3A_103 = tpu.memref_slice %arg4[%add3A_89, %dma_wait3A_102] : memref<2500x128xi32, #tpu.memory_space<hbm>> -> memref<1x128xi32, #tpu.memory_space<hbm>>
        %dma_wait3A_104 = arith.constant 78 : i32
        %dma_wait3A_105 = arith.constant 0 : i32
        %dma_wait3A_106 = tpu.memref_slice %arg8[%dma_wait3A_104, %dma_wait3A_105] : memref<79x128xi32, #tpu.memory_space<vmem>> -> memref<1x128xi32, #tpu.memory_space<vmem>>
        %dma_wait3A_107 = arith.constant 0 : i32
        %dma_wait3A_108 = tpu.memref_slice %arg4[%add3A_89, %dma_wait3A_107] : memref<2500x128xi32, #tpu.memory_space<hbm>> -> memref<1x128xi32, #tpu.memory_space<hbm>>
        tpu.wait_dma2 semaphore(%run_scoped3A : memref<!tpu.dma_semaphore, #tpu.memory_space<semaphore_mem>>) src(%dma_wait3A_108 : memref<1x128xi32, #tpu.memory_space<hbm>>) dst(%dma_wait3A_106 : memref<1x128xi32, #tpu.memory_space<vmem>>)
        tpu.yield
      }) : () -> ()
    } else {
    }
    %scan3A_19 = arith.constant 0 : i32
    %scan3A_20 = arith.constant 0 : i32
    %scan3A_21 = arith.constant 25 : i32
    %scan3A_22 = arith.addi %scan3A_20, %scan3A_21 : i32
    %scan3A_23 = arith.constant 1 : i32
    scf.for %scan3A_86 = %scan3A_20 to %scan3A_22 step %scan3A_23  : i32 {
      %mul3A_87 = arith.constant 625 : i32
      %mul3A_88 = arith.muli %arg1, %mul3A_87 : i32
      %dma_wait3A = arith.constant 0 : i32
      %dma_wait3A_89 = tpu.memref_slice %arg6[%mul3A_88, %dma_wait3A] : memref<10000x32xf32, #tpu.memory_space<vmem_shared>> -> memref<25x32xf32, #tpu.memory_space<vmem_shared>>
      %dma_wait3A_90 = arith.constant 0 : i32
      %dma_wait3A_91 = tpu.memref_slice %arg6[%mul3A_88, %dma_wait3A_90] : memref<10000x32xf32, #tpu.memory_space<vmem_shared>> -> memref<25x32xf32, #tpu.memory_space<vmem_shared>>
      tpu.wait_dma2 semaphore(%arg22 : memref<!tpu.dma_semaphore, #tpu.memory_space<semaphore_mem>>) src(%arg15 : memref<25x32xf32, #tpu.memory_space<vmem>>) dst(%dma_wait3A_91 : memref<25x32xf32, #tpu.memory_space<vmem_shared>>)
    }
    %scan3A_24 = arith.constant 25 : i32
    %barrier3A = arith.constant 0 : index
    tpu.barrier barrier_id(%barrier3A)
    %convert_element_type3A_25 = arith.extui %lt3A_17 : i1 to i32
    %add3A_26 = arith.constant 78 : i32
    %add3A_27 = arith.addi %add3A_26, %convert_element_type3A_25 : i32
    %dma_start3A = arith.constant 0 : i32
    %dma_start3A_28 = arith.constant 0 : i32
    %dma_start3A_29 = tpu.memref_slice %arg7[%dma_start3A, %dma_start3A_28] : memref<79x128xi32, #tpu.memory_space<vmem>> -> memref<1x128xi32, #tpu.memory_space<vmem>>
    %dma_start3A_30 = tpu.memref_squeeze %dma_start3A_29 : memref<1x128xi32, #tpu.memory_space<vmem>> -> memref<128xi32, #tpu.memory_space<vmem>>
    %dma_start3A_31 = arith.constant 0 : i32
    %dma_start3A_32 = arith.constant 0 : i32
    %dma_start3A_33 = tpu.memref_slice %arg2[%dma_start3A_31, %dma_start3A_32] : memref<10000x32xf32, #tpu.memory_space<hbm>> -> memref<10000x32xf32, #tpu.memory_space<hbm>>
    tpu.enqueue_indirect_dma source(%dma_start3A_33 : memref<10000x32xf32, #tpu.memory_space<hbm>>) target(%arg9 : memref<128x32xf32, #tpu.memory_space<vmem>>) offsets(%dma_start3A_30 : memref<128xi32, #tpu.memory_space<vmem>>) semaphore(%arg16 : memref<!tpu.dma_semaphore, #tpu.memory_space<semaphore_mem>>)
    %dma_start3A_34 = arith.constant 1 : i32
    %dma_start3A_35 = arith.constant 0 : i32
    %dma_start3A_36 = tpu.memref_slice %arg7[%dma_start3A_34, %dma_start3A_35] : memref<79x128xi32, #tpu.memory_space<vmem>> -> memref<1x128xi32, #tpu.memory_space<vmem>>
    %dma_start3A_37 = tpu.memref_squeeze %dma_start3A_36 : memref<1x128xi32, #tpu.memory_space<vmem>> -> memref<128xi32, #tpu.memory_space<vmem>>
    %dma_start3A_38 = arith.constant 0 : i32
    %dma_start3A_39 = arith.constant 0 : i32
    %dma_start3A_40 = tpu.memref_slice %arg2[%dma_start3A_38, %dma_start3A_39] : memref<10000x32xf32, #tpu.memory_space<hbm>> -> memref<10000x32xf32, #tpu.memory_space<hbm>>
    tpu.enqueue_indirect_dma source(%dma_start3A_40 : memref<10000x32xf32, #tpu.memory_space<hbm>>) target(%arg10 : memref<128x32xf32, #tpu.memory_space<vmem>>) offsets(%dma_start3A_37 : memref<128xi32, #tpu.memory_space<vmem>>) semaphore(%arg17 : memref<!tpu.dma_semaphore, #tpu.memory_space<semaphore_mem>>)
    %dma_start3A_41 = arith.constant 2 : i32
    %dma_start3A_42 = arith.constant 0 : i32
    %dma_start3A_43 = tpu.memref_slice %arg7[%dma_start3A_41, %dma_start3A_42] : memref<79x128xi32, #tpu.memory_space<vmem>> -> memref<1x128xi32, #tpu.memory_space<vmem>>
    %dma_start3A_44 = tpu.memref_squeeze %dma_start3A_43 : memref<1x128xi32, #tpu.memory_space<vmem>> -> memref<128xi32, #tpu.memory_space<vmem>>
    %dma_start3A_45 = arith.constant 0 : i32
    %dma_start3A_46 = arith.constant 0 : i32
    %dma_start3A_47 = tpu.memref_slice %arg2[%dma_start3A_45, %dma_start3A_46] : memref<10000x32xf32, #tpu.memory_space<hbm>> -> memref<10000x32xf32, #tpu.memory_space<hbm>>
    tpu.enqueue_indirect_dma source(%dma_start3A_47 : memref<10000x32xf32, #tpu.memory_space<hbm>>) target(%arg11 : memref<128x32xf32, #tpu.memory_space<vmem>>) offsets(%dma_start3A_44 : memref<128xi32, #tpu.memory_space<vmem>>) semaphore(%arg18 : memref<!tpu.dma_semaphore, #tpu.memory_space<semaphore_mem>>)
    %dma_start3A_48 = arith.constant 3 : i32
    %dma_start3A_49 = arith.constant 0 : i32
    %dma_start3A_50 = tpu.memref_slice %arg7[%dma_start3A_48, %dma_start3A_49] : memref<79x128xi32, #tpu.memory_space<vmem>> -> memref<1x128xi32, #tpu.memory_space<vmem>>
    %dma_start3A_51 = tpu.memref_squeeze %dma_start3A_50 : memref<1x128xi32, #tpu.memory_space<vmem>> -> memref<128xi32, #tpu.memory_space<vmem>>
    %dma_start3A_52 = arith.constant 0 : i32
    %dma_start3A_53 = arith.constant 0 : i32
    %dma_start3A_54 = tpu.memref_slice %arg2[%dma_start3A_52, %dma_start3A_53] : memref<10000x32xf32, #tpu.memory_space<hbm>> -> memref<10000x32xf32, #tpu.memory_space<hbm>>
    tpu.enqueue_indirect_dma source(%dma_start3A_54 : memref<10000x32xf32, #tpu.memory_space<hbm>>) target(%arg12 : memref<128x32xf32, #tpu.memory_space<vmem>>) offsets(%dma_start3A_51 : memref<128xi32, #tpu.memory_space<vmem>>) semaphore(%arg19 : memref<!tpu.dma_semaphore, #tpu.memory_space<semaphore_mem>>)
    %dma_start3A_55 = arith.constant 4 : i32
    %dma_start3A_56 = arith.constant 0 : i32
    %dma_start3A_57 = tpu.memref_slice %arg7[%dma_start3A_55, %dma_start3A_56] : memref<79x128xi32, #tpu.memory_space<vmem>> -> memref<1x128xi32, #tpu.memory_space<vmem>>
    %dma_start3A_58 = tpu.memref_squeeze %dma_start3A_57 : memref<1x128xi32, #tpu.memory_space<vmem>> -> memref<128xi32, #tpu.memory_space<vmem>>
    %dma_start3A_59 = arith.constant 0 : i32
    %dma_start3A_60 = arith.constant 0 : i32
    %dma_start3A_61 = tpu.memref_slice %arg2[%dma_start3A_59, %dma_start3A_60] : memref<10000x32xf32, #tpu.memory_space<hbm>> -> memref<10000x32xf32, #tpu.memory_space<hbm>>
    tpu.enqueue_indirect_dma source(%dma_start3A_61 : memref<10000x32xf32, #tpu.memory_space<hbm>>) target(%arg13 : memref<128x32xf32, #tpu.memory_space<vmem>>) offsets(%dma_start3A_58 : memref<128xi32, #tpu.memory_space<vmem>>) semaphore(%arg20 : memref<!tpu.dma_semaphore, #tpu.memory_space<semaphore_mem>>)
    %dma_start3A_62 = arith.constant 5 : i32
    %dma_start3A_63 = arith.constant 0 : i32
    %dma_start3A_64 = tpu.memref_slice %arg7[%dma_start3A_62, %dma_start3A_63] : memref<79x128xi32, #tpu.memory_space<vmem>> -> memref<1x128xi32, #tpu.memory_space<vmem>>
    %dma_start3A_65 = tpu.memref_squeeze %dma_start3A_64 : memref<1x128xi32, #tpu.memory_space<vmem>> -> memref<128xi32, #tpu.memory_space<vmem>>
    %dma_start3A_66 = arith.constant 0 : i32
    %dma_start3A_67 = arith.constant 0 : i32
    %dma_start3A_68 = tpu.memref_slice %arg2[%dma_start3A_66, %dma_start3A_67] : memref<10000x32xf32, #tpu.memory_space<hbm>> -> memref<10000x32xf32, #tpu.memory_space<hbm>>
    tpu.enqueue_indirect_dma source(%dma_start3A_68 : memref<10000x32xf32, #tpu.memory_space<hbm>>) target(%arg14 : memref<128x32xf32, #tpu.memory_space<vmem>>) offsets(%dma_start3A_65 : memref<128xi32, #tpu.memory_space<vmem>>) semaphore(%arg21 : memref<!tpu.dma_semaphore, #tpu.memory_space<semaphore_mem>>)
    %scan3A_69 = arith.constant 0 : i32
    %scan3A_70 = arith.constant 0 : i32
    %scan3A_71 = arith.constant 13 : i32
    %scan3A_72 = arith.addi %scan3A_70, %scan3A_71 : i32
    %scan3A_73 = arith.constant 1 : i32
    scf.for %scan3A_86 = %scan3A_70 to %scan3A_72 step %scan3A_73  : i32 {
      %mul3A_87 = arith.constant 6 : i32
      %mul3A_88 = arith.muli %mul3A_87, %scan3A_86 : i32
      %add3A_89 = arith.constant 0 : i32
      %add3A_90 = arith.addi %mul3A_88, %add3A_89 : i32
      %dma_wait3A = arith.constant 0 : i32
      %dma_wait3A_91 = tpu.memref_slice %arg7[%add3A_90, %dma_wait3A] : memref<79x128xi32, #tpu.memory_space<vmem>> -> memref<1x128xi32, #tpu.memory_space<vmem>>
      %dma_wait3A_92 = tpu.memref_squeeze %dma_wait3A_91 : memref<1x128xi32, #tpu.memory_space<vmem>> -> memref<128xi32, #tpu.memory_space<vmem>>
      %dma_wait3A_93 = arith.constant 0 : i32
      %dma_wait3A_94 = arith.constant 0 : i32
      %dma_wait3A_95 = tpu.memref_slice %arg2[%dma_wait3A_93, %dma_wait3A_94] : memref<10000x32xf32, #tpu.memory_space<hbm>> -> memref<10000x32xf32, #tpu.memory_space<hbm>>
      tpu.wait_indirect_dma semaphore(%arg16 : memref<!tpu.dma_semaphore, #tpu.memory_space<semaphore_mem>>) src(%dma_wait3A_95 : memref<10000x32xf32, #tpu.memory_space<hbm>>) dst(%arg9 : memref<128x32xf32, #tpu.memory_space<vmem>>)
      "tpu.region"() ({
        %run_scoped3A = tpu.sem_alloc : memref<!tpu.dma_semaphore, #tpu.memory_space<semaphore_mem>>
        %dma_start3A_182 = arith.constant 0 : i32
        %dma_start3A_183 = tpu.memref_slice %arg8[%add3A_90, %dma_start3A_182] : memref<79x128xi32, #tpu.memory_space<vmem>> -> memref<1x128xi32, #tpu.memory_space<vmem>>
        %dma_start3A_184 = tpu.memref_squeeze %dma_start3A_183 : memref<1x128xi32, #tpu.memory_space<vmem>> -> memref<128xi32, #tpu.memory_space<vmem>>
        %dma_start3A_185 = arith.constant 0 : i32
        %dma_start3A_186 = arith.constant 0 : i32
        %dma_start3A_187 = tpu.memref_slice %arg6[%dma_start3A_185, %dma_start3A_186] : memref<10000x32xf32, #tpu.memory_space<vmem_shared>> -> memref<10000x32xf32, #tpu.memory_space<vmem_shared>>
        tpu.enqueue_indirect_dma source(%arg9 : memref<128x32xf32, #tpu.memory_space<vmem>>) target(%dma_start3A_187 : memref<10000x32xf32, #tpu.memory_space<vmem_shared>>) offsets(%dma_start3A_184 : memref<128xi32, #tpu.memory_space<vmem>>) semaphore(%run_scoped3A : memref<!tpu.dma_semaphore, #tpu.memory_space<semaphore_mem>>) {add = true}
        %dma_wait3A_188 = arith.constant 0 : i32
        %dma_wait3A_189 = tpu.memref_slice %arg8[%add3A_90, %dma_wait3A_188] : memref<79x128xi32, #tpu.memory_space<vmem>> -> memref<1x128xi32, #tpu.memory_space<vmem>>
        %dma_wait3A_190 = tpu.memref_squeeze %dma_wait3A_189 : memref<1x128xi32, #tpu.memory_space<vmem>> -> memref<128xi32, #tpu.memory_space<vmem>>
        %dma_wait3A_191 = arith.constant 0 : i32
        %dma_wait3A_192 = arith.constant 0 : i32
        %dma_wait3A_193 = tpu.memref_slice %arg6[%dma_wait3A_191, %dma_wait3A_192] : memref<10000x32xf32, #tpu.memory_space<vmem_shared>> -> memref<10000x32xf32, #tpu.memory_space<vmem_shared>>
        tpu.wait_indirect_dma semaphore(%run_scoped3A : memref<!tpu.dma_semaphore, #tpu.memory_space<semaphore_mem>>) src(%arg9 : memref<128x32xf32, #tpu.memory_space<vmem>>) dst(%dma_wait3A_193 : memref<10000x32xf32, #tpu.memory_space<vmem_shared>>)
        tpu.yield
      }) : () -> ()
      %add3A_96 = arith.constant 6 : i32
      %add3A_97 = arith.addi %add3A_90, %add3A_96 : i32
      %lt3A_98 = arith.cmpi slt, %add3A_97, %add3A_27 : i32
      %convert_element_type3A_99 = arith.extui %lt3A_98 : i1 to i32
      %cond3A_100 = arith.constant 0 : i32
      %cond3A_101 = arith.cmpi ne, %convert_element_type3A_99, %cond3A_100 : i32
      scf.if %cond3A_101 {
        %add3A_182 = arith.constant 6 : i32
        %add3A_183 = arith.addi %add3A_90, %add3A_182 : i32
        %dma_start3A_184 = arith.constant 0 : i32
        %dma_start3A_185 = tpu.memref_slice %arg7[%add3A_183, %dma_start3A_184] : memref<79x128xi32, #tpu.memory_space<vmem>> -> memref<1x128xi32, #tpu.memory_space<vmem>>
        %dma_start3A_186 = tpu.memref_squeeze %dma_start3A_185 : memref<1x128xi32, #tpu.memory_space<vmem>> -> memref<128xi32, #tpu.memory_space<vmem>>
        %dma_start3A_187 = arith.constant 0 : i32
        %dma_start3A_188 = arith.constant 0 : i32
        %dma_start3A_189 = tpu.memref_slice %arg2[%dma_start3A_187, %dma_start3A_188] : memref<10000x32xf32, #tpu.memory_space<hbm>> -> memref<10000x32xf32, #tpu.memory_space<hbm>>
        tpu.enqueue_indirect_dma source(%dma_start3A_189 : memref<10000x32xf32, #tpu.memory_space<hbm>>) target(%arg9 : memref<128x32xf32, #tpu.memory_space<vmem>>) offsets(%dma_start3A_186 : memref<128xi32, #tpu.memory_space<vmem>>) semaphore(%arg16 : memref<!tpu.dma_semaphore, #tpu.memory_space<semaphore_mem>>)
      } else {
      }
      %mul3A_102 = arith.constant 6 : i32
      %mul3A_103 = arith.muli %mul3A_102, %scan3A_86 : i32
      %add3A_104 = arith.constant 1 : i32
      %add3A_105 = arith.addi %mul3A_103, %add3A_104 : i32
      %dma_wait3A_106 = arith.constant 0 : i32
      %dma_wait3A_107 = tpu.memref_slice %arg7[%add3A_105, %dma_wait3A_106] : memref<79x128xi32, #tpu.memory_space<vmem>> -> memref<1x128xi32, #tpu.memory_space<vmem>>
      %dma_wait3A_108 = tpu.memref_squeeze %dma_wait3A_107 : memref<1x128xi32, #tpu.memory_space<vmem>> -> memref<128xi32, #tpu.memory_space<vmem>>
      %dma_wait3A_109 = arith.constant 0 : i32
      %dma_wait3A_110 = arith.constant 0 : i32
      %dma_wait3A_111 = tpu.memref_slice %arg2[%dma_wait3A_109, %dma_wait3A_110] : memref<10000x32xf32, #tpu.memory_space<hbm>> -> memref<10000x32xf32, #tpu.memory_space<hbm>>
      tpu.wait_indirect_dma semaphore(%arg17 : memref<!tpu.dma_semaphore, #tpu.memory_space<semaphore_mem>>) src(%dma_wait3A_111 : memref<10000x32xf32, #tpu.memory_space<hbm>>) dst(%arg10 : memref<128x32xf32, #tpu.memory_space<vmem>>)
      "tpu.region"() ({
        %run_scoped3A = tpu.sem_alloc : memref<!tpu.dma_semaphore, #tpu.memory_space<semaphore_mem>>
        %dma_start3A_182 = arith.constant 0 : i32
        %dma_start3A_183 = tpu.memref_slice %arg8[%add3A_105, %dma_start3A_182] : memref<79x128xi32, #tpu.memory_space<vmem>> -> memref<1x128xi32, #tpu.memory_space<vmem>>
        %dma_start3A_184 = tpu.memref_squeeze %dma_start3A_183 : memref<1x128xi32, #tpu.memory_space<vmem>> -> memref<128xi32, #tpu.memory_space<vmem>>
        %dma_start3A_185 = arith.constant 0 : i32
        %dma_start3A_186 = arith.constant 0 : i32
        %dma_start3A_187 = tpu.memref_slice %arg6[%dma_start3A_185, %dma_start3A_186] : memref<10000x32xf32, #tpu.memory_space<vmem_shared>> -> memref<10000x32xf32, #tpu.memory_space<vmem_shared>>
        tpu.enqueue_indirect_dma source(%arg10 : memref<128x32xf32, #tpu.memory_space<vmem>>) target(%dma_start3A_187 : memref<10000x32xf32, #tpu.memory_space<vmem_shared>>) offsets(%dma_start3A_184 : memref<128xi32, #tpu.memory_space<vmem>>) semaphore(%run_scoped3A : memref<!tpu.dma_semaphore, #tpu.memory_space<semaphore_mem>>) {add = true}
        %dma_wait3A_188 = arith.constant 0 : i32
        %dma_wait3A_189 = tpu.memref_slice %arg8[%add3A_105, %dma_wait3A_188] : memref<79x128xi32, #tpu.memory_space<vmem>> -> memref<1x128xi32, #tpu.memory_space<vmem>>
        %dma_wait3A_190 = tpu.memref_squeeze %dma_wait3A_189 : memref<1x128xi32, #tpu.memory_space<vmem>> -> memref<128xi32, #tpu.memory_space<vmem>>
        %dma_wait3A_191 = arith.constant 0 : i32
        %dma_wait3A_192 = arith.constant 0 : i32
        %dma_wait3A_193 = tpu.memref_slice %arg6[%dma_wait3A_191, %dma_wait3A_192] : memref<10000x32xf32, #tpu.memory_space<vmem_shared>> -> memref<10000x32xf32, #tpu.memory_space<vmem_shared>>
        tpu.wait_indirect_dma semaphore(%run_scoped3A : memref<!tpu.dma_semaphore, #tpu.memory_space<semaphore_mem>>) src(%arg10 : memref<128x32xf32, #tpu.memory_space<vmem>>) dst(%dma_wait3A_193 : memref<10000x32xf32, #tpu.memory_space<vmem_shared>>)
        tpu.yield
      }) : () -> ()
      %add3A_112 = arith.constant 6 : i32
      %add3A_113 = arith.addi %add3A_105, %add3A_112 : i32
      %lt3A_114 = arith.cmpi slt, %add3A_113, %add3A_27 : i32
      %convert_element_type3A_115 = arith.extui %lt3A_114 : i1 to i32
      %cond3A_116 = arith.constant 0 : i32
      %cond3A_117 = arith.cmpi ne, %convert_element_type3A_115, %cond3A_116 : i32
      scf.if %cond3A_117 {
        %add3A_182 = arith.constant 6 : i32
        %add3A_183 = arith.addi %add3A_105, %add3A_182 : i32
        %dma_start3A_184 = arith.constant 0 : i32
        %dma_start3A_185 = tpu.memref_slice %arg7[%add3A_183, %dma_start3A_184] : memref<79x128xi32, #tpu.memory_space<vmem>> -> memref<1x128xi32, #tpu.memory_space<vmem>>
        %dma_start3A_186 = tpu.memref_squeeze %dma_start3A_185 : memref<1x128xi32, #tpu.memory_space<vmem>> -> memref<128xi32, #tpu.memory_space<vmem>>
        %dma_start3A_187 = arith.constant 0 : i32
        %dma_start3A_188 = arith.constant 0 : i32
        %dma_start3A_189 = tpu.memref_slice %arg2[%dma_start3A_187, %dma_start3A_188] : memref<10000x32xf32, #tpu.memory_space<hbm>> -> memref<10000x32xf32, #tpu.memory_space<hbm>>
        tpu.enqueue_indirect_dma source(%dma_start3A_189 : memref<10000x32xf32, #tpu.memory_space<hbm>>) target(%arg10 : memref<128x32xf32, #tpu.memory_space<vmem>>) offsets(%dma_start3A_186 : memref<128xi32, #tpu.memory_space<vmem>>) semaphore(%arg17 : memref<!tpu.dma_semaphore, #tpu.memory_space<semaphore_mem>>)
      } else {
      }
      %mul3A_118 = arith.constant 6 : i32
      %mul3A_119 = arith.muli %mul3A_118, %scan3A_86 : i32
      %add3A_120 = arith.constant 2 : i32
      %add3A_121 = arith.addi %mul3A_119, %add3A_120 : i32
      %dma_wait3A_122 = arith.constant 0 : i32
      %dma_wait3A_123 = tpu.memref_slice %arg7[%add3A_121, %dma_wait3A_122] : memref<79x128xi32, #tpu.memory_space<vmem>> -> memref<1x128xi32, #tpu.memory_space<vmem>>
      %dma_wait3A_124 = tpu.memref_squeeze %dma_wait3A_123 : memref<1x128xi32, #tpu.memory_space<vmem>> -> memref<128xi32, #tpu.memory_space<vmem>>
      %dma_wait3A_125 = arith.constant 0 : i32
      %dma_wait3A_126 = arith.constant 0 : i32
      %dma_wait3A_127 = tpu.memref_slice %arg2[%dma_wait3A_125, %dma_wait3A_126] : memref<10000x32xf32, #tpu.memory_space<hbm>> -> memref<10000x32xf32, #tpu.memory_space<hbm>>
      tpu.wait_indirect_dma semaphore(%arg18 : memref<!tpu.dma_semaphore, #tpu.memory_space<semaphore_mem>>) src(%dma_wait3A_127 : memref<10000x32xf32, #tpu.memory_space<hbm>>) dst(%arg11 : memref<128x32xf32, #tpu.memory_space<vmem>>)
      "tpu.region"() ({
        %run_scoped3A = tpu.sem_alloc : memref<!tpu.dma_semaphore, #tpu.memory_space<semaphore_mem>>
        %dma_start3A_182 = arith.constant 0 : i32
        %dma_start3A_183 = tpu.memref_slice %arg8[%add3A_121, %dma_start3A_182] : memref<79x128xi32, #tpu.memory_space<vmem>> -> memref<1x128xi32, #tpu.memory_space<vmem>>
        %dma_start3A_184 = tpu.memref_squeeze %dma_start3A_183 : memref<1x128xi32, #tpu.memory_space<vmem>> -> memref<128xi32, #tpu.memory_space<vmem>>
        %dma_start3A_185 = arith.constant 0 : i32
        %dma_start3A_186 = arith.constant 0 : i32
        %dma_start3A_187 = tpu.memref_slice %arg6[%dma_start3A_185, %dma_start3A_186] : memref<10000x32xf32, #tpu.memory_space<vmem_shared>> -> memref<10000x32xf32, #tpu.memory_space<vmem_shared>>
        tpu.enqueue_indirect_dma source(%arg11 : memref<128x32xf32, #tpu.memory_space<vmem>>) target(%dma_start3A_187 : memref<10000x32xf32, #tpu.memory_space<vmem_shared>>) offsets(%dma_start3A_184 : memref<128xi32, #tpu.memory_space<vmem>>) semaphore(%run_scoped3A : memref<!tpu.dma_semaphore, #tpu.memory_space<semaphore_mem>>) {add = true}
        %dma_wait3A_188 = arith.constant 0 : i32
        %dma_wait3A_189 = tpu.memref_slice %arg8[%add3A_121, %dma_wait3A_188] : memref<79x128xi32, #tpu.memory_space<vmem>> -> memref<1x128xi32, #tpu.memory_space<vmem>>
        %dma_wait3A_190 = tpu.memref_squeeze %dma_wait3A_189 : memref<1x128xi32, #tpu.memory_space<vmem>> -> memref<128xi32, #tpu.memory_space<vmem>>
        %dma_wait3A_191 = arith.constant 0 : i32
        %dma_wait3A_192 = arith.constant 0 : i32
        %dma_wait3A_193 = tpu.memref_slice %arg6[%dma_wait3A_191, %dma_wait3A_192] : memref<10000x32xf32, #tpu.memory_space<vmem_shared>> -> memref<10000x32xf32, #tpu.memory_space<vmem_shared>>
        tpu.wait_indirect_dma semaphore(%run_scoped3A : memref<!tpu.dma_semaphore, #tpu.memory_space<semaphore_mem>>) src(%arg11 : memref<128x32xf32, #tpu.memory_space<vmem>>) dst(%dma_wait3A_193 : memref<10000x32xf32, #tpu.memory_space<vmem_shared>>)
        tpu.yield
      }) : () -> ()
      %add3A_128 = arith.constant 6 : i32
      %add3A_129 = arith.addi %add3A_121, %add3A_128 : i32
      %lt3A_130 = arith.cmpi slt, %add3A_129, %add3A_27 : i32
      %convert_element_type3A_131 = arith.extui %lt3A_130 : i1 to i32
      %cond3A_132 = arith.constant 0 : i32
      %cond3A_133 = arith.cmpi ne, %convert_element_type3A_131, %cond3A_132 : i32
      scf.if %cond3A_133 {
        %add3A_182 = arith.constant 6 : i32
        %add3A_183 = arith.addi %add3A_121, %add3A_182 : i32
        %dma_start3A_184 = arith.constant 0 : i32
        %dma_start3A_185 = tpu.memref_slice %arg7[%add3A_183, %dma_start3A_184] : memref<79x128xi32, #tpu.memory_space<vmem>> -> memref<1x128xi32, #tpu.memory_space<vmem>>
        %dma_start3A_186 = tpu.memref_squeeze %dma_start3A_185 : memref<1x128xi32, #tpu.memory_space<vmem>> -> memref<128xi32, #tpu.memory_space<vmem>>
        %dma_start3A_187 = arith.constant 0 : i32
        %dma_start3A_188 = arith.constant 0 : i32
        %dma_start3A_189 = tpu.memref_slice %arg2[%dma_start3A_187, %dma_start3A_188] : memref<10000x32xf32, #tpu.memory_space<hbm>> -> memref<10000x32xf32, #tpu.memory_space<hbm>>
        tpu.enqueue_indirect_dma source(%dma_start3A_189 : memref<10000x32xf32, #tpu.memory_space<hbm>>) target(%arg11 : memref<128x32xf32, #tpu.memory_space<vmem>>) offsets(%dma_start3A_186 : memref<128xi32, #tpu.memory_space<vmem>>) semaphore(%arg18 : memref<!tpu.dma_semaphore, #tpu.memory_space<semaphore_mem>>)
      } else {
      }
      %mul3A_134 = arith.constant 6 : i32
      %mul3A_135 = arith.muli %mul3A_134, %scan3A_86 : i32
      %add3A_136 = arith.constant 3 : i32
      %add3A_137 = arith.addi %mul3A_135, %add3A_136 : i32
      %dma_wait3A_138 = arith.constant 0 : i32
      %dma_wait3A_139 = tpu.memref_slice %arg7[%add3A_137, %dma_wait3A_138] : memref<79x128xi32, #tpu.memory_space<vmem>> -> memref<1x128xi32, #tpu.memory_space<vmem>>
      %dma_wait3A_140 = tpu.memref_squeeze %dma_wait3A_139 : memref<1x128xi32, #tpu.memory_space<vmem>> -> memref<128xi32, #tpu.memory_space<vmem>>
      %dma_wait3A_141 = arith.constant 0 : i32
      %dma_wait3A_142 = arith.constant 0 : i32
      %dma_wait3A_143 = tpu.memref_slice %arg2[%dma_wait3A_141, %dma_wait3A_142] : memref<10000x32xf32, #tpu.memory_space<hbm>> -> memref<10000x32xf32, #tpu.memory_space<hbm>>
      tpu.wait_indirect_dma semaphore(%arg19 : memref<!tpu.dma_semaphore, #tpu.memory_space<semaphore_mem>>) src(%dma_wait3A_143 : memref<10000x32xf32, #tpu.memory_space<hbm>>) dst(%arg12 : memref<128x32xf32, #tpu.memory_space<vmem>>)
      "tpu.region"() ({
        %run_scoped3A = tpu.sem_alloc : memref<!tpu.dma_semaphore, #tpu.memory_space<semaphore_mem>>
        %dma_start3A_182 = arith.constant 0 : i32
        %dma_start3A_183 = tpu.memref_slice %arg8[%add3A_137, %dma_start3A_182] : memref<79x128xi32, #tpu.memory_space<vmem>> -> memref<1x128xi32, #tpu.memory_space<vmem>>
        %dma_start3A_184 = tpu.memref_squeeze %dma_start3A_183 : memref<1x128xi32, #tpu.memory_space<vmem>> -> memref<128xi32, #tpu.memory_space<vmem>>
        %dma_start3A_185 = arith.constant 0 : i32
        %dma_start3A_186 = arith.constant 0 : i32
        %dma_start3A_187 = tpu.memref_slice %arg6[%dma_start3A_185, %dma_start3A_186] : memref<10000x32xf32, #tpu.memory_space<vmem_shared>> -> memref<10000x32xf32, #tpu.memory_space<vmem_shared>>
        tpu.enqueue_indirect_dma source(%arg12 : memref<128x32xf32, #tpu.memory_space<vmem>>) target(%dma_start3A_187 : memref<10000x32xf32, #tpu.memory_space<vmem_shared>>) offsets(%dma_start3A_184 : memref<128xi32, #tpu.memory_space<vmem>>) semaphore(%run_scoped3A : memref<!tpu.dma_semaphore, #tpu.memory_space<semaphore_mem>>) {add = true}
        %dma_wait3A_188 = arith.constant 0 : i32
        %dma_wait3A_189 = tpu.memref_slice %arg8[%add3A_137, %dma_wait3A_188] : memref<79x128xi32, #tpu.memory_space<vmem>> -> memref<1x128xi32, #tpu.memory_space<vmem>>
        %dma_wait3A_190 = tpu.memref_squeeze %dma_wait3A_189 : memref<1x128xi32, #tpu.memory_space<vmem>> -> memref<128xi32, #tpu.memory_space<vmem>>
        %dma_wait3A_191 = arith.constant 0 : i32
        %dma_wait3A_192 = arith.constant 0 : i32
        %dma_wait3A_193 = tpu.memref_slice %arg6[%dma_wait3A_191, %dma_wait3A_192] : memref<10000x32xf32, #tpu.memory_space<vmem_shared>> -> memref<10000x32xf32, #tpu.memory_space<vmem_shared>>
        tpu.wait_indirect_dma semaphore(%run_scoped3A : memref<!tpu.dma_semaphore, #tpu.memory_space<semaphore_mem>>) src(%arg12 : memref<128x32xf32, #tpu.memory_space<vmem>>) dst(%dma_wait3A_193 : memref<10000x32xf32, #tpu.memory_space<vmem_shared>>)
        tpu.yield
      }) : () -> ()
      %add3A_144 = arith.constant 6 : i32
      %add3A_145 = arith.addi %add3A_137, %add3A_144 : i32
      %lt3A_146 = arith.cmpi slt, %add3A_145, %add3A_27 : i32
      %convert_element_type3A_147 = arith.extui %lt3A_146 : i1 to i32
      %cond3A_148 = arith.constant 0 : i32
      %cond3A_149 = arith.cmpi ne, %convert_element_type3A_147, %cond3A_148 : i32
      scf.if %cond3A_149 {
        %add3A_182 = arith.constant 6 : i32
        %add3A_183 = arith.addi %add3A_137, %add3A_182 : i32
        %dma_start3A_184 = arith.constant 0 : i32
        %dma_start3A_185 = tpu.memref_slice %arg7[%add3A_183, %dma_start3A_184] : memref<79x128xi32, #tpu.memory_space<vmem>> -> memref<1x128xi32, #tpu.memory_space<vmem>>
        %dma_start3A_186 = tpu.memref_squeeze %dma_start3A_185 : memref<1x128xi32, #tpu.memory_space<vmem>> -> memref<128xi32, #tpu.memory_space<vmem>>
        %dma_start3A_187 = arith.constant 0 : i32
        %dma_start3A_188 = arith.constant 0 : i32
        %dma_start3A_189 = tpu.memref_slice %arg2[%dma_start3A_187, %dma_start3A_188] : memref<10000x32xf32, #tpu.memory_space<hbm>> -> memref<10000x32xf32, #tpu.memory_space<hbm>>
        tpu.enqueue_indirect_dma source(%dma_start3A_189 : memref<10000x32xf32, #tpu.memory_space<hbm>>) target(%arg12 : memref<128x32xf32, #tpu.memory_space<vmem>>) offsets(%dma_start3A_186 : memref<128xi32, #tpu.memory_space<vmem>>) semaphore(%arg19 : memref<!tpu.dma_semaphore, #tpu.memory_space<semaphore_mem>>)
      } else {
      }
      %mul3A_150 = arith.constant 6 : i32
      %mul3A_151 = arith.muli %mul3A_150, %scan3A_86 : i32
      %add3A_152 = arith.constant 4 : i32
      %add3A_153 = arith.addi %mul3A_151, %add3A_152 : i32
      %dma_wait3A_154 = arith.constant 0 : i32
      %dma_wait3A_155 = tpu.memref_slice %arg7[%add3A_153, %dma_wait3A_154] : memref<79x128xi32, #tpu.memory_space<vmem>> -> memref<1x128xi32, #tpu.memory_space<vmem>>
      %dma_wait3A_156 = tpu.memref_squeeze %dma_wait3A_155 : memref<1x128xi32, #tpu.memory_space<vmem>> -> memref<128xi32, #tpu.memory_space<vmem>>
      %dma_wait3A_157 = arith.constant 0 : i32
      %dma_wait3A_158 = arith.constant 0 : i32
      %dma_wait3A_159 = tpu.memref_slice %arg2[%dma_wait3A_157, %dma_wait3A_158] : memref<10000x32xf32, #tpu.memory_space<hbm>> -> memref<10000x32xf32, #tpu.memory_space<hbm>>
      tpu.wait_indirect_dma semaphore(%arg20 : memref<!tpu.dma_semaphore, #tpu.memory_space<semaphore_mem>>) src(%dma_wait3A_159 : memref<10000x32xf32, #tpu.memory_space<hbm>>) dst(%arg13 : memref<128x32xf32, #tpu.memory_space<vmem>>)
      "tpu.region"() ({
        %run_scoped3A = tpu.sem_alloc : memref<!tpu.dma_semaphore, #tpu.memory_space<semaphore_mem>>
        %dma_start3A_182 = arith.constant 0 : i32
        %dma_start3A_183 = tpu.memref_slice %arg8[%add3A_153, %dma_start3A_182] : memref<79x128xi32, #tpu.memory_space<vmem>> -> memref<1x128xi32, #tpu.memory_space<vmem>>
        %dma_start3A_184 = tpu.memref_squeeze %dma_start3A_183 : memref<1x128xi32, #tpu.memory_space<vmem>> -> memref<128xi32, #tpu.memory_space<vmem>>
        %dma_start3A_185 = arith.constant 0 : i32
        %dma_start3A_186 = arith.constant 0 : i32
        %dma_start3A_187 = tpu.memref_slice %arg6[%dma_start3A_185, %dma_start3A_186] : memref<10000x32xf32, #tpu.memory_space<vmem_shared>> -> memref<10000x32xf32, #tpu.memory_space<vmem_shared>>
        tpu.enqueue_indirect_dma source(%arg13 : memref<128x32xf32, #tpu.memory_space<vmem>>) target(%dma_start3A_187 : memref<10000x32xf32, #tpu.memory_space<vmem_shared>>) offsets(%dma_start3A_184 : memref<128xi32, #tpu.memory_space<vmem>>) semaphore(%run_scoped3A : memref<!tpu.dma_semaphore, #tpu.memory_space<semaphore_mem>>) {add = true}
        %dma_wait3A_188 = arith.constant 0 : i32
        %dma_wait3A_189 = tpu.memref_slice %arg8[%add3A_153, %dma_wait3A_188] : memref<79x128xi32, #tpu.memory_space<vmem>> -> memref<1x128xi32, #tpu.memory_space<vmem>>
        %dma_wait3A_190 = tpu.memref_squeeze %dma_wait3A_189 : memref<1x128xi32, #tpu.memory_space<vmem>> -> memref<128xi32, #tpu.memory_space<vmem>>
        %dma_wait3A_191 = arith.constant 0 : i32
        %dma_wait3A_192 = arith.constant 0 : i32
        %dma_wait3A_193 = tpu.memref_slice %arg6[%dma_wait3A_191, %dma_wait3A_192] : memref<10000x32xf32, #tpu.memory_space<vmem_shared>> -> memref<10000x32xf32, #tpu.memory_space<vmem_shared>>
        tpu.wait_indirect_dma semaphore(%run_scoped3A : memref<!tpu.dma_semaphore, #tpu.memory_space<semaphore_mem>>) src(%arg13 : memref<128x32xf32, #tpu.memory_space<vmem>>) dst(%dma_wait3A_193 : memref<10000x32xf32, #tpu.memory_space<vmem_shared>>)
        tpu.yield
      }) : () -> ()
      %add3A_160 = arith.constant 6 : i32
      %add3A_161 = arith.addi %add3A_153, %add3A_160 : i32
      %lt3A_162 = arith.cmpi slt, %add3A_161, %add3A_27 : i32
      %convert_element_type3A_163 = arith.extui %lt3A_162 : i1 to i32
      %cond3A_164 = arith.constant 0 : i32
      %cond3A_165 = arith.cmpi ne, %convert_element_type3A_163, %cond3A_164 : i32
      scf.if %cond3A_165 {
        %add3A_182 = arith.constant 6 : i32
        %add3A_183 = arith.addi %add3A_153, %add3A_182 : i32
        %dma_start3A_184 = arith.constant 0 : i32
        %dma_start3A_185 = tpu.memref_slice %arg7[%add3A_183, %dma_start3A_184] : memref<79x128xi32, #tpu.memory_space<vmem>> -> memref<1x128xi32, #tpu.memory_space<vmem>>
        %dma_start3A_186 = tpu.memref_squeeze %dma_start3A_185 : memref<1x128xi32, #tpu.memory_space<vmem>> -> memref<128xi32, #tpu.memory_space<vmem>>
        %dma_start3A_187 = arith.constant 0 : i32
        %dma_start3A_188 = arith.constant 0 : i32
        %dma_start3A_189 = tpu.memref_slice %arg2[%dma_start3A_187, %dma_start3A_188] : memref<10000x32xf32, #tpu.memory_space<hbm>> -> memref<10000x32xf32, #tpu.memory_space<hbm>>
        tpu.enqueue_indirect_dma source(%dma_start3A_189 : memref<10000x32xf32, #tpu.memory_space<hbm>>) target(%arg13 : memref<128x32xf32, #tpu.memory_space<vmem>>) offsets(%dma_start3A_186 : memref<128xi32, #tpu.memory_space<vmem>>) semaphore(%arg20 : memref<!tpu.dma_semaphore, #tpu.memory_space<semaphore_mem>>)
      } else {
      }
      %mul3A_166 = arith.constant 6 : i32
      %mul3A_167 = arith.muli %mul3A_166, %scan3A_86 : i32
      %add3A_168 = arith.constant 5 : i32
      %add3A_169 = arith.addi %mul3A_167, %add3A_168 : i32
      %dma_wait3A_170 = arith.constant 0 : i32
      %dma_wait3A_171 = tpu.memref_slice %arg7[%add3A_169, %dma_wait3A_170] : memref<79x128xi32, #tpu.memory_space<vmem>> -> memref<1x128xi32, #tpu.memory_space<vmem>>
      %dma_wait3A_172 = tpu.memref_squeeze %dma_wait3A_171 : memref<1x128xi32, #tpu.memory_space<vmem>> -> memref<128xi32, #tpu.memory_space<vmem>>
      %dma_wait3A_173 = arith.constant 0 : i32
      %dma_wait3A_174 = arith.constant 0 : i32
      %dma_wait3A_175 = tpu.memref_slice %arg2[%dma_wait3A_173, %dma_wait3A_174] : memref<10000x32xf32, #tpu.memory_space<hbm>> -> memref<10000x32xf32, #tpu.memory_space<hbm>>
      tpu.wait_indirect_dma semaphore(%arg21 : memref<!tpu.dma_semaphore, #tpu.memory_space<semaphore_mem>>) src(%dma_wait3A_175 : memref<10000x32xf32, #tpu.memory_space<hbm>>) dst(%arg14 : memref<128x32xf32, #tpu.memory_space<vmem>>)
      "tpu.region"() ({
        %run_scoped3A = tpu.sem_alloc : memref<!tpu.dma_semaphore, #tpu.memory_space<semaphore_mem>>
        %dma_start3A_182 = arith.constant 0 : i32
        %dma_start3A_183 = tpu.memref_slice %arg8[%add3A_169, %dma_start3A_182] : memref<79x128xi32, #tpu.memory_space<vmem>> -> memref<1x128xi32, #tpu.memory_space<vmem>>
        %dma_start3A_184 = tpu.memref_squeeze %dma_start3A_183 : memref<1x128xi32, #tpu.memory_space<vmem>> -> memref<128xi32, #tpu.memory_space<vmem>>
        %dma_start3A_185 = arith.constant 0 : i32
        %dma_start3A_186 = arith.constant 0 : i32
        %dma_start3A_187 = tpu.memref_slice %arg6[%dma_start3A_185, %dma_start3A_186] : memref<10000x32xf32, #tpu.memory_space<vmem_shared>> -> memref<10000x32xf32, #tpu.memory_space<vmem_shared>>
        tpu.enqueue_indirect_dma source(%arg14 : memref<128x32xf32, #tpu.memory_space<vmem>>) target(%dma_start3A_187 : memref<10000x32xf32, #tpu.memory_space<vmem_shared>>) offsets(%dma_start3A_184 : memref<128xi32, #tpu.memory_space<vmem>>) semaphore(%run_scoped3A : memref<!tpu.dma_semaphore, #tpu.memory_space<semaphore_mem>>) {add = true}
        %dma_wait3A_188 = arith.constant 0 : i32
        %dma_wait3A_189 = tpu.memref_slice %arg8[%add3A_169, %dma_wait3A_188] : memref<79x128xi32, #tpu.memory_space<vmem>> -> memref<1x128xi32, #tpu.memory_space<vmem>>
        %dma_wait3A_190 = tpu.memref_squeeze %dma_wait3A_189 : memref<1x128xi32, #tpu.memory_space<vmem>> -> memref<128xi32, #tpu.memory_space<vmem>>
        %dma_wait3A_191 = arith.constant 0 : i32
        %dma_wait3A_192 = arith.constant 0 : i32
        %dma_wait3A_193 = tpu.memref_slice %arg6[%dma_wait3A_191, %dma_wait3A_192] : memref<10000x32xf32, #tpu.memory_space<vmem_shared>> -> memref<10000x32xf32, #tpu.memory_space<vmem_shared>>
        tpu.wait_indirect_dma semaphore(%run_scoped3A : memref<!tpu.dma_semaphore, #tpu.memory_space<semaphore_mem>>) src(%arg14 : memref<128x32xf32, #tpu.memory_space<vmem>>) dst(%dma_wait3A_193 : memref<10000x32xf32, #tpu.memory_space<vmem_shared>>)
        tpu.yield
      }) : () -> ()
      %add3A_176 = arith.constant 6 : i32
      %add3A_177 = arith.addi %add3A_169, %add3A_176 : i32
      %lt3A_178 = arith.cmpi slt, %add3A_177, %add3A_27 : i32
      %convert_element_type3A_179 = arith.extui %lt3A_178 : i1 to i32
      %cond3A_180 = arith.constant 0 : i32
      %cond3A_181 = arith.cmpi ne, %convert_element_type3A_179, %cond3A_180 : i32
      scf.if %cond3A_181 {
        %add3A_182 = arith.constant 6 : i32
        %add3A_183 = arith.addi %add3A_169, %add3A_182 : i32
        %dma_start3A_184 = arith.constant 0 : i32
        %dma_start3A_185 = tpu.memref_slice %arg7[%add3A_183, %dma_start3A_184] : memref<79x128xi32, #tpu.memory_space<vmem>> -> memref<1x128xi32, #tpu.memory_space<vmem>>
        %dma_start3A_186 = tpu.memref_squeeze %dma_start3A_185 : memref<1x128xi32, #tpu.memory_space<vmem>> -> memref<128xi32, #tpu.memory_space<vmem>>
        %dma_start3A_187 = arith.constant 0 : i32
        %dma_start3A_188 = arith.constant 0 : i32
        %dma_start3A_189 = tpu.memref_slice %arg2[%dma_start3A_187, %dma_start3A_188] : memref<10000x32xf32, #tpu.memory_space<hbm>> -> memref<10000x32xf32, #tpu.memory_space<hbm>>
        tpu.enqueue_indirect_dma source(%dma_start3A_189 : memref<10000x32xf32, #tpu.memory_space<hbm>>) target(%arg14 : memref<128x32xf32, #tpu.memory_space<vmem>>) offsets(%dma_start3A_186 : memref<128xi32, #tpu.memory_space<vmem>>) semaphore(%arg21 : memref<!tpu.dma_semaphore, #tpu.memory_space<semaphore_mem>>)
      } else {
      }
    }
    %scan3A_74 = arith.constant 13 : i32
    %convert_element_type3A_75 = arith.extui %lt3A_17 : i1 to i32
    %cond3A_76 = arith.constant 0 : i32
    %cond3A_77 = arith.cmpi ne, %convert_element_type3A_75, %cond3A_76 : i32
    scf.if %cond3A_77 {
      %dma_wait3A = arith.constant 78 : i32
      %dma_wait3A_86 = arith.constant 0 : i32
      %dma_wait3A_87 = tpu.memref_slice %arg7[%dma_wait3A, %dma_wait3A_86] : memref<79x128xi32, #tpu.memory_space<vmem>> -> memref<1x128xi32, #tpu.memory_space<vmem>>
      %dma_wait3A_88 = tpu.memref_squeeze %dma_wait3A_87 : memref<1x128xi32, #tpu.memory_space<vmem>> -> memref<128xi32, #tpu.memory_space<vmem>>
      %dma_wait3A_89 = arith.constant 0 : i32
      %dma_wait3A_90 = arith.constant 0 : i32
      %dma_wait3A_91 = tpu.memref_slice %arg2[%dma_wait3A_89, %dma_wait3A_90] : memref<10000x32xf32, #tpu.memory_space<hbm>> -> memref<10000x32xf32, #tpu.memory_space<hbm>>
      tpu.wait_indirect_dma semaphore(%arg16 : memref<!tpu.dma_semaphore, #tpu.memory_space<semaphore_mem>>) src(%dma_wait3A_91 : memref<10000x32xf32, #tpu.memory_space<hbm>>) dst(%arg9 : memref<128x32xf32, #tpu.memory_space<vmem>>)
      %run_scoped3A = arith.constant 78 : i32
      "tpu.region"() ({
        %run_scoped3A_92 = tpu.sem_alloc : memref<!tpu.dma_semaphore, #tpu.memory_space<semaphore_mem>>
        %dma_start3A_93 = arith.constant 0 : i32
        %dma_start3A_94 = tpu.memref_slice %arg8[%run_scoped3A, %dma_start3A_93] : memref<79x128xi32, #tpu.memory_space<vmem>> -> memref<1x128xi32, #tpu.memory_space<vmem>>
        %dma_start3A_95 = tpu.memref_squeeze %dma_start3A_94 : memref<1x128xi32, #tpu.memory_space<vmem>> -> memref<128xi32, #tpu.memory_space<vmem>>
        %dma_start3A_96 = arith.constant 0 : i32
        %dma_start3A_97 = arith.constant 0 : i32
        %dma_start3A_98 = tpu.memref_slice %arg6[%dma_start3A_96, %dma_start3A_97] : memref<10000x32xf32, #tpu.memory_space<vmem_shared>> -> memref<10000x32xf32, #tpu.memory_space<vmem_shared>>
        tpu.enqueue_indirect_dma source(%arg9 : memref<128x32xf32, #tpu.memory_space<vmem>>) target(%dma_start3A_98 : memref<10000x32xf32, #tpu.memory_space<vmem_shared>>) offsets(%dma_start3A_95 : memref<128xi32, #tpu.memory_space<vmem>>) semaphore(%run_scoped3A_92 : memref<!tpu.dma_semaphore, #tpu.memory_space<semaphore_mem>>) {add = true}
        %dma_wait3A_99 = arith.constant 0 : i32
        %dma_wait3A_100 = tpu.memref_slice %arg8[%run_scoped3A, %dma_wait3A_99] : memref<79x128xi32, #tpu.memory_space<vmem>> -> memref<1x128xi32, #tpu.memory_space<vmem>>
        %dma_wait3A_101 = tpu.memref_squeeze %dma_wait3A_100 : memref<1x128xi32, #tpu.memory_space<vmem>> -> memref<128xi32, #tpu.memory_space<vmem>>
        %dma_wait3A_102 = arith.constant 0 : i32
        %dma_wait3A_103 = arith.constant 0 : i32
        %dma_wait3A_104 = tpu.memref_slice %arg6[%dma_wait3A_102, %dma_wait3A_103] : memref<10000x32xf32, #tpu.memory_space<vmem_shared>> -> memref<10000x32xf32, #tpu.memory_space<vmem_shared>>
        tpu.wait_indirect_dma semaphore(%run_scoped3A_92 : memref<!tpu.dma_semaphore, #tpu.memory_space<semaphore_mem>>) src(%arg9 : memref<128x32xf32, #tpu.memory_space<vmem>>) dst(%dma_wait3A_104 : memref<10000x32xf32, #tpu.memory_space<vmem_shared>>)
        tpu.yield
      }) : () -> ()
    } else {
    }
    %barrier3A_78 = arith.constant 0 : index
    tpu.barrier barrier_id(%barrier3A_78)
    %mul3A_79 = arith.constant 625 : i32
    %mul3A_80 = arith.muli %arg1, %mul3A_79 : i32
    %mul3A_81 = arith.constant 10000 : i32
    %mul3A_82 = arith.muli %arg0, %mul3A_81 : i32
    %mul3A_83 = arith.constant 625 : i32
    %mul3A_84 = arith.muli %arg1, %mul3A_83 : i32
    %add3A_85 = arith.addi %mul3A_82, %mul3A_84 : i32
    "tpu.region"() ({
      %run_scoped3A = tpu.sem_alloc : memref<!tpu.dma_semaphore, #tpu.memory_space<semaphore_mem>>
      %dma_start3A_86 = arith.constant 0 : i32
      %dma_start3A_87 = tpu.memref_slice %arg5[%add3A_85, %dma_start3A_86] : memref<20000x32xf32, #tpu.memory_space<hbm>> -> memref<625x32xf32, #tpu.memory_space<hbm>>
      %dma_start3A_88 = arith.constant 0 : i32
      %dma_start3A_89 = tpu.memref_slice %arg6[%mul3A_80, %dma_start3A_88] : memref<10000x32xf32, #tpu.memory_space<vmem_shared>> -> memref<625x32xf32, #tpu.memory_space<vmem_shared>>
      tpu.enqueue_dma source(%dma_start3A_89 : memref<625x32xf32, #tpu.memory_space<vmem_shared>>) target(%dma_start3A_87 : memref<625x32xf32, #tpu.memory_space<hbm>>) target_semaphore(%run_scoped3A : memref<!tpu.dma_semaphore, #tpu.memory_space<semaphore_mem>>)
      %dma_wait3A = arith.constant 0 : i32
      %dma_wait3A_90 = tpu.memref_slice %arg5[%add3A_85, %dma_wait3A] : memref<20000x32xf32, #tpu.memory_space<hbm>> -> memref<625x32xf32, #tpu.memory_space<hbm>>
      %dma_wait3A_91 = arith.constant 0 : i32
      %dma_wait3A_92 = tpu.memref_slice %arg6[%mul3A_80, %dma_wait3A_91] : memref<10000x32xf32, #tpu.memory_space<vmem_shared>> -> memref<625x32xf32, #tpu.memory_space<vmem_shared>>
      tpu.wait_dma2 semaphore(%run_scoped3A : memref<!tpu.dma_semaphore, #tpu.memory_space<semaphore_mem>>) src(%dma_wait3A_92 : memref<625x32xf32, #tpu.memory_space<vmem_shared>>) dst(%dma_wait3A_90 : memref<625x32xf32, #tpu.memory_space<hbm>>)
      tpu.yield
    }) : () -> ()
    return
  }
}

#map = affine_map<(d0, d1) -> (0, 0)>
module attributes {stable_mosaic.version = 14 : i64} {
  func.func @mp(%arg0: i32, %arg1: i32, %arg2: memref<10000x64xf32, #tpu.memory_space<hbm>>, %arg3: memref<2500x128xi32, #tpu.memory_space<hbm>>, %arg4: memref<2500x128xi32, #tpu.memory_space<hbm>>, %arg5: memref<20000x64xf32, #tpu.memory_space<hbm>>, %arg6: memref<10000x64xf32, #tpu.memory_space<vmem_shared>>, %arg7: memref<79x128xi32, #tpu.memory_space<vmem>>, %arg8: memref<79x128xi32, #tpu.memory_space<vmem>>, %arg9: memref<128x64xf32, #tpu.memory_space<vmem>>, %arg10: memref<128x64xf32, #tpu.memory_space<vmem>>, %arg11: memref<128x64xf32, #tpu.memory_space<vmem>>, %arg12: memref<128x64xf32, #tpu.memory_space<vmem>>, %arg13: memref<128x64xf32, #tpu.memory_space<vmem>>, %arg14: memref<128x64xf32, #tpu.memory_space<vmem>>, %arg15: memref<25x64xf32, #tpu.memory_space<vmem>>, %arg16: memref<!tpu.dma_semaphore, #tpu.memory_space<semaphore_mem>>, %arg17: memref<!tpu.dma_semaphore, #tpu.memory_space<semaphore_mem>>, %arg18: memref<!tpu.dma_semaphore, #tpu.memory_space<semaphore_mem>>, %arg19: memref<!tpu.dma_semaphore, #tpu.memory_space<semaphore_mem>>, %arg20: memref<!tpu.dma_semaphore, #tpu.memory_space<semaphore_mem>>, %arg21: memref<!tpu.dma_semaphore, #tpu.memory_space<semaphore_mem>>, %arg22: memref<!tpu.dma_semaphore, #tpu.memory_space<semaphore_mem>>) attributes {dimension_semantics = [#tpu.dimension_semantics<core_parallel>, #tpu.dimension_semantics<subcore_parallel>], iteration_bounds = array<i64: 2, 16>, scalar_prefetch = 0 : i64, scratch_operands = 17 : i64, tpu.core_type = #tpu.core_type<sc_vector_subcore>, window_params = [{transform_indices = #map}, {transform_indices = #map}, {transform_indices = #map}, {transform_indices = #map}]} {
    %mul3A = arith.constant 2 : i32
    %mul3A_0 = arith.muli %arg1, %mul3A : i32
    %add3A = arith.addi %mul3A_0, %arg0 : i32
    %broadcast_in_dim3A = arith.constant 0.000000e+00 : f32
    %broadcast_in_dim3A_1 = vector.broadcast %broadcast_in_dim3A : f32 to vector<16xf32>
    %scan3A = arith.constant 0 : i32
    %scan3A_2 = arith.constant 0 : i32
    %scan3A_3 = arith.constant 25 : i32
    %scan3A_4 = arith.addi %scan3A_2, %scan3A_3 : i32
    %scan3A_5 = arith.constant 1 : i32
    scf.for %scan3A_86 = %scan3A_2 to %scan3A_4 step %scan3A_5  : i32 {
      %swap3A = arith.index_cast %scan3A_86 : i32 to index
      %swap3A_87 = arith.constant 0 : index
      %swap3A_88 = tpu.vector_load %arg15[%swap3A, %swap3A_87] {strides = array<i32>} : memref<25x64xf32, #tpu.memory_space<vmem>>, vector<1x16xf32>,
      %swap3A_89 = vector.shape_cast %swap3A_88 : vector<1x16xf32> to vector<16xf32>
      %swap3A_90 = vector.shape_cast %broadcast_in_dim3A_1 : vector<16xf32> to vector<1x16xf32>
      tpu.vector_store %arg15[%swap3A, %swap3A_87], %swap3A_90 {strides = array<i32>} : memref<25x64xf32, #tpu.memory_space<vmem>>, vector<1x16xf32>,
      %swap3A_91 = arith.index_cast %scan3A_86 : i32 to index
      %swap3A_92 = arith.constant 16 : index
      %swap3A_93 = tpu.vector_load %arg15[%swap3A_91, %swap3A_92] {strides = array<i32>} : memref<25x64xf32, #tpu.memory_space<vmem>>, vector<1x16xf32>,
      %swap3A_94 = vector.shape_cast %swap3A_93 : vector<1x16xf32> to vector<16xf32>
      %swap3A_95 = vector.shape_cast %broadcast_in_dim3A_1 : vector<16xf32> to vector<1x16xf32>
      tpu.vector_store %arg15[%swap3A_91, %swap3A_92], %swap3A_95 {strides = array<i32>} : memref<25x64xf32, #tpu.memory_space<vmem>>, vector<1x16xf32>,
      %swap3A_96 = arith.index_cast %scan3A_86 : i32 to index
      %swap3A_97 = arith.constant 32 : index
      %swap3A_98 = tpu.vector_load %arg15[%swap3A_96, %swap3A_97] {strides = array<i32>} : memref<25x64xf32, #tpu.memory_space<vmem>>, vector<1x16xf32>,
      %swap3A_99 = vector.shape_cast %swap3A_98 : vector<1x16xf32> to vector<16xf32>
      %swap3A_100 = vector.shape_cast %broadcast_in_dim3A_1 : vector<16xf32> to vector<1x16xf32>
      tpu.vector_store %arg15[%swap3A_96, %swap3A_97], %swap3A_100 {strides = array<i32>} : memref<25x64xf32, #tpu.memory_space<vmem>>, vector<1x16xf32>,
      %swap3A_101 = arith.index_cast %scan3A_86 : i32 to index
      %swap3A_102 = arith.constant 48 : index
      %swap3A_103 = tpu.vector_load %arg15[%swap3A_101, %swap3A_102] {strides = array<i32>} : memref<25x64xf32, #tpu.memory_space<vmem>>, vector<1x16xf32>,
      %swap3A_104 = vector.shape_cast %swap3A_103 : vector<1x16xf32> to vector<16xf32>
      %swap3A_105 = vector.shape_cast %broadcast_in_dim3A_1 : vector<16xf32> to vector<1x16xf32>
      tpu.vector_store %arg15[%swap3A_101, %swap3A_102], %swap3A_105 {strides = array<i32>} : memref<25x64xf32, #tpu.memory_space<vmem>>, vector<1x16xf32>,
    }
    %scan3A_6 = arith.constant 25 : i32
    %scan3A_7 = arith.constant 0 : i32
    %scan3A_8 = arith.constant 0 : i32
    %scan3A_9 = arith.constant 25 : i32
    %scan3A_10 = arith.addi %scan3A_8, %scan3A_9 : i32
    %scan3A_11 = arith.constant 1 : i32
    scf.for %scan3A_86 = %scan3A_8 to %scan3A_10 step %scan3A_11  : i32 {
      %mul3A_87 = arith.constant 625 : i32
      %mul3A_88 = arith.muli %arg1, %mul3A_87 : i32
      %mul3A_89 = arith.constant 25 : i32
      %mul3A_90 = arith.muli %scan3A_86, %mul3A_89 : i32
      %add3A_91 = arith.addi %mul3A_88, %mul3A_90 : i32
      %dma_start3A_92 = arith.constant 0 : i32
      %dma_start3A_93 = tpu.memref_slice %arg6[%add3A_91, %dma_start3A_92] : memref<10000x64xf32, #tpu.memory_space<vmem_shared>> -> memref<25x64xf32, #tpu.memory_space<vmem_shared>>
      %dma_start3A_94 = arith.constant 0 : i32
      %dma_start3A_95 = tpu.memref_slice %arg6[%add3A_91, %dma_start3A_94] : memref<10000x64xf32, #tpu.memory_space<vmem_shared>> -> memref<25x64xf32, #tpu.memory_space<vmem_shared>>
      tpu.enqueue_dma source(%arg15 : memref<25x64xf32, #tpu.memory_space<vmem>>) target(%dma_start3A_95 : memref<25x64xf32, #tpu.memory_space<vmem_shared>>) target_semaphore(%arg22 : memref<!tpu.dma_semaphore, #tpu.memory_space<semaphore_mem>>)
    }
    %scan3A_12 = arith.constant 25 : i32
    %mul3A_13 = arith.constant 78 : i32
    %mul3A_14 = arith.muli %mul3A_13, %add3A : i32
    %min3A = arith.constant 4 : i32
    %min3A_15 = arith.minsi %add3A, %min3A : i32
    %add3A_16 = arith.addi %mul3A_14, %min3A_15 : i32
    %lt3A = arith.constant 4 : i32
    %lt3A_17 = arith.cmpi slt, %add3A, %lt3A : i32
    "tpu.region"() ({
      %run_scoped3A = tpu.sem_alloc : memref<!tpu.dma_semaphore, #tpu.memory_space<semaphore_mem>>
      %dma_start3A_86 = arith.constant 0 : i32
      %dma_start3A_87 = arith.constant 0 : i32
      %dma_start3A_88 = tpu.memref_slice %arg7[%dma_start3A_86, %dma_start3A_87] : memref<79x128xi32, #tpu.memory_space<vmem>> -> memref<78x128xi32, #tpu.memory_space<vmem>>
      %dma_start3A_89 = arith.constant 0 : i32
      %dma_start3A_90 = tpu.memref_slice %arg3[%add3A_16, %dma_start3A_89] : memref<2500x128xi32, #tpu.memory_space<hbm>> -> memref<78x128xi32, #tpu.memory_space<hbm>>
      %dma_start3A_91 = arith.constant 0 : i32
      %dma_start3A_92 = arith.constant 0 : i32
      %dma_start3A_93 = tpu.memref_slice %arg7[%dma_start3A_91, %dma_start3A_92] : memref<79x128xi32, #tpu.memory_space<vmem>> -> memref<78x128xi32, #tpu.memory_space<vmem>>
      %dma_start3A_94 = arith.constant 0 : i32
      %dma_start3A_95 = tpu.memref_slice %arg3[%add3A_16, %dma_start3A_94] : memref<2500x128xi32, #tpu.memory_space<hbm>> -> memref<78x128xi32, #tpu.memory_space<hbm>>
      tpu.enqueue_dma source(%dma_start3A_95 : memref<78x128xi32, #tpu.memory_space<hbm>>) target(%dma_start3A_93 : memref<78x128xi32, #tpu.memory_space<vmem>>) target_semaphore(%run_scoped3A : memref<!tpu.dma_semaphore, #tpu.memory_space<semaphore_mem>>)
      %dma_wait3A = arith.constant 0 : i32
      %dma_wait3A_96 = arith.constant 0 : i32
      %dma_wait3A_97 = tpu.memref_slice %arg7[%dma_wait3A, %dma_wait3A_96] : memref<79x128xi32, #tpu.memory_space<vmem>> -> memref<78x128xi32, #tpu.memory_space<vmem>>
      %dma_wait3A_98 = arith.constant 0 : i32
      %dma_wait3A_99 = tpu.memref_slice %arg3[%add3A_16, %dma_wait3A_98] : memref<2500x128xi32, #tpu.memory_space<hbm>> -> memref<78x128xi32, #tpu.memory_space<hbm>>
      %dma_wait3A_100 = arith.constant 0 : i32
      %dma_wait3A_101 = arith.constant 0 : i32
      %dma_wait3A_102 = tpu.memref_slice %arg7[%dma_wait3A_100, %dma_wait3A_101] : memref<79x128xi32, #tpu.memory_space<vmem>> -> memref<78x128xi32, #tpu.memory_space<vmem>>
      %dma_wait3A_103 = arith.constant 0 : i32
      %dma_wait3A_104 = tpu.memref_slice %arg3[%add3A_16, %dma_wait3A_103] : memref<2500x128xi32, #tpu.memory_space<hbm>> -> memref<78x128xi32, #tpu.memory_space<hbm>>
      tpu.wait_dma2 semaphore(%run_scoped3A : memref<!tpu.dma_semaphore, #tpu.memory_space<semaphore_mem>>) src(%dma_wait3A_104 : memref<78x128xi32, #tpu.memory_space<hbm>>) dst(%dma_wait3A_102 : memref<78x128xi32, #tpu.memory_space<vmem>>)
      tpu.yield
    }) : () -> ()
    "tpu.region"() ({
      %run_scoped3A = tpu.sem_alloc : memref<!tpu.dma_semaphore, #tpu.memory_space<semaphore_mem>>
      %dma_start3A_86 = arith.constant 0 : i32
      %dma_start3A_87 = arith.constant 0 : i32
      %dma_start3A_88 = tpu.memref_slice %arg8[%dma_start3A_86, %dma_start3A_87] : memref<79x128xi32, #tpu.memory_space<vmem>> -> memref<78x128xi32, #tpu.memory_space<vmem>>
      %dma_start3A_89 = arith.constant 0 : i32
      %dma_start3A_90 = tpu.memref_slice %arg4[%add3A_16, %dma_start3A_89] : memref<2500x128xi32, #tpu.memory_space<hbm>> -> memref<78x128xi32, #tpu.memory_space<hbm>>
      %dma_start3A_91 = arith.constant 0 : i32
      %dma_start3A_92 = arith.constant 0 : i32
      %dma_start3A_93 = tpu.memref_slice %arg8[%dma_start3A_91, %dma_start3A_92] : memref<79x128xi32, #tpu.memory_space<vmem>> -> memref<78x128xi32, #tpu.memory_space<vmem>>
      %dma_start3A_94 = arith.constant 0 : i32
      %dma_start3A_95 = tpu.memref_slice %arg4[%add3A_16, %dma_start3A_94] : memref<2500x128xi32, #tpu.memory_space<hbm>> -> memref<78x128xi32, #tpu.memory_space<hbm>>
      tpu.enqueue_dma source(%dma_start3A_95 : memref<78x128xi32, #tpu.memory_space<hbm>>) target(%dma_start3A_93 : memref<78x128xi32, #tpu.memory_space<vmem>>) target_semaphore(%run_scoped3A : memref<!tpu.dma_semaphore, #tpu.memory_space<semaphore_mem>>)
      %dma_wait3A = arith.constant 0 : i32
      %dma_wait3A_96 = arith.constant 0 : i32
      %dma_wait3A_97 = tpu.memref_slice %arg8[%dma_wait3A, %dma_wait3A_96] : memref<79x128xi32, #tpu.memory_space<vmem>> -> memref<78x128xi32, #tpu.memory_space<vmem>>
      %dma_wait3A_98 = arith.constant 0 : i32
      %dma_wait3A_99 = tpu.memref_slice %arg4[%add3A_16, %dma_wait3A_98] : memref<2500x128xi32, #tpu.memory_space<hbm>> -> memref<78x128xi32, #tpu.memory_space<hbm>>
      %dma_wait3A_100 = arith.constant 0 : i32
      %dma_wait3A_101 = arith.constant 0 : i32
      %dma_wait3A_102 = tpu.memref_slice %arg8[%dma_wait3A_100, %dma_wait3A_101] : memref<79x128xi32, #tpu.memory_space<vmem>> -> memref<78x128xi32, #tpu.memory_space<vmem>>
      %dma_wait3A_103 = arith.constant 0 : i32
      %dma_wait3A_104 = tpu.memref_slice %arg4[%add3A_16, %dma_wait3A_103] : memref<2500x128xi32, #tpu.memory_space<hbm>> -> memref<78x128xi32, #tpu.memory_space<hbm>>
      tpu.wait_dma2 semaphore(%run_scoped3A : memref<!tpu.dma_semaphore, #tpu.memory_space<semaphore_mem>>) src(%dma_wait3A_104 : memref<78x128xi32, #tpu.memory_space<hbm>>) dst(%dma_wait3A_102 : memref<78x128xi32, #tpu.memory_space<vmem>>)
      tpu.yield
    }) : () -> ()
    %convert_element_type3A = arith.extui %lt3A_17 : i1 to i32
    %cond3A = arith.constant 0 : i32
    %cond3A_18 = arith.cmpi ne, %convert_element_type3A, %cond3A : i32
    scf.if %cond3A_18 {
      %add3A_86 = arith.constant 78 : i32
      %add3A_87 = arith.addi %add3A_16, %add3A_86 : i32
      "tpu.region"() ({
        %run_scoped3A = tpu.sem_alloc : memref<!tpu.dma_semaphore, #tpu.memory_space<semaphore_mem>>
        %dma_start3A_90 = arith.constant 78 : i32
        %dma_start3A_91 = arith.constant 0 : i32
        %dma_start3A_92 = tpu.memref_slice %arg7[%dma_start3A_90, %dma_start3A_91] : memref<79x128xi32, #tpu.memory_space<vmem>> -> memref<1x128xi32, #tpu.memory_space<vmem>>
        %dma_start3A_93 = arith.constant 0 : i32
        %dma_start3A_94 = tpu.memref_slice %arg3[%add3A_87, %dma_start3A_93] : memref<2500x128xi32, #tpu.memory_space<hbm>> -> memref<1x128xi32, #tpu.memory_space<hbm>>
        %dma_start3A_95 = arith.constant 78 : i32
        %dma_start3A_96 = arith.constant 0 : i32
        %dma_start3A_97 = tpu.memref_slice %arg7[%dma_start3A_95, %dma_start3A_96] : memref<79x128xi32, #tpu.memory_space<vmem>> -> memref<1x128xi32, #tpu.memory_space<vmem>>
        %dma_start3A_98 = arith.constant 0 : i32
        %dma_start3A_99 = tpu.memref_slice %arg3[%add3A_87, %dma_start3A_98] : memref<2500x128xi32, #tpu.memory_space<hbm>> -> memref<1x128xi32, #tpu.memory_space<hbm>>
        tpu.enqueue_dma source(%dma_start3A_99 : memref<1x128xi32, #tpu.memory_space<hbm>>) target(%dma_start3A_97 : memref<1x128xi32, #tpu.memory_space<vmem>>) target_semaphore(%run_scoped3A : memref<!tpu.dma_semaphore, #tpu.memory_space<semaphore_mem>>)
        %dma_wait3A = arith.constant 78 : i32
        %dma_wait3A_100 = arith.constant 0 : i32
        %dma_wait3A_101 = tpu.memref_slice %arg7[%dma_wait3A, %dma_wait3A_100] : memref<79x128xi32, #tpu.memory_space<vmem>> -> memref<1x128xi32, #tpu.memory_space<vmem>>
        %dma_wait3A_102 = arith.constant 0 : i32
        %dma_wait3A_103 = tpu.memref_slice %arg3[%add3A_87, %dma_wait3A_102] : memref<2500x128xi32, #tpu.memory_space<hbm>> -> memref<1x128xi32, #tpu.memory_space<hbm>>
        %dma_wait3A_104 = arith.constant 78 : i32
        %dma_wait3A_105 = arith.constant 0 : i32
        %dma_wait3A_106 = tpu.memref_slice %arg7[%dma_wait3A_104, %dma_wait3A_105] : memref<79x128xi32, #tpu.memory_space<vmem>> -> memref<1x128xi32, #tpu.memory_space<vmem>>
        %dma_wait3A_107 = arith.constant 0 : i32
        %dma_wait3A_108 = tpu.memref_slice %arg3[%add3A_87, %dma_wait3A_107] : memref<2500x128xi32, #tpu.memory_space<hbm>> -> memref<1x128xi32, #tpu.memory_space<hbm>>
        tpu.wait_dma2 semaphore(%run_scoped3A : memref<!tpu.dma_semaphore, #tpu.memory_space<semaphore_mem>>) src(%dma_wait3A_108 : memref<1x128xi32, #tpu.memory_space<hbm>>) dst(%dma_wait3A_106 : memref<1x128xi32, #tpu.memory_space<vmem>>)
        tpu.yield
      }) : () -> ()
      %add3A_88 = arith.constant 78 : i32
      %add3A_89 = arith.addi %add3A_16, %add3A_88 : i32
      "tpu.region"() ({
        %run_scoped3A = tpu.sem_alloc : memref<!tpu.dma_semaphore, #tpu.memory_space<semaphore_mem>>
        %dma_start3A_90 = arith.constant 78 : i32
        %dma_start3A_91 = arith.constant 0 : i32
        %dma_start3A_92 = tpu.memref_slice %arg8[%dma_start3A_90, %dma_start3A_91] : memref<79x128xi32, #tpu.memory_space<vmem>> -> memref<1x128xi32, #tpu.memory_space<vmem>>
        %dma_start3A_93 = arith.constant 0 : i32
        %dma_start3A_94 = tpu.memref_slice %arg4[%add3A_89, %dma_start3A_93] : memref<2500x128xi32, #tpu.memory_space<hbm>> -> memref<1x128xi32, #tpu.memory_space<hbm>>
        %dma_start3A_95 = arith.constant 78 : i32
        %dma_start3A_96 = arith.constant 0 : i32
        %dma_start3A_97 = tpu.memref_slice %arg8[%dma_start3A_95, %dma_start3A_96] : memref<79x128xi32, #tpu.memory_space<vmem>> -> memref<1x128xi32, #tpu.memory_space<vmem>>
        %dma_start3A_98 = arith.constant 0 : i32
        %dma_start3A_99 = tpu.memref_slice %arg4[%add3A_89, %dma_start3A_98] : memref<2500x128xi32, #tpu.memory_space<hbm>> -> memref<1x128xi32, #tpu.memory_space<hbm>>
        tpu.enqueue_dma source(%dma_start3A_99 : memref<1x128xi32, #tpu.memory_space<hbm>>) target(%dma_start3A_97 : memref<1x128xi32, #tpu.memory_space<vmem>>) target_semaphore(%run_scoped3A : memref<!tpu.dma_semaphore, #tpu.memory_space<semaphore_mem>>)
        %dma_wait3A = arith.constant 78 : i32
        %dma_wait3A_100 = arith.constant 0 : i32
        %dma_wait3A_101 = tpu.memref_slice %arg8[%dma_wait3A, %dma_wait3A_100] : memref<79x128xi32, #tpu.memory_space<vmem>> -> memref<1x128xi32, #tpu.memory_space<vmem>>
        %dma_wait3A_102 = arith.constant 0 : i32
        %dma_wait3A_103 = tpu.memref_slice %arg4[%add3A_89, %dma_wait3A_102] : memref<2500x128xi32, #tpu.memory_space<hbm>> -> memref<1x128xi32, #tpu.memory_space<hbm>>
        %dma_wait3A_104 = arith.constant 78 : i32
        %dma_wait3A_105 = arith.constant 0 : i32
        %dma_wait3A_106 = tpu.memref_slice %arg8[%dma_wait3A_104, %dma_wait3A_105] : memref<79x128xi32, #tpu.memory_space<vmem>> -> memref<1x128xi32, #tpu.memory_space<vmem>>
        %dma_wait3A_107 = arith.constant 0 : i32
        %dma_wait3A_108 = tpu.memref_slice %arg4[%add3A_89, %dma_wait3A_107] : memref<2500x128xi32, #tpu.memory_space<hbm>> -> memref<1x128xi32, #tpu.memory_space<hbm>>
        tpu.wait_dma2 semaphore(%run_scoped3A : memref<!tpu.dma_semaphore, #tpu.memory_space<semaphore_mem>>) src(%dma_wait3A_108 : memref<1x128xi32, #tpu.memory_space<hbm>>) dst(%dma_wait3A_106 : memref<1x128xi32, #tpu.memory_space<vmem>>)
        tpu.yield
      }) : () -> ()
    } else {
    }
    %scan3A_19 = arith.constant 0 : i32
    %scan3A_20 = arith.constant 0 : i32
    %scan3A_21 = arith.constant 25 : i32
    %scan3A_22 = arith.addi %scan3A_20, %scan3A_21 : i32
    %scan3A_23 = arith.constant 1 : i32
    scf.for %scan3A_86 = %scan3A_20 to %scan3A_22 step %scan3A_23  : i32 {
      %mul3A_87 = arith.constant 625 : i32
      %mul3A_88 = arith.muli %arg1, %mul3A_87 : i32
      %dma_wait3A = arith.constant 0 : i32
      %dma_wait3A_89 = tpu.memref_slice %arg6[%mul3A_88, %dma_wait3A] : memref<10000x64xf32, #tpu.memory_space<vmem_shared>> -> memref<25x64xf32, #tpu.memory_space<vmem_shared>>
      %dma_wait3A_90 = arith.constant 0 : i32
      %dma_wait3A_91 = tpu.memref_slice %arg6[%mul3A_88, %dma_wait3A_90] : memref<10000x64xf32, #tpu.memory_space<vmem_shared>> -> memref<25x64xf32, #tpu.memory_space<vmem_shared>>
      tpu.wait_dma2 semaphore(%arg22 : memref<!tpu.dma_semaphore, #tpu.memory_space<semaphore_mem>>) src(%arg15 : memref<25x64xf32, #tpu.memory_space<vmem>>) dst(%dma_wait3A_91 : memref<25x64xf32, #tpu.memory_space<vmem_shared>>)
    }
    %scan3A_24 = arith.constant 25 : i32
    %barrier3A = arith.constant 0 : index
    tpu.barrier barrier_id(%barrier3A)
    %convert_element_type3A_25 = arith.extui %lt3A_17 : i1 to i32
    %add3A_26 = arith.constant 78 : i32
    %add3A_27 = arith.addi %add3A_26, %convert_element_type3A_25 : i32
    %dma_start3A = arith.constant 0 : i32
    %dma_start3A_28 = arith.constant 0 : i32
    %dma_start3A_29 = tpu.memref_slice %arg7[%dma_start3A, %dma_start3A_28] : memref<79x128xi32, #tpu.memory_space<vmem>> -> memref<1x128xi32, #tpu.memory_space<vmem>>
    %dma_start3A_30 = tpu.memref_squeeze %dma_start3A_29 : memref<1x128xi32, #tpu.memory_space<vmem>> -> memref<128xi32, #tpu.memory_space<vmem>>
    %dma_start3A_31 = arith.constant 0 : i32
    %dma_start3A_32 = arith.constant 0 : i32
    %dma_start3A_33 = tpu.memref_slice %arg2[%dma_start3A_31, %dma_start3A_32] : memref<10000x64xf32, #tpu.memory_space<hbm>> -> memref<10000x64xf32, #tpu.memory_space<hbm>>
    tpu.enqueue_indirect_dma source(%dma_start3A_33 : memref<10000x64xf32, #tpu.memory_space<hbm>>) target(%arg9 : memref<128x64xf32, #tpu.memory_space<vmem>>) offsets(%dma_start3A_30 : memref<128xi32, #tpu.memory_space<vmem>>) semaphore(%arg16 : memref<!tpu.dma_semaphore, #tpu.memory_space<semaphore_mem>>)
    %dma_start3A_34 = arith.constant 1 : i32
    %dma_start3A_35 = arith.constant 0 : i32
    %dma_start3A_36 = tpu.memref_slice %arg7[%dma_start3A_34, %dma_start3A_35] : memref<79x128xi32, #tpu.memory_space<vmem>> -> memref<1x128xi32, #tpu.memory_space<vmem>>
    %dma_start3A_37 = tpu.memref_squeeze %dma_start3A_36 : memref<1x128xi32, #tpu.memory_space<vmem>> -> memref<128xi32, #tpu.memory_space<vmem>>
    %dma_start3A_38 = arith.constant 0 : i32
    %dma_start3A_39 = arith.constant 0 : i32
    %dma_start3A_40 = tpu.memref_slice %arg2[%dma_start3A_38, %dma_start3A_39] : memref<10000x64xf32, #tpu.memory_space<hbm>> -> memref<10000x64xf32, #tpu.memory_space<hbm>>
    tpu.enqueue_indirect_dma source(%dma_start3A_40 : memref<10000x64xf32, #tpu.memory_space<hbm>>) target(%arg10 : memref<128x64xf32, #tpu.memory_space<vmem>>) offsets(%dma_start3A_37 : memref<128xi32, #tpu.memory_space<vmem>>) semaphore(%arg17 : memref<!tpu.dma_semaphore, #tpu.memory_space<semaphore_mem>>)
    %dma_start3A_41 = arith.constant 2 : i32
    %dma_start3A_42 = arith.constant 0 : i32
    %dma_start3A_43 = tpu.memref_slice %arg7[%dma_start3A_41, %dma_start3A_42] : memref<79x128xi32, #tpu.memory_space<vmem>> -> memref<1x128xi32, #tpu.memory_space<vmem>>
    %dma_start3A_44 = tpu.memref_squeeze %dma_start3A_43 : memref<1x128xi32, #tpu.memory_space<vmem>> -> memref<128xi32, #tpu.memory_space<vmem>>
    %dma_start3A_45 = arith.constant 0 : i32
    %dma_start3A_46 = arith.constant 0 : i32
    %dma_start3A_47 = tpu.memref_slice %arg2[%dma_start3A_45, %dma_start3A_46] : memref<10000x64xf32, #tpu.memory_space<hbm>> -> memref<10000x64xf32, #tpu.memory_space<hbm>>
    tpu.enqueue_indirect_dma source(%dma_start3A_47 : memref<10000x64xf32, #tpu.memory_space<hbm>>) target(%arg11 : memref<128x64xf32, #tpu.memory_space<vmem>>) offsets(%dma_start3A_44 : memref<128xi32, #tpu.memory_space<vmem>>) semaphore(%arg18 : memref<!tpu.dma_semaphore, #tpu.memory_space<semaphore_mem>>)
    %dma_start3A_48 = arith.constant 3 : i32
    %dma_start3A_49 = arith.constant 0 : i32
    %dma_start3A_50 = tpu.memref_slice %arg7[%dma_start3A_48, %dma_start3A_49] : memref<79x128xi32, #tpu.memory_space<vmem>> -> memref<1x128xi32, #tpu.memory_space<vmem>>
    %dma_start3A_51 = tpu.memref_squeeze %dma_start3A_50 : memref<1x128xi32, #tpu.memory_space<vmem>> -> memref<128xi32, #tpu.memory_space<vmem>>
    %dma_start3A_52 = arith.constant 0 : i32
    %dma_start3A_53 = arith.constant 0 : i32
    %dma_start3A_54 = tpu.memref_slice %arg2[%dma_start3A_52, %dma_start3A_53] : memref<10000x64xf32, #tpu.memory_space<hbm>> -> memref<10000x64xf32, #tpu.memory_space<hbm>>
    tpu.enqueue_indirect_dma source(%dma_start3A_54 : memref<10000x64xf32, #tpu.memory_space<hbm>>) target(%arg12 : memref<128x64xf32, #tpu.memory_space<vmem>>) offsets(%dma_start3A_51 : memref<128xi32, #tpu.memory_space<vmem>>) semaphore(%arg19 : memref<!tpu.dma_semaphore, #tpu.memory_space<semaphore_mem>>)
    %dma_start3A_55 = arith.constant 4 : i32
    %dma_start3A_56 = arith.constant 0 : i32
    %dma_start3A_57 = tpu.memref_slice %arg7[%dma_start3A_55, %dma_start3A_56] : memref<79x128xi32, #tpu.memory_space<vmem>> -> memref<1x128xi32, #tpu.memory_space<vmem>>
    %dma_start3A_58 = tpu.memref_squeeze %dma_start3A_57 : memref<1x128xi32, #tpu.memory_space<vmem>> -> memref<128xi32, #tpu.memory_space<vmem>>
    %dma_start3A_59 = arith.constant 0 : i32
    %dma_start3A_60 = arith.constant 0 : i32
    %dma_start3A_61 = tpu.memref_slice %arg2[%dma_start3A_59, %dma_start3A_60] : memref<10000x64xf32, #tpu.memory_space<hbm>> -> memref<10000x64xf32, #tpu.memory_space<hbm>>
    tpu.enqueue_indirect_dma source(%dma_start3A_61 : memref<10000x64xf32, #tpu.memory_space<hbm>>) target(%arg13 : memref<128x64xf32, #tpu.memory_space<vmem>>) offsets(%dma_start3A_58 : memref<128xi32, #tpu.memory_space<vmem>>) semaphore(%arg20 : memref<!tpu.dma_semaphore, #tpu.memory_space<semaphore_mem>>)
    %dma_start3A_62 = arith.constant 5 : i32
    %dma_start3A_63 = arith.constant 0 : i32
    %dma_start3A_64 = tpu.memref_slice %arg7[%dma_start3A_62, %dma_start3A_63] : memref<79x128xi32, #tpu.memory_space<vmem>> -> memref<1x128xi32, #tpu.memory_space<vmem>>
    %dma_start3A_65 = tpu.memref_squeeze %dma_start3A_64 : memref<1x128xi32, #tpu.memory_space<vmem>> -> memref<128xi32, #tpu.memory_space<vmem>>
    %dma_start3A_66 = arith.constant 0 : i32
    %dma_start3A_67 = arith.constant 0 : i32
    %dma_start3A_68 = tpu.memref_slice %arg2[%dma_start3A_66, %dma_start3A_67] : memref<10000x64xf32, #tpu.memory_space<hbm>> -> memref<10000x64xf32, #tpu.memory_space<hbm>>
    tpu.enqueue_indirect_dma source(%dma_start3A_68 : memref<10000x64xf32, #tpu.memory_space<hbm>>) target(%arg14 : memref<128x64xf32, #tpu.memory_space<vmem>>) offsets(%dma_start3A_65 : memref<128xi32, #tpu.memory_space<vmem>>) semaphore(%arg21 : memref<!tpu.dma_semaphore, #tpu.memory_space<semaphore_mem>>)
    %scan3A_69 = arith.constant 0 : i32
    %scan3A_70 = arith.constant 0 : i32
    %scan3A_71 = arith.constant 13 : i32
    %scan3A_72 = arith.addi %scan3A_70, %scan3A_71 : i32
    %scan3A_73 = arith.constant 1 : i32
    scf.for %scan3A_86 = %scan3A_70 to %scan3A_72 step %scan3A_73  : i32 {
      %mul3A_87 = arith.constant 6 : i32
      %mul3A_88 = arith.muli %mul3A_87, %scan3A_86 : i32
      %add3A_89 = arith.constant 0 : i32
      %add3A_90 = arith.addi %mul3A_88, %add3A_89 : i32
      %dma_wait3A = arith.constant 0 : i32
      %dma_wait3A_91 = tpu.memref_slice %arg7[%add3A_90, %dma_wait3A] : memref<79x128xi32, #tpu.memory_space<vmem>> -> memref<1x128xi32, #tpu.memory_space<vmem>>
      %dma_wait3A_92 = tpu.memref_squeeze %dma_wait3A_91 : memref<1x128xi32, #tpu.memory_space<vmem>> -> memref<128xi32, #tpu.memory_space<vmem>>
      %dma_wait3A_93 = arith.constant 0 : i32
      %dma_wait3A_94 = arith.constant 0 : i32
      %dma_wait3A_95 = tpu.memref_slice %arg2[%dma_wait3A_93, %dma_wait3A_94] : memref<10000x64xf32, #tpu.memory_space<hbm>> -> memref<10000x64xf32, #tpu.memory_space<hbm>>
      tpu.wait_indirect_dma semaphore(%arg16 : memref<!tpu.dma_semaphore, #tpu.memory_space<semaphore_mem>>) src(%dma_wait3A_95 : memref<10000x64xf32, #tpu.memory_space<hbm>>) dst(%arg9 : memref<128x64xf32, #tpu.memory_space<vmem>>)
      "tpu.region"() ({
        %run_scoped3A = tpu.sem_alloc : memref<!tpu.dma_semaphore, #tpu.memory_space<semaphore_mem>>
        %dma_start3A_182 = arith.constant 0 : i32
        %dma_start3A_183 = tpu.memref_slice %arg8[%add3A_90, %dma_start3A_182] : memref<79x128xi32, #tpu.memory_space<vmem>> -> memref<1x128xi32, #tpu.memory_space<vmem>>
        %dma_start3A_184 = tpu.memref_squeeze %dma_start3A_183 : memref<1x128xi32, #tpu.memory_space<vmem>> -> memref<128xi32, #tpu.memory_space<vmem>>
        %dma_start3A_185 = arith.constant 0 : i32
        %dma_start3A_186 = arith.constant 0 : i32
        %dma_start3A_187 = tpu.memref_slice %arg6[%dma_start3A_185, %dma_start3A_186] : memref<10000x64xf32, #tpu.memory_space<vmem_shared>> -> memref<10000x64xf32, #tpu.memory_space<vmem_shared>>
        tpu.enqueue_indirect_dma source(%arg9 : memref<128x64xf32, #tpu.memory_space<vmem>>) target(%dma_start3A_187 : memref<10000x64xf32, #tpu.memory_space<vmem_shared>>) offsets(%dma_start3A_184 : memref<128xi32, #tpu.memory_space<vmem>>) semaphore(%run_scoped3A : memref<!tpu.dma_semaphore, #tpu.memory_space<semaphore_mem>>) {add = true}
        %dma_wait3A_188 = arith.constant 0 : i32
        %dma_wait3A_189 = tpu.memref_slice %arg8[%add3A_90, %dma_wait3A_188] : memref<79x128xi32, #tpu.memory_space<vmem>> -> memref<1x128xi32, #tpu.memory_space<vmem>>
        %dma_wait3A_190 = tpu.memref_squeeze %dma_wait3A_189 : memref<1x128xi32, #tpu.memory_space<vmem>> -> memref<128xi32, #tpu.memory_space<vmem>>
        %dma_wait3A_191 = arith.constant 0 : i32
        %dma_wait3A_192 = arith.constant 0 : i32
        %dma_wait3A_193 = tpu.memref_slice %arg6[%dma_wait3A_191, %dma_wait3A_192] : memref<10000x64xf32, #tpu.memory_space<vmem_shared>> -> memref<10000x64xf32, #tpu.memory_space<vmem_shared>>
        tpu.wait_indirect_dma semaphore(%run_scoped3A : memref<!tpu.dma_semaphore, #tpu.memory_space<semaphore_mem>>) src(%arg9 : memref<128x64xf32, #tpu.memory_space<vmem>>) dst(%dma_wait3A_193 : memref<10000x64xf32, #tpu.memory_space<vmem_shared>>)
        tpu.yield
      }) : () -> ()
      %add3A_96 = arith.constant 6 : i32
      %add3A_97 = arith.addi %add3A_90, %add3A_96 : i32
      %lt3A_98 = arith.cmpi slt, %add3A_97, %add3A_27 : i32
      %convert_element_type3A_99 = arith.extui %lt3A_98 : i1 to i32
      %cond3A_100 = arith.constant 0 : i32
      %cond3A_101 = arith.cmpi ne, %convert_element_type3A_99, %cond3A_100 : i32
      scf.if %cond3A_101 {
        %add3A_182 = arith.constant 6 : i32
        %add3A_183 = arith.addi %add3A_90, %add3A_182 : i32
        %dma_start3A_184 = arith.constant 0 : i32
        %dma_start3A_185 = tpu.memref_slice %arg7[%add3A_183, %dma_start3A_184] : memref<79x128xi32, #tpu.memory_space<vmem>> -> memref<1x128xi32, #tpu.memory_space<vmem>>
        %dma_start3A_186 = tpu.memref_squeeze %dma_start3A_185 : memref<1x128xi32, #tpu.memory_space<vmem>> -> memref<128xi32, #tpu.memory_space<vmem>>
        %dma_start3A_187 = arith.constant 0 : i32
        %dma_start3A_188 = arith.constant 0 : i32
        %dma_start3A_189 = tpu.memref_slice %arg2[%dma_start3A_187, %dma_start3A_188] : memref<10000x64xf32, #tpu.memory_space<hbm>> -> memref<10000x64xf32, #tpu.memory_space<hbm>>
        tpu.enqueue_indirect_dma source(%dma_start3A_189 : memref<10000x64xf32, #tpu.memory_space<hbm>>) target(%arg9 : memref<128x64xf32, #tpu.memory_space<vmem>>) offsets(%dma_start3A_186 : memref<128xi32, #tpu.memory_space<vmem>>) semaphore(%arg16 : memref<!tpu.dma_semaphore, #tpu.memory_space<semaphore_mem>>)
      } else {
      }
      %mul3A_102 = arith.constant 6 : i32
      %mul3A_103 = arith.muli %mul3A_102, %scan3A_86 : i32
      %add3A_104 = arith.constant 1 : i32
      %add3A_105 = arith.addi %mul3A_103, %add3A_104 : i32
      %dma_wait3A_106 = arith.constant 0 : i32
      %dma_wait3A_107 = tpu.memref_slice %arg7[%add3A_105, %dma_wait3A_106] : memref<79x128xi32, #tpu.memory_space<vmem>> -> memref<1x128xi32, #tpu.memory_space<vmem>>
      %dma_wait3A_108 = tpu.memref_squeeze %dma_wait3A_107 : memref<1x128xi32, #tpu.memory_space<vmem>> -> memref<128xi32, #tpu.memory_space<vmem>>
      %dma_wait3A_109 = arith.constant 0 : i32
      %dma_wait3A_110 = arith.constant 0 : i32
      %dma_wait3A_111 = tpu.memref_slice %arg2[%dma_wait3A_109, %dma_wait3A_110] : memref<10000x64xf32, #tpu.memory_space<hbm>> -> memref<10000x64xf32, #tpu.memory_space<hbm>>
      tpu.wait_indirect_dma semaphore(%arg17 : memref<!tpu.dma_semaphore, #tpu.memory_space<semaphore_mem>>) src(%dma_wait3A_111 : memref<10000x64xf32, #tpu.memory_space<hbm>>) dst(%arg10 : memref<128x64xf32, #tpu.memory_space<vmem>>)
      "tpu.region"() ({
        %run_scoped3A = tpu.sem_alloc : memref<!tpu.dma_semaphore, #tpu.memory_space<semaphore_mem>>
        %dma_start3A_182 = arith.constant 0 : i32
        %dma_start3A_183 = tpu.memref_slice %arg8[%add3A_105, %dma_start3A_182] : memref<79x128xi32, #tpu.memory_space<vmem>> -> memref<1x128xi32, #tpu.memory_space<vmem>>
        %dma_start3A_184 = tpu.memref_squeeze %dma_start3A_183 : memref<1x128xi32, #tpu.memory_space<vmem>> -> memref<128xi32, #tpu.memory_space<vmem>>
        %dma_start3A_185 = arith.constant 0 : i32
        %dma_start3A_186 = arith.constant 0 : i32
        %dma_start3A_187 = tpu.memref_slice %arg6[%dma_start3A_185, %dma_start3A_186] : memref<10000x64xf32, #tpu.memory_space<vmem_shared>> -> memref<10000x64xf32, #tpu.memory_space<vmem_shared>>
        tpu.enqueue_indirect_dma source(%arg10 : memref<128x64xf32, #tpu.memory_space<vmem>>) target(%dma_start3A_187 : memref<10000x64xf32, #tpu.memory_space<vmem_shared>>) offsets(%dma_start3A_184 : memref<128xi32, #tpu.memory_space<vmem>>) semaphore(%run_scoped3A : memref<!tpu.dma_semaphore, #tpu.memory_space<semaphore_mem>>) {add = true}
        %dma_wait3A_188 = arith.constant 0 : i32
        %dma_wait3A_189 = tpu.memref_slice %arg8[%add3A_105, %dma_wait3A_188] : memref<79x128xi32, #tpu.memory_space<vmem>> -> memref<1x128xi32, #tpu.memory_space<vmem>>
        %dma_wait3A_190 = tpu.memref_squeeze %dma_wait3A_189 : memref<1x128xi32, #tpu.memory_space<vmem>> -> memref<128xi32, #tpu.memory_space<vmem>>
        %dma_wait3A_191 = arith.constant 0 : i32
        %dma_wait3A_192 = arith.constant 0 : i32
        %dma_wait3A_193 = tpu.memref_slice %arg6[%dma_wait3A_191, %dma_wait3A_192] : memref<10000x64xf32, #tpu.memory_space<vmem_shared>> -> memref<10000x64xf32, #tpu.memory_space<vmem_shared>>
        tpu.wait_indirect_dma semaphore(%run_scoped3A : memref<!tpu.dma_semaphore, #tpu.memory_space<semaphore_mem>>) src(%arg10 : memref<128x64xf32, #tpu.memory_space<vmem>>) dst(%dma_wait3A_193 : memref<10000x64xf32, #tpu.memory_space<vmem_shared>>)
        tpu.yield
      }) : () -> ()
      %add3A_112 = arith.constant 6 : i32
      %add3A_113 = arith.addi %add3A_105, %add3A_112 : i32
      %lt3A_114 = arith.cmpi slt, %add3A_113, %add3A_27 : i32
      %convert_element_type3A_115 = arith.extui %lt3A_114 : i1 to i32
      %cond3A_116 = arith.constant 0 : i32
      %cond3A_117 = arith.cmpi ne, %convert_element_type3A_115, %cond3A_116 : i32
      scf.if %cond3A_117 {
        %add3A_182 = arith.constant 6 : i32
        %add3A_183 = arith.addi %add3A_105, %add3A_182 : i32
        %dma_start3A_184 = arith.constant 0 : i32
        %dma_start3A_185 = tpu.memref_slice %arg7[%add3A_183, %dma_start3A_184] : memref<79x128xi32, #tpu.memory_space<vmem>> -> memref<1x128xi32, #tpu.memory_space<vmem>>
        %dma_start3A_186 = tpu.memref_squeeze %dma_start3A_185 : memref<1x128xi32, #tpu.memory_space<vmem>> -> memref<128xi32, #tpu.memory_space<vmem>>
        %dma_start3A_187 = arith.constant 0 : i32
        %dma_start3A_188 = arith.constant 0 : i32
        %dma_start3A_189 = tpu.memref_slice %arg2[%dma_start3A_187, %dma_start3A_188] : memref<10000x64xf32, #tpu.memory_space<hbm>> -> memref<10000x64xf32, #tpu.memory_space<hbm>>
        tpu.enqueue_indirect_dma source(%dma_start3A_189 : memref<10000x64xf32, #tpu.memory_space<hbm>>) target(%arg10 : memref<128x64xf32, #tpu.memory_space<vmem>>) offsets(%dma_start3A_186 : memref<128xi32, #tpu.memory_space<vmem>>) semaphore(%arg17 : memref<!tpu.dma_semaphore, #tpu.memory_space<semaphore_mem>>)
      } else {
      }
      %mul3A_118 = arith.constant 6 : i32
      %mul3A_119 = arith.muli %mul3A_118, %scan3A_86 : i32
      %add3A_120 = arith.constant 2 : i32
      %add3A_121 = arith.addi %mul3A_119, %add3A_120 : i32
      %dma_wait3A_122 = arith.constant 0 : i32
      %dma_wait3A_123 = tpu.memref_slice %arg7[%add3A_121, %dma_wait3A_122] : memref<79x128xi32, #tpu.memory_space<vmem>> -> memref<1x128xi32, #tpu.memory_space<vmem>>
      %dma_wait3A_124 = tpu.memref_squeeze %dma_wait3A_123 : memref<1x128xi32, #tpu.memory_space<vmem>> -> memref<128xi32, #tpu.memory_space<vmem>>
      %dma_wait3A_125 = arith.constant 0 : i32
      %dma_wait3A_126 = arith.constant 0 : i32
      %dma_wait3A_127 = tpu.memref_slice %arg2[%dma_wait3A_125, %dma_wait3A_126] : memref<10000x64xf32, #tpu.memory_space<hbm>> -> memref<10000x64xf32, #tpu.memory_space<hbm>>
      tpu.wait_indirect_dma semaphore(%arg18 : memref<!tpu.dma_semaphore, #tpu.memory_space<semaphore_mem>>) src(%dma_wait3A_127 : memref<10000x64xf32, #tpu.memory_space<hbm>>) dst(%arg11 : memref<128x64xf32, #tpu.memory_space<vmem>>)
      "tpu.region"() ({
        %run_scoped3A = tpu.sem_alloc : memref<!tpu.dma_semaphore, #tpu.memory_space<semaphore_mem>>
        %dma_start3A_182 = arith.constant 0 : i32
        %dma_start3A_183 = tpu.memref_slice %arg8[%add3A_121, %dma_start3A_182] : memref<79x128xi32, #tpu.memory_space<vmem>> -> memref<1x128xi32, #tpu.memory_space<vmem>>
        %dma_start3A_184 = tpu.memref_squeeze %dma_start3A_183 : memref<1x128xi32, #tpu.memory_space<vmem>> -> memref<128xi32, #tpu.memory_space<vmem>>
        %dma_start3A_185 = arith.constant 0 : i32
        %dma_start3A_186 = arith.constant 0 : i32
        %dma_start3A_187 = tpu.memref_slice %arg6[%dma_start3A_185, %dma_start3A_186] : memref<10000x64xf32, #tpu.memory_space<vmem_shared>> -> memref<10000x64xf32, #tpu.memory_space<vmem_shared>>
        tpu.enqueue_indirect_dma source(%arg11 : memref<128x64xf32, #tpu.memory_space<vmem>>) target(%dma_start3A_187 : memref<10000x64xf32, #tpu.memory_space<vmem_shared>>) offsets(%dma_start3A_184 : memref<128xi32, #tpu.memory_space<vmem>>) semaphore(%run_scoped3A : memref<!tpu.dma_semaphore, #tpu.memory_space<semaphore_mem>>) {add = true}
        %dma_wait3A_188 = arith.constant 0 : i32
        %dma_wait3A_189 = tpu.memref_slice %arg8[%add3A_121, %dma_wait3A_188] : memref<79x128xi32, #tpu.memory_space<vmem>> -> memref<1x128xi32, #tpu.memory_space<vmem>>
        %dma_wait3A_190 = tpu.memref_squeeze %dma_wait3A_189 : memref<1x128xi32, #tpu.memory_space<vmem>> -> memref<128xi32, #tpu.memory_space<vmem>>
        %dma_wait3A_191 = arith.constant 0 : i32
        %dma_wait3A_192 = arith.constant 0 : i32
        %dma_wait3A_193 = tpu.memref_slice %arg6[%dma_wait3A_191, %dma_wait3A_192] : memref<10000x64xf32, #tpu.memory_space<vmem_shared>> -> memref<10000x64xf32, #tpu.memory_space<vmem_shared>>
        tpu.wait_indirect_dma semaphore(%run_scoped3A : memref<!tpu.dma_semaphore, #tpu.memory_space<semaphore_mem>>) src(%arg11 : memref<128x64xf32, #tpu.memory_space<vmem>>) dst(%dma_wait3A_193 : memref<10000x64xf32, #tpu.memory_space<vmem_shared>>)
        tpu.yield
      }) : () -> ()
      %add3A_128 = arith.constant 6 : i32
      %add3A_129 = arith.addi %add3A_121, %add3A_128 : i32
      %lt3A_130 = arith.cmpi slt, %add3A_129, %add3A_27 : i32
      %convert_element_type3A_131 = arith.extui %lt3A_130 : i1 to i32
      %cond3A_132 = arith.constant 0 : i32
      %cond3A_133 = arith.cmpi ne, %convert_element_type3A_131, %cond3A_132 : i32
      scf.if %cond3A_133 {
        %add3A_182 = arith.constant 6 : i32
        %add3A_183 = arith.addi %add3A_121, %add3A_182 : i32
        %dma_start3A_184 = arith.constant 0 : i32
        %dma_start3A_185 = tpu.memref_slice %arg7[%add3A_183, %dma_start3A_184] : memref<79x128xi32, #tpu.memory_space<vmem>> -> memref<1x128xi32, #tpu.memory_space<vmem>>
        %dma_start3A_186 = tpu.memref_squeeze %dma_start3A_185 : memref<1x128xi32, #tpu.memory_space<vmem>> -> memref<128xi32, #tpu.memory_space<vmem>>
        %dma_start3A_187 = arith.constant 0 : i32
        %dma_start3A_188 = arith.constant 0 : i32
        %dma_start3A_189 = tpu.memref_slice %arg2[%dma_start3A_187, %dma_start3A_188] : memref<10000x64xf32, #tpu.memory_space<hbm>> -> memref<10000x64xf32, #tpu.memory_space<hbm>>
        tpu.enqueue_indirect_dma source(%dma_start3A_189 : memref<10000x64xf32, #tpu.memory_space<hbm>>) target(%arg11 : memref<128x64xf32, #tpu.memory_space<vmem>>) offsets(%dma_start3A_186 : memref<128xi32, #tpu.memory_space<vmem>>) semaphore(%arg18 : memref<!tpu.dma_semaphore, #tpu.memory_space<semaphore_mem>>)
      } else {
      }
      %mul3A_134 = arith.constant 6 : i32
      %mul3A_135 = arith.muli %mul3A_134, %scan3A_86 : i32
      %add3A_136 = arith.constant 3 : i32
      %add3A_137 = arith.addi %mul3A_135, %add3A_136 : i32
      %dma_wait3A_138 = arith.constant 0 : i32
      %dma_wait3A_139 = tpu.memref_slice %arg7[%add3A_137, %dma_wait3A_138] : memref<79x128xi32, #tpu.memory_space<vmem>> -> memref<1x128xi32, #tpu.memory_space<vmem>>
      %dma_wait3A_140 = tpu.memref_squeeze %dma_wait3A_139 : memref<1x128xi32, #tpu.memory_space<vmem>> -> memref<128xi32, #tpu.memory_space<vmem>>
      %dma_wait3A_141 = arith.constant 0 : i32
      %dma_wait3A_142 = arith.constant 0 : i32
      %dma_wait3A_143 = tpu.memref_slice %arg2[%dma_wait3A_141, %dma_wait3A_142] : memref<10000x64xf32, #tpu.memory_space<hbm>> -> memref<10000x64xf32, #tpu.memory_space<hbm>>
      tpu.wait_indirect_dma semaphore(%arg19 : memref<!tpu.dma_semaphore, #tpu.memory_space<semaphore_mem>>) src(%dma_wait3A_143 : memref<10000x64xf32, #tpu.memory_space<hbm>>) dst(%arg12 : memref<128x64xf32, #tpu.memory_space<vmem>>)
      "tpu.region"() ({
        %run_scoped3A = tpu.sem_alloc : memref<!tpu.dma_semaphore, #tpu.memory_space<semaphore_mem>>
        %dma_start3A_182 = arith.constant 0 : i32
        %dma_start3A_183 = tpu.memref_slice %arg8[%add3A_137, %dma_start3A_182] : memref<79x128xi32, #tpu.memory_space<vmem>> -> memref<1x128xi32, #tpu.memory_space<vmem>>
        %dma_start3A_184 = tpu.memref_squeeze %dma_start3A_183 : memref<1x128xi32, #tpu.memory_space<vmem>> -> memref<128xi32, #tpu.memory_space<vmem>>
        %dma_start3A_185 = arith.constant 0 : i32
        %dma_start3A_186 = arith.constant 0 : i32
        %dma_start3A_187 = tpu.memref_slice %arg6[%dma_start3A_185, %dma_start3A_186] : memref<10000x64xf32, #tpu.memory_space<vmem_shared>> -> memref<10000x64xf32, #tpu.memory_space<vmem_shared>>
        tpu.enqueue_indirect_dma source(%arg12 : memref<128x64xf32, #tpu.memory_space<vmem>>) target(%dma_start3A_187 : memref<10000x64xf32, #tpu.memory_space<vmem_shared>>) offsets(%dma_start3A_184 : memref<128xi32, #tpu.memory_space<vmem>>) semaphore(%run_scoped3A : memref<!tpu.dma_semaphore, #tpu.memory_space<semaphore_mem>>) {add = true}
        %dma_wait3A_188 = arith.constant 0 : i32
        %dma_wait3A_189 = tpu.memref_slice %arg8[%add3A_137, %dma_wait3A_188] : memref<79x128xi32, #tpu.memory_space<vmem>> -> memref<1x128xi32, #tpu.memory_space<vmem>>
        %dma_wait3A_190 = tpu.memref_squeeze %dma_wait3A_189 : memref<1x128xi32, #tpu.memory_space<vmem>> -> memref<128xi32, #tpu.memory_space<vmem>>
        %dma_wait3A_191 = arith.constant 0 : i32
        %dma_wait3A_192 = arith.constant 0 : i32
        %dma_wait3A_193 = tpu.memref_slice %arg6[%dma_wait3A_191, %dma_wait3A_192] : memref<10000x64xf32, #tpu.memory_space<vmem_shared>> -> memref<10000x64xf32, #tpu.memory_space<vmem_shared>>
        tpu.wait_indirect_dma semaphore(%run_scoped3A : memref<!tpu.dma_semaphore, #tpu.memory_space<semaphore_mem>>) src(%arg12 : memref<128x64xf32, #tpu.memory_space<vmem>>) dst(%dma_wait3A_193 : memref<10000x64xf32, #tpu.memory_space<vmem_shared>>)
        tpu.yield
      }) : () -> ()
      %add3A_144 = arith.constant 6 : i32
      %add3A_145 = arith.addi %add3A_137, %add3A_144 : i32
      %lt3A_146 = arith.cmpi slt, %add3A_145, %add3A_27 : i32
      %convert_element_type3A_147 = arith.extui %lt3A_146 : i1 to i32
      %cond3A_148 = arith.constant 0 : i32
      %cond3A_149 = arith.cmpi ne, %convert_element_type3A_147, %cond3A_148 : i32
      scf.if %cond3A_149 {
        %add3A_182 = arith.constant 6 : i32
        %add3A_183 = arith.addi %add3A_137, %add3A_182 : i32
        %dma_start3A_184 = arith.constant 0 : i32
        %dma_start3A_185 = tpu.memref_slice %arg7[%add3A_183, %dma_start3A_184] : memref<79x128xi32, #tpu.memory_space<vmem>> -> memref<1x128xi32, #tpu.memory_space<vmem>>
        %dma_start3A_186 = tpu.memref_squeeze %dma_start3A_185 : memref<1x128xi32, #tpu.memory_space<vmem>> -> memref<128xi32, #tpu.memory_space<vmem>>
        %dma_start3A_187 = arith.constant 0 : i32
        %dma_start3A_188 = arith.constant 0 : i32
        %dma_start3A_189 = tpu.memref_slice %arg2[%dma_start3A_187, %dma_start3A_188] : memref<10000x64xf32, #tpu.memory_space<hbm>> -> memref<10000x64xf32, #tpu.memory_space<hbm>>
        tpu.enqueue_indirect_dma source(%dma_start3A_189 : memref<10000x64xf32, #tpu.memory_space<hbm>>) target(%arg12 : memref<128x64xf32, #tpu.memory_space<vmem>>) offsets(%dma_start3A_186 : memref<128xi32, #tpu.memory_space<vmem>>) semaphore(%arg19 : memref<!tpu.dma_semaphore, #tpu.memory_space<semaphore_mem>>)
      } else {
      }
      %mul3A_150 = arith.constant 6 : i32
      %mul3A_151 = arith.muli %mul3A_150, %scan3A_86 : i32
      %add3A_152 = arith.constant 4 : i32
      %add3A_153 = arith.addi %mul3A_151, %add3A_152 : i32
      %dma_wait3A_154 = arith.constant 0 : i32
      %dma_wait3A_155 = tpu.memref_slice %arg7[%add3A_153, %dma_wait3A_154] : memref<79x128xi32, #tpu.memory_space<vmem>> -> memref<1x128xi32, #tpu.memory_space<vmem>>
      %dma_wait3A_156 = tpu.memref_squeeze %dma_wait3A_155 : memref<1x128xi32, #tpu.memory_space<vmem>> -> memref<128xi32, #tpu.memory_space<vmem>>
      %dma_wait3A_157 = arith.constant 0 : i32
      %dma_wait3A_158 = arith.constant 0 : i32
      %dma_wait3A_159 = tpu.memref_slice %arg2[%dma_wait3A_157, %dma_wait3A_158] : memref<10000x64xf32, #tpu.memory_space<hbm>> -> memref<10000x64xf32, #tpu.memory_space<hbm>>
      tpu.wait_indirect_dma semaphore(%arg20 : memref<!tpu.dma_semaphore, #tpu.memory_space<semaphore_mem>>) src(%dma_wait3A_159 : memref<10000x64xf32, #tpu.memory_space<hbm>>) dst(%arg13 : memref<128x64xf32, #tpu.memory_space<vmem>>)
      "tpu.region"() ({
        %run_scoped3A = tpu.sem_alloc : memref<!tpu.dma_semaphore, #tpu.memory_space<semaphore_mem>>
        %dma_start3A_182 = arith.constant 0 : i32
        %dma_start3A_183 = tpu.memref_slice %arg8[%add3A_153, %dma_start3A_182] : memref<79x128xi32, #tpu.memory_space<vmem>> -> memref<1x128xi32, #tpu.memory_space<vmem>>
        %dma_start3A_184 = tpu.memref_squeeze %dma_start3A_183 : memref<1x128xi32, #tpu.memory_space<vmem>> -> memref<128xi32, #tpu.memory_space<vmem>>
        %dma_start3A_185 = arith.constant 0 : i32
        %dma_start3A_186 = arith.constant 0 : i32
        %dma_start3A_187 = tpu.memref_slice %arg6[%dma_start3A_185, %dma_start3A_186] : memref<10000x64xf32, #tpu.memory_space<vmem_shared>> -> memref<10000x64xf32, #tpu.memory_space<vmem_shared>>
        tpu.enqueue_indirect_dma source(%arg13 : memref<128x64xf32, #tpu.memory_space<vmem>>) target(%dma_start3A_187 : memref<10000x64xf32, #tpu.memory_space<vmem_shared>>) offsets(%dma_start3A_184 : memref<128xi32, #tpu.memory_space<vmem>>) semaphore(%run_scoped3A : memref<!tpu.dma_semaphore, #tpu.memory_space<semaphore_mem>>) {add = true}
        %dma_wait3A_188 = arith.constant 0 : i32
        %dma_wait3A_189 = tpu.memref_slice %arg8[%add3A_153, %dma_wait3A_188] : memref<79x128xi32, #tpu.memory_space<vmem>> -> memref<1x128xi32, #tpu.memory_space<vmem>>
        %dma_wait3A_190 = tpu.memref_squeeze %dma_wait3A_189 : memref<1x128xi32, #tpu.memory_space<vmem>> -> memref<128xi32, #tpu.memory_space<vmem>>
        %dma_wait3A_191 = arith.constant 0 : i32
        %dma_wait3A_192 = arith.constant 0 : i32
        %dma_wait3A_193 = tpu.memref_slice %arg6[%dma_wait3A_191, %dma_wait3A_192] : memref<10000x64xf32, #tpu.memory_space<vmem_shared>> -> memref<10000x64xf32, #tpu.memory_space<vmem_shared>>
        tpu.wait_indirect_dma semaphore(%run_scoped3A : memref<!tpu.dma_semaphore, #tpu.memory_space<semaphore_mem>>) src(%arg13 : memref<128x64xf32, #tpu.memory_space<vmem>>) dst(%dma_wait3A_193 : memref<10000x64xf32, #tpu.memory_space<vmem_shared>>)
        tpu.yield
      }) : () -> ()
      %add3A_160 = arith.constant 6 : i32
      %add3A_161 = arith.addi %add3A_153, %add3A_160 : i32
      %lt3A_162 = arith.cmpi slt, %add3A_161, %add3A_27 : i32
      %convert_element_type3A_163 = arith.extui %lt3A_162 : i1 to i32
      %cond3A_164 = arith.constant 0 : i32
      %cond3A_165 = arith.cmpi ne, %convert_element_type3A_163, %cond3A_164 : i32
      scf.if %cond3A_165 {
        %add3A_182 = arith.constant 6 : i32
        %add3A_183 = arith.addi %add3A_153, %add3A_182 : i32
        %dma_start3A_184 = arith.constant 0 : i32
        %dma_start3A_185 = tpu.memref_slice %arg7[%add3A_183, %dma_start3A_184] : memref<79x128xi32, #tpu.memory_space<vmem>> -> memref<1x128xi32, #tpu.memory_space<vmem>>
        %dma_start3A_186 = tpu.memref_squeeze %dma_start3A_185 : memref<1x128xi32, #tpu.memory_space<vmem>> -> memref<128xi32, #tpu.memory_space<vmem>>
        %dma_start3A_187 = arith.constant 0 : i32
        %dma_start3A_188 = arith.constant 0 : i32
        %dma_start3A_189 = tpu.memref_slice %arg2[%dma_start3A_187, %dma_start3A_188] : memref<10000x64xf32, #tpu.memory_space<hbm>> -> memref<10000x64xf32, #tpu.memory_space<hbm>>
        tpu.enqueue_indirect_dma source(%dma_start3A_189 : memref<10000x64xf32, #tpu.memory_space<hbm>>) target(%arg13 : memref<128x64xf32, #tpu.memory_space<vmem>>) offsets(%dma_start3A_186 : memref<128xi32, #tpu.memory_space<vmem>>) semaphore(%arg20 : memref<!tpu.dma_semaphore, #tpu.memory_space<semaphore_mem>>)
      } else {
      }
      %mul3A_166 = arith.constant 6 : i32
      %mul3A_167 = arith.muli %mul3A_166, %scan3A_86 : i32
      %add3A_168 = arith.constant 5 : i32
      %add3A_169 = arith.addi %mul3A_167, %add3A_168 : i32
      %dma_wait3A_170 = arith.constant 0 : i32
      %dma_wait3A_171 = tpu.memref_slice %arg7[%add3A_169, %dma_wait3A_170] : memref<79x128xi32, #tpu.memory_space<vmem>> -> memref<1x128xi32, #tpu.memory_space<vmem>>
      %dma_wait3A_172 = tpu.memref_squeeze %dma_wait3A_171 : memref<1x128xi32, #tpu.memory_space<vmem>> -> memref<128xi32, #tpu.memory_space<vmem>>
      %dma_wait3A_173 = arith.constant 0 : i32
      %dma_wait3A_174 = arith.constant 0 : i32
      %dma_wait3A_175 = tpu.memref_slice %arg2[%dma_wait3A_173, %dma_wait3A_174] : memref<10000x64xf32, #tpu.memory_space<hbm>> -> memref<10000x64xf32, #tpu.memory_space<hbm>>
      tpu.wait_indirect_dma semaphore(%arg21 : memref<!tpu.dma_semaphore, #tpu.memory_space<semaphore_mem>>) src(%dma_wait3A_175 : memref<10000x64xf32, #tpu.memory_space<hbm>>) dst(%arg14 : memref<128x64xf32, #tpu.memory_space<vmem>>)
      "tpu.region"() ({
        %run_scoped3A = tpu.sem_alloc : memref<!tpu.dma_semaphore, #tpu.memory_space<semaphore_mem>>
        %dma_start3A_182 = arith.constant 0 : i32
        %dma_start3A_183 = tpu.memref_slice %arg8[%add3A_169, %dma_start3A_182] : memref<79x128xi32, #tpu.memory_space<vmem>> -> memref<1x128xi32, #tpu.memory_space<vmem>>
        %dma_start3A_184 = tpu.memref_squeeze %dma_start3A_183 : memref<1x128xi32, #tpu.memory_space<vmem>> -> memref<128xi32, #tpu.memory_space<vmem>>
        %dma_start3A_185 = arith.constant 0 : i32
        %dma_start3A_186 = arith.constant 0 : i32
        %dma_start3A_187 = tpu.memref_slice %arg6[%dma_start3A_185, %dma_start3A_186] : memref<10000x64xf32, #tpu.memory_space<vmem_shared>> -> memref<10000x64xf32, #tpu.memory_space<vmem_shared>>
        tpu.enqueue_indirect_dma source(%arg14 : memref<128x64xf32, #tpu.memory_space<vmem>>) target(%dma_start3A_187 : memref<10000x64xf32, #tpu.memory_space<vmem_shared>>) offsets(%dma_start3A_184 : memref<128xi32, #tpu.memory_space<vmem>>) semaphore(%run_scoped3A : memref<!tpu.dma_semaphore, #tpu.memory_space<semaphore_mem>>) {add = true}
        %dma_wait3A_188 = arith.constant 0 : i32
        %dma_wait3A_189 = tpu.memref_slice %arg8[%add3A_169, %dma_wait3A_188] : memref<79x128xi32, #tpu.memory_space<vmem>> -> memref<1x128xi32, #tpu.memory_space<vmem>>
        %dma_wait3A_190 = tpu.memref_squeeze %dma_wait3A_189 : memref<1x128xi32, #tpu.memory_space<vmem>> -> memref<128xi32, #tpu.memory_space<vmem>>
        %dma_wait3A_191 = arith.constant 0 : i32
        %dma_wait3A_192 = arith.constant 0 : i32
        %dma_wait3A_193 = tpu.memref_slice %arg6[%dma_wait3A_191, %dma_wait3A_192] : memref<10000x64xf32, #tpu.memory_space<vmem_shared>> -> memref<10000x64xf32, #tpu.memory_space<vmem_shared>>
        tpu.wait_indirect_dma semaphore(%run_scoped3A : memref<!tpu.dma_semaphore, #tpu.memory_space<semaphore_mem>>) src(%arg14 : memref<128x64xf32, #tpu.memory_space<vmem>>) dst(%dma_wait3A_193 : memref<10000x64xf32, #tpu.memory_space<vmem_shared>>)
        tpu.yield
      }) : () -> ()
      %add3A_176 = arith.constant 6 : i32
      %add3A_177 = arith.addi %add3A_169, %add3A_176 : i32
      %lt3A_178 = arith.cmpi slt, %add3A_177, %add3A_27 : i32
      %convert_element_type3A_179 = arith.extui %lt3A_178 : i1 to i32
      %cond3A_180 = arith.constant 0 : i32
      %cond3A_181 = arith.cmpi ne, %convert_element_type3A_179, %cond3A_180 : i32
      scf.if %cond3A_181 {
        %add3A_182 = arith.constant 6 : i32
        %add3A_183 = arith.addi %add3A_169, %add3A_182 : i32
        %dma_start3A_184 = arith.constant 0 : i32
        %dma_start3A_185 = tpu.memref_slice %arg7[%add3A_183, %dma_start3A_184] : memref<79x128xi32, #tpu.memory_space<vmem>> -> memref<1x128xi32, #tpu.memory_space<vmem>>
        %dma_start3A_186 = tpu.memref_squeeze %dma_start3A_185 : memref<1x128xi32, #tpu.memory_space<vmem>> -> memref<128xi32, #tpu.memory_space<vmem>>
        %dma_start3A_187 = arith.constant 0 : i32
        %dma_start3A_188 = arith.constant 0 : i32
        %dma_start3A_189 = tpu.memref_slice %arg2[%dma_start3A_187, %dma_start3A_188] : memref<10000x64xf32, #tpu.memory_space<hbm>> -> memref<10000x64xf32, #tpu.memory_space<hbm>>
        tpu.enqueue_indirect_dma source(%dma_start3A_189 : memref<10000x64xf32, #tpu.memory_space<hbm>>) target(%arg14 : memref<128x64xf32, #tpu.memory_space<vmem>>) offsets(%dma_start3A_186 : memref<128xi32, #tpu.memory_space<vmem>>) semaphore(%arg21 : memref<!tpu.dma_semaphore, #tpu.memory_space<semaphore_mem>>)
      } else {
      }
    }
    %scan3A_74 = arith.constant 13 : i32
    %convert_element_type3A_75 = arith.extui %lt3A_17 : i1 to i32
    %cond3A_76 = arith.constant 0 : i32
    %cond3A_77 = arith.cmpi ne, %convert_element_type3A_75, %cond3A_76 : i32
    scf.if %cond3A_77 {
      %dma_wait3A = arith.constant 78 : i32
      %dma_wait3A_86 = arith.constant 0 : i32
      %dma_wait3A_87 = tpu.memref_slice %arg7[%dma_wait3A, %dma_wait3A_86] : memref<79x128xi32, #tpu.memory_space<vmem>> -> memref<1x128xi32, #tpu.memory_space<vmem>>
      %dma_wait3A_88 = tpu.memref_squeeze %dma_wait3A_87 : memref<1x128xi32, #tpu.memory_space<vmem>> -> memref<128xi32, #tpu.memory_space<vmem>>
      %dma_wait3A_89 = arith.constant 0 : i32
      %dma_wait3A_90 = arith.constant 0 : i32
      %dma_wait3A_91 = tpu.memref_slice %arg2[%dma_wait3A_89, %dma_wait3A_90] : memref<10000x64xf32, #tpu.memory_space<hbm>> -> memref<10000x64xf32, #tpu.memory_space<hbm>>
      tpu.wait_indirect_dma semaphore(%arg16 : memref<!tpu.dma_semaphore, #tpu.memory_space<semaphore_mem>>) src(%dma_wait3A_91 : memref<10000x64xf32, #tpu.memory_space<hbm>>) dst(%arg9 : memref<128x64xf32, #tpu.memory_space<vmem>>)
      %run_scoped3A = arith.constant 78 : i32
      "tpu.region"() ({
        %run_scoped3A_92 = tpu.sem_alloc : memref<!tpu.dma_semaphore, #tpu.memory_space<semaphore_mem>>
        %dma_start3A_93 = arith.constant 0 : i32
        %dma_start3A_94 = tpu.memref_slice %arg8[%run_scoped3A, %dma_start3A_93] : memref<79x128xi32, #tpu.memory_space<vmem>> -> memref<1x128xi32, #tpu.memory_space<vmem>>
        %dma_start3A_95 = tpu.memref_squeeze %dma_start3A_94 : memref<1x128xi32, #tpu.memory_space<vmem>> -> memref<128xi32, #tpu.memory_space<vmem>>
        %dma_start3A_96 = arith.constant 0 : i32
        %dma_start3A_97 = arith.constant 0 : i32
        %dma_start3A_98 = tpu.memref_slice %arg6[%dma_start3A_96, %dma_start3A_97] : memref<10000x64xf32, #tpu.memory_space<vmem_shared>> -> memref<10000x64xf32, #tpu.memory_space<vmem_shared>>
        tpu.enqueue_indirect_dma source(%arg9 : memref<128x64xf32, #tpu.memory_space<vmem>>) target(%dma_start3A_98 : memref<10000x64xf32, #tpu.memory_space<vmem_shared>>) offsets(%dma_start3A_95 : memref<128xi32, #tpu.memory_space<vmem>>) semaphore(%run_scoped3A_92 : memref<!tpu.dma_semaphore, #tpu.memory_space<semaphore_mem>>) {add = true}
        %dma_wait3A_99 = arith.constant 0 : i32
        %dma_wait3A_100 = tpu.memref_slice %arg8[%run_scoped3A, %dma_wait3A_99] : memref<79x128xi32, #tpu.memory_space<vmem>> -> memref<1x128xi32, #tpu.memory_space<vmem>>
        %dma_wait3A_101 = tpu.memref_squeeze %dma_wait3A_100 : memref<1x128xi32, #tpu.memory_space<vmem>> -> memref<128xi32, #tpu.memory_space<vmem>>
        %dma_wait3A_102 = arith.constant 0 : i32
        %dma_wait3A_103 = arith.constant 0 : i32
        %dma_wait3A_104 = tpu.memref_slice %arg6[%dma_wait3A_102, %dma_wait3A_103] : memref<10000x64xf32, #tpu.memory_space<vmem_shared>> -> memref<10000x64xf32, #tpu.memory_space<vmem_shared>>
        tpu.wait_indirect_dma semaphore(%run_scoped3A_92 : memref<!tpu.dma_semaphore, #tpu.memory_space<semaphore_mem>>) src(%arg9 : memref<128x64xf32, #tpu.memory_space<vmem>>) dst(%dma_wait3A_104 : memref<10000x64xf32, #tpu.memory_space<vmem_shared>>)
        tpu.yield
      }) : () -> ()
    } else {
    }
    %barrier3A_78 = arith.constant 0 : index
    tpu.barrier barrier_id(%barrier3A_78)
    %mul3A_79 = arith.constant 625 : i32
    %mul3A_80 = arith.muli %arg1, %mul3A_79 : i32
    %mul3A_81 = arith.constant 10000 : i32
    %mul3A_82 = arith.muli %arg0, %mul3A_81 : i32
    %mul3A_83 = arith.constant 625 : i32
    %mul3A_84 = arith.muli %arg1, %mul3A_83 : i32
    %add3A_85 = arith.addi %mul3A_82, %mul3A_84 : i32
    "tpu.region"() ({
      %run_scoped3A = tpu.sem_alloc : memref<!tpu.dma_semaphore, #tpu.memory_space<semaphore_mem>>
      %dma_start3A_86 = arith.constant 0 : i32
      %dma_start3A_87 = tpu.memref_slice %arg5[%add3A_85, %dma_start3A_86] : memref<20000x64xf32, #tpu.memory_space<hbm>> -> memref<625x64xf32, #tpu.memory_space<hbm>>
      %dma_start3A_88 = arith.constant 0 : i32
      %dma_start3A_89 = tpu.memref_slice %arg6[%mul3A_80, %dma_start3A_88] : memref<10000x64xf32, #tpu.memory_space<vmem_shared>> -> memref<625x64xf32, #tpu.memory_space<vmem_shared>>
      tpu.enqueue_dma source(%dma_start3A_89 : memref<625x64xf32, #tpu.memory_space<vmem_shared>>) target(%dma_start3A_87 : memref<625x64xf32, #tpu.memory_space<hbm>>) target_semaphore(%run_scoped3A : memref<!tpu.dma_semaphore, #tpu.memory_space<semaphore_mem>>)
      %dma_wait3A = arith.constant 0 : i32
      %dma_wait3A_90 = tpu.memref_slice %arg5[%add3A_85, %dma_wait3A] : memref<20000x64xf32, #tpu.memory_space<hbm>> -> memref<625x64xf32, #tpu.memory_space<hbm>>
      %dma_wait3A_91 = arith.constant 0 : i32
      %dma_wait3A_92 = tpu.memref_slice %arg6[%mul3A_80, %dma_wait3A_91] : memref<10000x64xf32, #tpu.memory_space<vmem_shared>> -> memref<625x64xf32, #tpu.memory_space<vmem_shared>>
      tpu.wait_dma2 semaphore(%run_scoped3A : memref<!tpu.dma_semaphore, #tpu.memory_space<semaphore_mem>>) src(%dma_wait3A_92 : memref<625x64xf32, #tpu.memory_space<vmem_shared>>) dst(%dma_wait3A_90 : memref<625x64xf32, #tpu.memory_space<hbm>>)
      tpu.yield
    }) : () -> ()
    return
  }
}

module attributes {stable_mosaic.version = 14 : i64} {
  func.func @_mm_body(%arg0: memref<10000x128xf32, #tpu.memory_space<vmem>>, %arg1: memref<128x128xf32, #tpu.memory_space<vmem>>, %arg2: memref<10000x128xf32, #tpu.memory_space<vmem>>) attributes {dimension_semantics = [], scalar_prefetch = 0 : i64, scratch_operands = 0 : i64, tpu.core_type = #tpu.core_type<tc>} {
    %get3A = arith.constant 0 : index
    %get3A_0 = arith.constant 0 : index
    %get3A_1 = vector.load %arg0[%get3A, %get3A_0] : memref<10000x128xf32, #tpu.memory_space<vmem>>, vector<10000x128xf32>
    %get3A_2 = arith.constant 0 : index
    %get3A_3 = arith.constant 0 : index
    %get3A_4 = vector.load %arg1[%get3A_2, %get3A_3] : memref<128x128xf32, #tpu.memory_space<vmem>>, vector<128x128xf32>
    %dot_general3A = arith.constant dense<0.000000e+00> : vector<10000x128xf32>
    %dot_general3A_5 = tpu.matmul %get3A_1, %get3A_4, %dot_general3A {dimension_numbers = #tpu.dot_dimension_numbers<[1], [0], [0], [1], [0, 0, 1, 1], [], []>, transpose_lhs_hint = false} : vector<10000x128xf32>, vector<128x128xf32>, vector<10000x128xf32> -> vector<10000x128xf32>
    %swap3A = arith.constant 0 : index
    %swap3A_6 = arith.constant 0 : index
    %swap3A_7 = vector.load %arg2[%swap3A, %swap3A_6] : memref<10000x128xf32, #tpu.memory_space<vmem>>, vector<10000x128xf32>
    tpu.vector_store %arg2[%swap3A, %swap3A_6], %dot_general3A_5 {strides = array<i32>} : memref<10000x128xf32, #tpu.memory_space<vmem>>, vector<10000x128xf32>,
    return
  }
}

module attributes {stable_mosaic.version = 14 : i64} {
  func.func @_scale_body(%arg0: memref<10000x128xf32, #tpu.memory_space<vmem>>, %arg1: memref<2x10000x16xf32, #tpu.memory_space<vmem>>, %arg2: memref<10000x128xf32, #tpu.memory_space<vmem>>, %arg3: memref<10000x16xf32, #tpu.memory_space<vmem>>) attributes {dimension_semantics = [], scalar_prefetch = 0 : i64, scratch_operands = 0 : i64, tpu.core_type = #tpu.core_type<tc>} {
    %get3A = arith.constant 0 : index
    %get3A_0 = arith.constant 0 : index
    %get3A_1 = arith.constant 0 : index
    %get3A_2 = vector.load %arg1[%get3A, %get3A_0, %get3A_1] : memref<2x10000x16xf32, #tpu.memory_space<vmem>>, vector<2x10000x16xf32>
    %slice3A = vector.extract_strided_slice %get3A_2 {offsets = [0, 0, 0], sizes = [1, 10000, 16], strides = [1, 1, 1]} : vector<2x10000x16xf32> to vector<1x10000x16xf32>
    %squeeze3A = vector.shape_cast %slice3A : vector<1x10000x16xf32> to vector<10000x16xf32>
    %slice3A_3 = vector.extract_strided_slice %get3A_2 {offsets = [1, 0, 0], sizes = [1, 10000, 16], strides = [1, 1, 1]} : vector<2x10000x16xf32> to vector<1x10000x16xf32>
    %squeeze3A_4 = vector.shape_cast %slice3A_3 : vector<1x10000x16xf32> to vector<10000x16xf32>
    %add3A = arith.addf %squeeze3A, %squeeze3A_4 : vector<10000x16xf32>
    %add3A_5 = arith.constant 1.000000e+00 : f32
    %add3A_6 = vector.broadcast %add3A_5 : f32 to vector<10000x16xf32>
    %add3A_7 = arith.addf %add3A, %add3A_6 : vector<10000x16xf32>
    %max3A = arith.constant 1.000000e+00 : f32
    %max3A_8 = vector.broadcast %max3A : f32 to vector<10000x16xf32>
    %max3A_9 = arith.maximumf %add3A_7, %max3A_8 : vector<10000x16xf32>
    %rsqrt3A = math.rsqrt %max3A_9 : vector<10000x16xf32>
    %swap3A = arith.constant 0 : index
    %swap3A_10 = arith.constant 0 : index
    %swap3A_11 = vector.load %arg3[%swap3A, %swap3A_10] : memref<10000x16xf32, #tpu.memory_space<vmem>>, vector<10000x16xf32>
    tpu.vector_store %arg3[%swap3A, %swap3A_10], %rsqrt3A {strides = array<i32>} : memref<10000x16xf32, #tpu.memory_space<vmem>>, vector<10000x16xf32>,
    %get3A_12 = arith.constant 0 : index
    %get3A_13 = arith.constant 0 : index
    %get3A_14 = vector.load %arg0[%get3A_12, %get3A_13] : memref<10000x128xf32, #tpu.memory_space<vmem>>, vector<10000x128xf32>
    %slice3A_15 = vector.extract_strided_slice %rsqrt3A {offsets = [0, 0], sizes = [10000, 1], strides = [1, 1]} : vector<10000x16xf32> to vector<10000x1xf32>
    %mul3A = vector.broadcast %slice3A_15 : vector<10000x1xf32> to vector<10000x128xf32>
    %mul3A_16 = arith.mulf %get3A_14, %mul3A : vector<10000x128xf32>
    %swap3A_17 = arith.constant 0 : index
    %swap3A_18 = arith.constant 0 : index
    %swap3A_19 = vector.load %arg2[%swap3A_17, %swap3A_18] : memref<10000x128xf32, #tpu.memory_space<vmem>>, vector<10000x128xf32>
    tpu.vector_store %arg2[%swap3A_17, %swap3A_18], %mul3A_16 {strides = array<i32>} : memref<10000x128xf32, #tpu.memory_space<vmem>>, vector<10000x128xf32>,
    return
  }
}

module attributes {stable_mosaic.version = 14 : i64} {
  func.func @_mid1_body(%arg0: memref<2x10000x128xf32, #tpu.memory_space<vmem>>, %arg1: memref<10000x128xf32, #tpu.memory_space<vmem>>, %arg2: memref<10000x16xf32, #tpu.memory_space<vmem>>, %arg3: memref<1x128xf32, #tpu.memory_space<vmem>>, %arg4: memref<128x64xf32, #tpu.memory_space<vmem>>, %arg5: memref<5000x128xf32, #tpu.memory_space<vmem>>) attributes {dimension_semantics = [], scalar_prefetch = 0 : i64, scratch_operands = 0 : i64, tpu.core_type = #tpu.core_type<tc>} {
    %get3A = arith.constant 0 : index
    %get3A_0 = arith.constant 0 : index
    %get3A_1 = vector.load %arg2[%get3A, %get3A_0] : memref<10000x16xf32, #tpu.memory_space<vmem>>, vector<10000x16xf32>
    %slice3A = vector.extract_strided_slice %get3A_1 {offsets = [0, 0], sizes = [10000, 1], strides = [1, 1]} : vector<10000x16xf32> to vector<10000x1xf32>
    %get3A_2 = arith.constant 0 : index
    %get3A_3 = arith.constant 0 : index
    %get3A_4 = arith.constant 0 : index
    %get3A_5 = vector.load %arg0[%get3A_2, %get3A_3, %get3A_4] : memref<2x10000x128xf32, #tpu.memory_space<vmem>>, vector<2x10000x128xf32>
    %slice3A_6 = vector.extract_strided_slice %get3A_5 {offsets = [0, 0, 0], sizes = [1, 10000, 128], strides = [1, 1, 1]} : vector<2x10000x128xf32> to vector<1x10000x128xf32>
    %squeeze3A = vector.shape_cast %slice3A_6 : vector<1x10000x128xf32> to vector<10000x128xf32>
    %slice3A_7 = vector.extract_strided_slice %get3A_5 {offsets = [1, 0, 0], sizes = [1, 10000, 128], strides = [1, 1, 1]} : vector<2x10000x128xf32> to vector<1x10000x128xf32>
    %squeeze3A_8 = vector.shape_cast %slice3A_7 : vector<1x10000x128xf32> to vector<10000x128xf32>
    %add3A = arith.addf %squeeze3A, %squeeze3A_8 : vector<10000x128xf32>
    %get3A_9 = arith.constant 0 : index
    %get3A_10 = arith.constant 0 : index
    %get3A_11 = vector.load %arg1[%get3A_9, %get3A_10] : memref<10000x128xf32, #tpu.memory_space<vmem>>, vector<10000x128xf32>
    %add3A_12 = arith.addf %add3A, %get3A_11 : vector<10000x128xf32>
    %mul3A = vector.broadcast %slice3A : vector<10000x1xf32> to vector<10000x128xf32>
    %mul3A_13 = arith.mulf %mul3A, %add3A_12 : vector<10000x128xf32>
    %get3A_14 = arith.constant 0 : index
    %get3A_15 = arith.constant 0 : index
    %get3A_16 = vector.load %arg3[%get3A_14, %get3A_15] : memref<1x128xf32, #tpu.memory_space<vmem>>, vector<1x128xf32>
    %add3A_17 = vector.broadcast %get3A_16 : vector<1x128xf32> to vector<10000x128xf32>
    %add3A_18 = arith.addf %mul3A_13, %add3A_17 : vector<10000x128xf32>
    %max3A = arith.constant 0.000000e+00 : f32
    %max3A_19 = vector.broadcast %max3A : f32 to vector<10000x128xf32>
    %max3A_20 = arith.maximumf %add3A_18, %max3A_19 : vector<10000x128xf32>
    %get3A_21 = arith.constant 0 : index
    %get3A_22 = arith.constant 0 : index
    %get3A_23 = vector.load %arg4[%get3A_21, %get3A_22] : memref<128x64xf32, #tpu.memory_space<vmem>>, vector<128x64xf32>
    %slice3A_24 = vector.extract_strided_slice %max3A_20 {offsets = [0, 0], sizes = [5000, 128], strides = [1, 1]} : vector<10000x128xf32> to vector<5000x128xf32>
    %dot_general3A = arith.constant dense<0.000000e+00> : vector<5000x64xf32>
    %dot_general3A_25 = tpu.matmul %slice3A_24, %get3A_23, %dot_general3A {dimension_numbers = #tpu.dot_dimension_numbers<[1], [0], [0], [1], [0, 0, 1, 1], [], []>, transpose_lhs_hint = false} : vector<5000x128xf32>, vector<128x64xf32>, vector<5000x64xf32> -> vector<5000x64xf32>
    %slice3A_26 = vector.extract_strided_slice %slice3A {offsets = [0, 0], sizes = [5000, 1], strides = [1, 1]} : vector<10000x1xf32> to vector<5000x1xf32>
    %mul3A_27 = vector.broadcast %slice3A_26 : vector<5000x1xf32> to vector<5000x64xf32>
    %mul3A_28 = arith.mulf %dot_general3A_25, %mul3A_27 : vector<5000x64xf32>
    %slice3A_29 = vector.extract_strided_slice %max3A_20 {offsets = [5000, 0], sizes = [5000, 128], strides = [1, 1]} : vector<10000x128xf32> to vector<5000x128xf32>
    %dot_general3A_30 = arith.constant dense<0.000000e+00> : vector<5000x64xf32>
    %dot_general3A_31 = tpu.matmul %slice3A_29, %get3A_23, %dot_general3A_30 {dimension_numbers = #tpu.dot_dimension_numbers<[1], [0], [0], [1], [0, 0, 1, 1], [], []>, transpose_lhs_hint = false} : vector<5000x128xf32>, vector<128x64xf32>, vector<5000x64xf32> -> vector<5000x64xf32>
    %slice3A_32 = vector.extract_strided_slice %slice3A {offsets = [5000, 0], sizes = [5000, 1], strides = [1, 1]} : vector<10000x1xf32> to vector<5000x1xf32>
    %mul3A_33 = vector.broadcast %slice3A_32 : vector<5000x1xf32> to vector<5000x64xf32>
    %mul3A_34 = arith.mulf %dot_general3A_31, %mul3A_33 : vector<5000x64xf32>
    %concatenate3A = tpu.concatenate %mul3A_28, %mul3A_34 in 1 : vector<5000x64xf32>, vector<5000x64xf32> -> vector<5000x128xf32>
    %swap3A = arith.constant 0 : index
    %swap3A_35 = arith.constant 0 : index
    %swap3A_36 = vector.load %arg5[%swap3A, %swap3A_35] : memref<5000x128xf32, #tpu.memory_space<vmem>>, vector<5000x128xf32>
    tpu.vector_store %arg5[%swap3A, %swap3A_35], %concatenate3A {strides = array<i32>} : memref<5000x128xf32, #tpu.memory_space<vmem>>, vector<5000x128xf32>,
    return
  }
}

module attributes {stable_mosaic.version = 14 : i64} {
  func.func @_mid2_body(%arg0: memref<2x5000x128xf32, #tpu.memory_space<vmem>>, %arg1: memref<5000x128xf32, #tpu.memory_space<vmem>>, %arg2: memref<10000x16xf32, #tpu.memory_space<vmem>>, %arg3: memref<1x64xf32, #tpu.memory_space<vmem>>, %arg4: memref<64x32xf32, #tpu.memory_space<vmem>>, %arg5: memref<2500x128xf32, #tpu.memory_space<vmem>>) attributes {dimension_semantics = [], scalar_prefetch = 0 : i64, scratch_operands = 0 : i64, tpu.core_type = #tpu.core_type<tc>} {
    %get3A = arith.constant 0 : index
    %get3A_0 = arith.constant 0 : index
    %get3A_1 = vector.load %arg2[%get3A, %get3A_0] : memref<10000x16xf32, #tpu.memory_space<vmem>>, vector<10000x16xf32>
    %slice3A = vector.extract_strided_slice %get3A_1 {offsets = [0, 0], sizes = [10000, 1], strides = [1, 1]} : vector<10000x16xf32> to vector<10000x1xf32>
    %broadcast_in_dim3A = arith.constant 1.000000e+00 : f32
    %broadcast_in_dim3A_2 = vector.broadcast %broadcast_in_dim3A : f32 to vector<1x64xf32>
    %slice3A_3 = vector.extract_strided_slice %slice3A {offsets = [0, 0], sizes = [5000, 1], strides = [1, 1]} : vector<10000x1xf32> to vector<5000x1xf32>
    %mul3A = vector.broadcast %slice3A_3 : vector<5000x1xf32> to vector<5000x64xf32>
    %mul3A_4 = vector.broadcast %broadcast_in_dim3A_2 : vector<1x64xf32> to vector<5000x64xf32>
    %mul3A_5 = arith.mulf %mul3A, %mul3A_4 : vector<5000x64xf32>
    %slice3A_6 = vector.extract_strided_slice %slice3A {offsets = [5000, 0], sizes = [5000, 1], strides = [1, 1]} : vector<10000x1xf32> to vector<5000x1xf32>
    %mul3A_7 = vector.broadcast %slice3A_6 : vector<5000x1xf32> to vector<5000x64xf32>
    %mul3A_8 = vector.broadcast %broadcast_in_dim3A_2 : vector<1x64xf32> to vector<5000x64xf32>
    %mul3A_9 = arith.mulf %mul3A_7, %mul3A_8 : vector<5000x64xf32>
    %concatenate3A = tpu.concatenate %mul3A_5, %mul3A_9 in 1 : vector<5000x64xf32>, vector<5000x64xf32> -> vector<5000x128xf32>
    %get3A_10 = arith.constant 0 : index
    %get3A_11 = arith.constant 0 : index
    %get3A_12 = arith.constant 0 : index
    %get3A_13 = vector.load %arg0[%get3A_10, %get3A_11, %get3A_12] : memref<2x5000x128xf32, #tpu.memory_space<vmem>>, vector<2x5000x128xf32>
    %get3A_14 = arith.constant 0 : index
    %get3A_15 = arith.constant 0 : index
    %get3A_16 = vector.load %arg3[%get3A_14, %get3A_15] : memref<1x64xf32, #tpu.memory_space<vmem>>, vector<1x64xf32>
    %concatenate3A_17 = tpu.concatenate %get3A_16, %get3A_16 in 1 : vector<1x64xf32>, vector<1x64xf32> -> vector<1x128xf32>
    %slice3A_18 = vector.extract_strided_slice %get3A_13 {offsets = [0, 0, 0], sizes = [1, 5000, 128], strides = [1, 1, 1]} : vector<2x5000x128xf32> to vector<1x5000x128xf32>
    %squeeze3A = vector.shape_cast %slice3A_18 : vector<1x5000x128xf32> to vector<5000x128xf32>
    %slice3A_19 = vector.extract_strided_slice %get3A_13 {offsets = [1, 0, 0], sizes = [1, 5000, 128], strides = [1, 1, 1]} : vector<2x5000x128xf32> to vector<1x5000x128xf32>
    %squeeze3A_20 = vector.shape_cast %slice3A_19 : vector<1x5000x128xf32> to vector<5000x128xf32>
    %add3A = arith.addf %squeeze3A, %squeeze3A_20 : vector<5000x128xf32>
    %get3A_21 = arith.constant 0 : index
    %get3A_22 = arith.constant 0 : index
    %get3A_23 = vector.load %arg1[%get3A_21, %get3A_22] : memref<5000x128xf32, #tpu.memory_space<vmem>>, vector<5000x128xf32>
    %add3A_24 = arith.addf %add3A, %get3A_23 : vector<5000x128xf32>
    %mul3A_25 = arith.mulf %concatenate3A, %add3A_24 : vector<5000x128xf32>
    %add3A_26 = vector.broadcast %concatenate3A_17 : vector<1x128xf32> to vector<5000x128xf32>
    %add3A_27 = arith.addf %mul3A_25, %add3A_26 : vector<5000x128xf32>
    %max3A = arith.constant 0.000000e+00 : f32
    %max3A_28 = vector.broadcast %max3A : f32 to vector<5000x128xf32>
    %max3A_29 = arith.maximumf %add3A_27, %max3A_28 : vector<5000x128xf32>
    %get3A_30 = arith.constant 0 : index
    %get3A_31 = arith.constant 0 : index
    %get3A_32 = vector.load %arg4[%get3A_30, %get3A_31] : memref<64x32xf32, #tpu.memory_space<vmem>>, vector<64x32xf32>
    %slice3A_33 = vector.extract_strided_slice %max3A_29 {offsets = [0, 0], sizes = [2500, 64], strides = [1, 1]} : vector<5000x128xf32> to vector<2500x64xf32>
    %slice3A_34 = vector.extract_strided_slice %max3A_29 {offsets = [2500, 0], sizes = [2500, 64], strides = [1, 1]} : vector<5000x128xf32> to vector<2500x64xf32>
    %slice3A_35 = vector.extract_strided_slice %max3A_29 {offsets = [0, 64], sizes = [2500, 64], strides = [1, 1]} : vector<5000x128xf32> to vector<2500x64xf32>
    %slice3A_36 = vector.extract_strided_slice %max3A_29 {offsets = [2500, 64], sizes = [2500, 64], strides = [1, 1]} : vector<5000x128xf32> to vector<2500x64xf32>
    %dot_general3A = arith.constant dense<0.000000e+00> : vector<2500x32xf32>
    %dot_general3A_37 = tpu.matmul %slice3A_33, %get3A_32, %dot_general3A {dimension_numbers = #tpu.dot_dimension_numbers<[1], [0], [0], [1], [0, 0, 1, 1], [], []>, transpose_lhs_hint = false} : vector<2500x64xf32>, vector<64x32xf32>, vector<2500x32xf32> -> vector<2500x32xf32>
    %slice3A_38 = vector.extract_strided_slice %slice3A {offsets = [0, 0], sizes = [2500, 1], strides = [1, 1]} : vector<10000x1xf32> to vector<2500x1xf32>
    %mul3A_39 = vector.broadcast %slice3A_38 : vector<2500x1xf32> to vector<2500x32xf32>
    %mul3A_40 = arith.mulf %dot_general3A_37, %mul3A_39 : vector<2500x32xf32>
    %dot_general3A_41 = arith.constant dense<0.000000e+00> : vector<2500x32xf32>
    %dot_general3A_42 = tpu.matmul %slice3A_34, %get3A_32, %dot_general3A_41 {dimension_numbers = #tpu.dot_dimension_numbers<[1], [0], [0], [1], [0, 0, 1, 1], [], []>, transpose_lhs_hint = false} : vector<2500x64xf32>, vector<64x32xf32>, vector<2500x32xf32> -> vector<2500x32xf32>
    %slice3A_43 = vector.extract_strided_slice %slice3A {offsets = [2500, 0], sizes = [2500, 1], strides = [1, 1]} : vector<10000x1xf32> to vector<2500x1xf32>
    %mul3A_44 = vector.broadcast %slice3A_43 : vector<2500x1xf32> to vector<2500x32xf32>
    %mul3A_45 = arith.mulf %dot_general3A_42, %mul3A_44 : vector<2500x32xf32>
    %dot_general3A_46 = arith.constant dense<0.000000e+00> : vector<2500x32xf32>
    %dot_general3A_47 = tpu.matmul %slice3A_35, %get3A_32, %dot_general3A_46 {dimension_numbers = #tpu.dot_dimension_numbers<[1], [0], [0], [1], [0, 0, 1, 1], [], []>, transpose_lhs_hint = false} : vector<2500x64xf32>, vector<64x32xf32>, vector<2500x32xf32> -> vector<2500x32xf32>
    %slice3A_48 = vector.extract_strided_slice %slice3A {offsets = [5000, 0], sizes = [2500, 1], strides = [1, 1]} : vector<10000x1xf32> to vector<2500x1xf32>
    %mul3A_49 = vector.broadcast %slice3A_48 : vector<2500x1xf32> to vector<2500x32xf32>
    %mul3A_50 = arith.mulf %dot_general3A_47, %mul3A_49 : vector<2500x32xf32>
    %dot_general3A_51 = arith.constant dense<0.000000e+00> : vector<2500x32xf32>
    %dot_general3A_52 = tpu.matmul %slice3A_36, %get3A_32, %dot_general3A_51 {dimension_numbers = #tpu.dot_dimension_numbers<[1], [0], [0], [1], [0, 0, 1, 1], [], []>, transpose_lhs_hint = false} : vector<2500x64xf32>, vector<64x32xf32>, vector<2500x32xf32> -> vector<2500x32xf32>
    %slice3A_53 = vector.extract_strided_slice %slice3A {offsets = [7500, 0], sizes = [2500, 1], strides = [1, 1]} : vector<10000x1xf32> to vector<2500x1xf32>
    %mul3A_54 = vector.broadcast %slice3A_53 : vector<2500x1xf32> to vector<2500x32xf32>
    %mul3A_55 = arith.mulf %dot_general3A_52, %mul3A_54 : vector<2500x32xf32>
    %concatenate3A_56 = tpu.concatenate %mul3A_40, %mul3A_45, %mul3A_50, %mul3A_55 in 1 : vector<2500x32xf32>, vector<2500x32xf32>, vector<2500x32xf32>, vector<2500x32xf32> -> vector<2500x128xf32>
    %swap3A = arith.constant 0 : index
    %swap3A_57 = arith.constant 0 : index
    %swap3A_58 = vector.load %arg5[%swap3A, %swap3A_57] : memref<2500x128xf32, #tpu.memory_space<vmem>>, vector<2500x128xf32>
    tpu.vector_store %arg5[%swap3A, %swap3A_57], %concatenate3A_56 {strides = array<i32>} : memref<2500x128xf32, #tpu.memory_space<vmem>>, vector<2500x128xf32>,
    return
  }
}

module attributes {stable_mosaic.version = 14 : i64} {
  func.func @_final_body(%arg0: memref<2x2500x128xf32, #tpu.memory_space<vmem>>, %arg1: memref<2500x128xf32, #tpu.memory_space<vmem>>, %arg2: memref<10000x16xf32, #tpu.memory_space<vmem>>, %arg3: memref<1x32xf32, #tpu.memory_space<vmem>>, %arg4: memref<2500x4xi32, #tpu.memory_space<vmem>>, %arg5: memref<64x1xi32, #tpu.memory_space<vmem>>, %arg6: memref<32x1xf32, #tpu.memory_space<vmem>>, %arg7: memref<1x1xf32, #tpu.memory_space<vmem>>, %arg8: memref<64x1xf32, #tpu.memory_space<vmem>>, %arg9: memref<1x1xf32, #tpu.memory_space<vmem>>) attributes {dimension_semantics = [], scalar_prefetch = 0 : i64, scratch_operands = 0 : i64, tpu.core_type = #tpu.core_type<tc>} {
    %get3A = arith.constant 0 : index
    %get3A_0 = arith.constant 0 : index
    %get3A_1 = vector.load %arg2[%get3A, %get3A_0] : memref<10000x16xf32, #tpu.memory_space<vmem>>, vector<10000x16xf32>
    %slice3A = vector.extract_strided_slice %get3A_1 {offsets = [0, 0], sizes = [10000, 1], strides = [1, 1]} : vector<10000x16xf32> to vector<10000x1xf32>
    %broadcast_in_dim3A = arith.constant 1.000000e+00 : f32
    %broadcast_in_dim3A_2 = vector.broadcast %broadcast_in_dim3A : f32 to vector<1x32xf32>
    %slice3A_3 = vector.extract_strided_slice %slice3A {offsets = [0, 0], sizes = [2500, 1], strides = [1, 1]} : vector<10000x1xf32> to vector<2500x1xf32>
    %mul3A = vector.broadcast %slice3A_3 : vector<2500x1xf32> to vector<2500x32xf32>
    %mul3A_4 = vector.broadcast %broadcast_in_dim3A_2 : vector<1x32xf32> to vector<2500x32xf32>
    %mul3A_5 = arith.mulf %mul3A, %mul3A_4 : vector<2500x32xf32>
    %slice3A_6 = vector.extract_strided_slice %slice3A {offsets = [2500, 0], sizes = [2500, 1], strides = [1, 1]} : vector<10000x1xf32> to vector<2500x1xf32>
    %mul3A_7 = vector.broadcast %slice3A_6 : vector<2500x1xf32> to vector<2500x32xf32>
    %mul3A_8 = vector.broadcast %broadcast_in_dim3A_2 : vector<1x32xf32> to vector<2500x32xf32>
    %mul3A_9 = arith.mulf %mul3A_7, %mul3A_8 : vector<2500x32xf32>
    %slice3A_10 = vector.extract_strided_slice %slice3A {offsets = [5000, 0], sizes = [2500, 1], strides = [1, 1]} : vector<10000x1xf32> to vector<2500x1xf32>
    %mul3A_11 = vector.broadcast %slice3A_10 : vector<2500x1xf32> to vector<2500x32xf32>
    %mul3A_12 = vector.broadcast %broadcast_in_dim3A_2 : vector<1x32xf32> to vector<2500x32xf32>
    %mul3A_13 = arith.mulf %mul3A_11, %mul3A_12 : vector<2500x32xf32>
    %slice3A_14 = vector.extract_strided_slice %slice3A {offsets = [7500, 0], sizes = [2500, 1], strides = [1, 1]} : vector<10000x1xf32> to vector<2500x1xf32>
    %mul3A_15 = vector.broadcast %slice3A_14 : vector<2500x1xf32> to vector<2500x32xf32>
    %mul3A_16 = vector.broadcast %broadcast_in_dim3A_2 : vector<1x32xf32> to vector<2500x32xf32>
    %mul3A_17 = arith.mulf %mul3A_15, %mul3A_16 : vector<2500x32xf32>
    %concatenate3A = tpu.concatenate %mul3A_5, %mul3A_9, %mul3A_13, %mul3A_17 in 1 : vector<2500x32xf32>, vector<2500x32xf32>, vector<2500x32xf32>, vector<2500x32xf32> -> vector<2500x128xf32>
    %get3A_18 = arith.constant 0 : index
    %get3A_19 = arith.constant 0 : index
    %get3A_20 = arith.constant 0 : index
    %get3A_21 = vector.load %arg0[%get3A_18, %get3A_19, %get3A_20] : memref<2x2500x128xf32, #tpu.memory_space<vmem>>, vector<2x2500x128xf32>
    %get3A_22 = arith.constant 0 : index
    %get3A_23 = arith.constant 0 : index
    %get3A_24 = vector.load %arg3[%get3A_22, %get3A_23] : memref<1x32xf32, #tpu.memory_space<vmem>>, vector<1x32xf32>
    %concatenate3A_25 = tpu.concatenate %get3A_24, %get3A_24, %get3A_24, %get3A_24 in 1 : vector<1x32xf32>, vector<1x32xf32>, vector<1x32xf32>, vector<1x32xf32> -> vector<1x128xf32>
    %slice3A_26 = vector.extract_strided_slice %get3A_21 {offsets = [0, 0, 0], sizes = [1, 2500, 128], strides = [1, 1, 1]} : vector<2x2500x128xf32> to vector<1x2500x128xf32>
    %squeeze3A = vector.shape_cast %slice3A_26 : vector<1x2500x128xf32> to vector<2500x128xf32>
    %slice3A_27 = vector.extract_strided_slice %get3A_21 {offsets = [1, 0, 0], sizes = [1, 2500, 128], strides = [1, 1, 1]} : vector<2x2500x128xf32> to vector<1x2500x128xf32>
    %squeeze3A_28 = vector.shape_cast %slice3A_27 : vector<1x2500x128xf32> to vector<2500x128xf32>
    %add3A = arith.addf %squeeze3A, %squeeze3A_28 : vector<2500x128xf32>
    %get3A_29 = arith.constant 0 : index
    %get3A_30 = arith.constant 0 : index
    %get3A_31 = vector.load %arg1[%get3A_29, %get3A_30] : memref<2500x128xf32, #tpu.memory_space<vmem>>, vector<2500x128xf32>
    %add3A_32 = arith.addf %add3A, %get3A_31 : vector<2500x128xf32>
    %mul3A_33 = arith.mulf %concatenate3A, %add3A_32 : vector<2500x128xf32>
    %add3A_34 = vector.broadcast %concatenate3A_25 : vector<1x128xf32> to vector<2500x128xf32>
    %add3A_35 = arith.addf %mul3A_33, %add3A_34 : vector<2500x128xf32>
    %get3A_36 = arith.constant 0 : index
    %get3A_37 = arith.constant 0 : index
    %get3A_38 = vector.load %arg4[%get3A_36, %get3A_37] : memref<2500x4xi32, #tpu.memory_space<vmem>>, vector<2500x4xi32>
    %iota3A = tpu.iota {dimensions = array<i32: 1>} : vector<2500x64xi32>
    %broadcast_in_dim3A_39 = arith.constant 0.000000e+00 : f32
    %broadcast_in_dim3A_40 = vector.broadcast %broadcast_in_dim3A_39 : f32 to vector<64x32xf32>
    %broadcast_in_dim3A_41 = arith.constant 0.000000e+00 : f32
    %broadcast_in_dim3A_42 = vector.broadcast %broadcast_in_dim3A_41 : f32 to vector<1x64xf32>
    %slice3A_43 = vector.extract_strided_slice %get3A_38 {offsets = [0, 0], sizes = [2500, 1], strides = [1, 1]} : vector<2500x4xi32> to vector<2500x1xi32>
    %squeeze3A_44 = vector.shape_cast %slice3A_43 : vector<2500x1xi32> to vector<2500xi32>
    %broadcast_in_dim3A_45 = vector.shape_cast %squeeze3A_44 : vector<2500xi32> to vector<2500x1xi32>
    %eq3A = vector.broadcast %broadcast_in_dim3A_45 : vector<2500x1xi32> to vector<2500x64xi32>
    %eq3A_46 = arith.cmpi eq, %eq3A, %iota3A : vector<2500x64xi32>
    %convert_element_type3A = arith.extui %eq3A_46 : vector<2500x64xi1> to vector<2500x64xi32>
    %convert_element_type3A_47 = arith.sitofp %convert_element_type3A : vector<2500x64xi32> to vector<2500x64xf32>
    %slice3A_48 = vector.extract_strided_slice %add3A_35 {offsets = [0, 0], sizes = [2500, 32], strides = [1, 1]} : vector<2500x128xf32> to vector<2500x32xf32>
    %dot_general3A = arith.constant dense<0.000000e+00> : vector<64x32xf32>
    %dot_general3A_49 = tpu.matmul %convert_element_type3A_47, %slice3A_48, %dot_general3A {dimension_numbers = #tpu.dot_dimension_numbers<[0], [0], [1], [1], [0, 1, 1, 1], [], []>, transpose_lhs_hint = false} : vector<2500x64xf32>, vector<2500x32xf32>, vector<64x32xf32> -> vector<64x32xf32>
    %add3A_50 = arith.addf %broadcast_in_dim3A_40, %dot_general3A_49 : vector<64x32xf32>
    %reduce_sum3A = arith.constant dense<0.000000e+00> : vector<64xf32>
    %reduce_sum3A_51 = vector.multi_reduction <add>, %convert_element_type3A_47, %reduce_sum3A [0] : vector<2500x64xf32> to vector<64xf32>
    %broadcast_in_dim3A_52 = vector.shape_cast %reduce_sum3A_51 : vector<64xf32> to vector<1x64xf32>
    %add3A_53 = arith.addf %broadcast_in_dim3A_42, %broadcast_in_dim3A_52 : vector<1x64xf32>
    %slice3A_54 = vector.extract_strided_slice %get3A_38 {offsets = [0, 1], sizes = [2500, 1], strides = [1, 1]} : vector<2500x4xi32> to vector<2500x1xi32>
    %squeeze3A_55 = vector.shape_cast %slice3A_54 : vector<2500x1xi32> to vector<2500xi32>
    %broadcast_in_dim3A_56 = vector.shape_cast %squeeze3A_55 : vector<2500xi32> to vector<2500x1xi32>
    %eq3A_57 = vector.broadcast %broadcast_in_dim3A_56 : vector<2500x1xi32> to vector<2500x64xi32>
    %eq3A_58 = arith.cmpi eq, %eq3A_57, %iota3A : vector<2500x64xi32>
    %convert_element_type3A_59 = arith.extui %eq3A_58 : vector<2500x64xi1> to vector<2500x64xi32>
    %convert_element_type3A_60 = arith.sitofp %convert_element_type3A_59 : vector<2500x64xi32> to vector<2500x64xf32>
    %slice3A_61 = vector.extract_strided_slice %add3A_35 {offsets = [0, 32], sizes = [2500, 32], strides = [1, 1]} : vector<2500x128xf32> to vector<2500x32xf32>
    %dot_general3A_62 = arith.constant dense<0.000000e+00> : vector<64x32xf32>
    %dot_general3A_63 = tpu.matmul %convert_element_type3A_60, %slice3A_61, %dot_general3A_62 {dimension_numbers = #tpu.dot_dimension_numbers<[0], [0], [1], [1], [0, 1, 1, 1], [], []>, transpose_lhs_hint = false} : vector<2500x64xf32>, vector<2500x32xf32>, vector<64x32xf32> -> vector<64x32xf32>
    %add3A_64 = arith.addf %add3A_50, %dot_general3A_63 : vector<64x32xf32>
    %reduce_sum3A_65 = arith.constant dense<0.000000e+00> : vector<64xf32>
    %reduce_sum3A_66 = vector.multi_reduction <add>, %convert_element_type3A_60, %reduce_sum3A_65 [0] : vector<2500x64xf32> to vector<64xf32>
    %broadcast_in_dim3A_67 = vector.shape_cast %reduce_sum3A_66 : vector<64xf32> to vector<1x64xf32>
    %add3A_68 = arith.addf %add3A_53, %broadcast_in_dim3A_67 : vector<1x64xf32>
    %slice3A_69 = vector.extract_strided_slice %get3A_38 {offsets = [0, 2], sizes = [2500, 1], strides = [1, 1]} : vector<2500x4xi32> to vector<2500x1xi32>
    %squeeze3A_70 = vector.shape_cast %slice3A_69 : vector<2500x1xi32> to vector<2500xi32>
    %broadcast_in_dim3A_71 = vector.shape_cast %squeeze3A_70 : vector<2500xi32> to vector<2500x1xi32>
    %eq3A_72 = vector.broadcast %broadcast_in_dim3A_71 : vector<2500x1xi32> to vector<2500x64xi32>
    %eq3A_73 = arith.cmpi eq, %eq3A_72, %iota3A : vector<2500x64xi32>
    %convert_element_type3A_74 = arith.extui %eq3A_73 : vector<2500x64xi1> to vector<2500x64xi32>
    %convert_element_type3A_75 = arith.sitofp %convert_element_type3A_74 : vector<2500x64xi32> to vector<2500x64xf32>
    %slice3A_76 = vector.extract_strided_slice %add3A_35 {offsets = [0, 64], sizes = [2500, 32], strides = [1, 1]} : vector<2500x128xf32> to vector<2500x32xf32>
    %dot_general3A_77 = arith.constant dense<0.000000e+00> : vector<64x32xf32>
    %dot_general3A_78 = tpu.matmul %convert_element_type3A_75, %slice3A_76, %dot_general3A_77 {dimension_numbers = #tpu.dot_dimension_numbers<[0], [0], [1], [1], [0, 1, 1, 1], [], []>, transpose_lhs_hint = false} : vector<2500x64xf32>, vector<2500x32xf32>, vector<64x32xf32> -> vector<64x32xf32>
    %add3A_79 = arith.addf %add3A_64, %dot_general3A_78 : vector<64x32xf32>
    %reduce_sum3A_80 = arith.constant dense<0.000000e+00> : vector<64xf32>
    %reduce_sum3A_81 = vector.multi_reduction <add>, %convert_element_type3A_75, %reduce_sum3A_80 [0] : vector<2500x64xf32> to vector<64xf32>
    %broadcast_in_dim3A_82 = vector.shape_cast %reduce_sum3A_81 : vector<64xf32> to vector<1x64xf32>
    %add3A_83 = arith.addf %add3A_68, %broadcast_in_dim3A_82 : vector<1x64xf32>
    %slice3A_84 = vector.extract_strided_slice %get3A_38 {offsets = [0, 3], sizes = [2500, 1], strides = [1, 1]} : vector<2500x4xi32> to vector<2500x1xi32>
    %squeeze3A_85 = vector.shape_cast %slice3A_84 : vector<2500x1xi32> to vector<2500xi32>
    %broadcast_in_dim3A_86 = vector.shape_cast %squeeze3A_85 : vector<2500xi32> to vector<2500x1xi32>
    %eq3A_87 = vector.broadcast %broadcast_in_dim3A_86 : vector<2500x1xi32> to vector<2500x64xi32>
    %eq3A_88 = arith.cmpi eq, %eq3A_87, %iota3A : vector<2500x64xi32>
    %convert_element_type3A_89 = arith.extui %eq3A_88 : vector<2500x64xi1> to vector<2500x64xi32>
    %convert_element_type3A_90 = arith.sitofp %convert_element_type3A_89 : vector<2500x64xi32> to vector<2500x64xf32>
    %slice3A_91 = vector.extract_strided_slice %add3A_35 {offsets = [0, 96], sizes = [2500, 32], strides = [1, 1]} : vector<2500x128xf32> to vector<2500x32xf32>
    %dot_general3A_92 = arith.constant dense<0.000000e+00> : vector<64x32xf32>
    %dot_general3A_93 = tpu.matmul %convert_element_type3A_90, %slice3A_91, %dot_general3A_92 {dimension_numbers = #tpu.dot_dimension_numbers<[0], [0], [1], [1], [0, 1, 1, 1], [], []>, transpose_lhs_hint = false} : vector<2500x64xf32>, vector<2500x32xf32>, vector<64x32xf32> -> vector<64x32xf32>
    %add3A_94 = arith.addf %add3A_79, %dot_general3A_93 : vector<64x32xf32>
    %reduce_sum3A_95 = arith.constant dense<0.000000e+00> : vector<64xf32>
    %reduce_sum3A_96 = vector.multi_reduction <add>, %convert_element_type3A_90, %reduce_sum3A_95 [0] : vector<2500x64xf32> to vector<64xf32>
    %broadcast_in_dim3A_97 = vector.shape_cast %reduce_sum3A_96 : vector<64xf32> to vector<1x64xf32>
    %add3A_98 = arith.addf %add3A_83, %broadcast_in_dim3A_97 : vector<1x64xf32>
    %reshape3A = vector.shape_cast %add3A_98 : vector<1x64xf32> to vector<64x1xf32>
    %max3A = arith.constant 1.000000e+00 : f32
    %max3A_99 = vector.broadcast %max3A : f32 to vector<64x1xf32>
    %max3A_100 = arith.maximumf %reshape3A, %max3A_99 : vector<64x1xf32>
    %div3A = vector.broadcast %max3A_100 : vector<64x1xf32> to vector<64x32xf32>
    %div3A_101 = arith.divf %add3A_94, %div3A : vector<64x32xf32>
    %get3A_102 = arith.constant 0 : index
    %get3A_103 = arith.constant 0 : index
    %get3A_104 = vector.load %arg6[%get3A_102, %get3A_103] : memref<32x1xf32, #tpu.memory_space<vmem>>, vector<32x1xf32>
    %dot_general3A_105 = arith.constant dense<0.000000e+00> : vector<64x1xf32>
    %dot_general3A_106 = tpu.matmul %div3A_101, %get3A_104, %dot_general3A_105 {dimension_numbers = #tpu.dot_dimension_numbers<[1], [0], [0], [1], [0, 0, 1, 1], [], []>, transpose_lhs_hint = false} : vector<64x32xf32>, vector<32x1xf32>, vector<64x1xf32> -> vector<64x1xf32>
    %get3A_107 = arith.constant 0 : index
    %get3A_108 = arith.constant 0 : index
    %get3A_109 = vector.load %arg7[%get3A_107, %get3A_108] : memref<1x1xf32, #tpu.memory_space<vmem>>, vector<1x1xf32>
    %add3A_110 = vector.broadcast %get3A_109 : vector<1x1xf32> to vector<64x1xf32>
    %add3A_111 = arith.addf %dot_general3A_106, %add3A_110 : vector<64x1xf32>
    %get3A_112 = arith.constant 0 : index
    %get3A_113 = arith.constant 0 : index
    %get3A_114 = vector.load %arg5[%get3A_112, %get3A_113] : memref<64x1xi32, #tpu.memory_space<vmem>>, vector<64x1xi32>
    %convert_element_type3A_115 = arith.sitofp %get3A_114 : vector<64x1xi32> to vector<64x1xf32>
    %max3A_116 = arith.constant 0.000000e+00 : f32
    %max3A_117 = vector.broadcast %max3A_116 : f32 to vector<64x1xf32>
    %max3A_118 = arith.maximumf %add3A_111, %max3A_117 : vector<64x1xf32>
    %mul3A_119 = arith.mulf %add3A_111, %convert_element_type3A_115 : vector<64x1xf32>
    %sub3A = arith.subf %max3A_118, %mul3A_119 : vector<64x1xf32>
    %abs3A = math.absf %add3A_111 : vector<64x1xf32>
    %neg3A = arith.constant 0.000000e+00 : f32
    %neg3A_120 = vector.broadcast %neg3A : f32 to vector<64x1xf32>
    %neg3A_121 = arith.subf %neg3A_120, %abs3A : vector<64x1xf32>
    %exp3A = math.exp %neg3A_121 : vector<64x1xf32>
    %add3A_122 = arith.constant 1.000000e+00 : f32
    %add3A_123 = vector.broadcast %add3A_122 : f32 to vector<64x1xf32>
    %add3A_124 = arith.addf %add3A_123, %exp3A : vector<64x1xf32>
    %log3A = math.log %add3A_124 : vector<64x1xf32>
    %add3A_125 = arith.addf %sub3A, %log3A : vector<64x1xf32>
    %reduce_sum3A_126 = vector.shape_cast %add3A_125 : vector<64x1xf32> to vector<1x64x1xf32>
    %reduce_sum3A_127 = arith.constant dense<0.000000e+00> : vector<1xf32>
    %reduce_sum3A_128 = vector.multi_reduction <add>, %reduce_sum3A_126, %reduce_sum3A_127 [1, 2] : vector<1x64x1xf32> to vector<1xf32>
    %reduce_sum3A_129 = vector.shape_cast %reduce_sum3A_128 : vector<1xf32> to vector<1x1x1xf32>
    %reduce_sum3A_130 = vector.extract %reduce_sum3A_129[0, 0, 0] : f32 from vector<1x1x1xf32>
    %div3A_131 = arith.constant 6.400000e+01 : f32
    %div3A_132 = arith.divf %reduce_sum3A_130, %div3A_131 : f32
    %reshape3A_133 = vector.broadcast %div3A_132 : f32 to vector<1x1xf32>
    %swap3A = arith.constant 0 : index
    %swap3A_134 = arith.constant 0 : index
    %swap3A_135 = vector.load %arg9[%swap3A, %swap3A_134] : memref<1x1xf32, #tpu.memory_space<vmem>>, vector<1x1xf32>
    tpu.vector_store %arg9[%swap3A, %swap3A_134], %reshape3A_133 {strides = array<i32>} : memref<1x1xf32, #tpu.memory_space<vmem>>, vector<1x1xf32>,
    %neg3A_136 = arith.constant 0.000000e+00 : f32
    %neg3A_137 = vector.broadcast %neg3A_136 : f32 to vector<64x1xf32>
    %neg3A_138 = arith.subf %neg3A_137, %add3A_111 : vector<64x1xf32>
    %exp3A_139 = math.exp %neg3A_138 : vector<64x1xf32>
    %add3A_140 = arith.constant 1.000000e+00 : f32
    %add3A_141 = vector.broadcast %add3A_140 : f32 to vector<64x1xf32>
    %add3A_142 = arith.addf %add3A_141, %exp3A_139 : vector<64x1xf32>
    %div3A_143 = arith.constant 1.000000e+00 : f32
    %div3A_144 = vector.broadcast %div3A_143 : f32 to vector<64x1xf32>
    %div3A_145 = arith.divf %div3A_144, %add3A_142 : vector<64x1xf32>
    %swap3A_146 = arith.constant 0 : index
    %swap3A_147 = arith.constant 0 : index
    %swap3A_148 = vector.load %arg8[%swap3A_146, %swap3A_147] : memref<64x1xf32, #tpu.memory_space<vmem>>, vector<64x1xf32>
    tpu.vector_store %arg8[%swap3A_146, %swap3A_147], %div3A_145 {strides = array<i32>} : memref<64x1xf32, #tpu.memory_space<vmem>>, vector<64x1xf32>,
    return
  }
}

</mosaic_0001>

<sc_bundles>
// kernel: kernel.11.cloned.1.call-start
scs
__scs_entry_jumppad:
0x0: {  	(pc) =	sbr.rel $0x88, $3  }
0x1: {  	(tag) =	ssettag $0x0;
	lr =	simm.s32 $0x1  }
0x2: {  	[smem:$0x3F95] =	sst lr;
	_ =	strace $0xD0000000  }
0x3: {  	_ = 	snop  }
0x4: {  	_ = 	snop  }
0x5: {  	_ = 	snop  }
0x6: {  	_ = 	snop  }
0x7: {  	_ = 	snop  }
__scs_overlays_trampoline_lowered:
0x8: {  	[smem:$0x3FA4] =	sst s0  }
0x9: {  	[smem:$0x3FA5] =	sst s1  }
0xa: {  	[smem:$0x3FA6] =	sst s2  }
0xb: {  	[smem:$0x3FA7] =	sst s3  }
0xc: {  	[smem:$0x3FA8] =	sst s4  }
0xd: {  	[smem:$0x3FA9] =	sst s5  }
0xe: {  	[smem:$0x3FAA] =	sst s6  }
0xf: {  	[smem:$0x3FAB] =	sst s7  }
0x10: {  	[smem:$0x3FAC] =	sst s8  }
0x11: {  	[smem:$0x3FAD] =	sst s9;
	s0 =	simm.s32 @!p0 $0x0  }
0x12: {  	s1 =	sld [smem:$0x3F93];
	s0 =	simm.s32 @p0 $0x1  }
0x13: {  	[smem:$0x3FAE] =	sst s0;
	s0 =	simm.s32 @!p1 $0x0  }
0x14: {  	s2 =	sld [smem:$0x3F92];
	s0 =	simm.s32 @p1 $0x1  }
0x15: {  	[smem:$0x3FAF] =	sst s0;
	s0 =	simm.s32 @!p2 $0x0  }
0x16: {  	s3 =	sld [smem:$0x3FDB];
	s0 =	simm.s32 @p2 $0x1  }
0x17: {  	s4 =	simm.s32 $0x1BF5;
	[smem:$0x3FB1] =	sst s0  }
0x18: {  	s0 =	sld [smem:$0x3F94];
	_ =	swait.ge [sflag:s4], $0x0  }
0x19: {  	s7 =	sld [smem:$0x3F95]  }
0x1a: {  	s8 =	sadd.s32 $0xFFFFE003, lr  }
0x1b: {  	s9 =	sadd.s32 $0xFFFFFEF7, lr;
	s5 =	simm.s32 $0xFFFFFFFF;
	p2 =	slt.u32 s8, $0xFFFFF086  }
0x1c: {  	p1 =	slt.u32 s9, $0xF7A;
	s5 =	simm.s32 @!p2 $0x0  }
0x1d: {  	s5 =	simm.s32 @p1 $0x1;
	p0 =	seq.s32 s7, s2  }
0x1e: {  	s7 =	smul.u32 @!p0 $0xF7A, s2;
	p2 =	seq.s32 @!p0 s5, $0x0  }
0x1f: {  	s9 =	smul.u32 $0xF7A, s1;
	s8 =	simm.s32 @!p0 $0x1BF5;
	p2 =	por !p2, p0  }
0x20: {  	[sflag:s8] =	ssyncset.s32 @!p0 $0xFFFFF086;
	s6 =	sadd.s32 @!p0 s3, s7;
	s7 =	simm.s32 @!p0 $0x108  }
0x21: {  	s3 =	sadd.s32 s3, s9;
	s6 =	sadd.s32 @!p0 $0x88, s6;
	s7 =	simm.s32 @p2 $0x1082  }
0x22: {  	[simem:s7], [sflag:s8] =	dma.local @!p0 [hbm:s6], $0xF7A  }
0x23: {  	s9 =	sor.u32 $0xD0000000, s2;
	s6 =	simm.s32 $0x108;
	_ =	swait.ge @!p0 [sflag:s8], $0x0  }
0x24: {  	s3 =	sadd.s32 $0x88, s3;
	s6 =	simm.s32 @!p1 $0x1082;
	[sflag:s4] =	ssyncset.s32 $0xFFFFF086  }
0x25: {  	[simem:s6], [sflag:s4] =	dma.local [hbm:s3], $0xF7A  }
0x26: {  	[smem:$0x3F95] =	sst s1;
	(tag) =	ssettag s2;
	_ =	strace s9  }
0x27: {  	s1 =	sld [smem:$0x3FA5]  }
0x28: {  	s2 =	sld [smem:$0x3FA6]  }
0x29: {  	s4 =	sld [smem:$0x3FA8]  }
0x2a: {  	p0 =	seq.s32 s5, $0x0;
	s5 =	sld [smem:$0x3FA9]  }
0x2b: {  	s6 =	sld [smem:$0x3FAA]  }
0x2c: {  	s7 =	sld [smem:$0x3FAB]  }
0x2d: {  	s3 =	simm.s32 $0x108;
	s8 =	sld [smem:$0x3FAC]  }
0x2e: {  	s3 =	simm.s32 @!p0 $0x1082;
	s9 =	sld [smem:$0x3FAD]  }
0x2f: {  	lr =	sadd.s32 s0, s3;
	s0 =	sld [smem:$0x3FA4]  }
0x30: {  	s3 =	sld [smem:$0x3FA7]  }
0x31: {  	[smem:$0x3FB0] =	sst s10  }
0x32: {  	s10 =	sld [smem:$0x3FAE];
	_ =	sdelay $0x3  }
0x33: {  	p0 =	seq.s32 s10, $0x1;
	s10 =	sld [smem:$0x3FB0];
	_ =	sdelay $0x3  }
0x34: {  	[smem:$0x3FB0] =	sst s10  }
0x35: {  	s10 =	sld [smem:$0x3FAF];
	_ =	sdelay $0x3  }
0x36: {  	p1 =	seq.s32 s10, $0x1;
	s10 =	sld [smem:$0x3FB0];
	_ =	sdelay $0x3  }
0x37: {  	[smem:$0x3FB0] =	sst s10  }
0x38: {  	s10 =	sld [smem:$0x3FB1]  }
0x39: {  	_ = 	snop;
	(pc) =	sbr.ind lr, $3  }
0x3a: {  	_ = 	snop  }
0x3b: {  	_ = 	snop  }
0x3c: {  	p2 =	seq.s32 s10, $0x1;
	s10 =	sld [smem:$0x3FB0]  }
0x3d: {  	_ =	shalt  }
0x3e: {  	_ =	shalt  }
0x3f: {  	_ =	shalt  }
0x40: {  	_ =	shalt  }
0x41: {  	_ =	shalt  }
0x42: {  	_ =	shalt  }
0x43: {  	_ =	shalt  }
0x44: {  	_ =	shalt  }
0x45: {  	_ =	shalt  }
0x46: {  	_ =	shalt  }
0x47: {  	_ =	shalt  }
0x48: {  	_ =	shalt  }
0x49: {  	_ =	shalt  }
0x4a: {  	_ =	shalt  }
0x4b: {  	_ =	shalt  }
0x4c: {  	_ =	shalt  }
0x4d: {  	_ =	shalt  }
0x4e: {  	_ =	shalt  }
0x4f: {  	_ =	shalt  }
0x50: {  	_ =	shalt  }
0x51: {  	_ =	shalt  }
0x52: {  	_ =	shalt  }
0x53: {  	_ =	shalt  }
0x54: {  	_ =	shalt  }
0x55: {  	_ =	shalt  }
0x56: {  	_ =	shalt  }
0x57: {  	_ =	shalt  }
0x58: {  	_ =	shalt  }
0x59: {  	_ =	shalt  }
0x5a: {  	_ =	shalt  }
0x5b: {  	_ =	shalt  }
0x5c: {  	_ =	shalt  }
0x5d: {  	_ =	shalt  }
0x5e: {  	_ =	shalt  }
0x5f: {  	_ =	shalt  }
0x60: {  	_ =	shalt  }
0x61: {  	_ =	shalt  }
0x62: {  	_ =	shalt  }
0x63: {  	_ =	shalt  }
0x64: {  	_ =	shalt  }
0x65: {  	_ =	shalt  }
0x66: {  	_ =	shalt  }
0x67: {  	_ =	shalt  }
0x68: {  	_ =	shalt  }
0x69: {  	_ =	shalt  }
0x6a: {  	_ =	shalt  }
0x6b: {  	_ =	shalt  }
0x6c: {  	_ =	shalt  }
0x6d: {  	_ =	shalt  }
0x6e: {  	_ =	shalt  }
0x6f: {  	_ =	shalt  }
0x70: {  	_ =	shalt  }
0x71: {  	_ =	shalt  }
0x72: {  	_ =	shalt  }
0x73: {  	_ =	shalt  }
0x74: {  	_ =	shalt  }
0x75: {  	_ =	shalt  }
0x76: {  	_ =	shalt  }
0x77: {  	_ =	shalt  }
0x78: {  	_ =	shalt  }
0x79: {  	_ =	shalt  }
0x7a: {  	_ =	shalt  }
0x7b: {  	_ =	shalt  }
0x7c: {  	_ =	shalt  }
0x7d: {  	_ =	shalt  }
0x7e: {  	_ =	shalt  }
0x7f: {  	_ =	shalt  }
0x80: {  	_ =	shalt  }
0x81: {  	_ =	shalt  }
0x82: {  	_ =	shalt  }
0x83: {  	_ =	shalt  }
0x84: {  	_ =	shalt  }
0x85: {  	_ =	shalt  }
0x86: {  	_ =	shalt  }
0x87: {  	_ =	shalt  }
.Lfunc_end0:
.L_simem_size_0:
called_computation_lowered:
.L_overlay_start_0:
0x88: {  	s2 =	sld [smem:$0x3FD9]  }
0x89: {  	s3 =	sld [smem:$0x3FFE];
	_ =	sdelay $0x1  }
0x8a: {  	s1 =	srdreg.scid  }
0x8b: {  	s0 =	sand.u32 $0x1, s1  }
0x8c: {  	s16 =	sshll.u32 s0, $0xA;
	s2 =	sadd.s32 s3, s2  }
0x8d: {  	s2 =	sadd.s32 s2, s16  }
0x8e: {  	[smem:$0x3FBC] =	sst s2  }
0x8f: {  	_ = 	snop  }
0x90: {  	(tm) =	ssettm $0x1  }
0x91: {  	s17 =	sld [smem:$0x3FFB];
	_ =	sdelay $0x3  }
0x92: {  	_ =	strace s17  }
0x93: {  	s2 =	sld [smem:$0x3FFC];
	_ =	sdelay $0x3  }
0x94: {  	_ =	strace s2  }
0x95: {  	s2 =	sld [smem:$0x3FFD];
	_ =	sdelay $0x3  }
0x96: {  	_ =	strace s2  }
0x97: {  	_ =	strace $0x8FFFFFFF  }
0x98: {  	s18 =	sld [smem:$0x3FDB];
	_ =	sdelay $0x1  }
0x99: {  	s19 =	simm.s32 $_scs_section_size  }
0x9a: {  	s4 =	simm.s32 $_size__tile_overlayer_lowered;
	s5 =	simm.s32 $_tile_overlayer_lowered  }
0x9b: {  	s22 =	simm.s32 $0x1BFF;
	s21 =	sshll.u32 s5, $0x1;
	s2 =	sadd.s32 s19, s18  }
0x9c: {  	s6 =	simm.s32 $0x0;
	s20 =	sshll.u32 s4, $0x1;
	s4 =	sadd.s32 s21, s2  }
0x9d: {  	[timem:s6], [sflag:s22] =	dma.local [hbm:s4], s20  }
0x9e: {  	_ =	swait.ge [sflag:s22], s20  }
0x9f: {  	s3 =	ssub.s32 $0x0, s20;
	[sflag:s22] =	ssyncset.done $0x0  }
0xa0: {  	[sflag:s22] =	ssyncadd.s32 s3;
	_ =	sdelay $0x1  }
0xa1: {  	s23 =	simm.s32 $0x1B8B  }
0xa2: {  	_ =	swait.ge [sflag:s23], $0x1  }
0xa3: {  	[sflag:s23] =	ssyncset.done $0x0  }
0xa4: {  	s25 =	simm.s32 $0x1B8E;
	s24 =	sld [smem:$0x3FFE];
	[sflag:s23] =	ssyncadd.s32 $0xFFFFFFFF  }
0xa5: {  	s26 =	simm.s32 $execute0_lowered;
	[smem:$0x3FD2] =	sst s25  }
0xa6: {  	s4 =	sshll.u32 s26, $0x1;
	_ =	strace $0x80000046;
	[dreg:$0x1] =	wrdreg $0xFFFFFFFF  }
0xa7: {  	s28 =	simm.s32 $_size_execute0_lowered;
	s2 =	sadd.s32 s2, s4;
	[dreg:$0x0] =	wrdreg $0x0  }
0xa8: {  	s4 =	sshll.u32 s28, $0x1;
	[dreg:$0x2] =	wrdreg s2  }
0xa9: {  	[dreg:$0x3] =	wrdreg s4  }
0xaa: {  	[dreg:$0x4] =	wrdreg $0xC0  }
0xab: {  	_ =	task [dreg:s6], $0x5FFFF  }
0xac: {  	[dreg:$0x1] =	wrdreg $0xFFFFFFFF  }
0xad: {  	[dreg:$0x0] =	wrdreg $0x60  }
0xae: {  	[dreg:$0x2] =	wrdreg s24  }
0xaf: {  	[dreg:$0x3] =	wrdreg $0x0  }
0xb0: {  	[dreg:$0x4] =	wrdreg $0x9  }
0xb1: {  	_ =	task.clear_ibuf [dreg:s6], $0x5FFFF;
	_ =	strace $0x90000046  }
0xb2: {  	s29 =	simm.s32 $0x9;
	_ =	strace $0x80000048  }
0xb3: {  	_ =	swait.ge [sflag:s29], $0x1  }
0xb4: {  	[sflag:s29] =	ssyncadd.s32 $0xFFFFFFFF  }
0xb5: {  	_ =	strace $0x90000048  }
0xb6: {  	_ =	sfence  }
0xb7: {  	s30 =	sld [smem:$0x0];
	_ =	sdelay $0x2  }
0xb8: {  	s31 =	sshll.u32 s1, $0xD;
	s1 =	sshrl.u32 s1, $0x2  }
0xb9: {  	s3 =	sand.u32 $0x4000, s31;
	s1 =	sadd.s32 s1, s30  }
0xba: {  	s0 =	sor.u32 s3, s0;
	s1 =	sshll.u32 s1, $0x11  }
0xbb: {  	s0 =	sor.u32 s1, s0  }
0xbc: {  	s0 =	sadd.s32 $0x8F2B, s0  }
0xbd: {  	[sflag:s0] =	ssyncadd.remote.s32 $0x1  }
0xbe: {  	_ =	sfence.sel $0xFFFF  }
0xbf: {  	[dreg:$0x0] =	wrdreg $0xFFFFFFFF;
	(pc) =	sbr.abs _section_cstart, $3  }
0xc0: {  	[dreg:$0x1] =	wrdreg $0xFFFFFFFF  }
0xc1: {  	_ =	task.clear_ibuf [dreg:s6], $0x2FFFF;
	_ =	strace $0x9FFFFFFF  }
0xc2: {  	(tm) =	ssettm $0x7FFFFFFF  }
0xc3: {  	_ =	shalt  }
tec
execute0_lowered:
.L_overlay_start_1:
0x0: {  	(tag) =	ssettag $0x1  }
0x1: {  	s1 =	srdreg.scid;
	s4 =	rddreg [dreg:$0x0]  }
0x2: {  	s0 =	stileid.u32;
	s2 =	rddreg [dreg:$0x1];
	s3 =	simm.s32 $0x0  }
0x3: {  	s10 =	simm.s32 $0x2;
	s11 =	simm.s32 $0x2710;
	s12 =	simm.s32 $0x80  }
0x4: {  	s13 =	simm.s32 $0x4E90;
	s14 =	simm.s32 $0x1;
	s17 =	simm.s32 $0x0  }
0x5: {  	s5 =	sand.u32 $0x1, s1;
	s28 =	sshll.u32 s0, $0x1;
	s29 =	smul.u32 $0x4E2, s0  }
0x6: {  	s1 =	rddreg [dreg:$0x2];
	s30 =	smul.u32 $0x9C40, s0;
	s6 =	sor.u32 s5, s28  }
0x7: {  	[smem:$0x7FF] =	sst s3;
	p0 =	sgt.u32 s0, $0x1;
	s7 =	smul.u32 $0x4E, s6  }
0x8: {  	s15 =	sshll.u32 s0, $0x6;
	s8 =	smul.u32 $0x4E20, s5;
	s6 =	smin.u32 s6, $0x4  }
0x9: {  	_ =	strace $0x80000047;
	s5 =	ssub.s32 $0x2, s5;
	s6 =	sadd.s32 s6, s7  }
0xa: {  	s15 =	sor.u32 $0x1C02, s15;
	s31 =	sshrl.u32 s5, $0x1;
	s6 =	sshll.u32 s6, $0x4  }
0xb: {  	s9 =	ssub.s32 s5, s31;
	s7 =	sadd.s32 s29, s8;
	s6 =	sadd.s32 s6, s4  }
0xc: {  	s8 =	sshrl.u32 s30, $0x2;
	s7 =	sadd.s32 s7, s4;
	s4 =	sadd.s32 $0x3400, s6  }
0xd: {  	s5 =	sadd.s32 $0x38E0, s6;
	s6 =	sadd.s32 $0xD200, s7;
	s7 =	sadd.s32 s8, s2  }
0xe: {  	v0 =	vimm.f32 $1.000000000e+00;
	v1 =	vimm.f32 $0.0e+00;
	s8 =	smax.u32 s9, $0x1;
	s9 =	simm.s32 $0x5690;
	s16 =	sshrl.u32 s7, $0x3  }
.LBB2_1:
0xf: {  	s18 =	simm.s32 $0x40;
	s19 =	simm.s32 $0x0  }
.LBB2_2:
0x10: {  	p1 =	sne.s32 s18, $0x1FC0;
	[tilespmem:s19+$0x4E90] =	vst v0;
	s19 =	smov.u32 s18;
	s18 =	sadd.s32 $0x40, s18  }
.Ltmp0:
0x11: {  	(pc) =	sbr.rel @p1 .LBB2_2-.Ltmp0, $2  }
0x12: {  	_ =	sdelay $0x2  }
0x13: {  	s19 =	sshra.s32 s19, $0x2  }
0x14: {  	[tilespmem:s19+$0x4E90] =	vst v0  }
0x15: {  	[tilespmem:$0x5690] =	vst v1  }
0x16: {  	[tilespmem:$0x56A0] =	vst v1  }
0x17: {  	[tilespmem:$0x56B0] =	vst v1  }
0x18: {  	[tilespmem:$0x56C0] =	vst v1  }
0x19: {  	[tilespmem:$0x56D0] =	vst v1  }
0x1a: {  	[tilespmem:$0x56E0] =	vst v1  }
0x1b: {  	[tilespmem:$0x56F0] =	vst v1  }
0x1c: {  	[tilespmem:$0x5700] =	vst v1  }
0x1d: {  	[tilespmem:$0x5710] =	vst v1  }
0x1e: {  	[tilespmem:$0x5720] =	vst v1  }
0x1f: {  	[tilespmem:$0x5730] =	vst v1  }
0x20: {  	[tilespmem:$0x5740] =	vst v1  }
0x21: {  	[tilespmem:$0x5750] =	vst v1  }
0x22: {  	[tilespmem:$0x5760] =	vst v1  }
0x23: {  	[tilespmem:$0x5770] =	vst v1  }
0x24: {  	[tilespmem:$0x5780] =	vst v1  }
0x25: {  	[tilespmem:$0x5790] =	vst v1  }
0x26: {  	[tilespmem:$0x57A0] =	vst v1  }
0x27: {  	[tilespmem:$0x57B0] =	vst v1  }
0x28: {  	[tilespmem:$0x57C0] =	vst v1  }
0x29: {  	[tilespmem:$0x57D0] =	vst v1  }
0x2a: {  	[tilespmem:$0x57E0] =	vst v1  }
0x2b: {  	[tilespmem:$0x57F0] =	vst v1  }
0x2c: {  	[tilespmem:$0x5800] =	vst v1  }
0x2d: {  	s18 =	sadd.s32 $0x0, s7;
	[tilespmem:$0x5810] =	vst v1  }
0x2e: {  	[spmem:s18] =	stream.linear.scatter [tilespmem:s9], [sflag:$0x2], $0x190, $0x38;
	[tilespmem:$0x5820] =	vst v63  }
0x2f: {  	s18 =	simm.s32 $0x640;
	_ =	swait.ge [sflag:s10], $0x190  }
.LBB2_4:
0x30: {  	s19 =	sshra.s32 s18, $0x2;
	[sflag:s10] =	ssyncset.done $0x0;
	p1 =	sne.s32 s18, $0x9600  }
.Ltmp1:
0x31: {  	s19 =	sadd.s32 s19, s7;
	[sflag:s10] =	ssyncadd.s32 $0xFFFFFE70;
	(pc) =	sbr.rel @p1 .LBB2_4-.Ltmp1, $3  }
0x32: {  	[spmem:s19] =	stream.linear.scatter [tilespmem:s9], [sflag:$0x2], $0x190, $0x38;
	[tilespmem:$0x5820] =	vst v63  }
0x33: {  	s18 =	sadd.s32 $0x640, s18;
	_ =	sdelay $0x1  }
0x34: {  	_ =	swait.ge [sflag:s10], $0x190  }
0x35: {  	[sflag:s10] =	ssyncset.done $0x0  }
0x36: {  	[sflag:s10] =	ssyncadd.s32 $0xFFFFFE70  }
0x37: {  	[tilespmem:s11], [sflag:$0x2] =	stream.linear.gather [hbm4b:s4+s3], $0x2700, $0x38;
	[tilespmem:$0x5820] =	vst v63  }
0x38: {  	_ =	swait.ge [sflag:s10], $0x2700  }
0x39: {  	[sflag:s10] =	ssyncset.done $0x0  }
0x3a: {  	s18 =	simm.s32 @!p0 $0x0;
	s19 =	simm.s32 @!p0 $0x4E10;
	[sflag:s10] =	ssyncadd.s32 $0xFFFFD900  }
0x3b: {  	[tilespmem:s19], [sflag:$0x2] =	stream.linear.gather @!p0 [hbm4b:s5+s18], $0x80, $0x38;
	[tilespmem:$0x5820] =	vst v63  }
0x3c: {  	s18 =	simm.s32 @!p0 $0x2  }
0x3d: {  	_ =	swait.ge @!p0 [sflag:s18], $0x80  }
0x3e: {  	[sflag:s18] =	ssyncset.done @!p0 $0x0  }
0x3f: {  	[sflag:s18] =	ssyncadd.s32 @!p0 $0xFFFFFF80  }
0x40: {  	s19 =	simm.s32 $0x2710;
	s18 =	simm.s32 $0x200;
	[bflag:$0x0] =	sbarrier.arrive $0xFFFF  }
.LBB2_6:
0x41: {  	[spmem:s2] =	stream.indirect.scatter.add.f32 [tilespmem:s13], [sflag:$0x1], $0x10, s19, s12, $0xb8;
	[tilespmem:$0x5820] =	vst v63  }
0x42: {  	s19 =	smov.u32 s18;
	p1 =	sne.s32 s18, $0x9A00  }
.Ltmp2:
0x43: {  	s18 =	sadd.s32 $0x200, s18;
	(pc) =	sbr.rel @p1 .LBB2_6-.Ltmp2, $3  }
0x44: {  	_ =	sdelay $0x1  }
0x45: {  	s19 =	sshra.s32 s19, $0x2  }
0x46: {  	s19 =	sadd.s32 $0x2710, s19  }
0x47: {  	[spmem:s2] =	stream.indirect.scatter.add.f32 [tilespmem:s13], [sflag:$0x1], $0x10, s19, s12, $0xb8;
	[tilespmem:$0x5820] =	vst v63  }
0x48: {  	s18 =	simm.s32 @!p0 $0x80;
	s19 =	simm.s32 @!p0 $0x4E10;
	s20 =	simm.s32 @!p0 $0x4E90  }
0x49: {  	[spmem:s2] =	stream.indirect.scatter.add.f32 @!p0 [tilespmem:s20], [sflag:$0x1], $0x10, s19, s18, $0xb8;
	[tilespmem:$0x5820] =	vst v63  }
0x4a: {  	_ =	swait.ge [sflag:s14], $0x800  }
0x4b: {  	s18 =	simm.s32 $0x4D;
	[sflag:s14] =	ssyncset.done $0x0  }
.LBB2_8:
0x4c: {  	p1 =	sne.s32 s18, $0x1;
	s18 =	sadd.s32 $0xFFFFFFFF, s18;
	[sflag:s14] =	ssyncadd.s32 $0xFFFFF800  }
.Ltmp3:
0x4d: {  	(pc) =	sbr.rel @p1 .LBB2_8-.Ltmp3, $3  }
0x4e: {  	_ =	sdelay $0x1  }
0x4f: {  	_ =	swait.ge [sflag:s14], $0x800  }
0x50: {  	[sflag:s14] =	ssyncset.done $0x0  }
0x51: {  	[sflag:s14] =	ssyncadd.s32 $0xFFFFF800;
	s18 =	simm.s32 @!p0 $0x1  }
0x52: {  	_ =	swait.ge @!p0 [sflag:s18], $0x800  }
0x53: {  	s17 =	sadd.s32 $0x1, s17;
	[sflag:s18] =	ssyncset.done @!p0 $0x0  }
0x54: {  	p1 =	sne.s32 s17, s8;
	[sflag:s18] =	ssyncadd.s32 @!p0 $0xFFFFF800  }
.Ltmp4:
0x55: {  	[bflag:$0x0] =	sbarrier.arrive $0xFFFF;
	(pc) =	sbr.rel @p1 .LBB2_1-.Ltmp4, $4  }
0x56: {  	[hbm:s6], [sflag:s15] =	dma.local [spmem:s16], $0x4E2  }
0x57: {  	_ =	swait.ge [sflag:s10], $0x4E2  }
0x58: {  	[sflag:s10] =	ssyncset.done $0x0  }
0x59: {  	[sflag:s10] =	ssyncadd.s32 $0xFFFFFB1E  }
0x5a: {  	_ =	sfence.sel $0x180000  }
0x5b: {  	[bflag:$0x0] =	sbarrier.arrive $0xFFFF  }
0x5c: {  	p0 =	sne.s32 s0, $0x0;
	_ =	strace $0x90000047  }
0x5d: {  	s0 =	sadd.s32 @!p0 $0x100000, s1;
	[bflag:$0x2] =	sbarrier.arrive $0xFFFF  }
0x5e: {  	[sflag:s0] =	ssyncadd.tile.s32 @!p0 $0x1;
	_ =	shalt  }
.Lfunc_end2:
_tile_overlayer_lowered:
.L_overlay_start_2:
0x5f: {  	(tag) =	ssettag $0x2  }
0x60: {  	s0 =	rddreg [dreg:$0x0];
	s2 =	stileid.u32  }
0x61: {  	s1 =	rddreg [dreg:$0x1];
	p0 =	sne.s32 s2, $0x0  }
0x62: {  	s3 =	rddreg [dreg:$0x2];
	[bflag:$0x3] =	sbarrier.arrive $0xFFFF;
	s2 =	simm.s32 @!p0 $0x1C02  }
0x63: {  	[timem:s3], [sflag:s2] =	dma.local @!p0 [hbm:s0], s1  }
0x64: {  	s0 =	simm.s32 @!p0 $0x2  }
0x65: {  	_ =	swait.ge @!p0 [sflag:s0], s1  }
0x66: {  	s1 =	ssub.s32 @!p0 $0x0, s1;
	[sflag:s0] =	ssyncset.done @!p0 $0x0  }
0x67: {  	[sflag:s0] =	ssyncadd.s32 @!p0 s1  }
0x68: {  	[bflag:$0x3] =	sbarrier.arrive $0xFFFF  }
0x69: {  	_ =	shalt  }

// kernel: kernel.14.cloned.1.call-start
scs
__scs_entry_jumppad:
0x0: {  	(pc) =	sbr.rel $0x88, $3  }
0x1: {  	(tag) =	ssettag $0x0;
	lr =	simm.s32 $0x1  }
0x2: {  	[smem:$0x3F95] =	sst lr;
	_ =	strace $0xD0000000  }
0x3: {  	_ = 	snop  }
0x4: {  	_ = 	snop  }
0x5: {  	_ = 	snop  }
0x6: {  	_ = 	snop  }
0x7: {  	_ = 	snop  }
__scs_overlays_trampoline_lowered:
0x8: {  	[smem:$0x3FA4] =	sst s0  }
0x9: {  	[smem:$0x3FA5] =	sst s1  }
0xa: {  	[smem:$0x3FA6] =	sst s2  }
0xb: {  	[smem:$0x3FA7] =	sst s3  }
0xc: {  	[smem:$0x3FA8] =	sst s4  }
0xd: {  	[smem:$0x3FA9] =	sst s5  }
0xe: {  	[smem:$0x3FAA] =	sst s6  }
0xf: {  	[smem:$0x3FAB] =	sst s7  }
0x10: {  	[smem:$0x3FAC] =	sst s8  }
0x11: {  	[smem:$0x3FAD] =	sst s9;
	s0 =	simm.s32 @!p0 $0x0  }
0x12: {  	s1 =	sld [smem:$0x3F93];
	s0 =	simm.s32 @p0 $0x1  }
0x13: {  	[smem:$0x3FAE] =	sst s0;
	s0 =	simm.s32 @!p1 $0x0  }
0x14: {  	s2 =	sld [smem:$0x3F92];
	s0 =	simm.s32 @p1 $0x1  }
0x15: {  	[smem:$0x3FAF] =	sst s0;
	s0 =	simm.s32 @!p2 $0x0  }
0x16: {  	s3 =	sld [smem:$0x3FDB];
	s0 =	simm.s32 @p2 $0x1  }
0x17: {  	s4 =	simm.s32 $0x1BF5;
	[smem:$0x3FB1] =	sst s0  }
0x18: {  	s0 =	sld [smem:$0x3F94];
	_ =	swait.ge [sflag:s4], $0x0  }
0x19: {  	s7 =	sld [smem:$0x3F95]  }
0x1a: {  	s8 =	sadd.s32 $0xFFFFE003, lr  }
0x1b: {  	s9 =	sadd.s32 $0xFFFFFEF7, lr;
	s5 =	simm.s32 $0xFFFFFFFF;
	p2 =	slt.u32 s8, $0xFFFFF086  }
0x1c: {  	p1 =	slt.u32 s9, $0xF7A;
	s5 =	simm.s32 @!p2 $0x0  }
0x1d: {  	s5 =	simm.s32 @p1 $0x1;
	p0 =	seq.s32 s7, s2  }
0x1e: {  	s7 =	smul.u32 @!p0 $0xF7A, s2;
	p2 =	seq.s32 @!p0 s5, $0x0  }
0x1f: {  	s9 =	smul.u32 $0xF7A, s1;
	s8 =	simm.s32 @!p0 $0x1BF5;
	p2 =	por !p2, p0  }
0x20: {  	[sflag:s8] =	ssyncset.s32 @!p0 $0xFFFFF086;
	s6 =	sadd.s32 @!p0 s3, s7;
	s7 =	simm.s32 @!p0 $0x108  }
0x21: {  	s3 =	sadd.s32 s3, s9;
	s6 =	sadd.s32 @!p0 $0x88, s6;
	s7 =	simm.s32 @p2 $0x1082  }
0x22: {  	[simem:s7], [sflag:s8] =	dma.local @!p0 [hbm:s6], $0xF7A  }
0x23: {  	s9 =	sor.u32 $0xD0000000, s2;
	s6 =	simm.s32 $0x108;
	_ =	swait.ge @!p0 [sflag:s8], $0x0  }
0x24: {  	s3 =	sadd.s32 $0x88, s3;
	s6 =	simm.s32 @!p1 $0x1082;
	[sflag:s4] =	ssyncset.s32 $0xFFFFF086  }
0x25: {  	[simem:s6], [sflag:s4] =	dma.local [hbm:s3], $0xF7A  }
0x26: {  	[smem:$0x3F95] =	sst s1;
	(tag) =	ssettag s2;
	_ =	strace s9  }
0x27: {  	s1 =	sld [smem:$0x3FA5]  }
0x28: {  	s2 =	sld [smem:$0x3FA6]  }
0x29: {  	s4 =	sld [smem:$0x3FA8]  }
0x2a: {  	p0 =	seq.s32 s5, $0x0;
	s5 =	sld [smem:$0x3FA9]  }
0x2b: {  	s6 =	sld [smem:$0x3FAA]  }
0x2c: {  	s7 =	sld [smem:$0x3FAB]  }
0x2d: {  	s3 =	simm.s32 $0x108;
	s8 =	sld [smem:$0x3FAC]  }
0x2e: {  	s3 =	simm.s32 @!p0 $0x1082;
	s9 =	sld [smem:$0x3FAD]  }
0x2f: {  	lr =	sadd.s32 s0, s3;
	s0 =	sld [smem:$0x3FA4]  }
0x30: {  	s3 =	sld [smem:$0x3FA7]  }
0x31: {  	[smem:$0x3FB0] =	sst s10  }
0x32: {  	s10 =	sld [smem:$0x3FAE];
	_ =	sdelay $0x3  }
0x33: {  	p0 =	seq.s32 s10, $0x1;
	s10 =	sld [smem:$0x3FB0];
	_ =	sdelay $0x3  }
0x34: {  	[smem:$0x3FB0] =	sst s10  }
0x35: {  	s10 =	sld [smem:$0x3FAF];
	_ =	sdelay $0x3  }
0x36: {  	p1 =	seq.s32 s10, $0x1;
	s10 =	sld [smem:$0x3FB0];
	_ =	sdelay $0x3  }
0x37: {  	[smem:$0x3FB0] =	sst s10  }
0x38: {  	s10 =	sld [smem:$0x3FB1]  }
0x39: {  	_ = 	snop;
	(pc) =	sbr.ind lr, $3  }
0x3a: {  	_ = 	snop  }
0x3b: {  	_ = 	snop  }
0x3c: {  	p2 =	seq.s32 s10, $0x1;
	s10 =	sld [smem:$0x3FB0]  }
0x3d: {  	_ =	shalt  }
0x3e: {  	_ =	shalt  }
0x3f: {  	_ =	shalt  }
0x40: {  	_ =	shalt  }
0x41: {  	_ =	shalt  }
0x42: {  	_ =	shalt  }
0x43: {  	_ =	shalt  }
0x44: {  	_ =	shalt  }
0x45: {  	_ =	shalt  }
0x46: {  	_ =	shalt  }
0x47: {  	_ =	shalt  }
0x48: {  	_ =	shalt  }
0x49: {  	_ =	shalt  }
0x4a: {  	_ =	shalt  }
0x4b: {  	_ =	shalt  }
0x4c: {  	_ =	shalt  }
0x4d: {  	_ =	shalt  }
0x4e: {  	_ =	shalt  }
0x4f: {  	_ =	shalt  }
0x50: {  	_ =	shalt  }
0x51: {  	_ =	shalt  }
0x52: {  	_ =	shalt  }
0x53: {  	_ =	shalt  }
0x54: {  	_ =	shalt  }
0x55: {  	_ =	shalt  }
0x56: {  	_ =	shalt  }
0x57: {  	_ =	shalt  }
0x58: {  	_ =	shalt  }
0x59: {  	_ =	shalt  }
0x5a: {  	_ =	shalt  }
0x5b: {  	_ =	shalt  }
0x5c: {  	_ =	shalt  }
0x5d: {  	_ =	shalt  }
0x5e: {  	_ =	shalt  }
0x5f: {  	_ =	shalt  }
0x60: {  	_ =	shalt  }
0x61: {  	_ =	shalt  }
0x62: {  	_ =	shalt  }
0x63: {  	_ =	shalt  }
0x64: {  	_ =	shalt  }
0x65: {  	_ =	shalt  }
0x66: {  	_ =	shalt  }
0x67: {  	_ =	shalt  }
0x68: {  	_ =	shalt  }
0x69: {  	_ =	shalt  }
0x6a: {  	_ =	shalt  }
0x6b: {  	_ =	shalt  }
0x6c: {  	_ =	shalt  }
0x6d: {  	_ =	shalt  }
0x6e: {  	_ =	shalt  }
0x6f: {  	_ =	shalt  }
0x70: {  	_ =	shalt  }
0x71: {  	_ =	shalt  }
0x72: {  	_ =	shalt  }
0x73: {  	_ =	shalt  }
0x74: {  	_ =	shalt  }
0x75: {  	_ =	shalt  }
0x76: {  	_ =	shalt  }
0x77: {  	_ =	shalt  }
0x78: {  	_ =	shalt  }
0x79: {  	_ =	shalt  }
0x7a: {  	_ =	shalt  }
0x7b: {  	_ =	shalt  }
0x7c: {  	_ =	shalt  }
0x7d: {  	_ =	shalt  }
0x7e: {  	_ =	shalt  }
0x7f: {  	_ =	shalt  }
0x80: {  	_ =	shalt  }
0x81: {  	_ =	shalt  }
0x82: {  	_ =	shalt  }
0x83: {  	_ =	shalt  }
0x84: {  	_ =	shalt  }
0x85: {  	_ =	shalt  }
0x86: {  	_ =	shalt  }
0x87: {  	_ =	shalt  }
.Lfunc_end0:
.L_simem_size_0:
called_computation.1_lowered:
.L_overlay_start_0:
0x88: {  	s2 =	sld [smem:$0x3FD9]  }
0x89: {  	s3 =	sld [smem:$0x3FFE];
	_ =	sdelay $0x1  }
0x8a: {  	s1 =	srdreg.scid  }
0x8b: {  	s0 =	sand.u32 $0x1, s1  }
0x8c: {  	s16 =	sshll.u32 s0, $0xA;
	s2 =	sadd.s32 s3, s2  }
0x8d: {  	s2 =	sadd.s32 s2, s16  }
0x8e: {  	[smem:$0x3FBC] =	sst s2  }
0x8f: {  	_ = 	snop  }
0x90: {  	(tm) =	ssettm $0x1  }
0x91: {  	s17 =	sld [smem:$0x3FFB];
	_ =	sdelay $0x3  }
0x92: {  	_ =	strace s17  }
0x93: {  	s2 =	sld [smem:$0x3FFC];
	_ =	sdelay $0x3  }
0x94: {  	_ =	strace s2  }
0x95: {  	s2 =	sld [smem:$0x3FFD];
	_ =	sdelay $0x3  }
0x96: {  	_ =	strace s2  }
0x97: {  	_ =	strace $0x8FFFFFFF  }
0x98: {  	s18 =	sld [smem:$0x3FDB];
	_ =	sdelay $0x1  }
0x99: {  	s19 =	simm.s32 $_scs_section_size  }
0x9a: {  	s4 =	simm.s32 $_size__tile_overlayer_lowered;
	s5 =	simm.s32 $_tile_overlayer_lowered  }
0x9b: {  	s22 =	simm.s32 $0x1BFF;
	s21 =	sshll.u32 s5, $0x1;
	s2 =	sadd.s32 s19, s18  }
0x9c: {  	s6 =	simm.s32 $0x0;
	s20 =	sshll.u32 s4, $0x1;
	s4 =	sadd.s32 s21, s2  }
0x9d: {  	[timem:s6], [sflag:s22] =	dma.local [hbm:s4], s20  }
0x9e: {  	_ =	swait.ge [sflag:s22], s20  }
0x9f: {  	s3 =	ssub.s32 $0x0, s20;
	[sflag:s22] =	ssyncset.done $0x0  }
0xa0: {  	[sflag:s22] =	ssyncadd.s32 s3;
	_ =	sdelay $0x1  }
0xa1: {  	s23 =	simm.s32 $0x1B8B  }
0xa2: {  	_ =	swait.ge [sflag:s23], $0x1  }
0xa3: {  	[sflag:s23] =	ssyncset.done $0x0  }
0xa4: {  	s25 =	simm.s32 $0x1B8E;
	s24 =	sld [smem:$0x3FFE];
	[sflag:s23] =	ssyncadd.s32 $0xFFFFFFFF  }
0xa5: {  	s26 =	simm.s32 $execute0_lowered;
	[smem:$0x3FD2] =	sst s25  }
0xa6: {  	s4 =	sshll.u32 s26, $0x1;
	_ =	strace $0x80000049;
	[dreg:$0x1] =	wrdreg $0xFFFFFFFF  }
0xa7: {  	s28 =	simm.s32 $_size_execute0_lowered;
	s2 =	sadd.s32 s2, s4;
	[dreg:$0x0] =	wrdreg $0x0  }
0xa8: {  	s4 =	sshll.u32 s28, $0x1;
	[dreg:$0x2] =	wrdreg s2  }
0xa9: {  	[dreg:$0x3] =	wrdreg s4  }
0xaa: {  	[dreg:$0x4] =	wrdreg $0xC0  }
0xab: {  	_ =	task [dreg:s6], $0x5FFFF  }
0xac: {  	[dreg:$0x1] =	wrdreg $0xFFFFFFFF  }
0xad: {  	[dreg:$0x0] =	wrdreg $0x60  }
0xae: {  	[dreg:$0x2] =	wrdreg s24  }
0xaf: {  	[dreg:$0x3] =	wrdreg $0x0  }
0xb0: {  	[dreg:$0x4] =	wrdreg $0x9  }
0xb1: {  	_ =	task.clear_ibuf [dreg:s6], $0x5FFFF;
	_ =	strace $0x90000049  }
0xb2: {  	s29 =	simm.s32 $0x9;
	_ =	strace $0x8000004B  }
0xb3: {  	_ =	swait.ge [sflag:s29], $0x1  }
0xb4: {  	[sflag:s29] =	ssyncadd.s32 $0xFFFFFFFF  }
0xb5: {  	_ =	strace $0x9000004B  }
0xb6: {  	_ =	sfence  }
0xb7: {  	s30 =	sld [smem:$0x0];
	_ =	sdelay $0x2  }
0xb8: {  	s31 =	sshll.u32 s1, $0xD;
	s1 =	sshrl.u32 s1, $0x2  }
0xb9: {  	s3 =	sand.u32 $0x4000, s31;
	s1 =	sadd.s32 s1, s30  }
0xba: {  	s0 =	sor.u32 s3, s0;
	s1 =	sshll.u32 s1, $0x11  }
0xbb: {  	s0 =	sor.u32 s1, s0  }
0xbc: {  	s0 =	sadd.s32 $0x8F2B, s0  }
0xbd: {  	[sflag:s0] =	ssyncadd.remote.s32 $0x1  }
0xbe: {  	_ =	sfence.sel $0xFFFF  }
0xbf: {  	[dreg:$0x0] =	wrdreg $0xFFFFFFFF;
	(pc) =	sbr.abs _section_cstart, $3  }
0xc0: {  	[dreg:$0x1] =	wrdreg $0xFFFFFFFF  }
0xc1: {  	_ =	task.clear_ibuf [dreg:s6], $0x2FFFF;
	_ =	strace $0x9FFFFFFF  }
0xc2: {  	(tm) =	ssettm $0x7FFFFFFF  }
0xc3: {  	_ =	shalt  }
tec
execute0_lowered:
.L_overlay_start_1:
0x0: {  	(tag) =	ssettag $0x1  }
0x1: {  	s0 =	rddreg [dreg:$0x0]  }
0x2: {  	s2 =	rddreg [dreg:$0x1]  }
0x3: {  	s1 =	srdreg.scid;
	s10 =	stileid.u32;
	s5 =	simm.s32 $0x0  }
0x4: {  	s1 =	sand.u32 $0x1, s1;
	s4 =	sshll.u32 s10, $0x1;
	[smem:$0x7FF] =	sst s5  }
0x5: {  	s22 =	smul.u32 $0x2710, s10;
	s8 =	sadd.s32 $0x17000, s0;
	s9 =	sadd.s32 $0x3400, s0  }
0x6: {  	s25 =	smul.u32 $0x4E200, s10;
	p0 =	sgt.u32 s10, $0x3;
	s10 =	simm.s32 $0x5  }
0x7: {  	s3 =	smul.u32 $0x27100, s1;
	s6 =	sor.u32 s1, s4;
	_ =	strace $0x8000004A  }
0x8: {  	s4 =	sadd.s32 $0x34A00, s0;
	s1 =	ssub.s32 $0x2, s1;
	s7 =	smul.u32 $0x9C, s6  }
0x9: {  	s6 =	smin.u32 s6, $0x8;
	s24 =	sshrl.u32 s1, $0x1;
	s12 =	sshrl.u32 s25, $0x2  }
0xa: {  	s3 =	sadd.s32 s22, s3;
	s1 =	ssub.s32 s1, s24;
	s23 =	sadd.s32 s6, s7  }
0xb: {  	s0 =	sadd.s32 s3, s0;
	s14 =	smax.u32 s1, $0x1;
	s7 =	simm.s32 $0x1E700  }
0xc: {  	s5 =	sshll.u32 s23, $0x3;
	s0 =	sadd.s32 $0x5BC00, s0;
	[dreg:$0x8] =	wrdreg s14  }
0xd: {  	s14 =	simm.s32 $0x1A700;
	s26 =	sadd.s32 s8, s5;
	[dreg:$0x7] =	wrdreg s0  }
0xe: {  	s6 =	sadd.s32 s9, s5;
	s11 =	sadd.s32 $0x4E0, s5;
	[dreg:$0x3] =	wrdreg s26  }
0xf: {  	[dreg:$0x4] =	wrdreg s6;
	s13 =	sadd.s32 s8, s11;
	s3 =	sadd.s32 s9, s11  }
0x10: {  	s9 =	sadd.s32 s12, s2;
	s8 =	simm.s32 $0x13880;
	[dreg:$0x5] =	wrdreg s13  }
0x11: {  	s11 =	simm.s32 $0x4;
	[dreg:$0x6] =	wrdreg s3;
	s15 =	sadd.s32 $0xC80, s9  }
0x12: {  	s12 =	simm.s32 $0x40;
	s16 =	sadd.s32 $0x1900, s9;
	[dreg:$0x9] =	wrdreg s15  }
0x13: {  	s17 =	sadd.s32 $0x2580, s9;
	s18 =	sadd.s32 $0x3200, s9;
	[dreg:$0xa] =	wrdreg s16  }
0x14: {  	s19 =	sadd.s32 $0x3E80, s9;
	s20 =	sadd.s32 $0x4B00, s9;
	[dreg:$0xb] =	wrdreg s17  }
0x15: {  	s21 =	sadd.s32 $0x5780, s9;
	s22 =	sadd.s32 $0x6400, s9;
	[dreg:$0xc] =	wrdreg s18  }
0x16: {  	s23 =	sadd.s32 $0x7080, s9;
	s24 =	sadd.s32 $0x7D00, s9;
	[dreg:$0xd] =	wrdreg s19  }
0x17: {  	s25 =	sadd.s32 $0x8980, s9;
	s26 =	sadd.s32 $0x9600, s9;
	[dreg:$0xe] =	wrdreg s20  }
0x18: {  	s28 =	sadd.s32 $0xC800, s9;
	s29 =	sadd.s32 $0xD480, s9;
	[dreg:$0xf] =	wrdreg s21  }
0x19: {  	s30 =	sadd.s32 $0xE100, s9;
	s31 =	sadd.s32 $0xED80, s9;
	[dreg:$0x10] =	wrdreg s22  }
0x1a: {  	s0 =	sadd.s32 $0xFA00, s9;
	s1 =	sadd.s32 $0x10680, s9;
	[dreg:$0x11] =	wrdreg s23  }
0x1b: {  	s3 =	sadd.s32 $0x11300, s9;
	s5 =	sadd.s32 $0x11F80, s9;
	[dreg:$0x12] =	wrdreg s24  }
0x1c: {  	s6 =	sadd.s32 $0x12C00, s9;
	s13 =	simm.s32 $0x18700;
	[dreg:$0x13] =	wrdreg s25  }
0x1d: {  	[dreg:$0x14] =	wrdreg s26;
	s24 =	sadd.s32 $0xA280, s9;
	s25 =	sadd.s32 $0xAF00, s9  }
0x1e: {  	s26 =	sadd.s32 $0xBB80, s9;
	s15 =	simm.s32 $0x1C700;
	s16 =	simm.s32 $0x1  }
0x1f: {  	v0 =	vimm.f32 $0.0e+00;
	s17 =	simm.s32 $0x2;
	s18 =	simm.s32 $0x3;
	s19 =	simm.s32 $0x0  }
.LBB2_1:
0x20: {  	s20 =	simm.s32 $0x0;
	s21 =	simm.s32 $0x200  }
.LBB2_2:
0x21: {  	p1 =	sne.s32 s21, $0x3000;
	[tilespmem:s20+$0x1E770] =	vst v0  }
0x22: {  	[tilespmem:s20+$0x1E700] =	vst v0  }
0x23: {  	[tilespmem:s20+$0x1E710] =	vst v0  }
.Ltmp0:
0x24: {  	[tilespmem:s20+$0x1E720] =	vst v0;
	(pc) =	sbr.rel @p1 .LBB2_2-.Ltmp0, $4  }
0x25: {  	[tilespmem:s20+$0x1E730] =	vst v0  }
0x26: {  	[tilespmem:s20+$0x1E740] =	vst v0  }
0x27: {  	[tilespmem:s20+$0x1E750] =	vst v0  }
0x28: {  	[tilespmem:s20+$0x1E760] =	vst v0;
	s20 =	sshra.s32 s21, $0x2;
	s21 =	sadd.s32 $0x200, s21  }
0x29: {  	[tilespmem:s20+$0x1E770] =	vst v0  }
0x2a: {  	[tilespmem:s20+$0x1E700] =	vst v0  }
0x2b: {  	[tilespmem:s20+$0x1E710] =	vst v0  }
0x2c: {  	[tilespmem:s20+$0x1E720] =	vst v0  }
0x2d: {  	[tilespmem:s20+$0x1E730] =	vst v0  }
0x2e: {  	[tilespmem:s20+$0x1E740] =	vst v0  }
0x2f: {  	[tilespmem:s20+$0x1E750] =	vst v0  }
0x30: {  	[tilespmem:s20+$0x1E760] =	vst v0  }
0x31: {  	[spmem:s9] =	stream.linear.scatter [tilespmem:s7], [sflag:$0x4], $0xC80, $0x38;
	[tilespmem:$0x1F380] =	vst v63  }
0x32: {  	s23 =	rddreg [dreg:$0x9]  }
0x33: {  	[spmem:s23] =	stream.linear.scatter [tilespmem:s7], [sflag:$0x4], $0xC80, $0x38;
	[tilespmem:$0x1F380] =	vst v63  }
0x34: {  	s21 =	rddreg [dreg:$0xa]  }
0x35: {  	[spmem:s21] =	stream.linear.scatter [tilespmem:s7], [sflag:$0x4], $0xC80, $0x38;
	[tilespmem:$0x1F380] =	vst v63  }
0x36: {  	s22 =	rddreg [dreg:$0xb]  }
0x37: {  	[spmem:s22] =	stream.linear.scatter [tilespmem:s7], [sflag:$0x4], $0xC80, $0x38;
	[tilespmem:$0x1F380] =	vst v63  }
0x38: {  	s23 =	rddreg [dreg:$0xc]  }
0x39: {  	[spmem:s23] =	stream.linear.scatter [tilespmem:s7], [sflag:$0x4], $0xC80, $0x38;
	[tilespmem:$0x1F380] =	vst v63  }
0x3a: {  	s21 =	rddreg [dreg:$0xd]  }
0x3b: {  	[spmem:s21] =	stream.linear.scatter [tilespmem:s7], [sflag:$0x4], $0xC80, $0x38;
	[tilespmem:$0x1F380] =	vst v63  }
0x3c: {  	s22 =	rddreg [dreg:$0xe]  }
0x3d: {  	[spmem:s22] =	stream.linear.scatter [tilespmem:s7], [sflag:$0x4], $0xC80, $0x38;
	[tilespmem:$0x1F380] =	vst v63  }
0x3e: {  	s23 =	rddreg [dreg:$0xf]  }
0x3f: {  	[spmem:s23] =	stream.linear.scatter [tilespmem:s7], [sflag:$0x4], $0xC80, $0x38;
	[tilespmem:$0x1F380] =	vst v63  }
0x40: {  	s21 =	rddreg [dreg:$0x10]  }
0x41: {  	[spmem:s21] =	stream.linear.scatter [tilespmem:s7], [sflag:$0x4], $0xC80, $0x38;
	[tilespmem:$0x1F380] =	vst v63  }
0x42: {  	s22 =	rddreg [dreg:$0x11]  }
0x43: {  	[spmem:s22] =	stream.linear.scatter [tilespmem:s7], [sflag:$0x4], $0xC80, $0x38;
	[tilespmem:$0x1F380] =	vst v63  }
0x44: {  	s23 =	rddreg [dreg:$0x12]  }
0x45: {  	[spmem:s23] =	stream.linear.scatter [tilespmem:s7], [sflag:$0x4], $0xC80, $0x38;
	[tilespmem:$0x1F380] =	vst v63  }
0x46: {  	s21 =	rddreg [dreg:$0x13]  }
0x47: {  	[spmem:s21] =	stream.linear.scatter [tilespmem:s7], [sflag:$0x4], $0xC80, $0x38;
	[tilespmem:$0x1F380] =	vst v63  }
0x48: {  	s22 =	rddreg [dreg:$0x14]  }
0x49: {  	[spmem:s22] =	stream.linear.scatter [tilespmem:s7], [sflag:$0x4], $0xC80, $0x38;
	[tilespmem:$0x1F380] =	vst v63  }
0x4a: {  	_ = 	snop  }
0x4b: {  	[spmem:s24] =	stream.linear.scatter [tilespmem:s7], [sflag:$0x4], $0xC80, $0x38;
	[tilespmem:$0x1F380] =	vst v63  }
0x4c: {  	_ = 	snop  }
0x4d: {  	[spmem:s25] =	stream.linear.scatter [tilespmem:s7], [sflag:$0x4], $0xC80, $0x38;
	[tilespmem:$0x1F380] =	vst v63  }
0x4e: {  	_ = 	snop  }
0x4f: {  	[spmem:s26] =	stream.linear.scatter [tilespmem:s7], [sflag:$0x4], $0xC80, $0x38;
	[tilespmem:$0x1F380] =	vst v63  }
0x50: {  	_ = 	snop  }
0x51: {  	[spmem:s28] =	stream.linear.scatter [tilespmem:s7], [sflag:$0x4], $0xC80, $0x38;
	[tilespmem:$0x1F380] =	vst v63  }
0x52: {  	_ = 	snop  }
0x53: {  	[spmem:s29] =	stream.linear.scatter [tilespmem:s7], [sflag:$0x4], $0xC80, $0x38;
	[tilespmem:$0x1F380] =	vst v63  }
0x54: {  	_ = 	snop  }
0x55: {  	[spmem:s30] =	stream.linear.scatter [tilespmem:s7], [sflag:$0x4], $0xC80, $0x38;
	[tilespmem:$0x1F380] =	vst v63  }
0x56: {  	_ = 	snop  }
0x57: {  	[spmem:s31] =	stream.linear.scatter [tilespmem:s7], [sflag:$0x4], $0xC80, $0x38;
	[tilespmem:$0x1F380] =	vst v63  }
0x58: {  	_ = 	snop  }
0x59: {  	[spmem:s0] =	stream.linear.scatter [tilespmem:s7], [sflag:$0x4], $0xC80, $0x38;
	[tilespmem:$0x1F380] =	vst v63  }
0x5a: {  	_ = 	snop  }
0x5b: {  	[spmem:s1] =	stream.linear.scatter [tilespmem:s7], [sflag:$0x4], $0xC80, $0x38;
	[tilespmem:$0x1F380] =	vst v63  }
0x5c: {  	_ = 	snop  }
0x5d: {  	[spmem:s3] =	stream.linear.scatter [tilespmem:s7], [sflag:$0x4], $0xC80, $0x38;
	[tilespmem:$0x1F380] =	vst v63  }
0x5e: {  	_ = 	snop  }
0x5f: {  	[spmem:s5] =	stream.linear.scatter [tilespmem:s7], [sflag:$0x4], $0xC80, $0x38;
	[tilespmem:$0x1F380] =	vst v63  }
0x60: {  	_ = 	snop  }
0x61: {  	[spmem:s6] =	stream.linear.scatter [tilespmem:s7], [sflag:$0x4], $0xC80, $0x38;
	[tilespmem:$0x1F380] =	vst v63  }
0x62: {  	s20 =	simm.s32 $0x0;
	s21 =	rddreg [dreg:$0x3]  }
0x63: {  	[tilespmem:s8], [sflag:$0x5] =	stream.linear.gather [hbm4b:s21+s20], $0x2700, $0x38;
	[tilespmem:$0x1F380] =	vst v63  }
0x64: {  	_ =	swait.ge [sflag:s10], $0x2700  }
0x65: {  	[sflag:s10] =	ssyncset.done $0x0  }
0x66: {  	s22 =	simm.s32 $0x15FC0;
	s23 =	rddreg [dreg:$0x4];
	[sflag:s10] =	ssyncadd.s32 $0xFFFFD900  }
0x67: {  	[tilespmem:s22], [sflag:$0x5] =	stream.linear.gather [hbm4b:s23+s20], $0x2700, $0x38;
	[tilespmem:$0x1F380] =	vst v63  }
0x68: {  	_ =	swait.ge [sflag:s10], $0x2700  }
0x69: {  	s21 =	simm.s32 @!p0 $0x15F80;
	[sflag:s10] =	ssyncset.done $0x0  }
0x6a: {  	s20 =	simm.s32 @!p0 $0x0;
	s22 =	rddreg [dreg:$0x5];
	[sflag:s10] =	ssyncadd.s32 $0xFFFFD900  }
0x6b: {  	[tilespmem:s21], [sflag:$0x5] =	stream.linear.gather @!p0 [hbm4b:s22+s20], $0x40, $0x38;
	[tilespmem:$0x1F380] =	vst v63  }
0x6c: {  	s21 =	simm.s32 @!p0 $0x5  }
0x6d: {  	_ =	swait.ge @!p0 [sflag:s21], $0x40  }
0x6e: {  	[sflag:s21] =	ssyncset.done @!p0 $0x0  }
0x6f: {  	s22 =	simm.s32 @!p0 $0x186C0;
	s23 =	rddreg [dreg:$0x6];
	[sflag:s21] =	ssyncadd.s32 @!p0 $0xFFFFFFC0  }
0x70: {  	[tilespmem:s22], [sflag:$0x5] =	stream.linear.gather @!p0 [hbm4b:s23+s20], $0x40, $0x38;
	[tilespmem:$0x1F380] =	vst v63  }
0x71: {  	_ =	swait.ge @!p0 [sflag:s21], $0x40  }
0x72: {  	[sflag:s21] =	ssyncset.done @!p0 $0x0  }
0x73: {  	[sflag:s21] =	ssyncadd.s32 @!p0 $0xFFFFFFC0  }
0x74: {  	_ =	swait.ge [sflag:s11], $0xC80  }
0x75: {  	[sflag:s11] =	ssyncset.done $0x0  }
0x76: {  	[sflag:s11] =	ssyncadd.s32 $0xFFFFF380  }
0x77: {  	_ =	swait.ge [sflag:s11], $0xC80  }
0x78: {  	[sflag:s11] =	ssyncset.done $0x0  }
0x79: {  	[sflag:s11] =	ssyncadd.s32 $0xFFFFF380  }
0x7a: {  	_ =	swait.ge [sflag:s11], $0xC80  }
0x7b: {  	[sflag:s11] =	ssyncset.done $0x0  }
0x7c: {  	[sflag:s11] =	ssyncadd.s32 $0xFFFFF380  }
0x7d: {  	_ =	swait.ge [sflag:s11], $0xC80  }
0x7e: {  	[sflag:s11] =	ssyncset.done $0x0  }
0x7f: {  	[sflag:s11] =	ssyncadd.s32 $0xFFFFF380  }
0x80: {  	_ =	swait.ge [sflag:s11], $0xC80  }
0x81: {  	[sflag:s11] =	ssyncset.done $0x0  }
0x82: {  	[sflag:s11] =	ssyncadd.s32 $0xFFFFF380  }
0x83: {  	_ =	swait.ge [sflag:s11], $0xC80  }
0x84: {  	[sflag:s11] =	ssyncset.done $0x0  }
0x85: {  	[sflag:s11] =	ssyncadd.s32 $0xFFFFF380  }
0x86: {  	_ =	swait.ge [sflag:s11], $0xC80  }
0x87: {  	[sflag:s11] =	ssyncset.done $0x0  }
0x88: {  	[sflag:s11] =	ssyncadd.s32 $0xFFFFF380  }
0x89: {  	_ =	swait.ge [sflag:s11], $0xC80  }
0x8a: {  	[sflag:s11] =	ssyncset.done $0x0  }
0x8b: {  	[sflag:s11] =	ssyncadd.s32 $0xFFFFF380  }
0x8c: {  	_ =	swait.ge [sflag:s11], $0xC80  }
0x8d: {  	[sflag:s11] =	ssyncset.done $0x0  }
0x8e: {  	[sflag:s11] =	ssyncadd.s32 $0xFFFFF380  }
0x8f: {  	_ =	swait.ge [sflag:s11], $0xC80  }
0x90: {  	[sflag:s11] =	ssyncset.done $0x0  }
0x91: {  	[sflag:s11] =	ssyncadd.s32 $0xFFFFF380  }
0x92: {  	_ =	swait.ge [sflag:s11], $0xC80  }
0x93: {  	[sflag:s11] =	ssyncset.done $0x0  }
0x94: {  	[sflag:s11] =	ssyncadd.s32 $0xFFFFF380  }
0x95: {  	_ =	swait.ge [sflag:s11], $0xC80  }
0x96: {  	[sflag:s11] =	ssyncset.done $0x0  }
0x97: {  	[sflag:s11] =	ssyncadd.s32 $0xFFFFF380  }
0x98: {  	_ =	swait.ge [sflag:s11], $0xC80  }
0x99: {  	[sflag:s11] =	ssyncset.done $0x0  }
0x9a: {  	[sflag:s11] =	ssyncadd.s32 $0xFFFFF380  }
0x9b: {  	_ =	swait.ge [sflag:s11], $0xC80  }
0x9c: {  	[sflag:s11] =	ssyncset.done $0x0  }
0x9d: {  	[sflag:s11] =	ssyncadd.s32 $0xFFFFF380  }
0x9e: {  	_ =	swait.ge [sflag:s11], $0xC80  }
0x9f: {  	[sflag:s11] =	ssyncset.done $0x0  }
0xa0: {  	[sflag:s11] =	ssyncadd.s32 $0xFFFFF380  }
0xa1: {  	_ =	swait.ge [sflag:s11], $0xC80  }
0xa2: {  	[sflag:s11] =	ssyncset.done $0x0  }
0xa3: {  	[sflag:s11] =	ssyncadd.s32 $0xFFFFF380  }
0xa4: {  	_ =	swait.ge [sflag:s11], $0xC80  }
0xa5: {  	[sflag:s11] =	ssyncset.done $0x0  }
0xa6: {  	[sflag:s11] =	ssyncadd.s32 $0xFFFFF380  }
0xa7: {  	_ =	swait.ge [sflag:s11], $0xC80  }
0xa8: {  	[sflag:s11] =	ssyncset.done $0x0  }
0xa9: {  	[sflag:s11] =	ssyncadd.s32 $0xFFFFF380  }
0xaa: {  	_ =	swait.ge [sflag:s11], $0xC80  }
0xab: {  	[sflag:s11] =	ssyncset.done $0x0  }
0xac: {  	[sflag:s11] =	ssyncadd.s32 $0xFFFFF380  }
0xad: {  	_ =	swait.ge [sflag:s11], $0xC80  }
0xae: {  	[sflag:s11] =	ssyncset.done $0x0  }
0xaf: {  	[sflag:s11] =	ssyncadd.s32 $0xFFFFF380  }
0xb0: {  	_ =	swait.ge [sflag:s11], $0xC80  }
0xb1: {  	[sflag:s11] =	ssyncset.done $0x0  }
0xb2: {  	[sflag:s11] =	ssyncadd.s32 $0xFFFFF380  }
0xb3: {  	_ =	swait.ge [sflag:s11], $0xC80  }
0xb4: {  	[sflag:s11] =	ssyncset.done $0x0  }
0xb5: {  	[sflag:s11] =	ssyncadd.s32 $0xFFFFF380  }
0xb6: {  	_ =	swait.ge [sflag:s11], $0xC80  }
0xb7: {  	[sflag:s11] =	ssyncset.done $0x0  }
0xb8: {  	[sflag:s11] =	ssyncadd.s32 $0xFFFFF380  }
0xb9: {  	_ =	swait.ge [sflag:s11], $0xC80  }
0xba: {  	[sflag:s11] =	ssyncset.done $0x0  }
0xbb: {  	[sflag:s11] =	ssyncadd.s32 $0xFFFFF380  }
0xbc: {  	_ =	swait.ge [sflag:s11], $0xC80  }
0xbd: {  	[sflag:s11] =	ssyncset.done $0x0  }
0xbe: {  	[sflag:s11] =	ssyncadd.s32 $0xFFFFF380  }
0xbf: {  	[bflag:$0x0] =	sbarrier.arrive $0xFFFF  }
0xc0: {  	[tilespmem:s13], [sflag:$0x1] =	stream.indirect.gather [hbm4b:s4+s12], $0x80, s8, s12, $0xb8;
	[tilespmem:$0x1F380] =	vst v63  }
0xc1: {  	s23 =	simm.s32 $0x138C0  }
0xc2: {  	[tilespmem:s14], [sflag:$0x2] =	stream.indirect.gather [hbm4b:s4+s12], $0x80, s23, s12, $0xb8;
	[tilespmem:$0x1F380] =	vst v63  }
0xc3: {  	s21 =	simm.s32 $0x13900  }
0xc4: {  	[tilespmem:s15], [sflag:$0x3] =	stream.indirect.gather [hbm4b:s4+s12], $0x80, s21, s12, $0xb8;
	[tilespmem:$0x1F380] =	vst v63  }
0xc5: {  	_ =	swait.ge [sflag:s16], $0x2000  }
0xc6: {  	[sflag:s16] =	ssyncset.done $0x0  }
0xc7: {  	s22 =	simm.s32 $0x15FC0;
	[sflag:s16] =	ssyncadd.s32 $0xFFFFE000  }
0xc8: {  	[spmem:s2] =	stream.indirect.scatter.add.f32 [tilespmem:s13], [sflag:$0x5], $0x80, s22, s12, $0xb8;
	[tilespmem:$0x1F380] =	vst v63  }
0xc9: {  	_ =	swait.ge [sflag:s10], $0x2000  }
0xca: {  	[sflag:s10] =	ssyncset.done $0x0  }
0xcb: {  	s23 =	simm.s32 $0x13940;
	[sflag:s10] =	ssyncadd.s32 $0xFFFFE000  }
0xcc: {  	[tilespmem:s13], [sflag:$0x1] =	stream.indirect.gather [hbm4b:s4+s12], $0x80, s23, s12, $0xb8;
	[tilespmem:$0x1F380] =	vst v63  }
0xcd: {  	_ =	swait.ge [sflag:s17], $0x2000  }
0xce: {  	[sflag:s17] =	ssyncset.done $0x0  }
0xcf: {  	s21 =	simm.s32 $0x16000;
	[sflag:s17] =	ssyncadd.s32 $0xFFFFE000  }
0xd0: {  	[spmem:s2] =	stream.indirect.scatter.add.f32 [tilespmem:s14], [sflag:$0x5], $0x80, s21, s12, $0xb8;
	[tilespmem:$0x1F380] =	vst v63  }
0xd1: {  	_ =	swait.ge [sflag:s10], $0x2000  }
0xd2: {  	[sflag:s10] =	ssyncset.done $0x0  }
0xd3: {  	s22 =	simm.s32 $0x13980;
	[sflag:s10] =	ssyncadd.s32 $0xFFFFE000  }
0xd4: {  	[tilespmem:s14], [sflag:$0x2] =	stream.indirect.gather [hbm4b:s4+s12], $0x80, s22, s12, $0xb8;
	[tilespmem:$0x1F380] =	vst v63  }
0xd5: {  	_ =	swait.ge [sflag:s18], $0x2000  }
0xd6: {  	[sflag:s18] =	ssyncset.done $0x0  }
0xd7: {  	s23 =	simm.s32 $0x16040;
	[sflag:s18] =	ssyncadd.s32 $0xFFFFE000  }
0xd8: {  	[spmem:s2] =	stream.indirect.scatter.add.f32 [tilespmem:s15], [sflag:$0x5], $0x80, s23, s12, $0xb8;
	[tilespmem:$0x1F380] =	vst v63  }
0xd9: {  	_ =	swait.ge [sflag:s10], $0x2000  }
0xda: {  	[sflag:s10] =	ssyncset.done $0x0  }
0xdb: {  	s20 =	simm.s32 $0x300;
	s21 =	simm.s32 $0x139C0;
	[sflag:s10] =	ssyncadd.s32 $0xFFFFE000  }
.LBB2_4:
0xdc: {  	[tilespmem:s15], [sflag:$0x3] =	stream.indirect.gather [hbm4b:s4+s12], $0x80, s21, s12, $0xb8;
	[tilespmem:$0x1F380] =	vst v63  }
0xdd: {  	s21 =	smov.u32 s20  }
0xde: {  	p1 =	sne.s32 s20, $0x9600;
	s20 =	sadd.s32 $0x300, s20;
	_ =	swait.ge [sflag:s16], $0x2000  }
0xdf: {  	s21 =	sshra.s32 s21, $0x2;
	[sflag:s16] =	ssyncset.done $0x0  }
0xe0: {  	s22 =	sadd.s32 $0x15FC0, s21;
	[sflag:s16] =	ssyncadd.s32 $0xFFFFE000  }
0xe1: {  	[spmem:s2] =	stream.indirect.scatter.add.f32 [tilespmem:s13], [sflag:$0x5], $0x80, s22, s12, $0xb8;
	[tilespmem:$0x1F380] =	vst v63  }
0xe2: {  	_ =	swait.ge [sflag:s10], $0x2000  }
0xe3: {  	[sflag:s10] =	ssyncset.done $0x0  }
0xe4: {  	s22 =	sadd.s32 $0x13940, s21;
	[sflag:s10] =	ssyncadd.s32 $0xFFFFE000  }
0xe5: {  	[tilespmem:s13], [sflag:$0x1] =	stream.indirect.gather [hbm4b:s4+s12], $0x80, s22, s12, $0xb8;
	[tilespmem:$0x1F380] =	vst v63  }
0xe6: {  	_ =	swait.ge [sflag:s17], $0x2000  }
0xe7: {  	[sflag:s17] =	ssyncset.done $0x0  }
0xe8: {  	s22 =	sadd.s32 $0x16000, s21;
	[sflag:s17] =	ssyncadd.s32 $0xFFFFE000  }
0xe9: {  	[spmem:s2] =	stream.indirect.scatter.add.f32 [tilespmem:s14], [sflag:$0x5], $0x80, s22, s12, $0xb8;
	[tilespmem:$0x1F380] =	vst v63  }
0xea: {  	_ =	swait.ge [sflag:s10], $0x2000  }
0xeb: {  	[sflag:s10] =	ssyncset.done $0x0  }
0xec: {  	s22 =	sadd.s32 $0x13980, s21;
	[sflag:s10] =	ssyncadd.s32 $0xFFFFE000  }
0xed: {  	[tilespmem:s14], [sflag:$0x2] =	stream.indirect.gather [hbm4b:s4+s12], $0x80, s22, s12, $0xb8;
	[tilespmem:$0x1F380] =	vst v63  }
0xee: {  	_ =	swait.ge [sflag:s18], $0x2000  }
0xef: {  	[sflag:s18] =	ssyncset.done $0x0  }
.Ltmp1:
0xf0: {  	s22 =	sadd.s32 $0x16040, s21;
	[sflag:s18] =	ssyncadd.s32 $0xFFFFE000;
	(pc) =	sbr.rel @p1 .LBB2_4-.Ltmp1, $4  }
0xf1: {  	[spmem:s2] =	stream.indirect.scatter.add.f32 [tilespmem:s15], [sflag:$0x5], $0x80, s22, s12, $0xb8;
	[tilespmem:$0x1F380] =	vst v63  }
0xf2: {  	_ =	swait.ge [sflag:s10], $0x2000  }
0xf3: {  	[sflag:s10] =	ssyncset.done $0x0  }
0xf4: {  	s21 =	sadd.s32 $0x139C0, s21;
	[sflag:s10] =	ssyncadd.s32 $0xFFFFE000  }
0xf5: {  	[tilespmem:s15], [sflag:$0x3] =	stream.indirect.gather [hbm4b:s4+s12], $0x80, s21, s12, $0xb8;
	[tilespmem:$0x1F380] =	vst v63  }
0xf6: {  	_ =	swait.ge [sflag:s16], $0x2000  }
0xf7: {  	[sflag:s16] =	ssyncset.done $0x0  }
0xf8: {  	s20 =	simm.s32 $0x18600;
	[sflag:s16] =	ssyncadd.s32 $0xFFFFE000  }
0xf9: {  	[spmem:s2] =	stream.indirect.scatter.add.f32 [tilespmem:s13], [sflag:$0x5], $0x80, s20, s12, $0xb8;
	[tilespmem:$0x1F380] =	vst v63  }
0xfa: {  	_ =	swait.ge [sflag:s10], $0x2000  }
0xfb: {  	s21 =	simm.s32 @!p0 $0x15F80;
	[sflag:s10] =	ssyncset.done $0x0  }
0xfc: {  	s22 =	simm.s32 @!p0 $0x18700;
	s20 =	simm.s32 @!p0 $0x40;
	[sflag:s10] =	ssyncadd.s32 $0xFFFFE000  }
0xfd: {  	[tilespmem:s22], [sflag:$0x1] =	stream.indirect.gather @!p0 [hbm4b:s4+s20], $0x80, s21, s20, $0xb8;
	[tilespmem:$0x1F380] =	vst v63  }
0xfe: {  	_ =	swait.ge [sflag:s17], $0x2000  }
0xff: {  	[sflag:s17] =	ssyncset.done $0x0  }
0x100: {  	s23 =	simm.s32 $0x18640;
	[sflag:s17] =	ssyncadd.s32 $0xFFFFE000  }
0x101: {  	[spmem:s2] =	stream.indirect.scatter.add.f32 [tilespmem:s14], [sflag:$0x5], $0x80, s23, s12, $0xb8;
	[tilespmem:$0x1F380] =	vst v63  }
0x102: {  	_ =	swait.ge [sflag:s10], $0x2000  }
0x103: {  	[sflag:s10] =	ssyncset.done $0x0  }
0x104: {  	[sflag:s10] =	ssyncadd.s32 $0xFFFFE000  }
0x105: {  	_ =	swait.ge [sflag:s18], $0x2000  }
0x106: {  	[sflag:s18] =	ssyncset.done $0x0  }
0x107: {  	s23 =	simm.s32 $0x18680;
	[sflag:s18] =	ssyncadd.s32 $0xFFFFE000  }
0x108: {  	[spmem:s2] =	stream.indirect.scatter.add.f32 [tilespmem:s15], [sflag:$0x5], $0x80, s23, s12, $0xb8;
	[tilespmem:$0x1F380] =	vst v63  }
0x109: {  	_ =	swait.ge [sflag:s10], $0x2000  }
0x10a: {  	[sflag:s10] =	ssyncset.done $0x0  }
0x10b: {  	s21 =	simm.s32 @!p0 $0x1;
	[sflag:s10] =	ssyncadd.s32 $0xFFFFE000  }
0x10c: {  	_ =	swait.ge @!p0 [sflag:s21], $0x2000  }
0x10d: {  	[sflag:s21] =	ssyncset.done @!p0 $0x0  }
0x10e: {  	[sflag:s21] =	ssyncadd.s32 @!p0 $0xFFFFE000;
	s21 =	simm.s32 @!p0 $0x186C0  }
0x10f: {  	[spmem:s2] =	stream.indirect.scatter.add.f32 @!p0 [tilespmem:s22], [sflag:$0x5], $0x80, s21, s20, $0xb8;
	[tilespmem:$0x1F380] =	vst v63  }
0x110: {  	s20 =	simm.s32 @!p0 $0x5  }
0x111: {  	_ =	swait.ge @!p0 [sflag:s20], $0x2000  }
0x112: {  	[sflag:s20] =	ssyncset.done @!p0 $0x0  }
0x113: {  	s21 =	stileid.u32;
	[sflag:s20] =	ssyncadd.s32 @!p0 $0xFFFFE000  }
0x114: {  	s20 =	sshll.u32 s21, $0x6;
	[bflag:$0x0] =	sbarrier.arrive $0xFFFF  }
0x115: {  	s22 =	sshrl.u32 s9, $0x3;
	s20 =	sor.u32 $0x1C05, s20;
	s23 =	rddreg [dreg:$0x7]  }
0x116: {  	[hbm:s23], [sflag:s20] =	dma.local [spmem:s22], $0x2710  }
0x117: {  	_ =	swait.ge [sflag:s10], $0x2710  }
0x118: {  	s19 =	sadd.s32 $0x1, s19;
	s23 =	rddreg [dreg:$0x8]  }
0x119: {  	p1 =	sne.s32 s19, s23  }
.Ltmp2:
0x11a: {  	_ = 	snop;
	(pc) =	sbr.rel @p1 .LBB2_1-.Ltmp2, $3  }
0x11b: {  	_ =	sdelay $0x1  }
0x11c: {  	[sflag:s10] =	ssyncset.done $0x0  }
0x11d: {  	[sflag:s10] =	ssyncadd.s32 $0xFFFFD8F0  }
0x11e: {  	_ =	sfence.sel $0x180000  }
0x11f: {  	[bflag:$0x0] =	sbarrier.arrive $0xFFFF  }
0x120: {  	_ =	strace $0x9000004A  }
0x121: {  	s0 =	stileid.u32;
	[bflag:$0x2] =	sbarrier.arrive $0xFFFF  }
0x122: {  	p0 =	sne.s32 s0, $0x0;
	s0 =	rddreg [dreg:$0x2]  }
0x123: {  	s0 =	sadd.s32 @!p0 $0x100000, s0  }
0x124: {  	[sflag:s0] =	ssyncadd.tile.s32 @!p0 $0x1;
	_ =	shalt  }
.Lfunc_end2:
_tile_overlayer_lowered:
.L_overlay_start_2:
0x125: {  	(tag) =	ssettag $0x2  }
0x126: {  	s0 =	rddreg [dreg:$0x0];
	s2 =	stileid.u32  }
0x127: {  	s1 =	rddreg [dreg:$0x1];
	p0 =	sne.s32 s2, $0x0  }
0x128: {  	s3 =	rddreg [dreg:$0x2];
	[bflag:$0x3] =	sbarrier.arrive $0xFFFF;
	s2 =	simm.s32 @!p0 $0x1C05  }
0x129: {  	[timem:s3], [sflag:s2] =	dma.local @!p0 [hbm:s0], s1  }
0x12a: {  	s0 =	simm.s32 @!p0 $0x5  }
0x12b: {  	_ =	swait.ge @!p0 [sflag:s0], s1  }
0x12c: {  	s1 =	ssub.s32 @!p0 $0x0, s1;
	[sflag:s0] =	ssyncset.done @!p0 $0x0  }
0x12d: {  	[sflag:s0] =	ssyncadd.s32 @!p0 s1  }
0x12e: {  	[bflag:$0x3] =	sbarrier.arrive $0xFFFF  }
0x12f: {  	_ =	shalt  }

// kernel: kernel.17.cloned.1.call-start
scs
__scs_entry_jumppad:
0x0: {  	(pc) =	sbr.rel $0x88, $3  }
0x1: {  	(tag) =	ssettag $0x0;
	lr =	simm.s32 $0x1  }
0x2: {  	[smem:$0x3F95] =	sst lr;
	_ =	strace $0xD0000000  }
0x3: {  	_ = 	snop  }
0x4: {  	_ = 	snop  }
0x5: {  	_ = 	snop  }
0x6: {  	_ = 	snop  }
0x7: {  	_ = 	snop  }
__scs_overlays_trampoline_lowered:
0x8: {  	[smem:$0x3FA4] =	sst s0  }
0x9: {  	[smem:$0x3FA5] =	sst s1  }
0xa: {  	[smem:$0x3FA6] =	sst s2  }
0xb: {  	[smem:$0x3FA7] =	sst s3  }
0xc: {  	[smem:$0x3FA8] =	sst s4  }
0xd: {  	[smem:$0x3FA9] =	sst s5  }
0xe: {  	[smem:$0x3FAA] =	sst s6  }
0xf: {  	[smem:$0x3FAB] =	sst s7  }
0x10: {  	[smem:$0x3FAC] =	sst s8  }
0x11: {  	[smem:$0x3FAD] =	sst s9;
	s0 =	simm.s32 @!p0 $0x0  }
0x12: {  	s1 =	sld [smem:$0x3F93];
	s0 =	simm.s32 @p0 $0x1  }
0x13: {  	[smem:$0x3FAE] =	sst s0;
	s0 =	simm.s32 @!p1 $0x0  }
0x14: {  	s2 =	sld [smem:$0x3F92];
	s0 =	simm.s32 @p1 $0x1  }
0x15: {  	[smem:$0x3FAF] =	sst s0;
	s0 =	simm.s32 @!p2 $0x0  }
0x16: {  	s3 =	sld [smem:$0x3FDB];
	s0 =	simm.s32 @p2 $0x1  }
0x17: {  	s4 =	simm.s32 $0x1BF5;
	[smem:$0x3FB1] =	sst s0  }
0x18: {  	s0 =	sld [smem:$0x3F94];
	_ =	swait.ge [sflag:s4], $0x0  }
0x19: {  	s7 =	sld [smem:$0x3F95]  }
0x1a: {  	s8 =	sadd.s32 $0xFFFFE003, lr  }
0x1b: {  	s9 =	sadd.s32 $0xFFFFFEF7, lr;
	s5 =	simm.s32 $0xFFFFFFFF;
	p2 =	slt.u32 s8, $0xFFFFF086  }
0x1c: {  	p1 =	slt.u32 s9, $0xF7A;
	s5 =	simm.s32 @!p2 $0x0  }
0x1d: {  	s5 =	simm.s32 @p1 $0x1;
	p0 =	seq.s32 s7, s2  }
0x1e: {  	s7 =	smul.u32 @!p0 $0xF7A, s2;
	p2 =	seq.s32 @!p0 s5, $0x0  }
0x1f: {  	s9 =	smul.u32 $0xF7A, s1;
	s8 =	simm.s32 @!p0 $0x1BF5;
	p2 =	por !p2, p0  }
0x20: {  	[sflag:s8] =	ssyncset.s32 @!p0 $0xFFFFF086;
	s6 =	sadd.s32 @!p0 s3, s7;
	s7 =	simm.s32 @!p0 $0x108  }
0x21: {  	s3 =	sadd.s32 s3, s9;
	s6 =	sadd.s32 @!p0 $0x88, s6;
	s7 =	simm.s32 @p2 $0x1082  }
0x22: {  	[simem:s7], [sflag:s8] =	dma.local @!p0 [hbm:s6], $0xF7A  }
0x23: {  	s9 =	sor.u32 $0xD0000000, s2;
	s6 =	simm.s32 $0x108;
	_ =	swait.ge @!p0 [sflag:s8], $0x0  }
0x24: {  	s3 =	sadd.s32 $0x88, s3;
	s6 =	simm.s32 @!p1 $0x1082;
	[sflag:s4] =	ssyncset.s32 $0xFFFFF086  }
0x25: {  	[simem:s6], [sflag:s4] =	dma.local [hbm:s3], $0xF7A  }
0x26: {  	[smem:$0x3F95] =	sst s1;
	(tag) =	ssettag s2;
	_ =	strace s9  }
0x27: {  	s1 =	sld [smem:$0x3FA5]  }
0x28: {  	s2 =	sld [smem:$0x3FA6]  }
0x29: {  	s4 =	sld [smem:$0x3FA8]  }
0x2a: {  	p0 =	seq.s32 s5, $0x0;
	s5 =	sld [smem:$0x3FA9]  }
0x2b: {  	s6 =	sld [smem:$0x3FAA]  }
0x2c: {  	s7 =	sld [smem:$0x3FAB]  }
0x2d: {  	s3 =	simm.s32 $0x108;
	s8 =	sld [smem:$0x3FAC]  }
0x2e: {  	s3 =	simm.s32 @!p0 $0x1082;
	s9 =	sld [smem:$0x3FAD]  }
0x2f: {  	lr =	sadd.s32 s0, s3;
	s0 =	sld [smem:$0x3FA4]  }
0x30: {  	s3 =	sld [smem:$0x3FA7]  }
0x31: {  	[smem:$0x3FB0] =	sst s10  }
0x32: {  	s10 =	sld [smem:$0x3FAE];
	_ =	sdelay $0x3  }
0x33: {  	p0 =	seq.s32 s10, $0x1;
	s10 =	sld [smem:$0x3FB0];
	_ =	sdelay $0x3  }
0x34: {  	[smem:$0x3FB0] =	sst s10  }
0x35: {  	s10 =	sld [smem:$0x3FAF];
	_ =	sdelay $0x3  }
0x36: {  	p1 =	seq.s32 s10, $0x1;
	s10 =	sld [smem:$0x3FB0];
	_ =	sdelay $0x3  }
0x37: {  	[smem:$0x3FB0] =	sst s10  }
0x38: {  	s10 =	sld [smem:$0x3FB1]  }
0x39: {  	_ = 	snop;
	(pc) =	sbr.ind lr, $3  }
0x3a: {  	_ = 	snop  }
0x3b: {  	_ = 	snop  }
0x3c: {  	p2 =	seq.s32 s10, $0x1;
	s10 =	sld [smem:$0x3FB0]  }
0x3d: {  	_ =	shalt  }
0x3e: {  	_ =	shalt  }
0x3f: {  	_ =	shalt  }
0x40: {  	_ =	shalt  }
0x41: {  	_ =	shalt  }
0x42: {  	_ =	shalt  }
0x43: {  	_ =	shalt  }
0x44: {  	_ =	shalt  }
0x45: {  	_ =	shalt  }
0x46: {  	_ =	shalt  }
0x47: {  	_ =	shalt  }
0x48: {  	_ =	shalt  }
0x49: {  	_ =	shalt  }
0x4a: {  	_ =	shalt  }
0x4b: {  	_ =	shalt  }
0x4c: {  	_ =	shalt  }
0x4d: {  	_ =	shalt  }
0x4e: {  	_ =	shalt  }
0x4f: {  	_ =	shalt  }
0x50: {  	_ =	shalt  }
0x51: {  	_ =	shalt  }
0x52: {  	_ =	shalt  }
0x53: {  	_ =	shalt  }
0x54: {  	_ =	shalt  }
0x55: {  	_ =	shalt  }
0x56: {  	_ =	shalt  }
0x57: {  	_ =	shalt  }
0x58: {  	_ =	shalt  }
0x59: {  	_ =	shalt  }
0x5a: {  	_ =	shalt  }
0x5b: {  	_ =	shalt  }
0x5c: {  	_ =	shalt  }
0x5d: {  	_ =	shalt  }
0x5e: {  	_ =	shalt  }
0x5f: {  	_ =	shalt  }
0x60: {  	_ =	shalt  }
0x61: {  	_ =	shalt  }
0x62: {  	_ =	shalt  }
0x63: {  	_ =	shalt  }
0x64: {  	_ =	shalt  }
0x65: {  	_ =	shalt  }
0x66: {  	_ =	shalt  }
0x67: {  	_ =	shalt  }
0x68: {  	_ =	shalt  }
0x69: {  	_ =	shalt  }
0x6a: {  	_ =	shalt  }
0x6b: {  	_ =	shalt  }
0x6c: {  	_ =	shalt  }
0x6d: {  	_ =	shalt  }
0x6e: {  	_ =	shalt  }
0x6f: {  	_ =	shalt  }
0x70: {  	_ =	shalt  }
0x71: {  	_ =	shalt  }
0x72: {  	_ =	shalt  }
0x73: {  	_ =	shalt  }
0x74: {  	_ =	shalt  }
0x75: {  	_ =	shalt  }
0x76: {  	_ =	shalt  }
0x77: {  	_ =	shalt  }
0x78: {  	_ =	shalt  }
0x79: {  	_ =	shalt  }
0x7a: {  	_ =	shalt  }
0x7b: {  	_ =	shalt  }
0x7c: {  	_ =	shalt  }
0x7d: {  	_ =	shalt  }
0x7e: {  	_ =	shalt  }
0x7f: {  	_ =	shalt  }
0x80: {  	_ =	shalt  }
0x81: {  	_ =	shalt  }
0x82: {  	_ =	shalt  }
0x83: {  	_ =	shalt  }
0x84: {  	_ =	shalt  }
0x85: {  	_ =	shalt  }
0x86: {  	_ =	shalt  }
0x87: {  	_ =	shalt  }
.Lfunc_end0:
.L_simem_size_0:
called_computation.2_lowered:
.L_overlay_start_0:
0x88: {  	s2 =	sld [smem:$0x3FD9]  }
0x89: {  	s3 =	sld [smem:$0x3FFE];
	_ =	sdelay $0x1  }
0x8a: {  	s1 =	srdreg.scid  }
0x8b: {  	s0 =	sand.u32 $0x1, s1  }
0x8c: {  	s16 =	sshll.u32 s0, $0xA;
	s2 =	sadd.s32 s3, s2  }
0x8d: {  	s2 =	sadd.s32 s2, s16  }
0x8e: {  	[smem:$0x3FBC] =	sst s2  }
0x8f: {  	_ = 	snop  }
0x90: {  	(tm) =	ssettm $0x1  }
0x91: {  	s17 =	sld [smem:$0x3FFB];
	_ =	sdelay $0x3  }
0x92: {  	_ =	strace s17  }
0x93: {  	s2 =	sld [smem:$0x3FFC];
	_ =	sdelay $0x3  }
0x94: {  	_ =	strace s2  }
0x95: {  	s2 =	sld [smem:$0x3FFD];
	_ =	sdelay $0x3  }
0x96: {  	_ =	strace s2  }
0x97: {  	_ =	strace $0x8FFFFFFF  }
0x98: {  	s18 =	sld [smem:$0x3FDB];
	_ =	sdelay $0x1  }
0x99: {  	s19 =	simm.s32 $_scs_section_size  }
0x9a: {  	s4 =	simm.s32 $_size__tile_overlayer_lowered;
	s5 =	simm.s32 $_tile_overlayer_lowered  }
0x9b: {  	s22 =	simm.s32 $0x1BFF;
	s21 =	sshll.u32 s5, $0x1;
	s2 =	sadd.s32 s19, s18  }
0x9c: {  	s6 =	simm.s32 $0x0;
	s20 =	sshll.u32 s4, $0x1;
	s4 =	sadd.s32 s21, s2  }
0x9d: {  	[timem:s6], [sflag:s22] =	dma.local [hbm:s4], s20  }
0x9e: {  	_ =	swait.ge [sflag:s22], s20  }
0x9f: {  	s3 =	ssub.s32 $0x0, s20;
	[sflag:s22] =	ssyncset.done $0x0  }
0xa0: {  	[sflag:s22] =	ssyncadd.s32 s3;
	_ =	sdelay $0x1  }
0xa1: {  	s23 =	simm.s32 $0x1B8B  }
0xa2: {  	_ =	swait.ge [sflag:s23], $0x1  }
0xa3: {  	[sflag:s23] =	ssyncset.done $0x0  }
0xa4: {  	s25 =	simm.s32 $0x1B8E;
	s24 =	sld [smem:$0x3FFE];
	[sflag:s23] =	ssyncadd.s32 $0xFFFFFFFF  }
0xa5: {  	s26 =	simm.s32 $execute0_lowered;
	[smem:$0x3FD2] =	sst s25  }
0xa6: {  	s4 =	sshll.u32 s26, $0x1;
	_ =	strace $0x8000004C;
	[dreg:$0x1] =	wrdreg $0xFFFFFFFF  }
0xa7: {  	s28 =	simm.s32 $_size_execute0_lowered;
	s2 =	sadd.s32 s2, s4;
	[dreg:$0x0] =	wrdreg $0x0  }
0xa8: {  	s4 =	sshll.u32 s28, $0x1;
	[dreg:$0x2] =	wrdreg s2  }
0xa9: {  	[dreg:$0x3] =	wrdreg s4  }
0xaa: {  	[dreg:$0x4] =	wrdreg $0xC0  }
0xab: {  	_ =	task [dreg:s6], $0x5FFFF  }
0xac: {  	[dreg:$0x1] =	wrdreg $0xFFFFFFFF  }
0xad: {  	[dreg:$0x0] =	wrdreg $0x60  }
0xae: {  	[dreg:$0x2] =	wrdreg s24  }
0xaf: {  	[dreg:$0x3] =	wrdreg $0x0  }
0xb0: {  	[dreg:$0x4] =	wrdreg $0x9  }
0xb1: {  	_ =	task.clear_ibuf [dreg:s6], $0x5FFFF;
	_ =	strace $0x9000004C  }
0xb2: {  	s29 =	simm.s32 $0x9;
	_ =	strace $0x8000004E  }
0xb3: {  	_ =	swait.ge [sflag:s29], $0x1  }
0xb4: {  	[sflag:s29] =	ssyncadd.s32 $0xFFFFFFFF  }
0xb5: {  	_ =	strace $0x9000004E  }
0xb6: {  	_ =	sfence  }
0xb7: {  	s30 =	sld [smem:$0x0];
	_ =	sdelay $0x2  }
0xb8: {  	s31 =	sshll.u32 s1, $0xD;
	s1 =	sshrl.u32 s1, $0x2  }
0xb9: {  	s3 =	sand.u32 $0x4000, s31;
	s1 =	sadd.s32 s1, s30  }
0xba: {  	s0 =	sor.u32 s3, s0;
	s1 =	sshll.u32 s1, $0x11  }
0xbb: {  	s0 =	sor.u32 s1, s0  }
0xbc: {  	s0 =	sadd.s32 $0x8F2B, s0  }
0xbd: {  	[sflag:s0] =	ssyncadd.remote.s32 $0x1  }
0xbe: {  	_ =	sfence.sel $0xFFFF  }
0xbf: {  	[dreg:$0x0] =	wrdreg $0xFFFFFFFF;
	(pc) =	sbr.abs _section_cstart, $3  }
0xc0: {  	[dreg:$0x1] =	wrdreg $0xFFFFFFFF  }
0xc1: {  	_ =	task.clear_ibuf [dreg:s6], $0x2FFFF;
	_ =	strace $0x9FFFFFFF  }
0xc2: {  	(tm) =	ssettm $0x7FFFFFFF  }
0xc3: {  	_ =	shalt  }
tec
execute0_lowered:
.L_overlay_start_1:
0x0: {  	(tag) =	ssettag $0x1  }
0x1: {  	s0 =	rddreg [dreg:$0x0]  }
0x2: {  	s1 =	rddreg [dreg:$0x1];
	s2 =	simm.s32 $0x0;
	s24 =	srdreg.scid  }
0x3: {  	s11 =	stileid.u32;
	[smem:$0x7FF] =	sst s2  }
0x4: {  	s2 =	sand.u32 $0x1, s24;
	s4 =	sadd.s32 $0x34A00, s0;
	s7 =	smul.u32 $0x1388, s11  }
0x5: {  	s5 =	sshll.u32 s11, $0x1;
	s6 =	sadd.s32 $0x20E00, s0;
	s29 =	smul.u32 $0x27100, s11  }
0x6: {  	s9 =	sadd.s32 $0xD200, s0;
	s3 =	smul.u32 $0x13880, s2;
	s5 =	sor.u32 s2, s5  }
0x7: {  	_ =	strace $0x8000004D;
	s2 =	ssub.s32 $0x2, s2;
	s8 =	smul.u32 $0x4E, s5  }
0x8: {  	s25 =	sshrl.u32 s2, $0x1;
	s5 =	smin.u32 s5, $0x4;
	s3 =	sadd.s32 s7, s3  }
0x9: {  	s2 =	ssub.s32 s2, s25;
	s0 =	sadd.s32 s3, s0;
	s26 =	sadd.s32 s5, s8  }
0xa: {  	s5 =	sshrl.u32 s29, $0x2;
	s3 =	sshll.u32 s26, $0x4;
	s0 =	sadd.s32 $0x48400, s0  }
0xb: {  	s10 =	sadd.s32 s5, s1;
	s5 =	smax.u32 s2, $0x1;
	[dreg:$0x7] =	wrdreg s0  }
0xc: {  	s30 =	sadd.s32 s6, s3;
	[dreg:$0x8] =	wrdreg s5  }
0xd: {  	s31 =	sadd.s32 s9, s3;
	[dreg:$0x3] =	wrdreg s30  }
0xe: {  	s7 =	sadd.s32 $0xC80, s10;
	[dreg:$0x4] =	wrdreg s31  }
0xf: {  	s12 =	sadd.s32 $0x1900, s10;
	[dreg:$0xa] =	wrdreg s7  }
0x10: {  	s13 =	sadd.s32 $0x1F40, s10;
	[dreg:$0xc] =	wrdreg s12  }
0x11: {  	s14 =	sadd.s32 $0x2580, s10;
	[dreg:$0xd] =	wrdreg s13  }
0x12: {  	s15 =	sadd.s32 $0x2BC0, s10;
	[dreg:$0xe] =	wrdreg s14  }
0x13: {  	s16 =	sadd.s32 $0x3200, s10;
	[dreg:$0xf] =	wrdreg s15  }
0x14: {  	s17 =	sadd.s32 $0x3840, s10;
	[dreg:$0x10] =	wrdreg s16  }
0x15: {  	s18 =	sadd.s32 $0x3E80, s10;
	[dreg:$0x11] =	wrdreg s17  }
0x16: {  	s19 =	sadd.s32 $0x44C0, s10;
	[dreg:$0x12] =	wrdreg s18  }
0x17: {  	s28 =	simm.s32 $0x0;
	s20 =	sadd.s32 $0x4B00, s10;
	[dreg:$0x13] =	wrdreg s19  }
0x18: {  	p0 =	slt.u32 s11, $0x2;
	s21 =	sadd.s32 $0x5140, s10;
	[dreg:$0x14] =	wrdreg s20  }
0x19: {  	s8 =	simm.s32 $0x4F;
	s22 =	sadd.s32 $0x5780, s10;
	[dreg:$0x15] =	wrdreg s21  }
0x1a: {  	s8 =	simm.s32 @!p0 $0x4E;
	s23 =	sadd.s32 $0x5DC0, s10;
	[dreg:$0x16] =	wrdreg s22  }
0x1b: {  	p0 =	sgt.u32 s11, $0x1;
	s24 =	sadd.s32 $0x6400, s10;
	[dreg:$0x17] =	wrdreg s23  }
0x1c: {  	s3 =	sadd.s32 $0x4E0, s3;
	s25 =	sadd.s32 $0x6A40, s10;
	[dreg:$0x18] =	wrdreg s24  }
0x1d: {  	s26 =	sadd.s32 $0x7080, s10;
	s29 =	sadd.s32 $0x76C0, s10;
	[dreg:$0x19] =	wrdreg s25  }
0x1e: {  	s5 =	sadd.s32 $0x8980, s10;
	s6 =	sadd.s32 s6, s3;
	[dreg:$0x1a] =	wrdreg s26  }
0x1f: {  	s3 =	sadd.s32 s9, s3;
	s9 =	sadd.s32 $0x12C0, s10;
	[dreg:$0x1b] =	wrdreg s29  }
0x20: {  	s30 =	sadd.s32 $0x7D00, s10;
	s31 =	sadd.s32 $0x8340, s10;
	s7 =	sadd.s32 $0x9600, s10  }
0x21: {  	s12 =	simm.s32 $0x8;
	s13 =	simm.s32 $0x7;
	s14 =	simm.s32 $0x80  }
0x22: {  	s15 =	simm.s32 $0xEB40;
	s16 =	simm.s32 $0x10B40;
	s17 =	simm.s32 $0x12B40  }
0x23: {  	s18 =	simm.s32 $0x14B40;
	s19 =	simm.s32 $0x16B40;
	[dreg:$0x5] =	wrdreg s6  }
0x24: {  	s20 =	simm.s32 $0x18B40;
	s21 =	simm.s32 $0x1;
	[dreg:$0x6] =	wrdreg s3  }
0x25: {  	s22 =	simm.s32 $0x2;
	s23 =	simm.s32 $0x3;
	[dreg:$0xb] =	wrdreg s9  }
0x26: {  	s24 =	simm.s32 $0x4;
	s25 =	simm.s32 $0x5;
	[dreg:$0x1c] =	wrdreg s30  }
0x27: {  	s26 =	simm.s32 $0x6;
	s6 =	sadd.s32 $0x640, s10;
	[dreg:$0x1d] =	wrdreg s31  }
0x28: {  	v0 =	vimm.f32 $0.0e+00;
	s9 =	simm.s32 $0x1AB40;
	[dreg:$0x9] =	wrdreg s6;
	s6 =	sadd.s32 $0x8FC0, s10  }
.LBB2_1:
0x29: {  	s29 =	simm.s32 $0x100;
	s0 =	simm.s32 $0x0  }
.LBB2_2:
0x2a: {  	p1 =	sne.s32 s29, $0x1800;
	[tilespmem:s0+$0x1AB70] =	vst v0;
	s11 =	smov.u32 s29;
	s29 =	sadd.s32 $0x100, s29  }
.Ltmp0:
0x2b: {  	[tilespmem:s0+$0x1AB60] =	vst v0;
	(pc) =	sbr.rel @p1 .LBB2_2-.Ltmp0, $3  }
0x2c: {  	[tilespmem:s0+$0x1AB40] =	vst v0  }
0x2d: {  	[tilespmem:s0+$0x1AB50] =	vst v0;
	_ =	sdelay $0x1  }
0x2e: {  	s0 =	sshra.s32 s11, $0x2  }
0x2f: {  	[tilespmem:s0+$0x1AB70] =	vst v0  }
0x30: {  	[tilespmem:s0+$0x1AB60] =	vst v0  }
0x31: {  	[tilespmem:s0+$0x1AB40] =	vst v0  }
0x32: {  	[tilespmem:s0+$0x1AB50] =	vst v0  }
0x33: {  	[spmem:s10] =	stream.linear.scatter [tilespmem:s9], [sflag:$0x7], $0x640, $0x38;
	[tilespmem:$0x1B180] =	vst v63  }
0x34: {  	s3 =	rddreg [dreg:$0x9]  }
0x35: {  	[spmem:s3] =	stream.linear.scatter [tilespmem:s9], [sflag:$0x7], $0x640, $0x38;
	[tilespmem:$0x1B180] =	vst v63  }
0x36: {  	s11 =	rddreg [dreg:$0xa]  }
0x37: {  	[spmem:s11] =	stream.linear.scatter [tilespmem:s9], [sflag:$0x7], $0x640, $0x38;
	[tilespmem:$0x1B180] =	vst v63  }
0x38: {  	s2 =	rddreg [dreg:$0xb]  }
0x39: {  	[spmem:s2] =	stream.linear.scatter [tilespmem:s9], [sflag:$0x7], $0x640, $0x38;
	[tilespmem:$0x1B180] =	vst v63  }
0x3a: {  	s3 =	rddreg [dreg:$0xc]  }
0x3b: {  	[spmem:s3] =	stream.linear.scatter [tilespmem:s9], [sflag:$0x7], $0x640, $0x38;
	[tilespmem:$0x1B180] =	vst v63  }
0x3c: {  	s11 =	rddreg [dreg:$0xd]  }
0x3d: {  	[spmem:s11] =	stream.linear.scatter [tilespmem:s9], [sflag:$0x7], $0x640, $0x38;
	[tilespmem:$0x1B180] =	vst v63  }
0x3e: {  	s2 =	rddreg [dreg:$0xe]  }
0x3f: {  	[spmem:s2] =	stream.linear.scatter [tilespmem:s9], [sflag:$0x7], $0x640, $0x38;
	[tilespmem:$0x1B180] =	vst v63  }
0x40: {  	s3 =	rddreg [dreg:$0xf]  }
0x41: {  	[spmem:s3] =	stream.linear.scatter [tilespmem:s9], [sflag:$0x7], $0x640, $0x38;
	[tilespmem:$0x1B180] =	vst v63  }
0x42: {  	s11 =	rddreg [dreg:$0x10]  }
0x43: {  	[spmem:s11] =	stream.linear.scatter [tilespmem:s9], [sflag:$0x7], $0x640, $0x38;
	[tilespmem:$0x1B180] =	vst v63  }
0x44: {  	s2 =	rddreg [dreg:$0x11]  }
0x45: {  	[spmem:s2] =	stream.linear.scatter [tilespmem:s9], [sflag:$0x7], $0x640, $0x38;
	[tilespmem:$0x1B180] =	vst v63  }
0x46: {  	s3 =	rddreg [dreg:$0x12]  }
0x47: {  	[spmem:s3] =	stream.linear.scatter [tilespmem:s9], [sflag:$0x7], $0x640, $0x38;
	[tilespmem:$0x1B180] =	vst v63  }
0x48: {  	s11 =	rddreg [dreg:$0x13]  }
0x49: {  	[spmem:s11] =	stream.linear.scatter [tilespmem:s9], [sflag:$0x7], $0x640, $0x38;
	[tilespmem:$0x1B180] =	vst v63  }
0x4a: {  	s2 =	rddreg [dreg:$0x14]  }
0x4b: {  	[spmem:s2] =	stream.linear.scatter [tilespmem:s9], [sflag:$0x7], $0x640, $0x38;
	[tilespmem:$0x1B180] =	vst v63  }
0x4c: {  	s3 =	rddreg [dreg:$0x15]  }
0x4d: {  	[spmem:s3] =	stream.linear.scatter [tilespmem:s9], [sflag:$0x7], $0x640, $0x38;
	[tilespmem:$0x1B180] =	vst v63  }
0x4e: {  	s11 =	rddreg [dreg:$0x16]  }
0x4f: {  	[spmem:s11] =	stream.linear.scatter [tilespmem:s9], [sflag:$0x7], $0x640, $0x38;
	[tilespmem:$0x1B180] =	vst v63  }
0x50: {  	s2 =	rddreg [dreg:$0x17]  }
0x51: {  	[spmem:s2] =	stream.linear.scatter [tilespmem:s9], [sflag:$0x7], $0x640, $0x38;
	[tilespmem:$0x1B180] =	vst v63  }
0x52: {  	s3 =	rddreg [dreg:$0x18]  }
0x53: {  	[spmem:s3] =	stream.linear.scatter [tilespmem:s9], [sflag:$0x7], $0x640, $0x38;
	[tilespmem:$0x1B180] =	vst v63  }
0x54: {  	s11 =	rddreg [dreg:$0x19]  }
0x55: {  	[spmem:s11] =	stream.linear.scatter [tilespmem:s9], [sflag:$0x7], $0x640, $0x38;
	[tilespmem:$0x1B180] =	vst v63  }
0x56: {  	s2 =	rddreg [dreg:$0x1a]  }
0x57: {  	[spmem:s2] =	stream.linear.scatter [tilespmem:s9], [sflag:$0x7], $0x640, $0x38;
	[tilespmem:$0x1B180] =	vst v63  }
0x58: {  	s3 =	rddreg [dreg:$0x1b]  }
0x59: {  	[spmem:s3] =	stream.linear.scatter [tilespmem:s9], [sflag:$0x7], $0x640, $0x38;
	[tilespmem:$0x1B180] =	vst v63  }
0x5a: {  	s11 =	rddreg [dreg:$0x1c]  }
0x5b: {  	[spmem:s11] =	stream.linear.scatter [tilespmem:s9], [sflag:$0x7], $0x640, $0x38;
	[tilespmem:$0x1B180] =	vst v63  }
0x5c: {  	s2 =	rddreg [dreg:$0x1d]  }
0x5d: {  	[spmem:s2] =	stream.linear.scatter [tilespmem:s9], [sflag:$0x7], $0x640, $0x38;
	[tilespmem:$0x1B180] =	vst v63  }
0x5e: {  	_ = 	snop  }
0x5f: {  	[spmem:s5] =	stream.linear.scatter [tilespmem:s9], [sflag:$0x7], $0x640, $0x38;
	[tilespmem:$0x1B180] =	vst v63  }
0x60: {  	_ = 	snop  }
0x61: {  	[spmem:s6] =	stream.linear.scatter [tilespmem:s9], [sflag:$0x7], $0x640, $0x38;
	[tilespmem:$0x1B180] =	vst v63  }
0x62: {  	_ = 	snop  }
0x63: {  	[spmem:s7] =	stream.linear.scatter [tilespmem:s9], [sflag:$0x7], $0x640, $0x38;
	[tilespmem:$0x1B180] =	vst v63  }
0x64: {  	s0 =	simm.s32 $0x0;
	s3 =	simm.s32 $0x9C40;
	s2 =	rddreg [dreg:$0x3]  }
0x65: {  	[tilespmem:s3], [sflag:$0x8] =	stream.linear.gather [hbm4b:s2+s0], $0x2700, $0x38;
	[tilespmem:$0x1B180] =	vst v63  }
0x66: {  	_ =	swait.ge [sflag:s12], $0x2700  }
0x67: {  	[sflag:s12] =	ssyncset.done $0x0  }
0x68: {  	s11 =	simm.s32 $0xC3C0;
	s2 =	rddreg [dreg:$0x4];
	[sflag:s12] =	ssyncadd.s32 $0xFFFFD900  }
0x69: {  	[tilespmem:s11], [sflag:$0x8] =	stream.linear.gather [hbm4b:s2+s0], $0x2700, $0x38;
	[tilespmem:$0x1B180] =	vst v63  }
0x6a: {  	_ =	swait.ge [sflag:s12], $0x2700  }
0x6b: {  	s0 =	simm.s32 @!p0 $0x0;
	[sflag:s12] =	ssyncset.done $0x0  }
0x6c: {  	s11 =	simm.s32 @!p0 $0xC340;
	s2 =	rddreg [dreg:$0x5];
	[sflag:s12] =	ssyncadd.s32 $0xFFFFD900  }
0x6d: {  	[tilespmem:s11], [sflag:$0x8] =	stream.linear.gather @!p0 [hbm4b:s2+s0], $0x80, $0x38;
	[tilespmem:$0x1B180] =	vst v63  }
0x6e: {  	s11 =	simm.s32 @!p0 $0x8  }
0x6f: {  	_ =	swait.ge @!p0 [sflag:s11], $0x80  }
0x70: {  	[sflag:s11] =	ssyncset.done @!p0 $0x0  }
0x71: {  	s29 =	simm.s32 @!p0 $0xEAC0;
	s2 =	rddreg [dreg:$0x6];
	[sflag:s11] =	ssyncadd.s32 @!p0 $0xFFFFFF80  }
0x72: {  	[tilespmem:s29], [sflag:$0x8] =	stream.linear.gather @!p0 [hbm4b:s2+s0], $0x80, $0x38;
	[tilespmem:$0x1B180] =	vst v63  }
0x73: {  	_ =	swait.ge @!p0 [sflag:s11], $0x80  }
0x74: {  	[sflag:s11] =	ssyncset.done @!p0 $0x0  }
0x75: {  	[sflag:s11] =	ssyncadd.s32 @!p0 $0xFFFFFF80  }
0x76: {  	_ =	swait.ge [sflag:s13], $0x640  }
0x77: {  	[sflag:s13] =	ssyncset.done $0x0  }
0x78: {  	[sflag:s13] =	ssyncadd.s32 $0xFFFFF9C0  }
0x79: {  	_ =	swait.ge [sflag:s13], $0x640  }
0x7a: {  	[sflag:s13] =	ssyncset.done $0x0  }
0x7b: {  	[sflag:s13] =	ssyncadd.s32 $0xFFFFF9C0  }
0x7c: {  	_ =	swait.ge [sflag:s13], $0x640  }
0x7d: {  	[sflag:s13] =	ssyncset.done $0x0  }
0x7e: {  	[sflag:s13] =	ssyncadd.s32 $0xFFFFF9C0  }
0x7f: {  	_ =	swait.ge [sflag:s13], $0x640  }
0x80: {  	[sflag:s13] =	ssyncset.done $0x0  }
0x81: {  	[sflag:s13] =	ssyncadd.s32 $0xFFFFF9C0  }
0x82: {  	_ =	swait.ge [sflag:s13], $0x640  }
0x83: {  	[sflag:s13] =	ssyncset.done $0x0  }
0x84: {  	[sflag:s13] =	ssyncadd.s32 $0xFFFFF9C0  }
0x85: {  	_ =	swait.ge [sflag:s13], $0x640  }
0x86: {  	[sflag:s13] =	ssyncset.done $0x0  }
0x87: {  	[sflag:s13] =	ssyncadd.s32 $0xFFFFF9C0  }
0x88: {  	_ =	swait.ge [sflag:s13], $0x640  }
0x89: {  	[sflag:s13] =	ssyncset.done $0x0  }
0x8a: {  	[sflag:s13] =	ssyncadd.s32 $0xFFFFF9C0  }
0x8b: {  	_ =	swait.ge [sflag:s13], $0x640  }
0x8c: {  	[sflag:s13] =	ssyncset.done $0x0  }
0x8d: {  	[sflag:s13] =	ssyncadd.s32 $0xFFFFF9C0  }
0x8e: {  	_ =	swait.ge [sflag:s13], $0x640  }
0x8f: {  	[sflag:s13] =	ssyncset.done $0x0  }
0x90: {  	[sflag:s13] =	ssyncadd.s32 $0xFFFFF9C0  }
0x91: {  	_ =	swait.ge [sflag:s13], $0x640  }
0x92: {  	[sflag:s13] =	ssyncset.done $0x0  }
0x93: {  	[sflag:s13] =	ssyncadd.s32 $0xFFFFF9C0  }
0x94: {  	_ =	swait.ge [sflag:s13], $0x640  }
0x95: {  	[sflag:s13] =	ssyncset.done $0x0  }
0x96: {  	[sflag:s13] =	ssyncadd.s32 $0xFFFFF9C0  }
0x97: {  	_ =	swait.ge [sflag:s13], $0x640  }
0x98: {  	[sflag:s13] =	ssyncset.done $0x0  }
0x99: {  	[sflag:s13] =	ssyncadd.s32 $0xFFFFF9C0  }
0x9a: {  	_ =	swait.ge [sflag:s13], $0x640  }
0x9b: {  	[sflag:s13] =	ssyncset.done $0x0  }
0x9c: {  	[sflag:s13] =	ssyncadd.s32 $0xFFFFF9C0  }
0x9d: {  	_ =	swait.ge [sflag:s13], $0x640  }
0x9e: {  	[sflag:s13] =	ssyncset.done $0x0  }
0x9f: {  	[sflag:s13] =	ssyncadd.s32 $0xFFFFF9C0  }
0xa0: {  	_ =	swait.ge [sflag:s13], $0x640  }
0xa1: {  	[sflag:s13] =	ssyncset.done $0x0  }
0xa2: {  	[sflag:s13] =	ssyncadd.s32 $0xFFFFF9C0  }
0xa3: {  	_ =	swait.ge [sflag:s13], $0x640  }
0xa4: {  	[sflag:s13] =	ssyncset.done $0x0  }
0xa5: {  	[sflag:s13] =	ssyncadd.s32 $0xFFFFF9C0  }
0xa6: {  	_ =	swait.ge [sflag:s13], $0x640  }
0xa7: {  	[sflag:s13] =	ssyncset.done $0x0  }
0xa8: {  	[sflag:s13] =	ssyncadd.s32 $0xFFFFF9C0  }
0xa9: {  	_ =	swait.ge [sflag:s13], $0x640  }
0xaa: {  	[sflag:s13] =	ssyncset.done $0x0  }
0xab: {  	[sflag:s13] =	ssyncadd.s32 $0xFFFFF9C0  }
0xac: {  	_ =	swait.ge [sflag:s13], $0x640  }
0xad: {  	[sflag:s13] =	ssyncset.done $0x0  }
0xae: {  	[sflag:s13] =	ssyncadd.s32 $0xFFFFF9C0  }
0xaf: {  	_ =	swait.ge [sflag:s13], $0x640  }
0xb0: {  	[sflag:s13] =	ssyncset.done $0x0  }
0xb1: {  	[sflag:s13] =	ssyncadd.s32 $0xFFFFF9C0  }
0xb2: {  	_ =	swait.ge [sflag:s13], $0x640  }
0xb3: {  	[sflag:s13] =	ssyncset.done $0x0  }
0xb4: {  	[sflag:s13] =	ssyncadd.s32 $0xFFFFF9C0  }
0xb5: {  	_ =	swait.ge [sflag:s13], $0x640  }
0xb6: {  	[sflag:s13] =	ssyncset.done $0x0  }
0xb7: {  	[sflag:s13] =	ssyncadd.s32 $0xFFFFF9C0  }
0xb8: {  	_ =	swait.ge [sflag:s13], $0x640  }
0xb9: {  	[sflag:s13] =	ssyncset.done $0x0  }
0xba: {  	[sflag:s13] =	ssyncadd.s32 $0xFFFFF9C0  }
0xbb: {  	_ =	swait.ge [sflag:s13], $0x640  }
0xbc: {  	[sflag:s13] =	ssyncset.done $0x0  }
0xbd: {  	[sflag:s13] =	ssyncadd.s32 $0xFFFFF9C0  }
0xbe: {  	_ =	swait.ge [sflag:s13], $0x640  }
0xbf: {  	[sflag:s13] =	ssyncset.done $0x0  }
0xc0: {  	[sflag:s13] =	ssyncadd.s32 $0xFFFFF9C0  }
0xc1: {  	[bflag:$0x0] =	sbarrier.arrive $0xFFFF  }
0xc2: {  	[tilespmem:s15], [sflag:$0x1] =	stream.indirect.gather [hbm4b:s4+s14], $0x40, s3, s14, $0xb8;
	[tilespmem:$0x1B180] =	vst v63  }
0xc3: {  	s3 =	simm.s32 $0x9CC0  }
0xc4: {  	[tilespmem:s16], [sflag:$0x2] =	stream.indirect.gather [hbm4b:s4+s14], $0x40, s3, s14, $0xb8;
	[tilespmem:$0x1B180] =	vst v63  }
0xc5: {  	s11 =	simm.s32 $0x9D40  }
0xc6: {  	[tilespmem:s17], [sflag:$0x3] =	stream.indirect.gather [hbm4b:s4+s14], $0x40, s11, s14, $0xb8;
	[tilespmem:$0x1B180] =	vst v63  }
0xc7: {  	s2 =	simm.s32 $0x9DC0  }
0xc8: {  	[tilespmem:s18], [sflag:$0x4] =	stream.indirect.gather [hbm4b:s4+s14], $0x40, s2, s14, $0xb8;
	[tilespmem:$0x1B180] =	vst v63  }
0xc9: {  	s3 =	simm.s32 $0x9E40  }
0xca: {  	[tilespmem:s19], [sflag:$0x5] =	stream.indirect.gather [hbm4b:s4+s14], $0x40, s3, s14, $0xb8;
	[tilespmem:$0x1B180] =	vst v63  }
0xcb: {  	s11 =	simm.s32 $0x9EC0  }
0xcc: {  	[tilespmem:s20], [sflag:$0x6] =	stream.indirect.gather [hbm4b:s4+s14], $0x40, s11, s14, $0xb8;
	[tilespmem:$0x1B180] =	vst v63  }
0xcd: {  	_ =	swait.ge [sflag:s21], $0x2000  }
0xce: {  	[sflag:s21] =	ssyncset.done $0x0  }
0xcf: {  	s2 =	simm.s32 $0xC3C0;
	[sflag:s21] =	ssyncadd.s32 $0xFFFFE000  }
0xd0: {  	[spmem:s1] =	stream.indirect.scatter.add.f32 [tilespmem:s15], [sflag:$0x8], $0x40, s2, s14, $0xb8;
	[tilespmem:$0x1B180] =	vst v63  }
0xd1: {  	p1 =	sle.u32 s8, $0x6;
	_ =	swait.ge [sflag:s12], $0x2000  }
0xd2: {  	s0 =	simm.s32 @!p1 $0xEB40;
	[sflag:s12] =	ssyncset.done $0x0  }
0xd3: {  	s29 =	simm.s32 @!p1 $0x80;
	s11 =	simm.s32 @!p1 $0x9F40;
	[sflag:s12] =	ssyncadd.s32 $0xFFFFE000  }
0xd4: {  	[tilespmem:s0], [sflag:$0x1] =	stream.indirect.gather @!p1 [hbm4b:s4+s29], $0x40, s11, s29, $0xb8;
	[tilespmem:$0x1B180] =	vst v63  }
0xd5: {  	_ =	swait.ge [sflag:s22], $0x2000  }
0xd6: {  	[sflag:s22] =	ssyncset.done $0x0  }
0xd7: {  	s3 =	simm.s32 $0xC440;
	[sflag:s22] =	ssyncadd.s32 $0xFFFFE000  }
0xd8: {  	[spmem:s1] =	stream.indirect.scatter.add.f32 [tilespmem:s16], [sflag:$0x8], $0x40, s3, s14, $0xb8;
	[tilespmem:$0x1B180] =	vst v63  }
0xd9: {  	p1 =	sle.u32 s8, $0x7;
	_ =	swait.ge [sflag:s12], $0x2000  }
0xda: {  	s0 =	simm.s32 @!p1 $0x10B40;
	[sflag:s12] =	ssyncset.done $0x0  }
0xdb: {  	s11 =	simm.s32 @!p1 $0x9FC0;
	s29 =	simm.s32 @!p1 $0x80;
	[sflag:s12] =	ssyncadd.s32 $0xFFFFE000  }
0xdc: {  	[tilespmem:s0], [sflag:$0x2] =	stream.indirect.gather @!p1 [hbm4b:s4+s29], $0x40, s11, s29, $0xb8;
	[tilespmem:$0x1B180] =	vst v63  }
0xdd: {  	_ =	swait.ge [sflag:s23], $0x2000  }
0xde: {  	[sflag:s23] =	ssyncset.done $0x0  }
0xdf: {  	s11 =	simm.s32 $0xC4C0;
	[sflag:s23] =	ssyncadd.s32 $0xFFFFE000  }
0xe0: {  	[spmem:s1] =	stream.indirect.scatter.add.f32 [tilespmem:s17], [sflag:$0x8], $0x40, s11, s14, $0xb8;
	[tilespmem:$0x1B180] =	vst v63  }
0xe1: {  	p1 =	sle.u32 s8, $0x8;
	_ =	swait.ge [sflag:s12], $0x2000  }
0xe2: {  	s0 =	simm.s32 @!p1 $0x12B40;
	[sflag:s12] =	ssyncset.done $0x0  }
0xe3: {  	s29 =	simm.s32 @!p1 $0x80;
	s11 =	simm.s32 @!p1 $0xA040;
	[sflag:s12] =	ssyncadd.s32 $0xFFFFE000  }
0xe4: {  	[tilespmem:s0], [sflag:$0x3] =	stream.indirect.gather @!p1 [hbm4b:s4+s29], $0x40, s11, s29, $0xb8;
	[tilespmem:$0x1B180] =	vst v63  }
0xe5: {  	_ =	swait.ge [sflag:s24], $0x2000  }
0xe6: {  	[sflag:s24] =	ssyncset.done $0x0  }
0xe7: {  	s2 =	simm.s32 $0xC540;
	[sflag:s24] =	ssyncadd.s32 $0xFFFFE000  }
0xe8: {  	[spmem:s1] =	stream.indirect.scatter.add.f32 [tilespmem:s18], [sflag:$0x8], $0x40, s2, s14, $0xb8;
	[tilespmem:$0x1B180] =	vst v63  }
0xe9: {  	p1 =	sle.u32 s8, $0x9;
	_ =	swait.ge [sflag:s12], $0x2000  }
0xea: {  	s0 =	simm.s32 @!p1 $0x14B40;
	[sflag:s12] =	ssyncset.done $0x0  }
0xeb: {  	s11 =	simm.s32 @!p1 $0xA0C0;
	s29 =	simm.s32 @!p1 $0x80;
	[sflag:s12] =	ssyncadd.s32 $0xFFFFE000  }
0xec: {  	[tilespmem:s0], [sflag:$0x4] =	stream.indirect.gather @!p1 [hbm4b:s4+s29], $0x40, s11, s29, $0xb8;
	[tilespmem:$0x1B180] =	vst v63  }
0xed: {  	_ =	swait.ge [sflag:s25], $0x2000  }
0xee: {  	[sflag:s25] =	ssyncset.done $0x0  }
0xef: {  	s3 =	simm.s32 $0xC5C0;
	[sflag:s25] =	ssyncadd.s32 $0xFFFFE000  }
0xf0: {  	[spmem:s1] =	stream.indirect.scatter.add.f32 [tilespmem:s19], [sflag:$0x8], $0x40, s3, s14, $0xb8;
	[tilespmem:$0x1B180] =	vst v63  }
0xf1: {  	p1 =	sle.u32 s8, $0xA;
	_ =	swait.ge [sflag:s12], $0x2000  }
0xf2: {  	s0 =	simm.s32 @!p1 $0x16B40;
	[sflag:s12] =	ssyncset.done $0x0  }
0xf3: {  	s11 =	simm.s32 @!p1 $0xA140;
	s29 =	simm.s32 @!p1 $0x80;
	[sflag:s12] =	ssyncadd.s32 $0xFFFFE000  }
0xf4: {  	[tilespmem:s0], [sflag:$0x5] =	stream.indirect.gather @!p1 [hbm4b:s4+s29], $0x40, s11, s29, $0xb8;
	[tilespmem:$0x1B180] =	vst v63  }
0xf5: {  	_ =	swait.ge [sflag:s26], $0x2000  }
0xf6: {  	[sflag:s26] =	ssyncset.done $0x0  }
0xf7: {  	s11 =	simm.s32 $0xC640;
	[sflag:s26] =	ssyncadd.s32 $0xFFFFE000  }
0xf8: {  	[spmem:s1] =	stream.indirect.scatter.add.f32 [tilespmem:s20], [sflag:$0x8], $0x40, s11, s14, $0xb8;
	[tilespmem:$0x1B180] =	vst v63  }
0xf9: {  	p2 =	sle.u32 s8, $0xB;
	s30 =	simm.s32 $0x11;
	_ =	swait.ge [sflag:s12], $0x2000  }
0xfa: {  	s31 =	simm.s32 @!p2 $0xA1C0;
	s29 =	simm.s32 $0xC00;
	[sflag:s12] =	ssyncset.done $0x0  }
0xfb: {  	s0 =	simm.s32 @!p2 $0x18B40;
	s11 =	simm.s32 @!p2 $0x80;
	[sflag:s12] =	ssyncadd.s32 $0xFFFFE000  }
.LBB2_4:
0xfc: {  	[tilespmem:s0], [sflag:$0x6] =	stream.indirect.gather @!p2 [hbm4b:s4+s11], $0x40, s31, s11, $0xb8;
	[tilespmem:$0x1B180] =	vst v63  }
0xfd: {  	s31 =	smov.u32 s29;
	s29 =	sadd.s32 $0xC00, s29;
	_ =	swait.ge [sflag:s21], $0x2000  }
0xfe: {  	s0 =	sshra.s32 s31, $0x2;
	p1 =	sne.s32 s29, $0x9C00;
	[sflag:s21] =	ssyncset.done $0x0  }
0xff: {  	s2 =	sadd.s32 $0xFFFFFFFB, s30;
	s11 =	sadd.s32 $0xC3C0, s0;
	[sflag:s21] =	ssyncadd.s32 $0xFFFFE000  }
0x100: {  	[spmem:s1] =	stream.indirect.scatter.add.f32 [tilespmem:s15], [sflag:$0x8], $0x40, s11, s14, $0xb8;
	[tilespmem:$0x1B180] =	vst v63  }
0x101: {  	p2 =	sge.u32 s2, s8;
	_ =	swait.ge [sflag:s12], $0x2000  }
0x102: {  	s2 =	sshra.s32 @!p2 s31, $0x2;
	s11 =	simm.s32 @!p2 $0xEB40;
	[sflag:s12] =	ssyncset.done $0x0  }
0x103: {  	s3 =	simm.s32 @!p2 $0x80;
	s2 =	sadd.s32 @!p2 $0x9F40, s2;
	[sflag:s12] =	ssyncadd.s32 $0xFFFFE000  }
0x104: {  	[tilespmem:s11], [sflag:$0x1] =	stream.indirect.gather @!p2 [hbm4b:s4+s3], $0x40, s2, s3, $0xb8;
	[tilespmem:$0x1B180] =	vst v63  }
0x105: {  	_ =	swait.ge [sflag:s22], $0x2000  }
0x106: {  	[sflag:s22] =	ssyncset.done $0x0  }
0x107: {  	s2 =	sadd.s32 $0xC440, s0;
	s3 =	sadd.s32 $0xFFFFFFFC, s30;
	[sflag:s22] =	ssyncadd.s32 $0xFFFFE000  }
0x108: {  	[spmem:s1] =	stream.indirect.scatter.add.f32 [tilespmem:s16], [sflag:$0x8], $0x40, s2, s14, $0xb8;
	[tilespmem:$0x1B180] =	vst v63  }
0x109: {  	p2 =	sge.u32 s3, s8;
	_ =	swait.ge [sflag:s12], $0x2000  }
0x10a: {  	s3 =	simm.s32 @!p2 $0x10B40;
	s2 =	sshra.s32 @!p2 s31, $0x2;
	[sflag:s12] =	ssyncset.done $0x0  }
0x10b: {  	s11 =	simm.s32 @!p2 $0x80;
	s2 =	sadd.s32 @!p2 $0x9FC0, s2;
	[sflag:s12] =	ssyncadd.s32 $0xFFFFE000  }
0x10c: {  	[tilespmem:s3], [sflag:$0x2] =	stream.indirect.gather @!p2 [hbm4b:s4+s11], $0x40, s2, s11, $0xb8;
	[tilespmem:$0x1B180] =	vst v63  }
0x10d: {  	_ =	swait.ge [sflag:s23], $0x2000  }
0x10e: {  	[sflag:s23] =	ssyncset.done $0x0  }
0x10f: {  	s2 =	sadd.s32 $0xC4C0, s0;
	s3 =	sadd.s32 $0xFFFFFFFD, s30;
	[sflag:s23] =	ssyncadd.s32 $0xFFFFE000  }
0x110: {  	[spmem:s1] =	stream.indirect.scatter.add.f32 [tilespmem:s17], [sflag:$0x8], $0x40, s2, s14, $0xb8;
	[tilespmem:$0x1B180] =	vst v63  }
0x111: {  	p2 =	sge.u32 s3, s8;
	_ =	swait.ge [sflag:s12], $0x2000  }
0x112: {  	s3 =	simm.s32 @!p2 $0x12B40;
	s2 =	sshra.s32 @!p2 s31, $0x2;
	[sflag:s12] =	ssyncset.done $0x0  }
0x113: {  	s11 =	simm.s32 @!p2 $0x80;
	s2 =	sadd.s32 @!p2 $0xA040, s2;
	[sflag:s12] =	ssyncadd.s32 $0xFFFFE000  }
0x114: {  	[tilespmem:s3], [sflag:$0x3] =	stream.indirect.gather @!p2 [hbm4b:s4+s11], $0x40, s2, s11, $0xb8;
	[tilespmem:$0x1B180] =	vst v63  }
0x115: {  	_ =	swait.ge [sflag:s24], $0x2000  }
0x116: {  	[sflag:s24] =	ssyncset.done $0x0  }
0x117: {  	s2 =	sadd.s32 $0xC540, s0;
	s3 =	sadd.s32 $0xFFFFFFFE, s30;
	[sflag:s24] =	ssyncadd.s32 $0xFFFFE000  }
0x118: {  	[spmem:s1] =	stream.indirect.scatter.add.f32 [tilespmem:s18], [sflag:$0x8], $0x40, s2, s14, $0xb8;
	[tilespmem:$0x1B180] =	vst v63  }
0x119: {  	p2 =	sge.u32 s3, s8;
	_ =	swait.ge [sflag:s12], $0x2000  }
0x11a: {  	s3 =	simm.s32 @!p2 $0x14B40;
	s2 =	sshra.s32 @!p2 s31, $0x2;
	[sflag:s12] =	ssyncset.done $0x0  }
0x11b: {  	s11 =	simm.s32 @!p2 $0x80;
	s2 =	sadd.s32 @!p2 $0xA0C0, s2;
	[sflag:s12] =	ssyncadd.s32 $0xFFFFE000  }
0x11c: {  	[tilespmem:s3], [sflag:$0x4] =	stream.indirect.gather @!p2 [hbm4b:s4+s11], $0x40, s2, s11, $0xb8;
	[tilespmem:$0x1B180] =	vst v63  }
0x11d: {  	_ =	swait.ge [sflag:s25], $0x2000  }
0x11e: {  	[sflag:s25] =	ssyncset.done $0x0  }
0x11f: {  	s2 =	sadd.s32 $0xC5C0, s0;
	s3 =	sadd.s32 $0xFFFFFFFF, s30;
	[sflag:s25] =	ssyncadd.s32 $0xFFFFE000  }
0x120: {  	[spmem:s1] =	stream.indirect.scatter.add.f32 [tilespmem:s19], [sflag:$0x8], $0x40, s2, s14, $0xb8;
	[tilespmem:$0x1B180] =	vst v63  }
0x121: {  	p2 =	sge.u32 s3, s8;
	_ =	swait.ge [sflag:s12], $0x2000  }
0x122: {  	s3 =	simm.s32 @!p2 $0x16B40;
	s2 =	sshra.s32 @!p2 s31, $0x2;
	[sflag:s12] =	ssyncset.done $0x0  }
0x123: {  	s11 =	simm.s32 @!p2 $0x80;
	s2 =	sadd.s32 @!p2 $0xA140, s2;
	[sflag:s12] =	ssyncadd.s32 $0xFFFFE000  }
0x124: {  	[tilespmem:s3], [sflag:$0x5] =	stream.indirect.gather @!p2 [hbm4b:s4+s11], $0x40, s2, s11, $0xb8;
	[tilespmem:$0x1B180] =	vst v63  }
0x125: {  	_ =	swait.ge [sflag:s26], $0x2000  }
0x126: {  	[sflag:s26] =	ssyncset.done $0x0  }
.Ltmp1:
0x127: {  	s0 =	sadd.s32 $0xC640, s0;
	[sflag:s26] =	ssyncadd.s32 $0xFFFFE000;
	(pc) =	sbr.rel @p1 .LBB2_4-.Ltmp1, $4  }
0x128: {  	[spmem:s1] =	stream.indirect.scatter.add.f32 [tilespmem:s20], [sflag:$0x8], $0x40, s0, s14, $0xb8;
	[tilespmem:$0x1B180] =	vst v63  }
0x129: {  	p2 =	sge.u32 s30, s8;
	s30 =	sadd.s32 $0x6, s30;
	_ =	swait.ge [sflag:s12], $0x2000  }
0x12a: {  	s2 =	sshra.s32 @!p2 s31, $0x2;
	s0 =	simm.s32 @!p2 $0x18B40;
	[sflag:s12] =	ssyncset.done $0x0  }
0x12b: {  	s11 =	simm.s32 @!p2 $0x80;
	s31 =	sadd.s32 @!p2 $0xA1C0, s2;
	[sflag:s12] =	ssyncadd.s32 $0xFFFFE000  }
0x12c: {  	[tilespmem:s0], [sflag:$0x6] =	stream.indirect.gather @!p2 [hbm4b:s4+s11], $0x40, s31, s11, $0xb8;
	[tilespmem:$0x1B180] =	vst v63  }
0x12d: {  	s0 =	simm.s32 @!p0 $0x1  }
0x12e: {  	_ =	swait.ge @!p0 [sflag:s0], $0x2000  }
0x12f: {  	s2 =	simm.s32 @!p0 $0xEAC0;
	[sflag:s0] =	ssyncset.done @!p0 $0x0  }
0x130: {  	s3 =	simm.s32 @!p0 $0xEB40;
	[sflag:s0] =	ssyncadd.s32 @!p0 $0xFFFFE000;
	s0 =	simm.s32 @!p0 $0x80  }
0x131: {  	[spmem:s1] =	stream.indirect.scatter.add.f32 @!p0 [tilespmem:s3], [sflag:$0x8], $0x40, s2, s0, $0xb8;
	[tilespmem:$0x1B180] =	vst v63  }
0x132: {  	s0 =	simm.s32 @!p0 $0x8  }
0x133: {  	_ =	swait.ge @!p0 [sflag:s0], $0x2000  }
0x134: {  	[sflag:s0] =	ssyncset.done @!p0 $0x0  }
0x135: {  	s11 =	stileid.u32;
	[sflag:s0] =	ssyncadd.s32 @!p0 $0xFFFFE000  }
0x136: {  	s0 =	sshll.u32 s11, $0x6;
	[bflag:$0x0] =	sbarrier.arrive $0xFFFF  }
0x137: {  	s29 =	sshrl.u32 s10, $0x3;
	s0 =	sor.u32 $0x1C08, s0;
	s30 =	rddreg [dreg:$0x7]  }
0x138: {  	[hbm:s30], [sflag:s0] =	dma.local [spmem:s29], $0x1388  }
0x139: {  	_ =	swait.ge [sflag:s12], $0x1388  }
0x13a: {  	s28 =	sadd.s32 $0x1, s28;
	s31 =	rddreg [dreg:$0x8]  }
0x13b: {  	p1 =	sne.s32 s28, s31  }
.Ltmp2:
0x13c: {  	_ = 	snop;
	(pc) =	sbr.rel @p1 .LBB2_1-.Ltmp2, $3  }
0x13d: {  	_ =	sdelay $0x1  }
0x13e: {  	[sflag:s12] =	ssyncset.done $0x0  }
0x13f: {  	[sflag:s12] =	ssyncadd.s32 $0xFFFFEC78  }
0x140: {  	_ =	sfence.sel $0x180000  }
0x141: {  	[bflag:$0x0] =	sbarrier.arrive $0xFFFF  }
0x142: {  	_ =	strace $0x9000004D  }
0x143: {  	s0 =	stileid.u32;
	[bflag:$0x2] =	sbarrier.arrive $0xFFFF  }
0x144: {  	p0 =	sne.s32 s0, $0x0;
	s0 =	rddreg [dreg:$0x2]  }
0x145: {  	s0 =	sadd.s32 @!p0 $0x100000, s0  }
0x146: {  	[sflag:s0] =	ssyncadd.tile.s32 @!p0 $0x1;
	_ =	shalt  }
.Lfunc_end2:
_tile_overlayer_lowered:
.L_overlay_start_2:
0x147: {  	(tag) =	ssettag $0x2  }
0x148: {  	s0 =	rddreg [dreg:$0x0];
	s2 =	stileid.u32  }
0x149: {  	s1 =	rddreg [dreg:$0x1];
	p0 =	sne.s32 s2, $0x0  }
0x14a: {  	s3 =	rddreg [dreg:$0x2];
	[bflag:$0x3] =	sbarrier.arrive $0xFFFF;
	s2 =	simm.s32 @!p0 $0x1C08  }
0x14b: {  	[timem:s3], [sflag:s2] =	dma.local @!p0 [hbm:s0], s1  }
0x14c: {  	s0 =	simm.s32 @!p0 $0x8  }
0x14d: {  	_ =	swait.ge @!p0 [sflag:s0], s1  }
0x14e: {  	s1 =	ssub.s32 @!p0 $0x0, s1;
	[sflag:s0] =	ssyncset.done @!p0 $0x0  }
0x14f: {  	[sflag:s0] =	ssyncadd.s32 @!p0 s1  }
0x150: {  	[bflag:$0x3] =	sbarrier.arrive $0xFFFF  }
0x151: {  	_ =	shalt  }

// kernel: kernel.20.cloned.1.call-start
scs
__scs_entry_jumppad:
0x0: {  	(pc) =	sbr.rel $0x88, $3  }
0x1: {  	(tag) =	ssettag $0x0;
	lr =	simm.s32 $0x1  }
0x2: {  	[smem:$0x3F95] =	sst lr;
	_ =	strace $0xD0000000  }
0x3: {  	_ = 	snop  }
0x4: {  	_ = 	snop  }
0x5: {  	_ = 	snop  }
0x6: {  	_ = 	snop  }
0x7: {  	_ = 	snop  }
__scs_overlays_trampoline_lowered:
0x8: {  	[smem:$0x3FA4] =	sst s0  }
0x9: {  	[smem:$0x3FA5] =	sst s1  }
0xa: {  	[smem:$0x3FA6] =	sst s2  }
0xb: {  	[smem:$0x3FA7] =	sst s3  }
0xc: {  	[smem:$0x3FA8] =	sst s4  }
0xd: {  	[smem:$0x3FA9] =	sst s5  }
0xe: {  	[smem:$0x3FAA] =	sst s6  }
0xf: {  	[smem:$0x3FAB] =	sst s7  }
0x10: {  	[smem:$0x3FAC] =	sst s8  }
0x11: {  	[smem:$0x3FAD] =	sst s9;
	s0 =	simm.s32 @!p0 $0x0  }
0x12: {  	s1 =	sld [smem:$0x3F93];
	s0 =	simm.s32 @p0 $0x1  }
0x13: {  	[smem:$0x3FAE] =	sst s0;
	s0 =	simm.s32 @!p1 $0x0  }
0x14: {  	s2 =	sld [smem:$0x3F92];
	s0 =	simm.s32 @p1 $0x1  }
0x15: {  	[smem:$0x3FAF] =	sst s0;
	s0 =	simm.s32 @!p2 $0x0  }
0x16: {  	s3 =	sld [smem:$0x3FDB];
	s0 =	simm.s32 @p2 $0x1  }
0x17: {  	s4 =	simm.s32 $0x1BF5;
	[smem:$0x3FB1] =	sst s0  }
0x18: {  	s0 =	sld [smem:$0x3F94];
	_ =	swait.ge [sflag:s4], $0x0  }
0x19: {  	s7 =	sld [smem:$0x3F95]  }
0x1a: {  	s8 =	sadd.s32 $0xFFFFE003, lr  }
0x1b: {  	s9 =	sadd.s32 $0xFFFFFEF7, lr;
	s5 =	simm.s32 $0xFFFFFFFF;
	p2 =	slt.u32 s8, $0xFFFFF086  }
0x1c: {  	p1 =	slt.u32 s9, $0xF7A;
	s5 =	simm.s32 @!p2 $0x0  }
0x1d: {  	s5 =	simm.s32 @p1 $0x1;
	p0 =	seq.s32 s7, s2  }
0x1e: {  	s7 =	smul.u32 @!p0 $0xF7A, s2;
	p2 =	seq.s32 @!p0 s5, $0x0  }
0x1f: {  	s9 =	smul.u32 $0xF7A, s1;
	s8 =	simm.s32 @!p0 $0x1BF5;
	p2 =	por !p2, p0  }
0x20: {  	[sflag:s8] =	ssyncset.s32 @!p0 $0xFFFFF086;
	s6 =	sadd.s32 @!p0 s3, s7;
	s7 =	simm.s32 @!p0 $0x108  }
0x21: {  	s3 =	sadd.s32 s3, s9;
	s6 =	sadd.s32 @!p0 $0x88, s6;
	s7 =	simm.s32 @p2 $0x1082  }
0x22: {  	[simem:s7], [sflag:s8] =	dma.local @!p0 [hbm:s6], $0xF7A  }
0x23: {  	s9 =	sor.u32 $0xD0000000, s2;
	s6 =	simm.s32 $0x108;
	_ =	swait.ge @!p0 [sflag:s8], $0x0  }
0x24: {  	s3 =	sadd.s32 $0x88, s3;
	s6 =	simm.s32 @!p1 $0x1082;
	[sflag:s4] =	ssyncset.s32 $0xFFFFF086  }
0x25: {  	[simem:s6], [sflag:s4] =	dma.local [hbm:s3], $0xF7A  }
0x26: {  	[smem:$0x3F95] =	sst s1;
	(tag) =	ssettag s2;
	_ =	strace s9  }
0x27: {  	s1 =	sld [smem:$0x3FA5]  }
0x28: {  	s2 =	sld [smem:$0x3FA6]  }
0x29: {  	s4 =	sld [smem:$0x3FA8]  }
0x2a: {  	p0 =	seq.s32 s5, $0x0;
	s5 =	sld [smem:$0x3FA9]  }
0x2b: {  	s6 =	sld [smem:$0x3FAA]  }
0x2c: {  	s7 =	sld [smem:$0x3FAB]  }
0x2d: {  	s3 =	simm.s32 $0x108;
	s8 =	sld [smem:$0x3FAC]  }
0x2e: {  	s3 =	simm.s32 @!p0 $0x1082;
	s9 =	sld [smem:$0x3FAD]  }
0x2f: {  	lr =	sadd.s32 s0, s3;
	s0 =	sld [smem:$0x3FA4]  }
0x30: {  	s3 =	sld [smem:$0x3FA7]  }
0x31: {  	[smem:$0x3FB0] =	sst s10  }
0x32: {  	s10 =	sld [smem:$0x3FAE];
	_ =	sdelay $0x3  }
0x33: {  	p0 =	seq.s32 s10, $0x1;
	s10 =	sld [smem:$0x3FB0];
	_ =	sdelay $0x3  }
0x34: {  	[smem:$0x3FB0] =	sst s10  }
0x35: {  	s10 =	sld [smem:$0x3FAF];
	_ =	sdelay $0x3  }
0x36: {  	p1 =	seq.s32 s10, $0x1;
	s10 =	sld [smem:$0x3FB0];
	_ =	sdelay $0x3  }
0x37: {  	[smem:$0x3FB0] =	sst s10  }
0x38: {  	s10 =	sld [smem:$0x3FB1]  }
0x39: {  	_ = 	snop;
	(pc) =	sbr.ind lr, $3  }
0x3a: {  	_ = 	snop  }
0x3b: {  	_ = 	snop  }
0x3c: {  	p2 =	seq.s32 s10, $0x1;
	s10 =	sld [smem:$0x3FB0]  }
0x3d: {  	_ =	shalt  }
0x3e: {  	_ =	shalt  }
0x3f: {  	_ =	shalt  }
0x40: {  	_ =	shalt  }
0x41: {  	_ =	shalt  }
0x42: {  	_ =	shalt  }
0x43: {  	_ =	shalt  }
0x44: {  	_ =	shalt  }
0x45: {  	_ =	shalt  }
0x46: {  	_ =	shalt  }
0x47: {  	_ =	shalt  }
0x48: {  	_ =	shalt  }
0x49: {  	_ =	shalt  }
0x4a: {  	_ =	shalt  }
0x4b: {  	_ =	shalt  }
0x4c: {  	_ =	shalt  }
0x4d: {  	_ =	shalt  }
0x4e: {  	_ =	shalt  }
0x4f: {  	_ =	shalt  }
0x50: {  	_ =	shalt  }
0x51: {  	_ =	shalt  }
0x52: {  	_ =	shalt  }
0x53: {  	_ =	shalt  }
0x54: {  	_ =	shalt  }
0x55: {  	_ =	shalt  }
0x56: {  	_ =	shalt  }
0x57: {  	_ =	shalt  }
0x58: {  	_ =	shalt  }
0x59: {  	_ =	shalt  }
0x5a: {  	_ =	shalt  }
0x5b: {  	_ =	shalt  }
0x5c: {  	_ =	shalt  }
0x5d: {  	_ =	shalt  }
0x5e: {  	_ =	shalt  }
0x5f: {  	_ =	shalt  }
0x60: {  	_ =	shalt  }
0x61: {  	_ =	shalt  }
0x62: {  	_ =	shalt  }
0x63: {  	_ =	shalt  }
0x64: {  	_ =	shalt  }
0x65: {  	_ =	shalt  }
0x66: {  	_ =	shalt  }
0x67: {  	_ =	shalt  }
0x68: {  	_ =	shalt  }
0x69: {  	_ =	shalt  }
0x6a: {  	_ =	shalt  }
0x6b: {  	_ =	shalt  }
0x6c: {  	_ =	shalt  }
0x6d: {  	_ =	shalt  }
0x6e: {  	_ =	shalt  }
0x6f: {  	_ =	shalt  }
0x70: {  	_ =	shalt  }
0x71: {  	_ =	shalt  }
0x72: {  	_ =	shalt  }
0x73: {  	_ =	shalt  }
0x74: {  	_ =	shalt  }
0x75: {  	_ =	shalt  }
0x76: {  	_ =	shalt  }
0x77: {  	_ =	shalt  }
0x78: {  	_ =	shalt  }
0x79: {  	_ =	shalt  }
0x7a: {  	_ =	shalt  }
0x7b: {  	_ =	shalt  }
0x7c: {  	_ =	shalt  }
0x7d: {  	_ =	shalt  }
0x7e: {  	_ =	shalt  }
0x7f: {  	_ =	shalt  }
0x80: {  	_ =	shalt  }
0x81: {  	_ =	shalt  }
0x82: {  	_ =	shalt  }
0x83: {  	_ =	shalt  }
0x84: {  	_ =	shalt  }
0x85: {  	_ =	shalt  }
0x86: {  	_ =	shalt  }
0x87: {  	_ =	shalt  }
.Lfunc_end0:
.L_simem_size_0:
called_computation.3_lowered:
.L_overlay_start_0:
0x88: {  	s2 =	sld [smem:$0x3FD9]  }
0x89: {  	s3 =	sld [smem:$0x3FFE];
	_ =	sdelay $0x1  }
0x8a: {  	s1 =	srdreg.scid  }
0x8b: {  	s0 =	sand.u32 $0x1, s1  }
0x8c: {  	s16 =	sshll.u32 s0, $0xA;
	s2 =	sadd.s32 s3, s2  }
0x8d: {  	s2 =	sadd.s32 s2, s16  }
0x8e: {  	[smem:$0x3FBC] =	sst s2  }
0x8f: {  	_ = 	snop  }
0x90: {  	(tm) =	ssettm $0x1  }
0x91: {  	s17 =	sld [smem:$0x3FFB];
	_ =	sdelay $0x3  }
0x92: {  	_ =	strace s17  }
0x93: {  	s2 =	sld [smem:$0x3FFC];
	_ =	sdelay $0x3  }
0x94: {  	_ =	strace s2  }
0x95: {  	s2 =	sld [smem:$0x3FFD];
	_ =	sdelay $0x3  }
0x96: {  	_ =	strace s2  }
0x97: {  	_ =	strace $0x8FFFFFFF  }
0x98: {  	s18 =	sld [smem:$0x3FDB];
	_ =	sdelay $0x1  }
0x99: {  	s19 =	simm.s32 $_scs_section_size  }
0x9a: {  	s4 =	simm.s32 $_size__tile_overlayer_lowered;
	s5 =	simm.s32 $_tile_overlayer_lowered  }
0x9b: {  	s22 =	simm.s32 $0x1BFF;
	s21 =	sshll.u32 s5, $0x1;
	s2 =	sadd.s32 s19, s18  }
0x9c: {  	s6 =	simm.s32 $0x0;
	s20 =	sshll.u32 s4, $0x1;
	s4 =	sadd.s32 s21, s2  }
0x9d: {  	[timem:s6], [sflag:s22] =	dma.local [hbm:s4], s20  }
0x9e: {  	_ =	swait.ge [sflag:s22], s20  }
0x9f: {  	s3 =	ssub.s32 $0x0, s20;
	[sflag:s22] =	ssyncset.done $0x0  }
0xa0: {  	[sflag:s22] =	ssyncadd.s32 s3;
	_ =	sdelay $0x1  }
0xa1: {  	s23 =	simm.s32 $0x1B8B  }
0xa2: {  	_ =	swait.ge [sflag:s23], $0x1  }
0xa3: {  	[sflag:s23] =	ssyncset.done $0x0  }
0xa4: {  	s25 =	simm.s32 $0x1B8E;
	s24 =	sld [smem:$0x3FFE];
	[sflag:s23] =	ssyncadd.s32 $0xFFFFFFFF  }
0xa5: {  	s26 =	simm.s32 $execute0_lowered;
	[smem:$0x3FD2] =	sst s25  }
0xa6: {  	s4 =	sshll.u32 s26, $0x1;
	_ =	strace $0x8000004F;
	[dreg:$0x1] =	wrdreg $0xFFFFFFFF  }
0xa7: {  	s28 =	simm.s32 $_size_execute0_lowered;
	s2 =	sadd.s32 s2, s4;
	[dreg:$0x0] =	wrdreg $0x0  }
0xa8: {  	s4 =	sshll.u32 s28, $0x1;
	[dreg:$0x2] =	wrdreg s2  }
0xa9: {  	[dreg:$0x3] =	wrdreg s4  }
0xaa: {  	[dreg:$0x4] =	wrdreg $0xC0  }
0xab: {  	_ =	task [dreg:s6], $0x5FFFF  }
0xac: {  	[dreg:$0x1] =	wrdreg $0xFFFFFFFF  }
0xad: {  	[dreg:$0x0] =	wrdreg $0x60  }
0xae: {  	[dreg:$0x2] =	wrdreg s24  }
0xaf: {  	[dreg:$0x3] =	wrdreg $0x0  }
0xb0: {  	[dreg:$0x4] =	wrdreg $0x9  }
0xb1: {  	_ =	task.clear_ibuf [dreg:s6], $0x5FFFF;
	_ =	strace $0x9000004F  }
0xb2: {  	s29 =	simm.s32 $0x9;
	_ =	strace $0x80000051  }
0xb3: {  	_ =	swait.ge [sflag:s29], $0x1  }
0xb4: {  	[sflag:s29] =	ssyncadd.s32 $0xFFFFFFFF  }
0xb5: {  	_ =	strace $0x90000051  }
0xb6: {  	_ =	sfence  }
0xb7: {  	s30 =	sld [smem:$0x0];
	_ =	sdelay $0x2  }
0xb8: {  	s31 =	sshll.u32 s1, $0xD;
	s1 =	sshrl.u32 s1, $0x2  }
0xb9: {  	s3 =	sand.u32 $0x4000, s31;
	s1 =	sadd.s32 s1, s30  }
0xba: {  	s0 =	sor.u32 s3, s0;
	s1 =	sshll.u32 s1, $0x11  }
0xbb: {  	s0 =	sor.u32 s1, s0  }
0xbc: {  	s0 =	sadd.s32 $0x8F2B, s0  }
0xbd: {  	[sflag:s0] =	ssyncadd.remote.s32 $0x1  }
0xbe: {  	_ =	sfence.sel $0xFFFF  }
0xbf: {  	[dreg:$0x0] =	wrdreg $0xFFFFFFFF;
	(pc) =	sbr.abs _section_cstart, $3  }
0xc0: {  	[dreg:$0x1] =	wrdreg $0xFFFFFFFF  }
0xc1: {  	_ =	task.clear_ibuf [dreg:s6], $0x2FFFF;
	_ =	strace $0x9FFFFFFF  }
0xc2: {  	(tm) =	ssettm $0x7FFFFFFF  }
0xc3: {  	_ =	shalt  }
tec
execute0_lowered:
.L_overlay_start_1:
0x0: {  	(tag) =	ssettag $0x1  }
0x1: {  	s0 =	rddreg [dreg:$0x0]  }
0x2: {  	s1 =	rddreg [dreg:$0x1];
	s2 =	simm.s32 $0x0;
	s24 =	srdreg.scid  }
0x3: {  	s11 =	stileid.u32;
	[smem:$0x7FF] =	sst s2  }
0x4: {  	s2 =	sand.u32 $0x1, s24;
	s4 =	sadd.s32 $0x3400, s0;
	s7 =	smul.u32 $0x9C4, s11  }
0x5: {  	s5 =	sshll.u32 s11, $0x1;
	s6 =	sadd.s32 $0x2AC00, s0;
	s29 =	smul.u32 $0x13880, s11  }
0x6: {  	s9 =	sadd.s32 $0xA9E00, s0;
	s3 =	smul.u32 $0x9C40, s2;
	s5 =	sor.u32 s2, s5  }
0x7: {  	_ =	strace $0x80000050;
	s2 =	ssub.s32 $0x2, s2;
	s8 =	smul.u32 $0x4E, s5  }
0x8: {  	s25 =	sshrl.u32 s2, $0x1;
	s5 =	smin.u32 s5, $0x4;
	s3 =	sadd.s32 s7, s3  }
0x9: {  	s2 =	ssub.s32 s2, s25;
	s0 =	sadd.s32 s3, s0;
	s26 =	sadd.s32 s5, s8  }
0xa: {  	s5 =	sshrl.u32 s29, $0x2;
	s3 =	sshll.u32 s26, $0x4;
	s0 =	sadd.s32 $0xD200, s0  }
0xb: {  	s10 =	sadd.s32 s5, s1;
	s5 =	smax.u32 s2, $0x1;
	[dreg:$0x7] =	wrdreg s0  }
0xc: {  	s30 =	sadd.s32 s6, s3;
	[dreg:$0x8] =	wrdreg s5  }
0xd: {  	s31 =	sadd.s32 s9, s3;
	[dreg:$0x3] =	wrdreg s30  }
0xe: {  	s7 =	sadd.s32 $0x640, s10;
	[dreg:$0x4] =	wrdreg s31  }
0xf: {  	s12 =	sadd.s32 $0xC80, s10;
	[dreg:$0xa] =	wrdreg s7  }
0x10: {  	s13 =	sadd.s32 $0xFA0, s10;
	[dreg:$0xc] =	wrdreg s12  }
0x11: {  	s14 =	sadd.s32 $0x12C0, s10;
	[dreg:$0xd] =	wrdreg s13  }
0x12: {  	s15 =	sadd.s32 $0x15E0, s10;
	[dreg:$0xe] =	wrdreg s14  }
0x13: {  	s16 =	sadd.s32 $0x1900, s10;
	[dreg:$0xf] =	wrdreg s15  }
0x14: {  	s17 =	sadd.s32 $0x1C20, s10;
	[dreg:$0x10] =	wrdreg s16  }
0x15: {  	s18 =	sadd.s32 $0x1F40, s10;
	[dreg:$0x11] =	wrdreg s17  }
0x16: {  	s19 =	sadd.s32 $0x2260, s10;
	[dreg:$0x12] =	wrdreg s18  }
0x17: {  	s28 =	simm.s32 $0x0;
	s20 =	sadd.s32 $0x2580, s10;
	[dreg:$0x13] =	wrdreg s19  }
0x18: {  	p0 =	slt.u32 s11, $0x2;
	s21 =	sadd.s32 $0x28A0, s10;
	[dreg:$0x14] =	wrdreg s20  }
0x19: {  	s8 =	simm.s32 $0x4F;
	s22 =	sadd.s32 $0x2BC0, s10;
	[dreg:$0x15] =	wrdreg s21  }
0x1a: {  	s8 =	simm.s32 @!p0 $0x4E;
	s23 =	sadd.s32 $0x2EE0, s10;
	[dreg:$0x16] =	wrdreg s22  }
0x1b: {  	p0 =	sgt.u32 s11, $0x1;
	s24 =	sadd.s32 $0x3200, s10;
	[dreg:$0x17] =	wrdreg s23  }
0x1c: {  	s3 =	sadd.s32 $0x4E0, s3;
	s25 =	sadd.s32 $0x3520, s10;
	[dreg:$0x18] =	wrdreg s24  }
0x1d: {  	s26 =	sadd.s32 $0x3840, s10;
	s29 =	sadd.s32 $0x3B60, s10;
	[dreg:$0x19] =	wrdreg s25  }
0x1e: {  	s5 =	sadd.s32 $0x44C0, s10;
	s6 =	sadd.s32 s6, s3;
	[dreg:$0x1a] =	wrdreg s26  }
0x1f: {  	s3 =	sadd.s32 s9, s3;
	s9 =	sadd.s32 $0x960, s10;
	[dreg:$0x1b] =	wrdreg s29  }
0x20: {  	s30 =	sadd.s32 $0x3E80, s10;
	s31 =	sadd.s32 $0x41A0, s10;
	s7 =	sadd.s32 $0x4B00, s10  }
0x21: {  	s12 =	simm.s32 $0x8;
	s13 =	simm.s32 $0x7;
	s14 =	simm.s32 $0x80  }
0x22: {  	s15 =	simm.s32 $0x9D20;
	s16 =	simm.s32 $0xAD20;
	s17 =	simm.s32 $0xBD20  }
0x23: {  	s18 =	simm.s32 $0xCD20;
	s19 =	simm.s32 $0xDD20;
	[dreg:$0x5] =	wrdreg s6  }
0x24: {  	s20 =	simm.s32 $0xED20;
	s21 =	simm.s32 $0x1;
	[dreg:$0x6] =	wrdreg s3  }
0x25: {  	s22 =	simm.s32 $0x2;
	s23 =	simm.s32 $0x3;
	[dreg:$0xb] =	wrdreg s9  }
0x26: {  	s24 =	simm.s32 $0x4;
	s25 =	simm.s32 $0x5;
	[dreg:$0x1c] =	wrdreg s30  }
0x27: {  	s26 =	simm.s32 $0x6;
	s6 =	sadd.s32 $0x320, s10;
	[dreg:$0x1d] =	wrdreg s31  }
0x28: {  	v0 =	vimm.f32 $0.0e+00;
	s9 =	simm.s32 $0xFD20;
	[dreg:$0x9] =	wrdreg s6;
	s6 =	sadd.s32 $0x47E0, s10  }
.LBB2_1:
0x29: {  	[tilespmem:$0xFD20] =	vst v0  }
0x2a: {  	[tilespmem:$0xFD30] =	vst v0  }
0x2b: {  	[tilespmem:$0xFD40] =	vst v0  }
0x2c: {  	[tilespmem:$0xFD50] =	vst v0  }
0x2d: {  	[tilespmem:$0xFD60] =	vst v0  }
0x2e: {  	[tilespmem:$0xFD70] =	vst v0  }
0x2f: {  	[tilespmem:$0xFD80] =	vst v0  }
0x30: {  	[tilespmem:$0xFD90] =	vst v0  }
0x31: {  	[tilespmem:$0xFDA0] =	vst v0  }
0x32: {  	[tilespmem:$0xFDB0] =	vst v0  }
0x33: {  	[tilespmem:$0xFDC0] =	vst v0  }
0x34: {  	[tilespmem:$0xFDD0] =	vst v0  }
0x35: {  	[tilespmem:$0xFDE0] =	vst v0  }
0x36: {  	[tilespmem:$0xFDF0] =	vst v0  }
0x37: {  	[tilespmem:$0xFE00] =	vst v0  }
0x38: {  	[tilespmem:$0xFE10] =	vst v0  }
0x39: {  	[tilespmem:$0xFE20] =	vst v0  }
0x3a: {  	[tilespmem:$0xFE30] =	vst v0  }
0x3b: {  	[tilespmem:$0xFE40] =	vst v0  }
0x3c: {  	[tilespmem:$0xFE50] =	vst v0  }
0x3d: {  	[tilespmem:$0xFE60] =	vst v0  }
0x3e: {  	[tilespmem:$0xFE70] =	vst v0  }
0x3f: {  	[tilespmem:$0xFE80] =	vst v0  }
0x40: {  	[tilespmem:$0xFE90] =	vst v0  }
0x41: {  	[tilespmem:$0xFEA0] =	vst v0  }
0x42: {  	[tilespmem:$0xFEB0] =	vst v0  }
0x43: {  	[tilespmem:$0xFEC0] =	vst v0  }
0x44: {  	[tilespmem:$0xFED0] =	vst v0  }
0x45: {  	[tilespmem:$0xFEE0] =	vst v0  }
0x46: {  	[tilespmem:$0xFEF0] =	vst v0  }
0x47: {  	[tilespmem:$0xFF00] =	vst v0  }
0x48: {  	[tilespmem:$0xFF10] =	vst v0  }
0x49: {  	[tilespmem:$0xFF20] =	vst v0  }
0x4a: {  	[tilespmem:$0xFF30] =	vst v0  }
0x4b: {  	[tilespmem:$0xFF40] =	vst v0  }
0x4c: {  	[tilespmem:$0xFF50] =	vst v0  }
0x4d: {  	[tilespmem:$0xFF60] =	vst v0  }
0x4e: {  	[tilespmem:$0xFF70] =	vst v0  }
0x4f: {  	[tilespmem:$0xFF80] =	vst v0  }
0x50: {  	[tilespmem:$0xFF90] =	vst v0  }
0x51: {  	[tilespmem:$0xFFA0] =	vst v0  }
0x52: {  	[tilespmem:$0xFFB0] =	vst v0  }
0x53: {  	[tilespmem:$0xFFC0] =	vst v0  }
0x54: {  	[tilespmem:$0xFFD0] =	vst v0  }
0x55: {  	[tilespmem:$0xFFE0] =	vst v0  }
0x56: {  	[tilespmem:$0xFFF0] =	vst v0  }
0x57: {  	[tilespmem:$0x10000] =	vst v0  }
0x58: {  	[tilespmem:$0x10010] =	vst v0  }
0x59: {  	[tilespmem:$0x10020] =	vst v0  }
0x5a: {  	[tilespmem:$0x10030] =	vst v0  }
0x5b: {  	[spmem:s10] =	stream.linear.scatter [tilespmem:s9], [sflag:$0x7], $0x320, $0x38;
	[tilespmem:$0x10040] =	vst v63  }
0x5c: {  	s0 =	rddreg [dreg:$0x9]  }
0x5d: {  	[spmem:s0] =	stream.linear.scatter [tilespmem:s9], [sflag:$0x7], $0x320, $0x38;
	[tilespmem:$0x10040] =	vst v63  }
0x5e: {  	s11 =	rddreg [dreg:$0xa]  }
0x5f: {  	[spmem:s11] =	stream.linear.scatter [tilespmem:s9], [sflag:$0x7], $0x320, $0x38;
	[tilespmem:$0x10040] =	vst v63  }
0x60: {  	s2 =	rddreg [dreg:$0xb]  }
0x61: {  	[spmem:s2] =	stream.linear.scatter [tilespmem:s9], [sflag:$0x7], $0x320, $0x38;
	[tilespmem:$0x10040] =	vst v63  }
0x62: {  	s3 =	rddreg [dreg:$0xc]  }
0x63: {  	[spmem:s3] =	stream.linear.scatter [tilespmem:s9], [sflag:$0x7], $0x320, $0x38;
	[tilespmem:$0x10040] =	vst v63  }
0x64: {  	s11 =	rddreg [dreg:$0xd]  }
0x65: {  	[spmem:s11] =	stream.linear.scatter [tilespmem:s9], [sflag:$0x7], $0x320, $0x38;
	[tilespmem:$0x10040] =	vst v63  }
0x66: {  	s2 =	rddreg [dreg:$0xe]  }
0x67: {  	[spmem:s2] =	stream.linear.scatter [tilespmem:s9], [sflag:$0x7], $0x320, $0x38;
	[tilespmem:$0x10040] =	vst v63  }
0x68: {  	s3 =	rddreg [dreg:$0xf]  }
0x69: {  	[spmem:s3] =	stream.linear.scatter [tilespmem:s9], [sflag:$0x7], $0x320, $0x38;
	[tilespmem:$0x10040] =	vst v63  }
0x6a: {  	s11 =	rddreg [dreg:$0x10]  }
0x6b: {  	[spmem:s11] =	stream.linear.scatter [tilespmem:s9], [sflag:$0x7], $0x320, $0x38;
	[tilespmem:$0x10040] =	vst v63  }
0x6c: {  	s2 =	rddreg [dreg:$0x11]  }
0x6d: {  	[spmem:s2] =	stream.linear.scatter [tilespmem:s9], [sflag:$0x7], $0x320, $0x38;
	[tilespmem:$0x10040] =	vst v63  }
0x6e: {  	s3 =	rddreg [dreg:$0x12]  }
0x6f: {  	[spmem:s3] =	stream.linear.scatter [tilespmem:s9], [sflag:$0x7], $0x320, $0x38;
	[tilespmem:$0x10040] =	vst v63  }
0x70: {  	s11 =	rddreg [dreg:$0x13]  }
0x71: {  	[spmem:s11] =	stream.linear.scatter [tilespmem:s9], [sflag:$0x7], $0x320, $0x38;
	[tilespmem:$0x10040] =	vst v63  }
0x72: {  	s2 =	rddreg [dreg:$0x14]  }
0x73: {  	[spmem:s2] =	stream.linear.scatter [tilespmem:s9], [sflag:$0x7], $0x320, $0x38;
	[tilespmem:$0x10040] =	vst v63  }
0x74: {  	s3 =	rddreg [dreg:$0x15]  }
0x75: {  	[spmem:s3] =	stream.linear.scatter [tilespmem:s9], [sflag:$0x7], $0x320, $0x38;
	[tilespmem:$0x10040] =	vst v63  }
0x76: {  	s11 =	rddreg [dreg:$0x16]  }
0x77: {  	[spmem:s11] =	stream.linear.scatter [tilespmem:s9], [sflag:$0x7], $0x320, $0x38;
	[tilespmem:$0x10040] =	vst v63  }
0x78: {  	s2 =	rddreg [dreg:$0x17]  }
0x79: {  	[spmem:s2] =	stream.linear.scatter [tilespmem:s9], [sflag:$0x7], $0x320, $0x38;
	[tilespmem:$0x10040] =	vst v63  }
0x7a: {  	s3 =	rddreg [dreg:$0x18]  }
0x7b: {  	[spmem:s3] =	stream.linear.scatter [tilespmem:s9], [sflag:$0x7], $0x320, $0x38;
	[tilespmem:$0x10040] =	vst v63  }
0x7c: {  	s11 =	rddreg [dreg:$0x19]  }
0x7d: {  	[spmem:s11] =	stream.linear.scatter [tilespmem:s9], [sflag:$0x7], $0x320, $0x38;
	[tilespmem:$0x10040] =	vst v63  }
0x7e: {  	s2 =	rddreg [dreg:$0x1a]  }
0x7f: {  	[spmem:s2] =	stream.linear.scatter [tilespmem:s9], [sflag:$0x7], $0x320, $0x38;
	[tilespmem:$0x10040] =	vst v63  }
0x80: {  	s3 =	rddreg [dreg:$0x1b]  }
0x81: {  	[spmem:s3] =	stream.linear.scatter [tilespmem:s9], [sflag:$0x7], $0x320, $0x38;
	[tilespmem:$0x10040] =	vst v63  }
0x82: {  	s11 =	rddreg [dreg:$0x1c]  }
0x83: {  	[spmem:s11] =	stream.linear.scatter [tilespmem:s9], [sflag:$0x7], $0x320, $0x38;
	[tilespmem:$0x10040] =	vst v63  }
0x84: {  	s2 =	rddreg [dreg:$0x1d]  }
0x85: {  	[spmem:s2] =	stream.linear.scatter [tilespmem:s9], [sflag:$0x7], $0x320, $0x38;
	[tilespmem:$0x10040] =	vst v63  }
0x86: {  	_ = 	snop  }
0x87: {  	[spmem:s5] =	stream.linear.scatter [tilespmem:s9], [sflag:$0x7], $0x320, $0x38;
	[tilespmem:$0x10040] =	vst v63  }
0x88: {  	_ = 	snop  }
0x89: {  	[spmem:s6] =	stream.linear.scatter [tilespmem:s9], [sflag:$0x7], $0x320, $0x38;
	[tilespmem:$0x10040] =	vst v63  }
0x8a: {  	_ = 	snop  }
0x8b: {  	[spmem:s7] =	stream.linear.scatter [tilespmem:s9], [sflag:$0x7], $0x320, $0x38;
	[tilespmem:$0x10040] =	vst v63  }
0x8c: {  	s0 =	simm.s32 $0x0;
	s3 =	simm.s32 $0x4E20;
	s2 =	rddreg [dreg:$0x3]  }
0x8d: {  	[tilespmem:s3], [sflag:$0x8] =	stream.linear.gather [hbm4b:s2+s0], $0x2700, $0x38;
	[tilespmem:$0x10040] =	vst v63  }
0x8e: {  	_ =	swait.ge [sflag:s12], $0x2700  }
0x8f: {  	[sflag:s12] =	ssyncset.done $0x0  }
0x90: {  	s11 =	simm.s32 $0x75A0;
	s2 =	rddreg [dreg:$0x4];
	[sflag:s12] =	ssyncadd.s32 $0xFFFFD900  }
0x91: {  	[tilespmem:s11], [sflag:$0x8] =	stream.linear.gather [hbm4b:s2+s0], $0x2700, $0x38;
	[tilespmem:$0x10040] =	vst v63  }
0x92: {  	_ =	swait.ge [sflag:s12], $0x2700  }
0x93: {  	s0 =	simm.s32 @!p0 $0x0;
	[sflag:s12] =	ssyncset.done $0x0  }
0x94: {  	s11 =	simm.s32 @!p0 $0x7520;
	s2 =	rddreg [dreg:$0x5];
	[sflag:s12] =	ssyncadd.s32 $0xFFFFD900  }
0x95: {  	[tilespmem:s11], [sflag:$0x8] =	stream.linear.gather @!p0 [hbm4b:s2+s0], $0x80, $0x38;
	[tilespmem:$0x10040] =	vst v63  }
0x96: {  	s11 =	simm.s32 @!p0 $0x8  }
0x97: {  	_ =	swait.ge @!p0 [sflag:s11], $0x80  }
0x98: {  	[sflag:s11] =	ssyncset.done @!p0 $0x0  }
0x99: {  	s29 =	simm.s32 @!p0 $0x9CA0;
	s2 =	rddreg [dreg:$0x6];
	[sflag:s11] =	ssyncadd.s32 @!p0 $0xFFFFFF80  }
0x9a: {  	[tilespmem:s29], [sflag:$0x8] =	stream.linear.gather @!p0 [hbm4b:s2+s0], $0x80, $0x38;
	[tilespmem:$0x10040] =	vst v63  }
0x9b: {  	_ =	swait.ge @!p0 [sflag:s11], $0x80  }
0x9c: {  	[sflag:s11] =	ssyncset.done @!p0 $0x0  }
0x9d: {  	[sflag:s11] =	ssyncadd.s32 @!p0 $0xFFFFFF80  }
0x9e: {  	_ =	swait.ge [sflag:s13], $0x320  }
0x9f: {  	[sflag:s13] =	ssyncset.done $0x0  }
0xa0: {  	[sflag:s13] =	ssyncadd.s32 $0xFFFFFCE0  }
0xa1: {  	_ =	swait.ge [sflag:s13], $0x320  }
0xa2: {  	[sflag:s13] =	ssyncset.done $0x0  }
0xa3: {  	[sflag:s13] =	ssyncadd.s32 $0xFFFFFCE0  }
0xa4: {  	_ =	swait.ge [sflag:s13], $0x320  }
0xa5: {  	[sflag:s13] =	ssyncset.done $0x0  }
0xa6: {  	[sflag:s13] =	ssyncadd.s32 $0xFFFFFCE0  }
0xa7: {  	_ =	swait.ge [sflag:s13], $0x320  }
0xa8: {  	[sflag:s13] =	ssyncset.done $0x0  }
0xa9: {  	[sflag:s13] =	ssyncadd.s32 $0xFFFFFCE0  }
0xaa: {  	_ =	swait.ge [sflag:s13], $0x320  }
0xab: {  	[sflag:s13] =	ssyncset.done $0x0  }
0xac: {  	[sflag:s13] =	ssyncadd.s32 $0xFFFFFCE0  }
0xad: {  	_ =	swait.ge [sflag:s13], $0x320  }
0xae: {  	[sflag:s13] =	ssyncset.done $0x0  }
0xaf: {  	[sflag:s13] =	ssyncadd.s32 $0xFFFFFCE0  }
0xb0: {  	_ =	swait.ge [sflag:s13], $0x320  }
0xb1: {  	[sflag:s13] =	ssyncset.done $0x0  }
0xb2: {  	[sflag:s13] =	ssyncadd.s32 $0xFFFFFCE0  }
0xb3: {  	_ =	swait.ge [sflag:s13], $0x320  }
0xb4: {  	[sflag:s13] =	ssyncset.done $0x0  }
0xb5: {  	[sflag:s13] =	ssyncadd.s32 $0xFFFFFCE0  }
0xb6: {  	_ =	swait.ge [sflag:s13], $0x320  }
0xb7: {  	[sflag:s13] =	ssyncset.done $0x0  }
0xb8: {  	[sflag:s13] =	ssyncadd.s32 $0xFFFFFCE0  }
0xb9: {  	_ =	swait.ge [sflag:s13], $0x320  }
0xba: {  	[sflag:s13] =	ssyncset.done $0x0  }
0xbb: {  	[sflag:s13] =	ssyncadd.s32 $0xFFFFFCE0  }
0xbc: {  	_ =	swait.ge [sflag:s13], $0x320  }
0xbd: {  	[sflag:s13] =	ssyncset.done $0x0  }
0xbe: {  	[sflag:s13] =	ssyncadd.s32 $0xFFFFFCE0  }
0xbf: {  	_ =	swait.ge [sflag:s13], $0x320  }
0xc0: {  	[sflag:s13] =	ssyncset.done $0x0  }
0xc1: {  	[sflag:s13] =	ssyncadd.s32 $0xFFFFFCE0  }
0xc2: {  	_ =	swait.ge [sflag:s13], $0x320  }
0xc3: {  	[sflag:s13] =	ssyncset.done $0x0  }
0xc4: {  	[sflag:s13] =	ssyncadd.s32 $0xFFFFFCE0  }
0xc5: {  	_ =	swait.ge [sflag:s13], $0x320  }
0xc6: {  	[sflag:s13] =	ssyncset.done $0x0  }
0xc7: {  	[sflag:s13] =	ssyncadd.s32 $0xFFFFFCE0  }
0xc8: {  	_ =	swait.ge [sflag:s13], $0x320  }
0xc9: {  	[sflag:s13] =	ssyncset.done $0x0  }
0xca: {  	[sflag:s13] =	ssyncadd.s32 $0xFFFFFCE0  }
0xcb: {  	_ =	swait.ge [sflag:s13], $0x320  }
0xcc: {  	[sflag:s13] =	ssyncset.done $0x0  }
0xcd: {  	[sflag:s13] =	ssyncadd.s32 $0xFFFFFCE0  }
0xce: {  	_ =	swait.ge [sflag:s13], $0x320  }
0xcf: {  	[sflag:s13] =	ssyncset.done $0x0  }
0xd0: {  	[sflag:s13] =	ssyncadd.s32 $0xFFFFFCE0  }
0xd1: {  	_ =	swait.ge [sflag:s13], $0x320  }
0xd2: {  	[sflag:s13] =	ssyncset.done $0x0  }
0xd3: {  	[sflag:s13] =	ssyncadd.s32 $0xFFFFFCE0  }
0xd4: {  	_ =	swait.ge [sflag:s13], $0x320  }
0xd5: {  	[sflag:s13] =	ssyncset.done $0x0  }
0xd6: {  	[sflag:s13] =	ssyncadd.s32 $0xFFFFFCE0  }
0xd7: {  	_ =	swait.ge [sflag:s13], $0x320  }
0xd8: {  	[sflag:s13] =	ssyncset.done $0x0  }
0xd9: {  	[sflag:s13] =	ssyncadd.s32 $0xFFFFFCE0  }
0xda: {  	_ =	swait.ge [sflag:s13], $0x320  }
0xdb: {  	[sflag:s13] =	ssyncset.done $0x0  }
0xdc: {  	[sflag:s13] =	ssyncadd.s32 $0xFFFFFCE0  }
0xdd: {  	_ =	swait.ge [sflag:s13], $0x320  }
0xde: {  	[sflag:s13] =	ssyncset.done $0x0  }
0xdf: {  	[sflag:s13] =	ssyncadd.s32 $0xFFFFFCE0  }
0xe0: {  	_ =	swait.ge [sflag:s13], $0x320  }
0xe1: {  	[sflag:s13] =	ssyncset.done $0x0  }
0xe2: {  	[sflag:s13] =	ssyncadd.s32 $0xFFFFFCE0  }
0xe3: {  	_ =	swait.ge [sflag:s13], $0x320  }
0xe4: {  	[sflag:s13] =	ssyncset.done $0x0  }
0xe5: {  	[sflag:s13] =	ssyncadd.s32 $0xFFFFFCE0  }
0xe6: {  	_ =	swait.ge [sflag:s13], $0x320  }
0xe7: {  	[sflag:s13] =	ssyncset.done $0x0  }
0xe8: {  	[sflag:s13] =	ssyncadd.s32 $0xFFFFFCE0  }
0xe9: {  	[bflag:$0x0] =	sbarrier.arrive $0xFFFF  }
0xea: {  	[tilespmem:s15], [sflag:$0x1] =	stream.indirect.gather [hbm4b:s4+s14], $0x20, s3, s14, $0xb8;
	[tilespmem:$0x10040] =	vst v63  }
0xeb: {  	s3 =	simm.s32 $0x4EA0  }
0xec: {  	[tilespmem:s16], [sflag:$0x2] =	stream.indirect.gather [hbm4b:s4+s14], $0x20, s3, s14, $0xb8;
	[tilespmem:$0x10040] =	vst v63  }
0xed: {  	s11 =	simm.s32 $0x4F20  }
0xee: {  	[tilespmem:s17], [sflag:$0x3] =	stream.indirect.gather [hbm4b:s4+s14], $0x20, s11, s14, $0xb8;
	[tilespmem:$0x10040] =	vst v63  }
0xef: {  	s2 =	simm.s32 $0x4FA0  }
0xf0: {  	[tilespmem:s18], [sflag:$0x4] =	stream.indirect.gather [hbm4b:s4+s14], $0x20, s2, s14, $0xb8;
	[tilespmem:$0x10040] =	vst v63  }
0xf1: {  	s3 =	simm.s32 $0x5020  }
0xf2: {  	[tilespmem:s19], [sflag:$0x5] =	stream.indirect.gather [hbm4b:s4+s14], $0x20, s3, s14, $0xb8;
	[tilespmem:$0x10040] =	vst v63  }
0xf3: {  	s11 =	simm.s32 $0x50A0  }
0xf4: {  	[tilespmem:s20], [sflag:$0x6] =	stream.indirect.gather [hbm4b:s4+s14], $0x20, s11, s14, $0xb8;
	[tilespmem:$0x10040] =	vst v63  }
0xf5: {  	_ =	swait.ge [sflag:s21], $0x1000  }
0xf6: {  	[sflag:s21] =	ssyncset.done $0x0  }
0xf7: {  	s2 =	simm.s32 $0x75A0;
	[sflag:s21] =	ssyncadd.s32 $0xFFFFF000  }
0xf8: {  	[spmem:s1] =	stream.indirect.scatter.add.f32 [tilespmem:s15], [sflag:$0x8], $0x20, s2, s14, $0xb8;
	[tilespmem:$0x10040] =	vst v63  }
0xf9: {  	p1 =	sle.u32 s8, $0x6;
	_ =	swait.ge [sflag:s12], $0x1000  }
0xfa: {  	s0 =	simm.s32 @!p1 $0x9D20;
	[sflag:s12] =	ssyncset.done $0x0  }
0xfb: {  	s29 =	simm.s32 @!p1 $0x80;
	s11 =	simm.s32 @!p1 $0x5120;
	[sflag:s12] =	ssyncadd.s32 $0xFFFFF000  }
0xfc: {  	[tilespmem:s0], [sflag:$0x1] =	stream.indirect.gather @!p1 [hbm4b:s4+s29], $0x20, s11, s29, $0xb8;
	[tilespmem:$0x10040] =	vst v63  }
0xfd: {  	_ =	swait.ge [sflag:s22], $0x1000  }
0xfe: {  	[sflag:s22] =	ssyncset.done $0x0  }
0xff: {  	s3 =	simm.s32 $0x7620;
	[sflag:s22] =	ssyncadd.s32 $0xFFFFF000  }
0x100: {  	[spmem:s1] =	stream.indirect.scatter.add.f32 [tilespmem:s16], [sflag:$0x8], $0x20, s3, s14, $0xb8;
	[tilespmem:$0x10040] =	vst v63  }
0x101: {  	p1 =	sle.u32 s8, $0x7;
	_ =	swait.ge [sflag:s12], $0x1000  }
0x102: {  	s0 =	simm.s32 @!p1 $0xAD20;
	[sflag:s12] =	ssyncset.done $0x0  }
0x103: {  	s11 =	simm.s32 @!p1 $0x51A0;
	s29 =	simm.s32 @!p1 $0x80;
	[sflag:s12] =	ssyncadd.s32 $0xFFFFF000  }
0x104: {  	[tilespmem:s0], [sflag:$0x2] =	stream.indirect.gather @!p1 [hbm4b:s4+s29], $0x20, s11, s29, $0xb8;
	[tilespmem:$0x10040] =	vst v63  }
0x105: {  	_ =	swait.ge [sflag:s23], $0x1000  }
0x106: {  	[sflag:s23] =	ssyncset.done $0x0  }
0x107: {  	s11 =	simm.s32 $0x76A0;
	[sflag:s23] =	ssyncadd.s32 $0xFFFFF000  }
0x108: {  	[spmem:s1] =	stream.indirect.scatter.add.f32 [tilespmem:s17], [sflag:$0x8], $0x20, s11, s14, $0xb8;
	[tilespmem:$0x10040] =	vst v63  }
0x109: {  	p1 =	sle.u32 s8, $0x8;
	_ =	swait.ge [sflag:s12], $0x1000  }
0x10a: {  	s0 =	simm.s32 @!p1 $0xBD20;
	[sflag:s12] =	ssyncset.done $0x0  }
0x10b: {  	s29 =	simm.s32 @!p1 $0x80;
	s11 =	simm.s32 @!p1 $0x5220;
	[sflag:s12] =	ssyncadd.s32 $0xFFFFF000  }
0x10c: {  	[tilespmem:s0], [sflag:$0x3] =	stream.indirect.gather @!p1 [hbm4b:s4+s29], $0x20, s11, s29, $0xb8;
	[tilespmem:$0x10040] =	vst v63  }
0x10d: {  	_ =	swait.ge [sflag:s24], $0x1000  }
0x10e: {  	[sflag:s24] =	ssyncset.done $0x0  }
0x10f: {  	s2 =	simm.s32 $0x7720;
	[sflag:s24] =	ssyncadd.s32 $0xFFFFF000  }
0x110: {  	[spmem:s1] =	stream.indirect.scatter.add.f32 [tilespmem:s18], [sflag:$0x8], $0x20, s2, s14, $0xb8;
	[tilespmem:$0x10040] =	vst v63  }
0x111: {  	p1 =	sle.u32 s8, $0x9;
	_ =	swait.ge [sflag:s12], $0x1000  }
0x112: {  	s0 =	simm.s32 @!p1 $0xCD20;
	[sflag:s12] =	ssyncset.done $0x0  }
0x113: {  	s11 =	simm.s32 @!p1 $0x52A0;
	s29 =	simm.s32 @!p1 $0x80;
	[sflag:s12] =	ssyncadd.s32 $0xFFFFF000  }
0x114: {  	[tilespmem:s0], [sflag:$0x4] =	stream.indirect.gather @!p1 [hbm4b:s4+s29], $0x20, s11, s29, $0xb8;
	[tilespmem:$0x10040] =	vst v63  }
0x115: {  	_ =	swait.ge [sflag:s25], $0x1000  }
0x116: {  	[sflag:s25] =	ssyncset.done $0x0  }
0x117: {  	s3 =	simm.s32 $0x77A0;
	[sflag:s25] =	ssyncadd.s32 $0xFFFFF000  }
0x118: {  	[spmem:s1] =	stream.indirect.scatter.add.f32 [tilespmem:s19], [sflag:$0x8], $0x20, s3, s14, $0xb8;
	[tilespmem:$0x10040] =	vst v63  }
0x119: {  	p1 =	sle.u32 s8, $0xA;
	_ =	swait.ge [sflag:s12], $0x1000  }
0x11a: {  	s0 =	simm.s32 @!p1 $0xDD20;
	[sflag:s12] =	ssyncset.done $0x0  }
0x11b: {  	s11 =	simm.s32 @!p1 $0x5320;
	s29 =	simm.s32 @!p1 $0x80;
	[sflag:s12] =	ssyncadd.s32 $0xFFFFF000  }
0x11c: {  	[tilespmem:s0], [sflag:$0x5] =	stream.indirect.gather @!p1 [hbm4b:s4+s29], $0x20, s11, s29, $0xb8;
	[tilespmem:$0x10040] =	vst v63  }
0x11d: {  	_ =	swait.ge [sflag:s26], $0x1000  }
0x11e: {  	[sflag:s26] =	ssyncset.done $0x0  }
0x11f: {  	s11 =	simm.s32 $0x7820;
	[sflag:s26] =	ssyncadd.s32 $0xFFFFF000  }
0x120: {  	[spmem:s1] =	stream.indirect.scatter.add.f32 [tilespmem:s20], [sflag:$0x8], $0x20, s11, s14, $0xb8;
	[tilespmem:$0x10040] =	vst v63  }
0x121: {  	p2 =	sle.u32 s8, $0xB;
	s30 =	simm.s32 $0x11;
	_ =	swait.ge [sflag:s12], $0x1000  }
0x122: {  	s31 =	simm.s32 @!p2 $0x53A0;
	s29 =	simm.s32 $0xC00;
	[sflag:s12] =	ssyncset.done $0x0  }
0x123: {  	s0 =	simm.s32 @!p2 $0x80;
	s11 =	simm.s32 @!p2 $0xED20;
	[sflag:s12] =	ssyncadd.s32 $0xFFFFF000  }
.LBB2_2:
0x124: {  	[tilespmem:s11], [sflag:$0x6] =	stream.indirect.gather @!p2 [hbm4b:s4+s0], $0x20, s31, s0, $0xb8;
	[tilespmem:$0x10040] =	vst v63  }
0x125: {  	s31 =	smov.u32 s29;
	s29 =	sadd.s32 $0xC00, s29;
	_ =	swait.ge [sflag:s21], $0x1000  }
0x126: {  	s11 =	sshra.s32 s31, $0x2;
	p1 =	sne.s32 s29, $0x9C00;
	[sflag:s21] =	ssyncset.done $0x0  }
0x127: {  	s2 =	sadd.s32 $0xFFFFFFFB, s30;
	s0 =	sadd.s32 $0x75A0, s11;
	[sflag:s21] =	ssyncadd.s32 $0xFFFFF000  }
0x128: {  	[spmem:s1] =	stream.indirect.scatter.add.f32 [tilespmem:s15], [sflag:$0x8], $0x20, s0, s14, $0xb8;
	[tilespmem:$0x10040] =	vst v63  }
0x129: {  	p2 =	sge.u32 s2, s8;
	_ =	swait.ge [sflag:s12], $0x1000  }
0x12a: {  	s2 =	simm.s32 @!p2 $0x9D20;
	s0 =	sshra.s32 @!p2 s31, $0x2;
	[sflag:s12] =	ssyncset.done $0x0  }
0x12b: {  	s3 =	simm.s32 @!p2 $0x80;
	s0 =	sadd.s32 @!p2 $0x5120, s0;
	[sflag:s12] =	ssyncadd.s32 $0xFFFFF000  }
0x12c: {  	[tilespmem:s2], [sflag:$0x1] =	stream.indirect.gather @!p2 [hbm4b:s4+s3], $0x20, s0, s3, $0xb8;
	[tilespmem:$0x10040] =	vst v63  }
0x12d: {  	_ =	swait.ge [sflag:s22], $0x1000  }
0x12e: {  	[sflag:s22] =	ssyncset.done $0x0  }
0x12f: {  	s0 =	sadd.s32 $0x7620, s11;
	s2 =	sadd.s32 $0xFFFFFFFC, s30;
	[sflag:s22] =	ssyncadd.s32 $0xFFFFF000  }
0x130: {  	[spmem:s1] =	stream.indirect.scatter.add.f32 [tilespmem:s16], [sflag:$0x8], $0x20, s0, s14, $0xb8;
	[tilespmem:$0x10040] =	vst v63  }
0x131: {  	p2 =	sge.u32 s2, s8;
	_ =	swait.ge [sflag:s12], $0x1000  }
0x132: {  	s2 =	simm.s32 @!p2 $0xAD20;
	s0 =	sshra.s32 @!p2 s31, $0x2;
	[sflag:s12] =	ssyncset.done $0x0  }
0x133: {  	s3 =	simm.s32 @!p2 $0x80;
	s0 =	sadd.s32 @!p2 $0x51A0, s0;
	[sflag:s12] =	ssyncadd.s32 $0xFFFFF000  }
0x134: {  	[tilespmem:s2], [sflag:$0x2] =	stream.indirect.gather @!p2 [hbm4b:s4+s3], $0x20, s0, s3, $0xb8;
	[tilespmem:$0x10040] =	vst v63  }
0x135: {  	_ =	swait.ge [sflag:s23], $0x1000  }
0x136: {  	[sflag:s23] =	ssyncset.done $0x0  }
0x137: {  	s0 =	sadd.s32 $0x76A0, s11;
	s2 =	sadd.s32 $0xFFFFFFFD, s30;
	[sflag:s23] =	ssyncadd.s32 $0xFFFFF000  }
0x138: {  	[spmem:s1] =	stream.indirect.scatter.add.f32 [tilespmem:s17], [sflag:$0x8], $0x20, s0, s14, $0xb8;
	[tilespmem:$0x10040] =	vst v63  }
0x139: {  	p2 =	sge.u32 s2, s8;
	_ =	swait.ge [sflag:s12], $0x1000  }
0x13a: {  	s2 =	simm.s32 @!p2 $0xBD20;
	s0 =	sshra.s32 @!p2 s31, $0x2;
	[sflag:s12] =	ssyncset.done $0x0  }
0x13b: {  	s3 =	simm.s32 @!p2 $0x80;
	s0 =	sadd.s32 @!p2 $0x5220, s0;
	[sflag:s12] =	ssyncadd.s32 $0xFFFFF000  }
0x13c: {  	[tilespmem:s2], [sflag:$0x3] =	stream.indirect.gather @!p2 [hbm4b:s4+s3], $0x20, s0, s3, $0xb8;
	[tilespmem:$0x10040] =	vst v63  }
0x13d: {  	_ =	swait.ge [sflag:s24], $0x1000  }
0x13e: {  	[sflag:s24] =	ssyncset.done $0x0  }
0x13f: {  	s0 =	sadd.s32 $0x7720, s11;
	s2 =	sadd.s32 $0xFFFFFFFE, s30;
	[sflag:s24] =	ssyncadd.s32 $0xFFFFF000  }
0x140: {  	[spmem:s1] =	stream.indirect.scatter.add.f32 [tilespmem:s18], [sflag:$0x8], $0x20, s0, s14, $0xb8;
	[tilespmem:$0x10040] =	vst v63  }
0x141: {  	p2 =	sge.u32 s2, s8;
	_ =	swait.ge [sflag:s12], $0x1000  }
0x142: {  	s2 =	simm.s32 @!p2 $0xCD20;
	s0 =	sshra.s32 @!p2 s31, $0x2;
	[sflag:s12] =	ssyncset.done $0x0  }
0x143: {  	s3 =	simm.s32 @!p2 $0x80;
	s0 =	sadd.s32 @!p2 $0x52A0, s0;
	[sflag:s12] =	ssyncadd.s32 $0xFFFFF000  }
0x144: {  	[tilespmem:s2], [sflag:$0x4] =	stream.indirect.gather @!p2 [hbm4b:s4+s3], $0x20, s0, s3, $0xb8;
	[tilespmem:$0x10040] =	vst v63  }
0x145: {  	_ =	swait.ge [sflag:s25], $0x1000  }
0x146: {  	[sflag:s25] =	ssyncset.done $0x0  }
0x147: {  	s0 =	sadd.s32 $0x77A0, s11;
	s2 =	sadd.s32 $0xFFFFFFFF, s30;
	[sflag:s25] =	ssyncadd.s32 $0xFFFFF000  }
0x148: {  	[spmem:s1] =	stream.indirect.scatter.add.f32 [tilespmem:s19], [sflag:$0x8], $0x20, s0, s14, $0xb8;
	[tilespmem:$0x10040] =	vst v63  }
0x149: {  	p2 =	sge.u32 s2, s8;
	_ =	swait.ge [sflag:s12], $0x1000  }
0x14a: {  	s2 =	simm.s32 @!p2 $0xDD20;
	s0 =	sshra.s32 @!p2 s31, $0x2;
	[sflag:s12] =	ssyncset.done $0x0  }
0x14b: {  	s3 =	simm.s32 @!p2 $0x80;
	s0 =	sadd.s32 @!p2 $0x5320, s0;
	[sflag:s12] =	ssyncadd.s32 $0xFFFFF000  }
0x14c: {  	[tilespmem:s2], [sflag:$0x5] =	stream.indirect.gather @!p2 [hbm4b:s4+s3], $0x20, s0, s3, $0xb8;
	[tilespmem:$0x10040] =	vst v63  }
0x14d: {  	_ =	swait.ge [sflag:s26], $0x1000  }
0x14e: {  	[sflag:s26] =	ssyncset.done $0x0  }
.Ltmp0:
0x14f: {  	s0 =	sadd.s32 $0x7820, s11;
	[sflag:s26] =	ssyncadd.s32 $0xFFFFF000;
	(pc) =	sbr.rel @p1 .LBB2_2-.Ltmp0, $4  }
0x150: {  	[spmem:s1] =	stream.indirect.scatter.add.f32 [tilespmem:s20], [sflag:$0x8], $0x20, s0, s14, $0xb8;
	[tilespmem:$0x10040] =	vst v63  }
0x151: {  	p2 =	sge.u32 s30, s8;
	s30 =	sadd.s32 $0x6, s30;
	_ =	swait.ge [sflag:s12], $0x1000  }
0x152: {  	s11 =	simm.s32 @!p2 $0xED20;
	s0 =	sshra.s32 @!p2 s31, $0x2;
	[sflag:s12] =	ssyncset.done $0x0  }
0x153: {  	s31 =	sadd.s32 @!p2 $0x53A0, s0;
	s0 =	simm.s32 @!p2 $0x80;
	[sflag:s12] =	ssyncadd.s32 $0xFFFFF000  }
0x154: {  	[tilespmem:s11], [sflag:$0x6] =	stream.indirect.gather @!p2 [hbm4b:s4+s0], $0x20, s31, s0, $0xb8;
	[tilespmem:$0x10040] =	vst v63  }
0x155: {  	s0 =	simm.s32 @!p0 $0x1  }
0x156: {  	_ =	swait.ge @!p0 [sflag:s0], $0x1000  }
0x157: {  	s2 =	simm.s32 @!p0 $0x9CA0;
	[sflag:s0] =	ssyncset.done @!p0 $0x0  }
0x158: {  	s3 =	simm.s32 @!p0 $0x9D20;
	[sflag:s0] =	ssyncadd.s32 @!p0 $0xFFFFF000;
	s0 =	simm.s32 @!p0 $0x80  }
0x159: {  	[spmem:s1] =	stream.indirect.scatter.add.f32 @!p0 [tilespmem:s3], [sflag:$0x8], $0x20, s2, s0, $0xb8;
	[tilespmem:$0x10040] =	vst v63  }
0x15a: {  	s0 =	simm.s32 @!p0 $0x8  }
0x15b: {  	_ =	swait.ge @!p0 [sflag:s0], $0x1000  }
0x15c: {  	[sflag:s0] =	ssyncset.done @!p0 $0x0  }
0x15d: {  	s11 =	stileid.u32;
	[sflag:s0] =	ssyncadd.s32 @!p0 $0xFFFFF000  }
0x15e: {  	s0 =	sshll.u32 s11, $0x6;
	[bflag:$0x0] =	sbarrier.arrive $0xFFFF  }
0x15f: {  	s29 =	sshrl.u32 s10, $0x3;
	s0 =	sor.u32 $0x1C08, s0;
	s30 =	rddreg [dreg:$0x7]  }
0x160: {  	[hbm:s30], [sflag:s0] =	dma.local [spmem:s29], $0x9C4  }
0x161: {  	_ =	swait.ge [sflag:s12], $0x9C4  }
0x162: {  	s28 =	sadd.s32 $0x1, s28;
	s31 =	rddreg [dreg:$0x8]  }
0x163: {  	p1 =	sne.s32 s28, s31  }
.Ltmp1:
0x164: {  	_ = 	snop;
	(pc) =	sbr.rel @p1 .LBB2_1-.Ltmp1, $3  }
0x165: {  	_ =	sdelay $0x1  }
0x166: {  	[sflag:s12] =	ssyncset.done $0x0  }
0x167: {  	[sflag:s12] =	ssyncadd.s32 $0xFFFFF63C  }
0x168: {  	_ =	sfence.sel $0x180000  }
0x169: {  	[bflag:$0x0] =	sbarrier.arrive $0xFFFF  }
0x16a: {  	_ =	strace $0x90000050  }
0x16b: {  	s0 =	stileid.u32;
	[bflag:$0x2] =	sbarrier.arrive $0xFFFF  }
0x16c: {  	p0 =	sne.s32 s0, $0x0;
	s0 =	rddreg [dreg:$0x2]  }
0x16d: {  	s0 =	sadd.s32 @!p0 $0x100000, s0  }
0x16e: {  	[sflag:s0] =	ssyncadd.tile.s32 @!p0 $0x1;
	_ =	shalt  }
.Lfunc_end2:
_tile_overlayer_lowered:
.L_overlay_start_2:
0x16f: {  	(tag) =	ssettag $0x2  }
0x170: {  	s0 =	rddreg [dreg:$0x0];
	s2 =	stileid.u32  }
0x171: {  	s1 =	rddreg [dreg:$0x1];
	p0 =	sne.s32 s2, $0x0  }
0x172: {  	s3 =	rddreg [dreg:$0x2];
	[bflag:$0x3] =	sbarrier.arrive $0xFFFF;
	s2 =	simm.s32 @!p0 $0x1C08  }
0x173: {  	[timem:s3], [sflag:s2] =	dma.local @!p0 [hbm:s0], s1  }
0x174: {  	s0 =	simm.s32 @!p0 $0x8  }
0x175: {  	_ =	swait.ge @!p0 [sflag:s0], s1  }
0x176: {  	s1 =	ssub.s32 @!p0 $0x0, s1;
	[sflag:s0] =	ssyncset.done @!p0 $0x0  }
0x177: {  	[sflag:s0] =	ssyncadd.s32 @!p0 s1  }
0x178: {  	[bflag:$0x3] =	sbarrier.arrive $0xFFFF  }
0x179: {  	_ =	shalt  }

</sc_bundles>
